<compile_context>
chip_gen: v7x
topology: tpu7x:2x2x1
jax: 0.10.2.dev20260603
libtpu: 0.0.44.dev20260713+nightly
codegen_flags: <defaults>
</compile_context>

<pallas_src>
import math

import jax
import jax.numpy as jnp
from jax import lax
from jax.experimental import pallas as pl
from jax.experimental.pallas import tpu as pltpu
from jax.experimental.pallas import tpu_sc as plsc

D_MODEL = 64
SCALE = math.sqrt(D_MODEL)

_NC = 2
_NS = 16
_NW = _NC * _NS

_CHUNK = 256
_IDX_PER_STREAM = 128


def _make_embed(B: int):
    assert B % (_NW * _CHUNK * 2) == 0, B
    bpw = B // _NW
    nchunk = bpw // _CHUNK
    ngath = _CHUNK // _IDX_PER_STREAM

    mesh = plsc.VectorSubcoreMesh(core_axis_name="c", subcore_axis_name="s")

    def body(table_hbm, idx_hbm, out_hbm, idx_v, rows0, rows1, st0, st1,
             gsem0, gsem1, ssem0, ssem1):
        wid = lax.axis_index("s") * _NC + lax.axis_index("c")
        base = wid * bpw

        pltpu.sync_copy(idx_hbm.at[pl.ds(base, bpw)], idx_v)

        def fire_gather(g, rows, gsem):
            for j in range(ngath):
                pltpu.async_copy(
                    table_hbm.at[idx_v.at[pl.ds(g * _CHUNK
                                                + j * _IDX_PER_STREAM,
                                                _IDX_PER_STREAM)]],
                    rows.at[pl.ds(j * _IDX_PER_STREAM, _IDX_PER_STREAM)],
                    gsem,
                )

        def wait_gather(rows, gsem):
            pltpu.make_async_copy(out_hbm.at[pl.ds(0, _CHUNK)], rows,
                                  gsem).wait()

        def fire_store(g, st, ssem):
            pltpu.async_copy(st, out_hbm.at[pl.ds(base + g * _CHUNK, _CHUNK)],
                             ssem)

        def wait_store(st, ssem):
            pltpu.make_async_copy(st, out_hbm.at[pl.ds(0, _CHUNK)],
                                  ssem).wait()

        def scale(rows, st):
            @pl.loop(0, _CHUNK, unroll=8)
            def _scale(r):
                for j in range(D_MODEL // 16):
                    sl = pl.ds(j * 16, 16)
                    st[r, sl] = rows[r, sl] * SCALE

        def step(g, rows, st, gsem, ssem, first=False, last=False):
            wait_gather(rows, gsem)
            if not first:
                wait_store(st, ssem)
            scale(rows, st)
            fire_store(g, st, ssem)
            if not last:
                fire_gather(g + 2, rows, gsem)

        bufs = ((rows0, st0, gsem0, ssem0), (rows1, st1, gsem1, ssem1))

        fire_gather(0, rows0, gsem0)
        fire_gather(1, rows1, gsem1)
        step(0, *bufs[0], first=True)
        step(1, *bufs[1], first=True)

        @pl.loop(2, nchunk - 2, step=2)
        def _steady(g0):
            step(g0, *bufs[0])
            step(g0 + 1, *bufs[1])

        step(nchunk - 2, *bufs[0], last=True)
        step(nchunk - 1, *bufs[1], last=True)
        wait_store(st0, ssem0)
        wait_store(st1, ssem1)

    return pl.kernel(
        body,
        out_type=jax.ShapeDtypeStruct((B, D_MODEL), jnp.float32),
        mesh=mesh,
        scratch_types=[
            pltpu.VMEM((B // _NW,), jnp.int32),
            pltpu.VMEM((_CHUNK, D_MODEL), jnp.float32),
            pltpu.VMEM((_CHUNK, D_MODEL), jnp.float32),
            pltpu.VMEM((_CHUNK, D_MODEL), jnp.float32),
            pltpu.VMEM((_CHUNK, D_MODEL), jnp.float32),
            pltpu.SemaphoreType.DMA,
            pltpu.SemaphoreType.DMA,
            pltpu.SemaphoreType.DMA,
            pltpu.SemaphoreType.DMA,
        ],
        compiler_params=pltpu.CompilerParams(use_tc_tiling_on_sc=False),
    )


def kernel(x, table):
    batch, hist = x.shape
    idx = x.reshape(-1).astype(jnp.int32)
    out = _make_embed(idx.shape[0])(table, idx)
    return out.reshape(batch, hist, D_MODEL)

# --- scband reference (transcript-rebuilt; emitter-appended) ---
"""Pipeline reference for scband-input-embedding-89781996356395 (READ-ONLY COPY).

The authoritative reference and input builder live on the scoring server;
editing this copy changes nothing except your own understanding.
"""

import jax, jax.numpy as jnp
import numpy as np
import math

D_MODEL = 64
VOCAB_SIZE = 1000000
BATCH = 16384
HIST = 50

def setup_inputs(seed: int = 0) -> dict:
    key = jax.random.key(seed)
    k1, k2 = jax.random.split(key)
    x = jax.random.randint(k1, (BATCH, HIST), 0, VOCAB_SIZE, dtype=jnp.int64 if jax.config.jax_enable_x64 else jnp.int32)
    table = jax.random.normal(k2, (VOCAB_SIZE, D_MODEL), dtype=jnp.float32)
    return {"x": x, "table": table}

def reference(x, table):
    # nn.Embedding lookup followed by scaling by sqrt(d_model)
    emb = jnp.take(table, x, axis=0)
    return emb * math.sqrt(D_MODEL)

if __name__ == "__main__":
    import jax
    _d = setup_inputs()
    print(jax.jit(kernel)(*tuple(_d.values())))

</pallas_src>

<mosaic_0001>
#map = affine_map<(d0, d1) -> (0, 0)>
#map1 = affine_map<(d0, d1) -> (0)>
module attributes {stable_mosaic.version = 14 : i64} {
  func.func @body(%arg0: i32, %arg1: i32, %arg2: memref<1000000x64xf32, #tpu.memory_space<hbm>>, %arg3: memref<819200xi32, #tpu.memory_space<hbm>>, %arg4: memref<819200x64xf32, #tpu.memory_space<hbm>>, %arg5: memref<25600xi32, #tpu.memory_space<vmem>>, %arg6: memref<256x64xf32, #tpu.memory_space<vmem>>, %arg7: memref<256x64xf32, #tpu.memory_space<vmem>>, %arg8: memref<256x64xf32, #tpu.memory_space<vmem>>, %arg9: memref<256x64xf32, #tpu.memory_space<vmem>>, %arg10: memref<!tpu.dma_semaphore, #tpu.memory_space<semaphore_mem>>, %arg11: memref<!tpu.dma_semaphore, #tpu.memory_space<semaphore_mem>>, %arg12: memref<!tpu.dma_semaphore, #tpu.memory_space<semaphore_mem>>, %arg13: memref<!tpu.dma_semaphore, #tpu.memory_space<semaphore_mem>>) attributes {dimension_semantics = [#tpu.dimension_semantics<core_parallel>, #tpu.dimension_semantics<subcore_parallel>], iteration_bounds = array<i64: 2, 16>, scalar_prefetch = 0 : i64, scratch_operands = 9 : i64, tpu.core_type = #tpu.core_type<sc_vector_subcore>, window_params = [{transform_indices = #map}, {transform_indices = #map1}, {transform_indices = #map}]} {
    %mul3A = arith.constant 2 : i32
    %mul3A_0 = arith.muli %arg1, %mul3A : i32
    %add3A = arith.addi %mul3A_0, %arg0 : i32
    %mul3A_1 = arith.constant 25600 : i32
    %mul3A_2 = arith.muli %add3A, %mul3A_1 : i32
    "tpu.region"() ({
      %run_scoped3A = tpu.sem_alloc : memref<!tpu.dma_semaphore, #tpu.memory_space<semaphore_mem>>
      %dma_start3A_161 = tpu.memref_slice %arg3[%mul3A_2] : memref<819200xi32, #tpu.memory_space<hbm>> -> memref<25600xi32, #tpu.memory_space<hbm>>
      %dma_start3A_162 = tpu.memref_slice %arg3[%mul3A_2] : memref<819200xi32, #tpu.memory_space<hbm>> -> memref<25600xi32, #tpu.memory_space<hbm>>
      tpu.enqueue_dma source(%dma_start3A_162 : memref<25600xi32, #tpu.memory_space<hbm>>) target(%arg5 : memref<25600xi32, #tpu.memory_space<vmem>>) target_semaphore(%run_scoped3A : memref<!tpu.dma_semaphore, #tpu.memory_space<semaphore_mem>>)
      %dma_wait3A_163 = tpu.memref_slice %arg3[%mul3A_2] : memref<819200xi32, #tpu.memory_space<hbm>> -> memref<25600xi32, #tpu.memory_space<hbm>>
      %dma_wait3A_164 = tpu.memref_slice %arg3[%mul3A_2] : memref<819200xi32, #tpu.memory_space<hbm>> -> memref<25600xi32, #tpu.memory_space<hbm>>
      tpu.wait_dma2 semaphore(%run_scoped3A : memref<!tpu.dma_semaphore, #tpu.memory_space<semaphore_mem>>) src(%dma_wait3A_164 : memref<25600xi32, #tpu.memory_space<hbm>>) dst(%arg5 : memref<25600xi32, #tpu.memory_space<vmem>>)
      tpu.yield
    }) : () -> ()
    %dma_start3A = arith.constant 0 : i32
    %dma_start3A_3 = arith.constant 0 : i32
    %dma_start3A_4 = tpu.memref_slice %arg6[%dma_start3A, %dma_start3A_3] : memref<256x64xf32, #tpu.memory_space<vmem>> -> memref<128x64xf32, #tpu.memory_space<vmem>>
    %dma_start3A_5 = arith.constant 0 : i32
    %dma_start3A_6 = tpu.memref_slice %arg5[%dma_start3A_5] : memref<25600xi32, #tpu.memory_space<vmem>> -> memref<128xi32, #tpu.memory_space<vmem>>
    %dma_start3A_7 = arith.constant 0 : i32
    %dma_start3A_8 = arith.constant 0 : i32
    %dma_start3A_9 = tpu.memref_slice %arg2[%dma_start3A_7, %dma_start3A_8] : memref<1000000x64xf32, #tpu.memory_space<hbm>> -> memref<1000000x64xf32, #tpu.memory_space<hbm>>
    tpu.enqueue_indirect_dma source(%dma_start3A_9 : memref<1000000x64xf32, #tpu.memory_space<hbm>>) target(%dma_start3A_4 : memref<128x64xf32, #tpu.memory_space<vmem>>) offsets(%dma_start3A_6 : memref<128xi32, #tpu.memory_space<vmem>>) semaphore(%arg10 : memref<!tpu.dma_semaphore, #tpu.memory_space<semaphore_mem>>)
    %dma_start3A_10 = arith.constant 128 : i32
    %dma_start3A_11 = arith.constant 0 : i32
    %dma_start3A_12 = tpu.memref_slice %arg6[%dma_start3A_10, %dma_start3A_11] : memref<256x64xf32, #tpu.memory_space<vmem>> -> memref<128x64xf32, #tpu.memory_space<vmem>>
    %dma_start3A_13 = arith.constant 128 : i32
    %dma_start3A_14 = tpu.memref_slice %arg5[%dma_start3A_13] : memref<25600xi32, #tpu.memory_space<vmem>> -> memref<128xi32, #tpu.memory_space<vmem>>
    %dma_start3A_15 = arith.constant 0 : i32
    %dma_start3A_16 = arith.constant 0 : i32
    %dma_start3A_17 = tpu.memref_slice %arg2[%dma_start3A_15, %dma_start3A_16] : memref<1000000x64xf32, #tpu.memory_space<hbm>> -> memref<1000000x64xf32, #tpu.memory_space<hbm>>
    tpu.enqueue_indirect_dma source(%dma_start3A_17 : memref<1000000x64xf32, #tpu.memory_space<hbm>>) target(%dma_start3A_12 : memref<128x64xf32, #tpu.memory_space<vmem>>) offsets(%dma_start3A_14 : memref<128xi32, #tpu.memory_space<vmem>>) semaphore(%arg10 : memref<!tpu.dma_semaphore, #tpu.memory_space<semaphore_mem>>)
    %dma_start3A_18 = arith.constant 0 : i32
    %dma_start3A_19 = arith.constant 0 : i32
    %dma_start3A_20 = tpu.memref_slice %arg7[%dma_start3A_18, %dma_start3A_19] : memref<256x64xf32, #tpu.memory_space<vmem>> -> memref<128x64xf32, #tpu.memory_space<vmem>>
    %dma_start3A_21 = arith.constant 256 : i32
    %dma_start3A_22 = tpu.memref_slice %arg5[%dma_start3A_21] : memref<25600xi32, #tpu.memory_space<vmem>> -> memref<128xi32, #tpu.memory_space<vmem>>
    %dma_start3A_23 = arith.constant 0 : i32
    %dma_start3A_24 = arith.constant 0 : i32
    %dma_start3A_25 = tpu.memref_slice %arg2[%dma_start3A_23, %dma_start3A_24] : memref<1000000x64xf32, #tpu.memory_space<hbm>> -> memref<1000000x64xf32, #tpu.memory_space<hbm>>
    tpu.enqueue_indirect_dma source(%dma_start3A_25 : memref<1000000x64xf32, #tpu.memory_space<hbm>>) target(%dma_start3A_20 : memref<128x64xf32, #tpu.memory_space<vmem>>) offsets(%dma_start3A_22 : memref<128xi32, #tpu.memory_space<vmem>>) semaphore(%arg11 : memref<!tpu.dma_semaphore, #tpu.memory_space<semaphore_mem>>)
    %dma_start3A_26 = arith.constant 128 : i32
    %dma_start3A_27 = arith.constant 0 : i32
    %dma_start3A_28 = tpu.memref_slice %arg7[%dma_start3A_26, %dma_start3A_27] : memref<256x64xf32, #tpu.memory_space<vmem>> -> memref<128x64xf32, #tpu.memory_space<vmem>>
    %dma_start3A_29 = arith.constant 384 : i32
    %dma_start3A_30 = tpu.memref_slice %arg5[%dma_start3A_29] : memref<25600xi32, #tpu.memory_space<vmem>> -> memref<128xi32, #tpu.memory_space<vmem>>
    %dma_start3A_31 = arith.constant 0 : i32
    %dma_start3A_32 = arith.constant 0 : i32
    %dma_start3A_33 = tpu.memref_slice %arg2[%dma_start3A_31, %dma_start3A_32] : memref<1000000x64xf32, #tpu.memory_space<hbm>> -> memref<1000000x64xf32, #tpu.memory_space<hbm>>
    tpu.enqueue_indirect_dma source(%dma_start3A_33 : memref<1000000x64xf32, #tpu.memory_space<hbm>>) target(%dma_start3A_28 : memref<128x64xf32, #tpu.memory_space<vmem>>) offsets(%dma_start3A_30 : memref<128xi32, #tpu.memory_space<vmem>>) semaphore(%arg11 : memref<!tpu.dma_semaphore, #tpu.memory_space<semaphore_mem>>)
    %dma_wait3A = arith.constant 0 : i32
    %dma_wait3A_34 = arith.constant 0 : i32
    %dma_wait3A_35 = tpu.memref_slice %arg4[%dma_wait3A, %dma_wait3A_34] : memref<819200x64xf32, #tpu.memory_space<hbm>> -> memref<256x64xf32, #tpu.memory_space<hbm>>
    %dma_wait3A_36 = arith.constant 0 : i32
    %dma_wait3A_37 = arith.constant 0 : i32
    %dma_wait3A_38 = tpu.memref_slice %arg4[%dma_wait3A_36, %dma_wait3A_37] : memref<819200x64xf32, #tpu.memory_space<hbm>> -> memref<256x64xf32, #tpu.memory_space<hbm>>
    tpu.wait_dma2 semaphore(%arg10 : memref<!tpu.dma_semaphore, #tpu.memory_space<semaphore_mem>>) src(%dma_wait3A_38 : memref<256x64xf32, #tpu.memory_space<hbm>>) dst(%arg6 : memref<256x64xf32, #tpu.memory_space<vmem>>)
    %scan3A = arith.constant 0 : i32
    %scan3A_39 = arith.constant 256 : i32
    %scan3A_40 = arith.addi %scan3A, %scan3A_39 : i32
    %scan3A_41 = arith.constant 8 : i32
    scf.for %scan3A_161 = %scan3A to %scan3A_40 step %scan3A_41  : i32 {
      %mul3A_162 = arith.constant 1 : i32
      %mul3A_163 = arith.muli %scan3A_161, %mul3A_162 : i32
      %add3A_164 = arith.constant 0 : i32
      %add3A_165 = arith.addi %add3A_164, %mul3A_163 : i32
      %get3A = arith.index_cast %add3A_165 : i32 to index
      %get3A_166 = arith.constant 0 : index
      %get3A_167 = tpu.vector_load %arg6[%get3A, %get3A_166] {strides = array<i32>} : memref<256x64xf32, #tpu.memory_space<vmem>>, vector<1x16xf32>,
      %get3A_168 = vector.shape_cast %get3A_167 : vector<1x16xf32> to vector<16xf32>
      %mul3A_169 = arith.constant 8.000000e+00 : f32
      %mul3A_170 = vector.broadcast %mul3A_169 : f32 to vector<16xf32>
      %mul3A_171 = arith.mulf %get3A_168, %mul3A_170 : vector<16xf32>
      %swap3A = arith.index_cast %add3A_165 : i32 to index
      %swap3A_172 = arith.constant 0 : index
      %swap3A_173 = tpu.vector_load %arg8[%swap3A, %swap3A_172] {strides = array<i32>} : memref<256x64xf32, #tpu.memory_space<vmem>>, vector<1x16xf32>,
      %swap3A_174 = vector.shape_cast %swap3A_173 : vector<1x16xf32> to vector<16xf32>
      %swap3A_175 = vector.shape_cast %mul3A_171 : vector<16xf32> to vector<1x16xf32>
      tpu.vector_store %arg8[%swap3A, %swap3A_172], %swap3A_175 {strides = array<i32>} : memref<256x64xf32, #tpu.memory_space<vmem>>, vector<1x16xf32>,
      %get3A_176 = arith.index_cast %add3A_165 : i32 to index
      %get3A_177 = arith.constant 16 : index
      %get3A_178 = tpu.vector_load %arg6[%get3A_176, %get3A_177] {strides = array<i32>} : memref<256x64xf32, #tpu.memory_space<vmem>>, vector<1x16xf32>,
      %get3A_179 = vector.shape_cast %get3A_178 : vector<1x16xf32> to vector<16xf32>
      %mul3A_180 = arith.constant 8.000000e+00 : f32
      %mul3A_181 = vector.broadcast %mul3A_180 : f32 to vector<16xf32>
      %mul3A_182 = arith.mulf %get3A_179, %mul3A_181 : vector<16xf32>
      %swap3A_183 = arith.index_cast %add3A_165 : i32 to index
      %swap3A_184 = arith.constant 16 : index
      %swap3A_185 = tpu.vector_load %arg8[%swap3A_183, %swap3A_184] {strides = array<i32>} : memref<256x64xf32, #tpu.memory_space<vmem>>, vector<1x16xf32>,
      %swap3A_186 = vector.shape_cast %swap3A_185 : vector<1x16xf32> to vector<16xf32>
      %swap3A_187 = vector.shape_cast %mul3A_182 : vector<16xf32> to vector<1x16xf32>
      tpu.vector_store %arg8[%swap3A_183, %swap3A_184], %swap3A_187 {strides = array<i32>} : memref<256x64xf32, #tpu.memory_space<vmem>>, vector<1x16xf32>,
      %get3A_188 = arith.index_cast %add3A_165 : i32 to index
      %get3A_189 = arith.constant 32 : index
      %get3A_190 = tpu.vector_load %arg6[%get3A_188, %get3A_189] {strides = array<i32>} : memref<256x64xf32, #tpu.memory_space<vmem>>, vector<1x16xf32>,
      %get3A_191 = vector.shape_cast %get3A_190 : vector<1x16xf32> to vector<16xf32>
      %mul3A_192 = arith.constant 8.000000e+00 : f32
      %mul3A_193 = vector.broadcast %mul3A_192 : f32 to vector<16xf32>
      %mul3A_194 = arith.mulf %get3A_191, %mul3A_193 : vector<16xf32>
      %swap3A_195 = arith.index_cast %add3A_165 : i32 to index
      %swap3A_196 = arith.constant 32 : index
      %swap3A_197 = tpu.vector_load %arg8[%swap3A_195, %swap3A_196] {strides = array<i32>} : memref<256x64xf32, #tpu.memory_space<vmem>>, vector<1x16xf32>,
      %swap3A_198 = vector.shape_cast %swap3A_197 : vector<1x16xf32> to vector<16xf32>
      %swap3A_199 = vector.shape_cast %mul3A_194 : vector<16xf32> to vector<1x16xf32>
      tpu.vector_store %arg8[%swap3A_195, %swap3A_196], %swap3A_199 {strides = array<i32>} : memref<256x64xf32, #tpu.memory_space<vmem>>, vector<1x16xf32>,
      %get3A_200 = arith.index_cast %add3A_165 : i32 to index
      %get3A_201 = arith.constant 48 : index
      %get3A_202 = tpu.vector_load %arg6[%get3A_200, %get3A_201] {strides = array<i32>} : memref<256x64xf32, #tpu.memory_space<vmem>>, vector<1x16xf32>,
      %get3A_203 = vector.shape_cast %get3A_202 : vector<1x16xf32> to vector<16xf32>
      %mul3A_204 = arith.constant 8.000000e+00 : f32
      %mul3A_205 = vector.broadcast %mul3A_204 : f32 to vector<16xf32>
      %mul3A_206 = arith.mulf %get3A_203, %mul3A_205 : vector<16xf32>
      %swap3A_207 = arith.index_cast %add3A_165 : i32 to index
      %swap3A_208 = arith.constant 48 : index
      %swap3A_209 = tpu.vector_load %arg8[%swap3A_207, %swap3A_208] {strides = array<i32>} : memref<256x64xf32, #tpu.memory_space<vmem>>, vector<1x16xf32>,
      %swap3A_210 = vector.shape_cast %swap3A_209 : vector<1x16xf32> to vector<16xf32>
      %swap3A_211 = vector.shape_cast %mul3A_206 : vector<16xf32> to vector<1x16xf32>
      tpu.vector_store %arg8[%swap3A_207, %swap3A_208], %swap3A_211 {strides = array<i32>} : memref<256x64xf32, #tpu.memory_space<vmem>>, vector<1x16xf32>,
      %scan3A_212 = arith.constant 1 : i32
      %scan3A_213 = arith.addi %scan3A_161, %scan3A_212 : i32
      %mul3A_214 = arith.constant 1 : i32
      %mul3A_215 = arith.muli %scan3A_213, %mul3A_214 : i32
      %add3A_216 = arith.constant 0 : i32
      %add3A_217 = arith.addi %add3A_216, %mul3A_215 : i32
      %get3A_218 = arith.index_cast %add3A_217 : i32 to index
      %get3A_219 = arith.constant 0 : index
      %get3A_220 = tpu.vector_load %arg6[%get3A_218, %get3A_219] {strides = array<i32>} : memref<256x64xf32, #tpu.memory_space<vmem>>, vector<1x16xf32>,
      %get3A_221 = vector.shape_cast %get3A_220 : vector<1x16xf32> to vector<16xf32>
      %mul3A_222 = arith.constant 8.000000e+00 : f32
      %mul3A_223 = vector.broadcast %mul3A_222 : f32 to vector<16xf32>
      %mul3A_224 = arith.mulf %get3A_221, %mul3A_223 : vector<16xf32>
      %swap3A_225 = arith.index_cast %add3A_217 : i32 to index
      %swap3A_226 = arith.constant 0 : index
      %swap3A_227 = tpu.vector_load %arg8[%swap3A_225, %swap3A_226] {strides = array<i32>} : memref<256x64xf32, #tpu.memory_space<vmem>>, vector<1x16xf32>,
      %swap3A_228 = vector.shape_cast %swap3A_227 : vector<1x16xf32> to vector<16xf32>
      %swap3A_229 = vector.shape_cast %mul3A_224 : vector<16xf32> to vector<1x16xf32>
      tpu.vector_store %arg8[%swap3A_225, %swap3A_226], %swap3A_229 {strides = array<i32>} : memref<256x64xf32, #tpu.memory_space<vmem>>, vector<1x16xf32>,
      %get3A_230 = arith.index_cast %add3A_217 : i32 to index
      %get3A_231 = arith.constant 16 : index
      %get3A_232 = tpu.vector_load %arg6[%get3A_230, %get3A_231] {strides = array<i32>} : memref<256x64xf32, #tpu.memory_space<vmem>>, vector<1x16xf32>,
      %get3A_233 = vector.shape_cast %get3A_232 : vector<1x16xf32> to vector<16xf32>
      %mul3A_234 = arith.constant 8.000000e+00 : f32
      %mul3A_235 = vector.broadcast %mul3A_234 : f32 to vector<16xf32>
      %mul3A_236 = arith.mulf %get3A_233, %mul3A_235 : vector<16xf32>
      %swap3A_237 = arith.index_cast %add3A_217 : i32 to index
      %swap3A_238 = arith.constant 16 : index
      %swap3A_239 = tpu.vector_load %arg8[%swap3A_237, %swap3A_238] {strides = array<i32>} : memref<256x64xf32, #tpu.memory_space<vmem>>, vector<1x16xf32>,
      %swap3A_240 = vector.shape_cast %swap3A_239 : vector<1x16xf32> to vector<16xf32>
      %swap3A_241 = vector.shape_cast %mul3A_236 : vector<16xf32> to vector<1x16xf32>
      tpu.vector_store %arg8[%swap3A_237, %swap3A_238], %swap3A_241 {strides = array<i32>} : memref<256x64xf32, #tpu.memory_space<vmem>>, vector<1x16xf32>,
      %get3A_242 = arith.index_cast %add3A_217 : i32 to index
      %get3A_243 = arith.constant 32 : index
      %get3A_244 = tpu.vector_load %arg6[%get3A_242, %get3A_243] {strides = array<i32>} : memref<256x64xf32, #tpu.memory_space<vmem>>, vector<1x16xf32>,
      %get3A_245 = vector.shape_cast %get3A_244 : vector<1x16xf32> to vector<16xf32>
      %mul3A_246 = arith.constant 8.000000e+00 : f32
      %mul3A_247 = vector.broadcast %mul3A_246 : f32 to vector<16xf32>
      %mul3A_248 = arith.mulf %get3A_245, %mul3A_247 : vector<16xf32>
      %swap3A_249 = arith.index_cast %add3A_217 : i32 to index
      %swap3A_250 = arith.constant 32 : index
      %swap3A_251 = tpu.vector_load %arg8[%swap3A_249, %swap3A_250] {strides = array<i32>} : memref<256x64xf32, #tpu.memory_space<vmem>>, vector<1x16xf32>,
      %swap3A_252 = vector.shape_cast %swap3A_251 : vector<1x16xf32> to vector<16xf32>
      %swap3A_253 = vector.shape_cast %mul3A_248 : vector<16xf32> to vector<1x16xf32>
      tpu.vector_store %arg8[%swap3A_249, %swap3A_250], %swap3A_253 {strides = array<i32>} : memref<256x64xf32, #tpu.memory_space<vmem>>, vector<1x16xf32>,
      %get3A_254 = arith.index_cast %add3A_217 : i32 to index
      %get3A_255 = arith.constant 48 : index
      %get3A_256 = tpu.vector_load %arg6[%get3A_254, %get3A_255] {strides = array<i32>} : memref<256x64xf32, #tpu.memory_space<vmem>>, vector<1x16xf32>,
      %get3A_257 = vector.shape_cast %get3A_256 : vector<1x16xf32> to vector<16xf32>
      %mul3A_258 = arith.constant 8.000000e+00 : f32
      %mul3A_259 = vector.broadcast %mul3A_258 : f32 to vector<16xf32>
      %mul3A_260 = arith.mulf %get3A_257, %mul3A_259 : vector<16xf32>
      %swap3A_261 = arith.index_cast %add3A_217 : i32 to index
      %swap3A_262 = arith.constant 48 : index
      %swap3A_263 = tpu.vector_load %arg8[%swap3A_261, %swap3A_262] {strides = array<i32>} : memref<256x64xf32, #tpu.memory_space<vmem>>, vector<1x16xf32>,
      %swap3A_264 = vector.shape_cast %swap3A_263 : vector<1x16xf32> to vector<16xf32>
      %swap3A_265 = vector.shape_cast %mul3A_260 : vector<16xf32> to vector<1x16xf32>
      tpu.vector_store %arg8[%swap3A_261, %swap3A_262], %swap3A_265 {strides = array<i32>} : memref<256x64xf32, #tpu.memory_space<vmem>>, vector<1x16xf32>,
      %scan3A_266 = arith.constant 2 : i32
      %scan3A_267 = arith.addi %scan3A_161, %scan3A_266 : i32
      %mul3A_268 = arith.constant 1 : i32
      %mul3A_269 = arith.muli %scan3A_267, %mul3A_268 : i32
      %add3A_270 = arith.constant 0 : i32
      %add3A_271 = arith.addi %add3A_270, %mul3A_269 : i32
      %get3A_272 = arith.index_cast %add3A_271 : i32 to index
      %get3A_273 = arith.constant 0 : index
      %get3A_274 = tpu.vector_load %arg6[%get3A_272, %get3A_273] {strides = array<i32>} : memref<256x64xf32, #tpu.memory_space<vmem>>, vector<1x16xf32>,
      %get3A_275 = vector.shape_cast %get3A_274 : vector<1x16xf32> to vector<16xf32>
      %mul3A_276 = arith.constant 8.000000e+00 : f32
      %mul3A_277 = vector.broadcast %mul3A_276 : f32 to vector<16xf32>
      %mul3A_278 = arith.mulf %get3A_275, %mul3A_277 : vector<16xf32>
      %swap3A_279 = arith.index_cast %add3A_271 : i32 to index
      %swap3A_280 = arith.constant 0 : index
      %swap3A_281 = tpu.vector_load %arg8[%swap3A_279, %swap3A_280] {strides = array<i32>} : memref<256x64xf32, #tpu.memory_space<vmem>>, vector<1x16xf32>,
      %swap3A_282 = vector.shape_cast %swap3A_281 : vector<1x16xf32> to vector<16xf32>
      %swap3A_283 = vector.shape_cast %mul3A_278 : vector<16xf32> to vector<1x16xf32>
      tpu.vector_store %arg8[%swap3A_279, %swap3A_280], %swap3A_283 {strides = array<i32>} : memref<256x64xf32, #tpu.memory_space<vmem>>, vector<1x16xf32>,
      %get3A_284 = arith.index_cast %add3A_271 : i32 to index
      %get3A_285 = arith.constant 16 : index
      %get3A_286 = tpu.vector_load %arg6[%get3A_284, %get3A_285] {strides = array<i32>} : memref<256x64xf32, #tpu.memory_space<vmem>>, vector<1x16xf32>,
      %get3A_287 = vector.shape_cast %get3A_286 : vector<1x16xf32> to vector<16xf32>
      %mul3A_288 = arith.constant 8.000000e+00 : f32
      %mul3A_289 = vector.broadcast %mul3A_288 : f32 to vector<16xf32>
      %mul3A_290 = arith.mulf %get3A_287, %mul3A_289 : vector<16xf32>
      %swap3A_291 = arith.index_cast %add3A_271 : i32 to index
      %swap3A_292 = arith.constant 16 : index
      %swap3A_293 = tpu.vector_load %arg8[%swap3A_291, %swap3A_292] {strides = array<i32>} : memref<256x64xf32, #tpu.memory_space<vmem>>, vector<1x16xf32>,
      %swap3A_294 = vector.shape_cast %swap3A_293 : vector<1x16xf32> to vector<16xf32>
      %swap3A_295 = vector.shape_cast %mul3A_290 : vector<16xf32> to vector<1x16xf32>
      tpu.vector_store %arg8[%swap3A_291, %swap3A_292], %swap3A_295 {strides = array<i32>} : memref<256x64xf32, #tpu.memory_space<vmem>>, vector<1x16xf32>,
      %get3A_296 = arith.index_cast %add3A_271 : i32 to index
      %get3A_297 = arith.constant 32 : index
      %get3A_298 = tpu.vector_load %arg6[%get3A_296, %get3A_297] {strides = array<i32>} : memref<256x64xf32, #tpu.memory_space<vmem>>, vector<1x16xf32>,
      %get3A_299 = vector.shape_cast %get3A_298 : vector<1x16xf32> to vector<16xf32>
      %mul3A_300 = arith.constant 8.000000e+00 : f32
      %mul3A_301 = vector.broadcast %mul3A_300 : f32 to vector<16xf32>
      %mul3A_302 = arith.mulf %get3A_299, %mul3A_301 : vector<16xf32>
      %swap3A_303 = arith.index_cast %add3A_271 : i32 to index
      %swap3A_304 = arith.constant 32 : index
      %swap3A_305 = tpu.vector_load %arg8[%swap3A_303, %swap3A_304] {strides = array<i32>} : memref<256x64xf32, #tpu.memory_space<vmem>>, vector<1x16xf32>,
      %swap3A_306 = vector.shape_cast %swap3A_305 : vector<1x16xf32> to vector<16xf32>
      %swap3A_307 = vector.shape_cast %mul3A_302 : vector<16xf32> to vector<1x16xf32>
      tpu.vector_store %arg8[%swap3A_303, %swap3A_304], %swap3A_307 {strides = array<i32>} : memref<256x64xf32, #tpu.memory_space<vmem>>, vector<1x16xf32>,
      %get3A_308 = arith.index_cast %add3A_271 : i32 to index
      %get3A_309 = arith.constant 48 : index
      %get3A_310 = tpu.vector_load %arg6[%get3A_308, %get3A_309] {strides = array<i32>} : memref<256x64xf32, #tpu.memory_space<vmem>>, vector<1x16xf32>,
      %get3A_311 = vector.shape_cast %get3A_310 : vector<1x16xf32> to vector<16xf32>
      %mul3A_312 = arith.constant 8.000000e+00 : f32
      %mul3A_313 = vector.broadcast %mul3A_312 : f32 to vector<16xf32>
      %mul3A_314 = arith.mulf %get3A_311, %mul3A_313 : vector<16xf32>
      %swap3A_315 = arith.index_cast %add3A_271 : i32 to index
      %swap3A_316 = arith.constant 48 : index
      %swap3A_317 = tpu.vector_load %arg8[%swap3A_315, %swap3A_316] {strides = array<i32>} : memref<256x64xf32, #tpu.memory_space<vmem>>, vector<1x16xf32>,
      %swap3A_318 = vector.shape_cast %swap3A_317 : vector<1x16xf32> to vector<16xf32>
      %swap3A_319 = vector.shape_cast %mul3A_314 : vector<16xf32> to vector<1x16xf32>
      tpu.vector_store %arg8[%swap3A_315, %swap3A_316], %swap3A_319 {strides = array<i32>} : memref<256x64xf32, #tpu.memory_space<vmem>>, vector<1x16xf32>,
      %scan3A_320 = arith.constant 3 : i32
      %scan3A_321 = arith.addi %scan3A_161, %scan3A_320 : i32
      %mul3A_322 = arith.constant 1 : i32
      %mul3A_323 = arith.muli %scan3A_321, %mul3A_322 : i32
      %add3A_324 = arith.constant 0 : i32
      %add3A_325 = arith.addi %add3A_324, %mul3A_323 : i32
      %get3A_326 = arith.index_cast %add3A_325 : i32 to index
      %get3A_327 = arith.constant 0 : index
      %get3A_328 = tpu.vector_load %arg6[%get3A_326, %get3A_327] {strides = array<i32>} : memref<256x64xf32, #tpu.memory_space<vmem>>, vector<1x16xf32>,
      %get3A_329 = vector.shape_cast %get3A_328 : vector<1x16xf32> to vector<16xf32>
      %mul3A_330 = arith.constant 8.000000e+00 : f32
      %mul3A_331 = vector.broadcast %mul3A_330 : f32 to vector<16xf32>
      %mul3A_332 = arith.mulf %get3A_329, %mul3A_331 : vector<16xf32>
      %swap3A_333 = arith.index_cast %add3A_325 : i32 to index
      %swap3A_334 = arith.constant 0 : index
      %swap3A_335 = tpu.vector_load %arg8[%swap3A_333, %swap3A_334] {strides = array<i32>} : memref<256x64xf32, #tpu.memory_space<vmem>>, vector<1x16xf32>,
      %swap3A_336 = vector.shape_cast %swap3A_335 : vector<1x16xf32> to vector<16xf32>
      %swap3A_337 = vector.shape_cast %mul3A_332 : vector<16xf32> to vector<1x16xf32>
      tpu.vector_store %arg8[%swap3A_333, %swap3A_334], %swap3A_337 {strides = array<i32>} : memref<256x64xf32, #tpu.memory_space<vmem>>, vector<1x16xf32>,
      %get3A_338 = arith.index_cast %add3A_325 : i32 to index
      %get3A_339 = arith.constant 16 : index
      %get3A_340 = tpu.vector_load %arg6[%get3A_338, %get3A_339] {strides = array<i32>} : memref<256x64xf32, #tpu.memory_space<vmem>>, vector<1x16xf32>,
      %get3A_341 = vector.shape_cast %get3A_340 : vector<1x16xf32> to vector<16xf32>
      %mul3A_342 = arith.constant 8.000000e+00 : f32
      %mul3A_343 = vector.broadcast %mul3A_342 : f32 to vector<16xf32>
      %mul3A_344 = arith.mulf %get3A_341, %mul3A_343 : vector<16xf32>
      %swap3A_345 = arith.index_cast %add3A_325 : i32 to index
      %swap3A_346 = arith.constant 16 : index
      %swap3A_347 = tpu.vector_load %arg8[%swap3A_345, %swap3A_346] {strides = array<i32>} : memref<256x64xf32, #tpu.memory_space<vmem>>, vector<1x16xf32>,
      %swap3A_348 = vector.shape_cast %swap3A_347 : vector<1x16xf32> to vector<16xf32>
      %swap3A_349 = vector.shape_cast %mul3A_344 : vector<16xf32> to vector<1x16xf32>
      tpu.vector_store %arg8[%swap3A_345, %swap3A_346], %swap3A_349 {strides = array<i32>} : memref<256x64xf32, #tpu.memory_space<vmem>>, vector<1x16xf32>,
      %get3A_350 = arith.index_cast %add3A_325 : i32 to index
      %get3A_351 = arith.constant 32 : index
      %get3A_352 = tpu.vector_load %arg6[%get3A_350, %get3A_351] {strides = array<i32>} : memref<256x64xf32, #tpu.memory_space<vmem>>, vector<1x16xf32>,
      %get3A_353 = vector.shape_cast %get3A_352 : vector<1x16xf32> to vector<16xf32>
      %mul3A_354 = arith.constant 8.000000e+00 : f32
      %mul3A_355 = vector.broadcast %mul3A_354 : f32 to vector<16xf32>
      %mul3A_356 = arith.mulf %get3A_353, %mul3A_355 : vector<16xf32>
      %swap3A_357 = arith.index_cast %add3A_325 : i32 to index
      %swap3A_358 = arith.constant 32 : index
      %swap3A_359 = tpu.vector_load %arg8[%swap3A_357, %swap3A_358] {strides = array<i32>} : memref<256x64xf32, #tpu.memory_space<vmem>>, vector<1x16xf32>,
      %swap3A_360 = vector.shape_cast %swap3A_359 : vector<1x16xf32> to vector<16xf32>
      %swap3A_361 = vector.shape_cast %mul3A_356 : vector<16xf32> to vector<1x16xf32>
      tpu.vector_store %arg8[%swap3A_357, %swap3A_358], %swap3A_361 {strides = array<i32>} : memref<256x64xf32, #tpu.memory_space<vmem>>, vector<1x16xf32>,
      %get3A_362 = arith.index_cast %add3A_325 : i32 to index
      %get3A_363 = arith.constant 48 : index
      %get3A_364 = tpu.vector_load %arg6[%get3A_362, %get3A_363] {strides = array<i32>} : memref<256x64xf32, #tpu.memory_space<vmem>>, vector<1x16xf32>,
      %get3A_365 = vector.shape_cast %get3A_364 : vector<1x16xf32> to vector<16xf32>
      %mul3A_366 = arith.constant 8.000000e+00 : f32
      %mul3A_367 = vector.broadcast %mul3A_366 : f32 to vector<16xf32>
      %mul3A_368 = arith.mulf %get3A_365, %mul3A_367 : vector<16xf32>
      %swap3A_369 = arith.index_cast %add3A_325 : i32 to index
      %swap3A_370 = arith.constant 48 : index
      %swap3A_371 = tpu.vector_load %arg8[%swap3A_369, %swap3A_370] {strides = array<i32>} : memref<256x64xf32, #tpu.memory_space<vmem>>, vector<1x16xf32>,
      %swap3A_372 = vector.shape_cast %swap3A_371 : vector<1x16xf32> to vector<16xf32>
      %swap3A_373 = vector.shape_cast %mul3A_368 : vector<16xf32> to vector<1x16xf32>
      tpu.vector_store %arg8[%swap3A_369, %swap3A_370], %swap3A_373 {strides = array<i32>} : memref<256x64xf32, #tpu.memory_space<vmem>>, vector<1x16xf32>,
      %scan3A_374 = arith.constant 4 : i32
      %scan3A_375 = arith.addi %scan3A_161, %scan3A_374 : i32
      %mul3A_376 = arith.constant 1 : i32
      %mul3A_377 = arith.muli %scan3A_375, %mul3A_376 : i32
      %add3A_378 = arith.constant 0 : i32
      %add3A_379 = arith.addi %add3A_378, %mul3A_377 : i32
      %get3A_380 = arith.index_cast %add3A_379 : i32 to index
      %get3A_381 = arith.constant 0 : index
      %get3A_382 = tpu.vector_load %arg6[%get3A_380, %get3A_381] {strides = array<i32>} : memref<256x64xf32, #tpu.memory_space<vmem>>, vector<1x16xf32>,
      %get3A_383 = vector.shape_cast %get3A_382 : vector<1x16xf32> to vector<16xf32>
      %mul3A_384 = arith.constant 8.000000e+00 : f32
      %mul3A_385 = vector.broadcast %mul3A_384 : f32 to vector<16xf32>
      %mul3A_386 = arith.mulf %get3A_383, %mul3A_385 : vector<16xf32>
      %swap3A_387 = arith.index_cast %add3A_379 : i32 to index
      %swap3A_388 = arith.constant 0 : index
      %swap3A_389 = tpu.vector_load %arg8[%swap3A_387, %swap3A_388] {strides = array<i32>} : memref<256x64xf32, #tpu.memory_space<vmem>>, vector<1x16xf32>,
      %swap3A_390 = vector.shape_cast %swap3A_389 : vector<1x16xf32> to vector<16xf32>
      %swap3A_391 = vector.shape_cast %mul3A_386 : vector<16xf32> to vector<1x16xf32>
      tpu.vector_store %arg8[%swap3A_387, %swap3A_388], %swap3A_391 {strides = array<i32>} : memref<256x64xf32, #tpu.memory_space<vmem>>, vector<1x16xf32>,
      %get3A_392 = arith.index_cast %add3A_379 : i32 to index
      %get3A_393 = arith.constant 16 : index
      %get3A_394 = tpu.vector_load %arg6[%get3A_392, %get3A_393] {strides = array<i32>} : memref<256x64xf32, #tpu.memory_space<vmem>>, vector<1x16xf32>,
      %get3A_395 = vector.shape_cast %get3A_394 : vector<1x16xf32> to vector<16xf32>
      %mul3A_396 = arith.constant 8.000000e+00 : f32
      %mul3A_397 = vector.broadcast %mul3A_396 : f32 to vector<16xf32>
      %mul3A_398 = arith.mulf %get3A_395, %mul3A_397 : vector<16xf32>
      %swap3A_399 = arith.index_cast %add3A_379 : i32 to index
      %swap3A_400 = arith.constant 16 : index
      %swap3A_401 = tpu.vector_load %arg8[%swap3A_399, %swap3A_400] {strides = array<i32>} : memref<256x64xf32, #tpu.memory_space<vmem>>, vector<1x16xf32>,
      %swap3A_402 = vector.shape_cast %swap3A_401 : vector<1x16xf32> to vector<16xf32>
      %swap3A_403 = vector.shape_cast %mul3A_398 : vector<16xf32> to vector<1x16xf32>
      tpu.vector_store %arg8[%swap3A_399, %swap3A_400], %swap3A_403 {strides = array<i32>} : memref<256x64xf32, #tpu.memory_space<vmem>>, vector<1x16xf32>,
      %get3A_404 = arith.index_cast %add3A_379 : i32 to index
      %get3A_405 = arith.constant 32 : index
      %get3A_406 = tpu.vector_load %arg6[%get3A_404, %get3A_405] {strides = array<i32>} : memref<256x64xf32, #tpu.memory_space<vmem>>, vector<1x16xf32>,
      %get3A_407 = vector.shape_cast %get3A_406 : vector<1x16xf32> to vector<16xf32>
      %mul3A_408 = arith.constant 8.000000e+00 : f32
      %mul3A_409 = vector.broadcast %mul3A_408 : f32 to vector<16xf32>
      %mul3A_410 = arith.mulf %get3A_407, %mul3A_409 : vector<16xf32>
      %swap3A_411 = arith.index_cast %add3A_379 : i32 to index
      %swap3A_412 = arith.constant 32 : index
      %swap3A_413 = tpu.vector_load %arg8[%swap3A_411, %swap3A_412] {strides = array<i32>} : memref<256x64xf32, #tpu.memory_space<vmem>>, vector<1x16xf32>,
      %swap3A_414 = vector.shape_cast %swap3A_413 : vector<1x16xf32> to vector<16xf32>
      %swap3A_415 = vector.shape_cast %mul3A_410 : vector<16xf32> to vector<1x16xf32>
      tpu.vector_store %arg8[%swap3A_411, %swap3A_412], %swap3A_415 {strides = array<i32>} : memref<256x64xf32, #tpu.memory_space<vmem>>, vector<1x16xf32>,
      %get3A_416 = arith.index_cast %add3A_379 : i32 to index
      %get3A_417 = arith.constant 48 : index
      %get3A_418 = tpu.vector_load %arg6[%get3A_416, %get3A_417] {strides = array<i32>} : memref<256x64xf32, #tpu.memory_space<vmem>>, vector<1x16xf32>,
      %get3A_419 = vector.shape_cast %get3A_418 : vector<1x16xf32> to vector<16xf32>
      %mul3A_420 = arith.constant 8.000000e+00 : f32
      %mul3A_421 = vector.broadcast %mul3A_420 : f32 to vector<16xf32>
      %mul3A_422 = arith.mulf %get3A_419, %mul3A_421 : vector<16xf32>
      %swap3A_423 = arith.index_cast %add3A_379 : i32 to index
      %swap3A_424 = arith.constant 48 : index
      %swap3A_425 = tpu.vector_load %arg8[%swap3A_423, %swap3A_424] {strides = array<i32>} : memref<256x64xf32, #tpu.memory_space<vmem>>, vector<1x16xf32>,
      %swap3A_426 = vector.shape_cast %swap3A_425 : vector<1x16xf32> to vector<16xf32>
      %swap3A_427 = vector.shape_cast %mul3A_422 : vector<16xf32> to vector<1x16xf32>
      tpu.vector_store %arg8[%swap3A_423, %swap3A_424], %swap3A_427 {strides = array<i32>} : memref<256x64xf32, #tpu.memory_space<vmem>>, vector<1x16xf32>,
      %scan3A_428 = arith.constant 5 : i32
      %scan3A_429 = arith.addi %scan3A_161, %scan3A_428 : i32
      %mul3A_430 = arith.constant 1 : i32
      %mul3A_431 = arith.muli %scan3A_429, %mul3A_430 : i32
      %add3A_432 = arith.constant 0 : i32
      %add3A_433 = arith.addi %add3A_432, %mul3A_431 : i32
      %get3A_434 = arith.index_cast %add3A_433 : i32 to index
      %get3A_435 = arith.constant 0 : index
      %get3A_436 = tpu.vector_load %arg6[%get3A_434, %get3A_435] {strides = array<i32>} : memref<256x64xf32, #tpu.memory_space<vmem>>, vector<1x16xf32>,
      %get3A_437 = vector.shape_cast %get3A_436 : vector<1x16xf32> to vector<16xf32>
      %mul3A_438 = arith.constant 8.000000e+00 : f32
      %mul3A_439 = vector.broadcast %mul3A_438 : f32 to vector<16xf32>
      %mul3A_440 = arith.mulf %get3A_437, %mul3A_439 : vector<16xf32>
      %swap3A_441 = arith.index_cast %add3A_433 : i32 to index
      %swap3A_442 = arith.constant 0 : index
      %swap3A_443 = tpu.vector_load %arg8[%swap3A_441, %swap3A_442] {strides = array<i32>} : memref<256x64xf32, #tpu.memory_space<vmem>>, vector<1x16xf32>,
      %swap3A_444 = vector.shape_cast %swap3A_443 : vector<1x16xf32> to vector<16xf32>
      %swap3A_445 = vector.shape_cast %mul3A_440 : vector<16xf32> to vector<1x16xf32>
      tpu.vector_store %arg8[%swap3A_441, %swap3A_442], %swap3A_445 {strides = array<i32>} : memref<256x64xf32, #tpu.memory_space<vmem>>, vector<1x16xf32>,
      %get3A_446 = arith.index_cast %add3A_433 : i32 to index
      %get3A_447 = arith.constant 16 : index
      %get3A_448 = tpu.vector_load %arg6[%get3A_446, %get3A_447] {strides = array<i32>} : memref<256x64xf32, #tpu.memory_space<vmem>>, vector<1x16xf32>,
      %get3A_449 = vector.shape_cast %get3A_448 : vector<1x16xf32> to vector<16xf32>
      %mul3A_450 = arith.constant 8.000000e+00 : f32
      %mul3A_451 = vector.broadcast %mul3A_450 : f32 to vector<16xf32>
      %mul3A_452 = arith.mulf %get3A_449, %mul3A_451 : vector<16xf32>
      %swap3A_453 = arith.index_cast %add3A_433 : i32 to index
      %swap3A_454 = arith.constant 16 : index
      %swap3A_455 = tpu.vector_load %arg8[%swap3A_453, %swap3A_454] {strides = array<i32>} : memref<256x64xf32, #tpu.memory_space<vmem>>, vector<1x16xf32>,
      %swap3A_456 = vector.shape_cast %swap3A_455 : vector<1x16xf32> to vector<16xf32>
      %swap3A_457 = vector.shape_cast %mul3A_452 : vector<16xf32> to vector<1x16xf32>
      tpu.vector_store %arg8[%swap3A_453, %swap3A_454], %swap3A_457 {strides = array<i32>} : memref<256x64xf32, #tpu.memory_space<vmem>>, vector<1x16xf32>,
      %get3A_458 = arith.index_cast %add3A_433 : i32 to index
      %get3A_459 = arith.constant 32 : index
      %get3A_460 = tpu.vector_load %arg6[%get3A_458, %get3A_459] {strides = array<i32>} : memref<256x64xf32, #tpu.memory_space<vmem>>, vector<1x16xf32>,
      %get3A_461 = vector.shape_cast %get3A_460 : vector<1x16xf32> to vector<16xf32>
      %mul3A_462 = arith.constant 8.000000e+00 : f32
      %mul3A_463 = vector.broadcast %mul3A_462 : f32 to vector<16xf32>
      %mul3A_464 = arith.mulf %get3A_461, %mul3A_463 : vector<16xf32>
      %swap3A_465 = arith.index_cast %add3A_433 : i32 to index
      %swap3A_466 = arith.constant 32 : index
      %swap3A_467 = tpu.vector_load %arg8[%swap3A_465, %swap3A_466] {strides = array<i32>} : memref<256x64xf32, #tpu.memory_space<vmem>>, vector<1x16xf32>,
      %swap3A_468 = vector.shape_cast %swap3A_467 : vector<1x16xf32> to vector<16xf32>
      %swap3A_469 = vector.shape_cast %mul3A_464 : vector<16xf32> to vector<1x16xf32>
      tpu.vector_store %arg8[%swap3A_465, %swap3A_466], %swap3A_469 {strides = array<i32>} : memref<256x64xf32, #tpu.memory_space<vmem>>, vector<1x16xf32>,
      %get3A_470 = arith.index_cast %add3A_433 : i32 to index
      %get3A_471 = arith.constant 48 : index
      %get3A_472 = tpu.vector_load %arg6[%get3A_470, %get3A_471] {strides = array<i32>} : memref<256x64xf32, #tpu.memory_space<vmem>>, vector<1x16xf32>,
      %get3A_473 = vector.shape_cast %get3A_472 : vector<1x16xf32> to vector<16xf32>
      %mul3A_474 = arith.constant 8.000000e+00 : f32
      %mul3A_475 = vector.broadcast %mul3A_474 : f32 to vector<16xf32>
      %mul3A_476 = arith.mulf %get3A_473, %mul3A_475 : vector<16xf32>
      %swap3A_477 = arith.index_cast %add3A_433 : i32 to index
      %swap3A_478 = arith.constant 48 : index
      %swap3A_479 = tpu.vector_load %arg8[%swap3A_477, %swap3A_478] {strides = array<i32>} : memref<256x64xf32, #tpu.memory_space<vmem>>, vector<1x16xf32>,
      %swap3A_480 = vector.shape_cast %swap3A_479 : vector<1x16xf32> to vector<16xf32>
      %swap3A_481 = vector.shape_cast %mul3A_476 : vector<16xf32> to vector<1x16xf32>
      tpu.vector_store %arg8[%swap3A_477, %swap3A_478], %swap3A_481 {strides = array<i32>} : memref<256x64xf32, #tpu.memory_space<vmem>>, vector<1x16xf32>,
      %scan3A_482 = arith.constant 6 : i32
      %scan3A_483 = arith.addi %scan3A_161, %scan3A_482 : i32
      %mul3A_484 = arith.constant 1 : i32
      %mul3A_485 = arith.muli %scan3A_483, %mul3A_484 : i32
      %add3A_486 = arith.constant 0 : i32
      %add3A_487 = arith.addi %add3A_486, %mul3A_485 : i32
      %get3A_488 = arith.index_cast %add3A_487 : i32 to index
      %get3A_489 = arith.constant 0 : index
      %get3A_490 = tpu.vector_load %arg6[%get3A_488, %get3A_489] {strides = array<i32>} : memref<256x64xf32, #tpu.memory_space<vmem>>, vector<1x16xf32>,
      %get3A_491 = vector.shape_cast %get3A_490 : vector<1x16xf32> to vector<16xf32>
      %mul3A_492 = arith.constant 8.000000e+00 : f32
      %mul3A_493 = vector.broadcast %mul3A_492 : f32 to vector<16xf32>
      %mul3A_494 = arith.mulf %get3A_491, %mul3A_493 : vector<16xf32>
      %swap3A_495 = arith.index_cast %add3A_487 : i32 to index
      %swap3A_496 = arith.constant 0 : index
      %swap3A_497 = tpu.vector_load %arg8[%swap3A_495, %swap3A_496] {strides = array<i32>} : memref<256x64xf32, #tpu.memory_space<vmem>>, vector<1x16xf32>,
      %swap3A_498 = vector.shape_cast %swap3A_497 : vector<1x16xf32> to vector<16xf32>
      %swap3A_499 = vector.shape_cast %mul3A_494 : vector<16xf32> to vector<1x16xf32>
      tpu.vector_store %arg8[%swap3A_495, %swap3A_496], %swap3A_499 {strides = array<i32>} : memref<256x64xf32, #tpu.memory_space<vmem>>, vector<1x16xf32>,
      %get3A_500 = arith.index_cast %add3A_487 : i32 to index
      %get3A_501 = arith.constant 16 : index
      %get3A_502 = tpu.vector_load %arg6[%get3A_500, %get3A_501] {strides = array<i32>} : memref<256x64xf32, #tpu.memory_space<vmem>>, vector<1x16xf32>,
      %get3A_503 = vector.shape_cast %get3A_502 : vector<1x16xf32> to vector<16xf32>
      %mul3A_504 = arith.constant 8.000000e+00 : f32
      %mul3A_505 = vector.broadcast %mul3A_504 : f32 to vector<16xf32>
      %mul3A_506 = arith.mulf %get3A_503, %mul3A_505 : vector<16xf32>
      %swap3A_507 = arith.index_cast %add3A_487 : i32 to index
      %swap3A_508 = arith.constant 16 : index
      %swap3A_509 = tpu.vector_load %arg8[%swap3A_507, %swap3A_508] {strides = array<i32>} : memref<256x64xf32, #tpu.memory_space<vmem>>, vector<1x16xf32>,
      %swap3A_510 = vector.shape_cast %swap3A_509 : vector<1x16xf32> to vector<16xf32>
      %swap3A_511 = vector.shape_cast %mul3A_506 : vector<16xf32> to vector<1x16xf32>
      tpu.vector_store %arg8[%swap3A_507, %swap3A_508], %swap3A_511 {strides = array<i32>} : memref<256x64xf32, #tpu.memory_space<vmem>>, vector<1x16xf32>,
      %get3A_512 = arith.index_cast %add3A_487 : i32 to index
      %get3A_513 = arith.constant 32 : index
      %get3A_514 = tpu.vector_load %arg6[%get3A_512, %get3A_513] {strides = array<i32>} : memref<256x64xf32, #tpu.memory_space<vmem>>, vector<1x16xf32>,
      %get3A_515 = vector.shape_cast %get3A_514 : vector<1x16xf32> to vector<16xf32>
      %mul3A_516 = arith.constant 8.000000e+00 : f32
      %mul3A_517 = vector.broadcast %mul3A_516 : f32 to vector<16xf32>
      %mul3A_518 = arith.mulf %get3A_515, %mul3A_517 : vector<16xf32>
      %swap3A_519 = arith.index_cast %add3A_487 : i32 to index
      %swap3A_520 = arith.constant 32 : index
      %swap3A_521 = tpu.vector_load %arg8[%swap3A_519, %swap3A_520] {strides = array<i32>} : memref<256x64xf32, #tpu.memory_space<vmem>>, vector<1x16xf32>,
      %swap3A_522 = vector.shape_cast %swap3A_521 : vector<1x16xf32> to vector<16xf32>
      %swap3A_523 = vector.shape_cast %mul3A_518 : vector<16xf32> to vector<1x16xf32>
      tpu.vector_store %arg8[%swap3A_519, %swap3A_520], %swap3A_523 {strides = array<i32>} : memref<256x64xf32, #tpu.memory_space<vmem>>, vector<1x16xf32>,
      %get3A_524 = arith.index_cast %add3A_487 : i32 to index
      %get3A_525 = arith.constant 48 : index
      %get3A_526 = tpu.vector_load %arg6[%get3A_524, %get3A_525] {strides = array<i32>} : memref<256x64xf32, #tpu.memory_space<vmem>>, vector<1x16xf32>,
      %get3A_527 = vector.shape_cast %get3A_526 : vector<1x16xf32> to vector<16xf32>
      %mul3A_528 = arith.constant 8.000000e+00 : f32
      %mul3A_529 = vector.broadcast %mul3A_528 : f32 to vector<16xf32>
      %mul3A_530 = arith.mulf %get3A_527, %mul3A_529 : vector<16xf32>
      %swap3A_531 = arith.index_cast %add3A_487 : i32 to index
      %swap3A_532 = arith.constant 48 : index
      %swap3A_533 = tpu.vector_load %arg8[%swap3A_531, %swap3A_532] {strides = array<i32>} : memref<256x64xf32, #tpu.memory_space<vmem>>, vector<1x16xf32>,
      %swap3A_534 = vector.shape_cast %swap3A_533 : vector<1x16xf32> to vector<16xf32>
      %swap3A_535 = vector.shape_cast %mul3A_530 : vector<16xf32> to vector<1x16xf32>
      tpu.vector_store %arg8[%swap3A_531, %swap3A_532], %swap3A_535 {strides = array<i32>} : memref<256x64xf32, #tpu.memory_space<vmem>>, vector<1x16xf32>,
      %scan3A_536 = arith.constant 7 : i32
      %scan3A_537 = arith.addi %scan3A_161, %scan3A_536 : i32
      %mul3A_538 = arith.constant 1 : i32
      %mul3A_539 = arith.muli %scan3A_537, %mul3A_538 : i32
      %add3A_540 = arith.constant 0 : i32
      %add3A_541 = arith.addi %add3A_540, %mul3A_539 : i32
      %get3A_542 = arith.index_cast %add3A_541 : i32 to index
      %get3A_543 = arith.constant 0 : index
      %get3A_544 = tpu.vector_load %arg6[%get3A_542, %get3A_543] {strides = array<i32>} : memref<256x64xf32, #tpu.memory_space<vmem>>, vector<1x16xf32>,
      %get3A_545 = vector.shape_cast %get3A_544 : vector<1x16xf32> to vector<16xf32>
      %mul3A_546 = arith.constant 8.000000e+00 : f32
      %mul3A_547 = vector.broadcast %mul3A_546 : f32 to vector<16xf32>
      %mul3A_548 = arith.mulf %get3A_545, %mul3A_547 : vector<16xf32>
      %swap3A_549 = arith.index_cast %add3A_541 : i32 to index
      %swap3A_550 = arith.constant 0 : index
      %swap3A_551 = tpu.vector_load %arg8[%swap3A_549, %swap3A_550] {strides = array<i32>} : memref<256x64xf32, #tpu.memory_space<vmem>>, vector<1x16xf32>,
      %swap3A_552 = vector.shape_cast %swap3A_551 : vector<1x16xf32> to vector<16xf32>
      %swap3A_553 = vector.shape_cast %mul3A_548 : vector<16xf32> to vector<1x16xf32>
      tpu.vector_store %arg8[%swap3A_549, %swap3A_550], %swap3A_553 {strides = array<i32>} : memref<256x64xf32, #tpu.memory_space<vmem>>, vector<1x16xf32>,
      %get3A_554 = arith.index_cast %add3A_541 : i32 to index
      %get3A_555 = arith.constant 16 : index
      %get3A_556 = tpu.vector_load %arg6[%get3A_554, %get3A_555] {strides = array<i32>} : memref<256x64xf32, #tpu.memory_space<vmem>>, vector<1x16xf32>,
      %get3A_557 = vector.shape_cast %get3A_556 : vector<1x16xf32> to vector<16xf32>
      %mul3A_558 = arith.constant 8.000000e+00 : f32
      %mul3A_559 = vector.broadcast %mul3A_558 : f32 to vector<16xf32>
      %mul3A_560 = arith.mulf %get3A_557, %mul3A_559 : vector<16xf32>
      %swap3A_561 = arith.index_cast %add3A_541 : i32 to index
      %swap3A_562 = arith.constant 16 : index
      %swap3A_563 = tpu.vector_load %arg8[%swap3A_561, %swap3A_562] {strides = array<i32>} : memref<256x64xf32, #tpu.memory_space<vmem>>, vector<1x16xf32>,
      %swap3A_564 = vector.shape_cast %swap3A_563 : vector<1x16xf32> to vector<16xf32>
      %swap3A_565 = vector.shape_cast %mul3A_560 : vector<16xf32> to vector<1x16xf32>
      tpu.vector_store %arg8[%swap3A_561, %swap3A_562], %swap3A_565 {strides = array<i32>} : memref<256x64xf32, #tpu.memory_space<vmem>>, vector<1x16xf32>,
      %get3A_566 = arith.index_cast %add3A_541 : i32 to index
      %get3A_567 = arith.constant 32 : index
      %get3A_568 = tpu.vector_load %arg6[%get3A_566, %get3A_567] {strides = array<i32>} : memref<256x64xf32, #tpu.memory_space<vmem>>, vector<1x16xf32>,
      %get3A_569 = vector.shape_cast %get3A_568 : vector<1x16xf32> to vector<16xf32>
      %mul3A_570 = arith.constant 8.000000e+00 : f32
      %mul3A_571 = vector.broadcast %mul3A_570 : f32 to vector<16xf32>
      %mul3A_572 = arith.mulf %get3A_569, %mul3A_571 : vector<16xf32>
      %swap3A_573 = arith.index_cast %add3A_541 : i32 to index
      %swap3A_574 = arith.constant 32 : index
      %swap3A_575 = tpu.vector_load %arg8[%swap3A_573, %swap3A_574] {strides = array<i32>} : memref<256x64xf32, #tpu.memory_space<vmem>>, vector<1x16xf32>,
      %swap3A_576 = vector.shape_cast %swap3A_575 : vector<1x16xf32> to vector<16xf32>
      %swap3A_577 = vector.shape_cast %mul3A_572 : vector<16xf32> to vector<1x16xf32>
      tpu.vector_store %arg8[%swap3A_573, %swap3A_574], %swap3A_577 {strides = array<i32>} : memref<256x64xf32, #tpu.memory_space<vmem>>, vector<1x16xf32>,
      %get3A_578 = arith.index_cast %add3A_541 : i32 to index
      %get3A_579 = arith.constant 48 : index
      %get3A_580 = tpu.vector_load %arg6[%get3A_578, %get3A_579] {strides = array<i32>} : memref<256x64xf32, #tpu.memory_space<vmem>>, vector<1x16xf32>,
      %get3A_581 = vector.shape_cast %get3A_580 : vector<1x16xf32> to vector<16xf32>
      %mul3A_582 = arith.constant 8.000000e+00 : f32
      %mul3A_583 = vector.broadcast %mul3A_582 : f32 to vector<16xf32>
      %mul3A_584 = arith.mulf %get3A_581, %mul3A_583 : vector<16xf32>
      %swap3A_585 = arith.index_cast %add3A_541 : i32 to index
      %swap3A_586 = arith.constant 48 : index
      %swap3A_587 = tpu.vector_load %arg8[%swap3A_585, %swap3A_586] {strides = array<i32>} : memref<256x64xf32, #tpu.memory_space<vmem>>, vector<1x16xf32>,
      %swap3A_588 = vector.shape_cast %swap3A_587 : vector<1x16xf32> to vector<16xf32>
      %swap3A_589 = vector.shape_cast %mul3A_584 : vector<16xf32> to vector<1x16xf32>
      tpu.vector_store %arg8[%swap3A_585, %swap3A_586], %swap3A_589 {strides = array<i32>} : memref<256x64xf32, #tpu.memory_space<vmem>>, vector<1x16xf32>,
    }
    %scan3A_42 = arith.constant 256 : i32
    %add3A_43 = arith.constant 0 : i32
    %add3A_44 = arith.addi %mul3A_2, %add3A_43 : i32
    %dma_start3A_45 = arith.constant 0 : i32
    %dma_start3A_46 = tpu.memref_slice %arg4[%add3A_44, %dma_start3A_45] : memref<819200x64xf32, #tpu.memory_space<hbm>> -> memref<256x64xf32, #tpu.memory_space<hbm>>
    %dma_start3A_47 = arith.constant 0 : i32
    %dma_start3A_48 = tpu.memref_slice %arg4[%add3A_44, %dma_start3A_47] : memref<819200x64xf32, #tpu.memory_space<hbm>> -> memref<256x64xf32, #tpu.memory_space<hbm>>
    tpu.enqueue_dma source(%arg8 : memref<256x64xf32, #tpu.memory_space<vmem>>) target(%dma_start3A_48 : memref<256x64xf32, #tpu.memory_space<hbm>>) target_semaphore(%arg12 : memref<!tpu.dma_semaphore, #tpu.memory_space<semaphore_mem>>)
    %dma_start3A_49 = arith.constant 0 : i32
    %dma_start3A_50 = arith.constant 0 : i32
    %dma_start3A_51 = tpu.memref_slice %arg6[%dma_start3A_49, %dma_start3A_50] : memref<256x64xf32, #tpu.memory_space<vmem>> -> memref<128x64xf32, #tpu.memory_space<vmem>>
    %dma_start3A_52 = arith.constant 512 : i32
    %dma_start3A_53 = tpu.memref_slice %arg5[%dma_start3A_52] : memref<25600xi32, #tpu.memory_space<vmem>> -> memref<128xi32, #tpu.memory_space<vmem>>
    %dma_start3A_54 = arith.constant 0 : i32
    %dma_start3A_55 = arith.constant 0 : i32
    %dma_start3A_56 = tpu.memref_slice %arg2[%dma_start3A_54, %dma_start3A_55] : memref<1000000x64xf32, #tpu.memory_space<hbm>> -> memref<1000000x64xf32, #tpu.memory_space<hbm>>
    tpu.enqueue_indirect_dma source(%dma_start3A_56 : memref<1000000x64xf32, #tpu.memory_space<hbm>>) target(%dma_start3A_51 : memref<128x64xf32, #tpu.memory_space<vmem>>) offsets(%dma_start3A_53 : memref<128xi32, #tpu.memory_space<vmem>>) semaphore(%arg10 : memref<!tpu.dma_semaphore, #tpu.memory_space<semaphore_mem>>)
    %dma_start3A_57 = arith.constant 128 : i32
    %dma_start3A_58 = arith.constant 0 : i32
    %dma_start3A_59 = tpu.memref_slice %arg6[%dma_start3A_57, %dma_start3A_58] : memref<256x64xf32, #tpu.memory_space<vmem>> -> memref<128x64xf32, #tpu.memory_space<vmem>>
    %dma_start3A_60 = arith.constant 640 : i32
    %dma_start3A_61 = tpu.memref_slice %arg5[%dma_start3A_60] : memref<25600xi32, #tpu.memory_space<vmem>> -> memref<128xi32, #tpu.memory_space<vmem>>
    %dma_start3A_62 = arith.constant 0 : i32
    %dma_start3A_63 = arith.constant 0 : i32
    %dma_start3A_64 = tpu.memref_slice %arg2[%dma_start3A_62, %dma_start3A_63] : memref<1000000x64xf32, #tpu.memory_space<hbm>> -> memref<1000000x64xf32, #tpu.memory_space<hbm>>
    tpu.enqueue_indirect_dma source(%dma_start3A_64 : memref<1000000x64xf32, #tpu.memory_space<hbm>>) target(%dma_start3A_59 : memref<128x64xf32, #tpu.memory_space<vmem>>) offsets(%dma_start3A_61 : memref<128xi32, #tpu.memory_space<vmem>>) semaphore(%arg10 : memref<!tpu.dma_semaphore, #tpu.memory_space<semaphore_mem>>)
    %dma_wait3A_65 = arith.constant 0 : i32
    %dma_wait3A_66 = arith.constant 0 : i32
    %dma_wait3A_67 = tpu.memref_slice %arg4[%dma_wait3A_65, %dma_wait3A_66] : memref<819200x64xf32, #tpu.memory_space<hbm>> -> memref<256x64xf32, #tpu.memory_space<hbm>>
    %dma_wait3A_68 = arith.constant 0 : i32
    %dma_wait3A_69 = arith.constant 0 : i32
    %dma_wait3A_70 = tpu.memref_slice %arg4[%dma_wait3A_68, %dma_wait3A_69] : memref<819200x64xf32, #tpu.memory_space<hbm>> -> memref<256x64xf32, #tpu.memory_space<hbm>>
    tpu.wait_dma2 semaphore(%arg11 : memref<!tpu.dma_semaphore, #tpu.memory_space<semaphore_mem>>) src(%dma_wait3A_70 : memref<256x64xf32, #tpu.memory_space<hbm>>) dst(%arg7 : memref<256x64xf32, #tpu.memory_space<vmem>>)
    %scan3A_71 = arith.constant 0 : i32
    %scan3A_72 = arith.constant 256 : i32
    %scan3A_73 = arith.addi %scan3A_71, %scan3A_72 : i32
    %scan3A_74 = arith.constant 8 : i32
    scf.for %scan3A_161 = %scan3A_71 to %scan3A_73 step %scan3A_74  : i32 {
      %mul3A_162 = arith.constant 1 : i32
      %mul3A_163 = arith.muli %scan3A_161, %mul3A_162 : i32
      %add3A_164 = arith.constant 0 : i32
      %add3A_165 = arith.addi %add3A_164, %mul3A_163 : i32
      %get3A = arith.index_cast %add3A_165 : i32 to index
      %get3A_166 = arith.constant 0 : index
      %get3A_167 = tpu.vector_load %arg7[%get3A, %get3A_166] {strides = array<i32>} : memref<256x64xf32, #tpu.memory_space<vmem>>, vector<1x16xf32>,
      %get3A_168 = vector.shape_cast %get3A_167 : vector<1x16xf32> to vector<16xf32>
      %mul3A_169 = arith.constant 8.000000e+00 : f32
      %mul3A_170 = vector.broadcast %mul3A_169 : f32 to vector<16xf32>
      %mul3A_171 = arith.mulf %get3A_168, %mul3A_170 : vector<16xf32>
      %swap3A = arith.index_cast %add3A_165 : i32 to index
      %swap3A_172 = arith.constant 0 : index
      %swap3A_173 = tpu.vector_load %arg9[%swap3A, %swap3A_172] {strides = array<i32>} : memref<256x64xf32, #tpu.memory_space<vmem>>, vector<1x16xf32>,
      %swap3A_174 = vector.shape_cast %swap3A_173 : vector<1x16xf32> to vector<16xf32>
      %swap3A_175 = vector.shape_cast %mul3A_171 : vector<16xf32> to vector<1x16xf32>
      tpu.vector_store %arg9[%swap3A, %swap3A_172], %swap3A_175 {strides = array<i32>} : memref<256x64xf32, #tpu.memory_space<vmem>>, vector<1x16xf32>,
      %get3A_176 = arith.index_cast %add3A_165 : i32 to index
      %get3A_177 = arith.constant 16 : index
      %get3A_178 = tpu.vector_load %arg7[%get3A_176, %get3A_177] {strides = array<i32>} : memref<256x64xf32, #tpu.memory_space<vmem>>, vector<1x16xf32>,
      %get3A_179 = vector.shape_cast %get3A_178 : vector<1x16xf32> to vector<16xf32>
      %mul3A_180 = arith.constant 8.000000e+00 : f32
      %mul3A_181 = vector.broadcast %mul3A_180 : f32 to vector<16xf32>
      %mul3A_182 = arith.mulf %get3A_179, %mul3A_181 : vector<16xf32>
      %swap3A_183 = arith.index_cast %add3A_165 : i32 to index
      %swap3A_184 = arith.constant 16 : index
      %swap3A_185 = tpu.vector_load %arg9[%swap3A_183, %swap3A_184] {strides = array<i32>} : memref<256x64xf32, #tpu.memory_space<vmem>>, vector<1x16xf32>,
      %swap3A_186 = vector.shape_cast %swap3A_185 : vector<1x16xf32> to vector<16xf32>
      %swap3A_187 = vector.shape_cast %mul3A_182 : vector<16xf32> to vector<1x16xf32>
      tpu.vector_store %arg9[%swap3A_183, %swap3A_184], %swap3A_187 {strides = array<i32>} : memref<256x64xf32, #tpu.memory_space<vmem>>, vector<1x16xf32>,
      %get3A_188 = arith.index_cast %add3A_165 : i32 to index
      %get3A_189 = arith.constant 32 : index
      %get3A_190 = tpu.vector_load %arg7[%get3A_188, %get3A_189] {strides = array<i32>} : memref<256x64xf32, #tpu.memory_space<vmem>>, vector<1x16xf32>,
      %get3A_191 = vector.shape_cast %get3A_190 : vector<1x16xf32> to vector<16xf32>
      %mul3A_192 = arith.constant 8.000000e+00 : f32
      %mul3A_193 = vector.broadcast %mul3A_192 : f32 to vector<16xf32>
      %mul3A_194 = arith.mulf %get3A_191, %mul3A_193 : vector<16xf32>
      %swap3A_195 = arith.index_cast %add3A_165 : i32 to index
      %swap3A_196 = arith.constant 32 : index
      %swap3A_197 = tpu.vector_load %arg9[%swap3A_195, %swap3A_196] {strides = array<i32>} : memref<256x64xf32, #tpu.memory_space<vmem>>, vector<1x16xf32>,
      %swap3A_198 = vector.shape_cast %swap3A_197 : vector<1x16xf32> to vector<16xf32>
      %swap3A_199 = vector.shape_cast %mul3A_194 : vector<16xf32> to vector<1x16xf32>
      tpu.vector_store %arg9[%swap3A_195, %swap3A_196], %swap3A_199 {strides = array<i32>} : memref<256x64xf32, #tpu.memory_space<vmem>>, vector<1x16xf32>,
      %get3A_200 = arith.index_cast %add3A_165 : i32 to index
      %get3A_201 = arith.constant 48 : index
      %get3A_202 = tpu.vector_load %arg7[%get3A_200, %get3A_201] {strides = array<i32>} : memref<256x64xf32, #tpu.memory_space<vmem>>, vector<1x16xf32>,
      %get3A_203 = vector.shape_cast %get3A_202 : vector<1x16xf32> to vector<16xf32>
      %mul3A_204 = arith.constant 8.000000e+00 : f32
      %mul3A_205 = vector.broadcast %mul3A_204 : f32 to vector<16xf32>
      %mul3A_206 = arith.mulf %get3A_203, %mul3A_205 : vector<16xf32>
      %swap3A_207 = arith.index_cast %add3A_165 : i32 to index
      %swap3A_208 = arith.constant 48 : index
      %swap3A_209 = tpu.vector_load %arg9[%swap3A_207, %swap3A_208] {strides = array<i32>} : memref<256x64xf32, #tpu.memory_space<vmem>>, vector<1x16xf32>,
      %swap3A_210 = vector.shape_cast %swap3A_209 : vector<1x16xf32> to vector<16xf32>
      %swap3A_211 = vector.shape_cast %mul3A_206 : vector<16xf32> to vector<1x16xf32>
      tpu.vector_store %arg9[%swap3A_207, %swap3A_208], %swap3A_211 {strides = array<i32>} : memref<256x64xf32, #tpu.memory_space<vmem>>, vector<1x16xf32>,
      %scan3A_212 = arith.constant 1 : i32
      %scan3A_213 = arith.addi %scan3A_161, %scan3A_212 : i32
      %mul3A_214 = arith.constant 1 : i32
      %mul3A_215 = arith.muli %scan3A_213, %mul3A_214 : i32
      %add3A_216 = arith.constant 0 : i32
      %add3A_217 = arith.addi %add3A_216, %mul3A_215 : i32
      %get3A_218 = arith.index_cast %add3A_217 : i32 to index
      %get3A_219 = arith.constant 0 : index
      %get3A_220 = tpu.vector_load %arg7[%get3A_218, %get3A_219] {strides = array<i32>} : memref<256x64xf32, #tpu.memory_space<vmem>>, vector<1x16xf32>,
      %get3A_221 = vector.shape_cast %get3A_220 : vector<1x16xf32> to vector<16xf32>
      %mul3A_222 = arith.constant 8.000000e+00 : f32
      %mul3A_223 = vector.broadcast %mul3A_222 : f32 to vector<16xf32>
      %mul3A_224 = arith.mulf %get3A_221, %mul3A_223 : vector<16xf32>
      %swap3A_225 = arith.index_cast %add3A_217 : i32 to index
      %swap3A_226 = arith.constant 0 : index
      %swap3A_227 = tpu.vector_load %arg9[%swap3A_225, %swap3A_226] {strides = array<i32>} : memref<256x64xf32, #tpu.memory_space<vmem>>, vector<1x16xf32>,
      %swap3A_228 = vector.shape_cast %swap3A_227 : vector<1x16xf32> to vector<16xf32>
      %swap3A_229 = vector.shape_cast %mul3A_224 : vector<16xf32> to vector<1x16xf32>
      tpu.vector_store %arg9[%swap3A_225, %swap3A_226], %swap3A_229 {strides = array<i32>} : memref<256x64xf32, #tpu.memory_space<vmem>>, vector<1x16xf32>,
      %get3A_230 = arith.index_cast %add3A_217 : i32 to index
      %get3A_231 = arith.constant 16 : index
      %get3A_232 = tpu.vector_load %arg7[%get3A_230, %get3A_231] {strides = array<i32>} : memref<256x64xf32, #tpu.memory_space<vmem>>, vector<1x16xf32>,
      %get3A_233 = vector.shape_cast %get3A_232 : vector<1x16xf32> to vector<16xf32>
      %mul3A_234 = arith.constant 8.000000e+00 : f32
      %mul3A_235 = vector.broadcast %mul3A_234 : f32 to vector<16xf32>
      %mul3A_236 = arith.mulf %get3A_233, %mul3A_235 : vector<16xf32>
      %swap3A_237 = arith.index_cast %add3A_217 : i32 to index
      %swap3A_238 = arith.constant 16 : index
      %swap3A_239 = tpu.vector_load %arg9[%swap3A_237, %swap3A_238] {strides = array<i32>} : memref<256x64xf32, #tpu.memory_space<vmem>>, vector<1x16xf32>,
      %swap3A_240 = vector.shape_cast %swap3A_239 : vector<1x16xf32> to vector<16xf32>
      %swap3A_241 = vector.shape_cast %mul3A_236 : vector<16xf32> to vector<1x16xf32>
      tpu.vector_store %arg9[%swap3A_237, %swap3A_238], %swap3A_241 {strides = array<i32>} : memref<256x64xf32, #tpu.memory_space<vmem>>, vector<1x16xf32>,
      %get3A_242 = arith.index_cast %add3A_217 : i32 to index
      %get3A_243 = arith.constant 32 : index
      %get3A_244 = tpu.vector_load %arg7[%get3A_242, %get3A_243] {strides = array<i32>} : memref<256x64xf32, #tpu.memory_space<vmem>>, vector<1x16xf32>,
      %get3A_245 = vector.shape_cast %get3A_244 : vector<1x16xf32> to vector<16xf32>
      %mul3A_246 = arith.constant 8.000000e+00 : f32
      %mul3A_247 = vector.broadcast %mul3A_246 : f32 to vector<16xf32>
      %mul3A_248 = arith.mulf %get3A_245, %mul3A_247 : vector<16xf32>
      %swap3A_249 = arith.index_cast %add3A_217 : i32 to index
      %swap3A_250 = arith.constant 32 : index
      %swap3A_251 = tpu.vector_load %arg9[%swap3A_249, %swap3A_250] {strides = array<i32>} : memref<256x64xf32, #tpu.memory_space<vmem>>, vector<1x16xf32>,
      %swap3A_252 = vector.shape_cast %swap3A_251 : vector<1x16xf32> to vector<16xf32>
      %swap3A_253 = vector.shape_cast %mul3A_248 : vector<16xf32> to vector<1x16xf32>
      tpu.vector_store %arg9[%swap3A_249, %swap3A_250], %swap3A_253 {strides = array<i32>} : memref<256x64xf32, #tpu.memory_space<vmem>>, vector<1x16xf32>,
      %get3A_254 = arith.index_cast %add3A_217 : i32 to index
      %get3A_255 = arith.constant 48 : index
      %get3A_256 = tpu.vector_load %arg7[%get3A_254, %get3A_255] {strides = array<i32>} : memref<256x64xf32, #tpu.memory_space<vmem>>, vector<1x16xf32>,
      %get3A_257 = vector.shape_cast %get3A_256 : vector<1x16xf32> to vector<16xf32>
      %mul3A_258 = arith.constant 8.000000e+00 : f32
      %mul3A_259 = vector.broadcast %mul3A_258 : f32 to vector<16xf32>
      %mul3A_260 = arith.mulf %get3A_257, %mul3A_259 : vector<16xf32>
      %swap3A_261 = arith.index_cast %add3A_217 : i32 to index
      %swap3A_262 = arith.constant 48 : index
      %swap3A_263 = tpu.vector_load %arg9[%swap3A_261, %swap3A_262] {strides = array<i32>} : memref<256x64xf32, #tpu.memory_space<vmem>>, vector<1x16xf32>,
      %swap3A_264 = vector.shape_cast %swap3A_263 : vector<1x16xf32> to vector<16xf32>
      %swap3A_265 = vector.shape_cast %mul3A_260 : vector<16xf32> to vector<1x16xf32>
      tpu.vector_store %arg9[%swap3A_261, %swap3A_262], %swap3A_265 {strides = array<i32>} : memref<256x64xf32, #tpu.memory_space<vmem>>, vector<1x16xf32>,
      %scan3A_266 = arith.constant 2 : i32
      %scan3A_267 = arith.addi %scan3A_161, %scan3A_266 : i32
      %mul3A_268 = arith.constant 1 : i32
      %mul3A_269 = arith.muli %scan3A_267, %mul3A_268 : i32
      %add3A_270 = arith.constant 0 : i32
      %add3A_271 = arith.addi %add3A_270, %mul3A_269 : i32
      %get3A_272 = arith.index_cast %add3A_271 : i32 to index
      %get3A_273 = arith.constant 0 : index
      %get3A_274 = tpu.vector_load %arg7[%get3A_272, %get3A_273] {strides = array<i32>} : memref<256x64xf32, #tpu.memory_space<vmem>>, vector<1x16xf32>,
      %get3A_275 = vector.shape_cast %get3A_274 : vector<1x16xf32> to vector<16xf32>
      %mul3A_276 = arith.constant 8.000000e+00 : f32
      %mul3A_277 = vector.broadcast %mul3A_276 : f32 to vector<16xf32>
      %mul3A_278 = arith.mulf %get3A_275, %mul3A_277 : vector<16xf32>
      %swap3A_279 = arith.index_cast %add3A_271 : i32 to index
      %swap3A_280 = arith.constant 0 : index
      %swap3A_281 = tpu.vector_load %arg9[%swap3A_279, %swap3A_280] {strides = array<i32>} : memref<256x64xf32, #tpu.memory_space<vmem>>, vector<1x16xf32>,
      %swap3A_282 = vector.shape_cast %swap3A_281 : vector<1x16xf32> to vector<16xf32>
      %swap3A_283 = vector.shape_cast %mul3A_278 : vector<16xf32> to vector<1x16xf32>
      tpu.vector_store %arg9[%swap3A_279, %swap3A_280], %swap3A_283 {strides = array<i32>} : memref<256x64xf32, #tpu.memory_space<vmem>>, vector<1x16xf32>,
      %get3A_284 = arith.index_cast %add3A_271 : i32 to index
      %get3A_285 = arith.constant 16 : index
      %get3A_286 = tpu.vector_load %arg7[%get3A_284, %get3A_285] {strides = array<i32>} : memref<256x64xf32, #tpu.memory_space<vmem>>, vector<1x16xf32>,
      %get3A_287 = vector.shape_cast %get3A_286 : vector<1x16xf32> to vector<16xf32>
      %mul3A_288 = arith.constant 8.000000e+00 : f32
      %mul3A_289 = vector.broadcast %mul3A_288 : f32 to vector<16xf32>
      %mul3A_290 = arith.mulf %get3A_287, %mul3A_289 : vector<16xf32>
      %swap3A_291 = arith.index_cast %add3A_271 : i32 to index
      %swap3A_292 = arith.constant 16 : index
      %swap3A_293 = tpu.vector_load %arg9[%swap3A_291, %swap3A_292] {strides = array<i32>} : memref<256x64xf32, #tpu.memory_space<vmem>>, vector<1x16xf32>,
      %swap3A_294 = vector.shape_cast %swap3A_293 : vector<1x16xf32> to vector<16xf32>
      %swap3A_295 = vector.shape_cast %mul3A_290 : vector<16xf32> to vector<1x16xf32>
      tpu.vector_store %arg9[%swap3A_291, %swap3A_292], %swap3A_295 {strides = array<i32>} : memref<256x64xf32, #tpu.memory_space<vmem>>, vector<1x16xf32>,
      %get3A_296 = arith.index_cast %add3A_271 : i32 to index
      %get3A_297 = arith.constant 32 : index
      %get3A_298 = tpu.vector_load %arg7[%get3A_296, %get3A_297] {strides = array<i32>} : memref<256x64xf32, #tpu.memory_space<vmem>>, vector<1x16xf32>,
      %get3A_299 = vector.shape_cast %get3A_298 : vector<1x16xf32> to vector<16xf32>
      %mul3A_300 = arith.constant 8.000000e+00 : f32
      %mul3A_301 = vector.broadcast %mul3A_300 : f32 to vector<16xf32>
      %mul3A_302 = arith.mulf %get3A_299, %mul3A_301 : vector<16xf32>
      %swap3A_303 = arith.index_cast %add3A_271 : i32 to index
      %swap3A_304 = arith.constant 32 : index
      %swap3A_305 = tpu.vector_load %arg9[%swap3A_303, %swap3A_304] {strides = array<i32>} : memref<256x64xf32, #tpu.memory_space<vmem>>, vector<1x16xf32>,
      %swap3A_306 = vector.shape_cast %swap3A_305 : vector<1x16xf32> to vector<16xf32>
      %swap3A_307 = vector.shape_cast %mul3A_302 : vector<16xf32> to vector<1x16xf32>
      tpu.vector_store %arg9[%swap3A_303, %swap3A_304], %swap3A_307 {strides = array<i32>} : memref<256x64xf32, #tpu.memory_space<vmem>>, vector<1x16xf32>,
      %get3A_308 = arith.index_cast %add3A_271 : i32 to index
      %get3A_309 = arith.constant 48 : index
      %get3A_310 = tpu.vector_load %arg7[%get3A_308, %get3A_309] {strides = array<i32>} : memref<256x64xf32, #tpu.memory_space<vmem>>, vector<1x16xf32>,
      %get3A_311 = vector.shape_cast %get3A_310 : vector<1x16xf32> to vector<16xf32>
      %mul3A_312 = arith.constant 8.000000e+00 : f32
      %mul3A_313 = vector.broadcast %mul3A_312 : f32 to vector<16xf32>
      %mul3A_314 = arith.mulf %get3A_311, %mul3A_313 : vector<16xf32>
      %swap3A_315 = arith.index_cast %add3A_271 : i32 to index
      %swap3A_316 = arith.constant 48 : index
      %swap3A_317 = tpu.vector_load %arg9[%swap3A_315, %swap3A_316] {strides = array<i32>} : memref<256x64xf32, #tpu.memory_space<vmem>>, vector<1x16xf32>,
      %swap3A_318 = vector.shape_cast %swap3A_317 : vector<1x16xf32> to vector<16xf32>
      %swap3A_319 = vector.shape_cast %mul3A_314 : vector<16xf32> to vector<1x16xf32>
      tpu.vector_store %arg9[%swap3A_315, %swap3A_316], %swap3A_319 {strides = array<i32>} : memref<256x64xf32, #tpu.memory_space<vmem>>, vector<1x16xf32>,
      %scan3A_320 = arith.constant 3 : i32
      %scan3A_321 = arith.addi %scan3A_161, %scan3A_320 : i32
      %mul3A_322 = arith.constant 1 : i32
      %mul3A_323 = arith.muli %scan3A_321, %mul3A_322 : i32
      %add3A_324 = arith.constant 0 : i32
      %add3A_325 = arith.addi %add3A_324, %mul3A_323 : i32
      %get3A_326 = arith.index_cast %add3A_325 : i32 to index
      %get3A_327 = arith.constant 0 : index
      %get3A_328 = tpu.vector_load %arg7[%get3A_326, %get3A_327] {strides = array<i32>} : memref<256x64xf32, #tpu.memory_space<vmem>>, vector<1x16xf32>,
      %get3A_329 = vector.shape_cast %get3A_328 : vector<1x16xf32> to vector<16xf32>
      %mul3A_330 = arith.constant 8.000000e+00 : f32
      %mul3A_331 = vector.broadcast %mul3A_330 : f32 to vector<16xf32>
      %mul3A_332 = arith.mulf %get3A_329, %mul3A_331 : vector<16xf32>
      %swap3A_333 = arith.index_cast %add3A_325 : i32 to index
      %swap3A_334 = arith.constant 0 : index
      %swap3A_335 = tpu.vector_load %arg9[%swap3A_333, %swap3A_334] {strides = array<i32>} : memref<256x64xf32, #tpu.memory_space<vmem>>, vector<1x16xf32>,
      %swap3A_336 = vector.shape_cast %swap3A_335 : vector<1x16xf32> to vector<16xf32>
      %swap3A_337 = vector.shape_cast %mul3A_332 : vector<16xf32> to vector<1x16xf32>
      tpu.vector_store %arg9[%swap3A_333, %swap3A_334], %swap3A_337 {strides = array<i32>} : memref<256x64xf32, #tpu.memory_space<vmem>>, vector<1x16xf32>,
      %get3A_338 = arith.index_cast %add3A_325 : i32 to index
      %get3A_339 = arith.constant 16 : index
      %get3A_340 = tpu.vector_load %arg7[%get3A_338, %get3A_339] {strides = array<i32>} : memref<256x64xf32, #tpu.memory_space<vmem>>, vector<1x16xf32>,
      %get3A_341 = vector.shape_cast %get3A_340 : vector<1x16xf32> to vector<16xf32>
      %mul3A_342 = arith.constant 8.000000e+00 : f32
      %mul3A_343 = vector.broadcast %mul3A_342 : f32 to vector<16xf32>
      %mul3A_344 = arith.mulf %get3A_341, %mul3A_343 : vector<16xf32>
      %swap3A_345 = arith.index_cast %add3A_325 : i32 to index
      %swap3A_346 = arith.constant 16 : index
      %swap3A_347 = tpu.vector_load %arg9[%swap3A_345, %swap3A_346] {strides = array<i32>} : memref<256x64xf32, #tpu.memory_space<vmem>>, vector<1x16xf32>,
      %swap3A_348 = vector.shape_cast %swap3A_347 : vector<1x16xf32> to vector<16xf32>
      %swap3A_349 = vector.shape_cast %mul3A_344 : vector<16xf32> to vector<1x16xf32>
      tpu.vector_store %arg9[%swap3A_345, %swap3A_346], %swap3A_349 {strides = array<i32>} : memref<256x64xf32, #tpu.memory_space<vmem>>, vector<1x16xf32>,
      %get3A_350 = arith.index_cast %add3A_325 : i32 to index
      %get3A_351 = arith.constant 32 : index
      %get3A_352 = tpu.vector_load %arg7[%get3A_350, %get3A_351] {strides = array<i32>} : memref<256x64xf32, #tpu.memory_space<vmem>>, vector<1x16xf32>,
      %get3A_353 = vector.shape_cast %get3A_352 : vector<1x16xf32> to vector<16xf32>
      %mul3A_354 = arith.constant 8.000000e+00 : f32
      %mul3A_355 = vector.broadcast %mul3A_354 : f32 to vector<16xf32>
      %mul3A_356 = arith.mulf %get3A_353, %mul3A_355 : vector<16xf32>
      %swap3A_357 = arith.index_cast %add3A_325 : i32 to index
      %swap3A_358 = arith.constant 32 : index
      %swap3A_359 = tpu.vector_load %arg9[%swap3A_357, %swap3A_358] {strides = array<i32>} : memref<256x64xf32, #tpu.memory_space<vmem>>, vector<1x16xf32>,
      %swap3A_360 = vector.shape_cast %swap3A_359 : vector<1x16xf32> to vector<16xf32>
      %swap3A_361 = vector.shape_cast %mul3A_356 : vector<16xf32> to vector<1x16xf32>
      tpu.vector_store %arg9[%swap3A_357, %swap3A_358], %swap3A_361 {strides = array<i32>} : memref<256x64xf32, #tpu.memory_space<vmem>>, vector<1x16xf32>,
      %get3A_362 = arith.index_cast %add3A_325 : i32 to index
      %get3A_363 = arith.constant 48 : index
      %get3A_364 = tpu.vector_load %arg7[%get3A_362, %get3A_363] {strides = array<i32>} : memref<256x64xf32, #tpu.memory_space<vmem>>, vector<1x16xf32>,
      %get3A_365 = vector.shape_cast %get3A_364 : vector<1x16xf32> to vector<16xf32>
      %mul3A_366 = arith.constant 8.000000e+00 : f32
      %mul3A_367 = vector.broadcast %mul3A_366 : f32 to vector<16xf32>
      %mul3A_368 = arith.mulf %get3A_365, %mul3A_367 : vector<16xf32>
      %swap3A_369 = arith.index_cast %add3A_325 : i32 to index
      %swap3A_370 = arith.constant 48 : index
      %swap3A_371 = tpu.vector_load %arg9[%swap3A_369, %swap3A_370] {strides = array<i32>} : memref<256x64xf32, #tpu.memory_space<vmem>>, vector<1x16xf32>,
      %swap3A_372 = vector.shape_cast %swap3A_371 : vector<1x16xf32> to vector<16xf32>
      %swap3A_373 = vector.shape_cast %mul3A_368 : vector<16xf32> to vector<1x16xf32>
      tpu.vector_store %arg9[%swap3A_369, %swap3A_370], %swap3A_373 {strides = array<i32>} : memref<256x64xf32, #tpu.memory_space<vmem>>, vector<1x16xf32>,
      %scan3A_374 = arith.constant 4 : i32
      %scan3A_375 = arith.addi %scan3A_161, %scan3A_374 : i32
      %mul3A_376 = arith.constant 1 : i32
      %mul3A_377 = arith.muli %scan3A_375, %mul3A_376 : i32
      %add3A_378 = arith.constant 0 : i32
      %add3A_379 = arith.addi %add3A_378, %mul3A_377 : i32
      %get3A_380 = arith.index_cast %add3A_379 : i32 to index
      %get3A_381 = arith.constant 0 : index
      %get3A_382 = tpu.vector_load %arg7[%get3A_380, %get3A_381] {strides = array<i32>} : memref<256x64xf32, #tpu.memory_space<vmem>>, vector<1x16xf32>,
      %get3A_383 = vector.shape_cast %get3A_382 : vector<1x16xf32> to vector<16xf32>
      %mul3A_384 = arith.constant 8.000000e+00 : f32
      %mul3A_385 = vector.broadcast %mul3A_384 : f32 to vector<16xf32>
      %mul3A_386 = arith.mulf %get3A_383, %mul3A_385 : vector<16xf32>
      %swap3A_387 = arith.index_cast %add3A_379 : i32 to index
      %swap3A_388 = arith.constant 0 : index
      %swap3A_389 = tpu.vector_load %arg9[%swap3A_387, %swap3A_388] {strides = array<i32>} : memref<256x64xf32, #tpu.memory_space<vmem>>, vector<1x16xf32>,
      %swap3A_390 = vector.shape_cast %swap3A_389 : vector<1x16xf32> to vector<16xf32>
      %swap3A_391 = vector.shape_cast %mul3A_386 : vector<16xf32> to vector<1x16xf32>
      tpu.vector_store %arg9[%swap3A_387, %swap3A_388], %swap3A_391 {strides = array<i32>} : memref<256x64xf32, #tpu.memory_space<vmem>>, vector<1x16xf32>,
      %get3A_392 = arith.index_cast %add3A_379 : i32 to index
      %get3A_393 = arith.constant 16 : index
      %get3A_394 = tpu.vector_load %arg7[%get3A_392, %get3A_393] {strides = array<i32>} : memref<256x64xf32, #tpu.memory_space<vmem>>, vector<1x16xf32>,
      %get3A_395 = vector.shape_cast %get3A_394 : vector<1x16xf32> to vector<16xf32>
      %mul3A_396 = arith.constant 8.000000e+00 : f32
      %mul3A_397 = vector.broadcast %mul3A_396 : f32 to vector<16xf32>
      %mul3A_398 = arith.mulf %get3A_395, %mul3A_397 : vector<16xf32>
      %swap3A_399 = arith.index_cast %add3A_379 : i32 to index
      %swap3A_400 = arith.constant 16 : index
      %swap3A_401 = tpu.vector_load %arg9[%swap3A_399, %swap3A_400] {strides = array<i32>} : memref<256x64xf32, #tpu.memory_space<vmem>>, vector<1x16xf32>,
      %swap3A_402 = vector.shape_cast %swap3A_401 : vector<1x16xf32> to vector<16xf32>
      %swap3A_403 = vector.shape_cast %mul3A_398 : vector<16xf32> to vector<1x16xf32>
      tpu.vector_store %arg9[%swap3A_399, %swap3A_400], %swap3A_403 {strides = array<i32>} : memref<256x64xf32, #tpu.memory_space<vmem>>, vector<1x16xf32>,
      %get3A_404 = arith.index_cast %add3A_379 : i32 to index
      %get3A_405 = arith.constant 32 : index
      %get3A_406 = tpu.vector_load %arg7[%get3A_404, %get3A_405] {strides = array<i32>} : memref<256x64xf32, #tpu.memory_space<vmem>>, vector<1x16xf32>,
      %get3A_407 = vector.shape_cast %get3A_406 : vector<1x16xf32> to vector<16xf32>
      %mul3A_408 = arith.constant 8.000000e+00 : f32
      %mul3A_409 = vector.broadcast %mul3A_408 : f32 to vector<16xf32>
      %mul3A_410 = arith.mulf %get3A_407, %mul3A_409 : vector<16xf32>
      %swap3A_411 = arith.index_cast %add3A_379 : i32 to index
      %swap3A_412 = arith.constant 32 : index
      %swap3A_413 = tpu.vector_load %arg9[%swap3A_411, %swap3A_412] {strides = array<i32>} : memref<256x64xf32, #tpu.memory_space<vmem>>, vector<1x16xf32>,
      %swap3A_414 = vector.shape_cast %swap3A_413 : vector<1x16xf32> to vector<16xf32>
      %swap3A_415 = vector.shape_cast %mul3A_410 : vector<16xf32> to vector<1x16xf32>
      tpu.vector_store %arg9[%swap3A_411, %swap3A_412], %swap3A_415 {strides = array<i32>} : memref<256x64xf32, #tpu.memory_space<vmem>>, vector<1x16xf32>,
      %get3A_416 = arith.index_cast %add3A_379 : i32 to index
      %get3A_417 = arith.constant 48 : index
      %get3A_418 = tpu.vector_load %arg7[%get3A_416, %get3A_417] {strides = array<i32>} : memref<256x64xf32, #tpu.memory_space<vmem>>, vector<1x16xf32>,
      %get3A_419 = vector.shape_cast %get3A_418 : vector<1x16xf32> to vector<16xf32>
      %mul3A_420 = arith.constant 8.000000e+00 : f32
      %mul3A_421 = vector.broadcast %mul3A_420 : f32 to vector<16xf32>
      %mul3A_422 = arith.mulf %get3A_419, %mul3A_421 : vector<16xf32>
      %swap3A_423 = arith.index_cast %add3A_379 : i32 to index
      %swap3A_424 = arith.constant 48 : index
      %swap3A_425 = tpu.vector_load %arg9[%swap3A_423, %swap3A_424] {strides = array<i32>} : memref<256x64xf32, #tpu.memory_space<vmem>>, vector<1x16xf32>,
      %swap3A_426 = vector.shape_cast %swap3A_425 : vector<1x16xf32> to vector<16xf32>
      %swap3A_427 = vector.shape_cast %mul3A_422 : vector<16xf32> to vector<1x16xf32>
      tpu.vector_store %arg9[%swap3A_423, %swap3A_424], %swap3A_427 {strides = array<i32>} : memref<256x64xf32, #tpu.memory_space<vmem>>, vector<1x16xf32>,
      %scan3A_428 = arith.constant 5 : i32
      %scan3A_429 = arith.addi %scan3A_161, %scan3A_428 : i32
      %mul3A_430 = arith.constant 1 : i32
      %mul3A_431 = arith.muli %scan3A_429, %mul3A_430 : i32
      %add3A_432 = arith.constant 0 : i32
      %add3A_433 = arith.addi %add3A_432, %mul3A_431 : i32
      %get3A_434 = arith.index_cast %add3A_433 : i32 to index
      %get3A_435 = arith.constant 0 : index
      %get3A_436 = tpu.vector_load %arg7[%get3A_434, %get3A_435] {strides = array<i32>} : memref<256x64xf32, #tpu.memory_space<vmem>>, vector<1x16xf32>,
      %get3A_437 = vector.shape_cast %get3A_436 : vector<1x16xf32> to vector<16xf32>
      %mul3A_438 = arith.constant 8.000000e+00 : f32
      %mul3A_439 = vector.broadcast %mul3A_438 : f32 to vector<16xf32>
      %mul3A_440 = arith.mulf %get3A_437, %mul3A_439 : vector<16xf32>
      %swap3A_441 = arith.index_cast %add3A_433 : i32 to index
      %swap3A_442 = arith.constant 0 : index
      %swap3A_443 = tpu.vector_load %arg9[%swap3A_441, %swap3A_442] {strides = array<i32>} : memref<256x64xf32, #tpu.memory_space<vmem>>, vector<1x16xf32>,
      %swap3A_444 = vector.shape_cast %swap3A_443 : vector<1x16xf32> to vector<16xf32>
      %swap3A_445 = vector.shape_cast %mul3A_440 : vector<16xf32> to vector<1x16xf32>
      tpu.vector_store %arg9[%swap3A_441, %swap3A_442], %swap3A_445 {strides = array<i32>} : memref<256x64xf32, #tpu.memory_space<vmem>>, vector<1x16xf32>,
      %get3A_446 = arith.index_cast %add3A_433 : i32 to index
      %get3A_447 = arith.constant 16 : index
      %get3A_448 = tpu.vector_load %arg7[%get3A_446, %get3A_447] {strides = array<i32>} : memref<256x64xf32, #tpu.memory_space<vmem>>, vector<1x16xf32>,
      %get3A_449 = vector.shape_cast %get3A_448 : vector<1x16xf32> to vector<16xf32>
      %mul3A_450 = arith.constant 8.000000e+00 : f32
      %mul3A_451 = vector.broadcast %mul3A_450 : f32 to vector<16xf32>
      %mul3A_452 = arith.mulf %get3A_449, %mul3A_451 : vector<16xf32>
      %swap3A_453 = arith.index_cast %add3A_433 : i32 to index
      %swap3A_454 = arith.constant 16 : index
      %swap3A_455 = tpu.vector_load %arg9[%swap3A_453, %swap3A_454] {strides = array<i32>} : memref<256x64xf32, #tpu.memory_space<vmem>>, vector<1x16xf32>,
      %swap3A_456 = vector.shape_cast %swap3A_455 : vector<1x16xf32> to vector<16xf32>
      %swap3A_457 = vector.shape_cast %mul3A_452 : vector<16xf32> to vector<1x16xf32>
      tpu.vector_store %arg9[%swap3A_453, %swap3A_454], %swap3A_457 {strides = array<i32>} : memref<256x64xf32, #tpu.memory_space<vmem>>, vector<1x16xf32>,
      %get3A_458 = arith.index_cast %add3A_433 : i32 to index
      %get3A_459 = arith.constant 32 : index
      %get3A_460 = tpu.vector_load %arg7[%get3A_458, %get3A_459] {strides = array<i32>} : memref<256x64xf32, #tpu.memory_space<vmem>>, vector<1x16xf32>,
      %get3A_461 = vector.shape_cast %get3A_460 : vector<1x16xf32> to vector<16xf32>
      %mul3A_462 = arith.constant 8.000000e+00 : f32
      %mul3A_463 = vector.broadcast %mul3A_462 : f32 to vector<16xf32>
      %mul3A_464 = arith.mulf %get3A_461, %mul3A_463 : vector<16xf32>
      %swap3A_465 = arith.index_cast %add3A_433 : i32 to index
      %swap3A_466 = arith.constant 32 : index
      %swap3A_467 = tpu.vector_load %arg9[%swap3A_465, %swap3A_466] {strides = array<i32>} : memref<256x64xf32, #tpu.memory_space<vmem>>, vector<1x16xf32>,
      %swap3A_468 = vector.shape_cast %swap3A_467 : vector<1x16xf32> to vector<16xf32>
      %swap3A_469 = vector.shape_cast %mul3A_464 : vector<16xf32> to vector<1x16xf32>
      tpu.vector_store %arg9[%swap3A_465, %swap3A_466], %swap3A_469 {strides = array<i32>} : memref<256x64xf32, #tpu.memory_space<vmem>>, vector<1x16xf32>,
      %get3A_470 = arith.index_cast %add3A_433 : i32 to index
      %get3A_471 = arith.constant 48 : index
      %get3A_472 = tpu.vector_load %arg7[%get3A_470, %get3A_471] {strides = array<i32>} : memref<256x64xf32, #tpu.memory_space<vmem>>, vector<1x16xf32>,
      %get3A_473 = vector.shape_cast %get3A_472 : vector<1x16xf32> to vector<16xf32>
      %mul3A_474 = arith.constant 8.000000e+00 : f32
      %mul3A_475 = vector.broadcast %mul3A_474 : f32 to vector<16xf32>
      %mul3A_476 = arith.mulf %get3A_473, %mul3A_475 : vector<16xf32>
      %swap3A_477 = arith.index_cast %add3A_433 : i32 to index
      %swap3A_478 = arith.constant 48 : index
      %swap3A_479 = tpu.vector_load %arg9[%swap3A_477, %swap3A_478] {strides = array<i32>} : memref<256x64xf32, #tpu.memory_space<vmem>>, vector<1x16xf32>,
      %swap3A_480 = vector.shape_cast %swap3A_479 : vector<1x16xf32> to vector<16xf32>
      %swap3A_481 = vector.shape_cast %mul3A_476 : vector<16xf32> to vector<1x16xf32>
      tpu.vector_store %arg9[%swap3A_477, %swap3A_478], %swap3A_481 {strides = array<i32>} : memref<256x64xf32, #tpu.memory_space<vmem>>, vector<1x16xf32>,
      %scan3A_482 = arith.constant 6 : i32
      %scan3A_483 = arith.addi %scan3A_161, %scan3A_482 : i32
      %mul3A_484 = arith.constant 1 : i32
      %mul3A_485 = arith.muli %scan3A_483, %mul3A_484 : i32
      %add3A_486 = arith.constant 0 : i32
      %add3A_487 = arith.addi %add3A_486, %mul3A_485 : i32
      %get3A_488 = arith.index_cast %add3A_487 : i32 to index
      %get3A_489 = arith.constant 0 : index
      %get3A_490 = tpu.vector_load %arg7[%get3A_488, %get3A_489] {strides = array<i32>} : memref<256x64xf32, #tpu.memory_space<vmem>>, vector<1x16xf32>,
      %get3A_491 = vector.shape_cast %get3A_490 : vector<1x16xf32> to vector<16xf32>
      %mul3A_492 = arith.constant 8.000000e+00 : f32
      %mul3A_493 = vector.broadcast %mul3A_492 : f32 to vector<16xf32>
      %mul3A_494 = arith.mulf %get3A_491, %mul3A_493 : vector<16xf32>
      %swap3A_495 = arith.index_cast %add3A_487 : i32 to index
      %swap3A_496 = arith.constant 0 : index
      %swap3A_497 = tpu.vector_load %arg9[%swap3A_495, %swap3A_496] {strides = array<i32>} : memref<256x64xf32, #tpu.memory_space<vmem>>, vector<1x16xf32>,
      %swap3A_498 = vector.shape_cast %swap3A_497 : vector<1x16xf32> to vector<16xf32>
      %swap3A_499 = vector.shape_cast %mul3A_494 : vector<16xf32> to vector<1x16xf32>
      tpu.vector_store %arg9[%swap3A_495, %swap3A_496], %swap3A_499 {strides = array<i32>} : memref<256x64xf32, #tpu.memory_space<vmem>>, vector<1x16xf32>,
      %get3A_500 = arith.index_cast %add3A_487 : i32 to index
      %get3A_501 = arith.constant 16 : index
      %get3A_502 = tpu.vector_load %arg7[%get3A_500, %get3A_501] {strides = array<i32>} : memref<256x64xf32, #tpu.memory_space<vmem>>, vector<1x16xf32>,
      %get3A_503 = vector.shape_cast %get3A_502 : vector<1x16xf32> to vector<16xf32>
      %mul3A_504 = arith.constant 8.000000e+00 : f32
      %mul3A_505 = vector.broadcast %mul3A_504 : f32 to vector<16xf32>
      %mul3A_506 = arith.mulf %get3A_503, %mul3A_505 : vector<16xf32>
      %swap3A_507 = arith.index_cast %add3A_487 : i32 to index
      %swap3A_508 = arith.constant 16 : index
      %swap3A_509 = tpu.vector_load %arg9[%swap3A_507, %swap3A_508] {strides = array<i32>} : memref<256x64xf32, #tpu.memory_space<vmem>>, vector<1x16xf32>,
      %swap3A_510 = vector.shape_cast %swap3A_509 : vector<1x16xf32> to vector<16xf32>
      %swap3A_511 = vector.shape_cast %mul3A_506 : vector<16xf32> to vector<1x16xf32>
      tpu.vector_store %arg9[%swap3A_507, %swap3A_508], %swap3A_511 {strides = array<i32>} : memref<256x64xf32, #tpu.memory_space<vmem>>, vector<1x16xf32>,
      %get3A_512 = arith.index_cast %add3A_487 : i32 to index
      %get3A_513 = arith.constant 32 : index
      %get3A_514 = tpu.vector_load %arg7[%get3A_512, %get3A_513] {strides = array<i32>} : memref<256x64xf32, #tpu.memory_space<vmem>>, vector<1x16xf32>,
      %get3A_515 = vector.shape_cast %get3A_514 : vector<1x16xf32> to vector<16xf32>
      %mul3A_516 = arith.constant 8.000000e+00 : f32
      %mul3A_517 = vector.broadcast %mul3A_516 : f32 to vector<16xf32>
      %mul3A_518 = arith.mulf %get3A_515, %mul3A_517 : vector<16xf32>
      %swap3A_519 = arith.index_cast %add3A_487 : i32 to index
      %swap3A_520 = arith.constant 32 : index
      %swap3A_521 = tpu.vector_load %arg9[%swap3A_519, %swap3A_520] {strides = array<i32>} : memref<256x64xf32, #tpu.memory_space<vmem>>, vector<1x16xf32>,
      %swap3A_522 = vector.shape_cast %swap3A_521 : vector<1x16xf32> to vector<16xf32>
      %swap3A_523 = vector.shape_cast %mul3A_518 : vector<16xf32> to vector<1x16xf32>
      tpu.vector_store %arg9[%swap3A_519, %swap3A_520], %swap3A_523 {strides = array<i32>} : memref<256x64xf32, #tpu.memory_space<vmem>>, vector<1x16xf32>,
      %get3A_524 = arith.index_cast %add3A_487 : i32 to index
      %get3A_525 = arith.constant 48 : index
      %get3A_526 = tpu.vector_load %arg7[%get3A_524, %get3A_525] {strides = array<i32>} : memref<256x64xf32, #tpu.memory_space<vmem>>, vector<1x16xf32>,
      %get3A_527 = vector.shape_cast %get3A_526 : vector<1x16xf32> to vector<16xf32>
      %mul3A_528 = arith.constant 8.000000e+00 : f32
      %mul3A_529 = vector.broadcast %mul3A_528 : f32 to vector<16xf32>
      %mul3A_530 = arith.mulf %get3A_527, %mul3A_529 : vector<16xf32>
      %swap3A_531 = arith.index_cast %add3A_487 : i32 to index
      %swap3A_532 = arith.constant 48 : index
      %swap3A_533 = tpu.vector_load %arg9[%swap3A_531, %swap3A_532] {strides = array<i32>} : memref<256x64xf32, #tpu.memory_space<vmem>>, vector<1x16xf32>,
      %swap3A_534 = vector.shape_cast %swap3A_533 : vector<1x16xf32> to vector<16xf32>
      %swap3A_535 = vector.shape_cast %mul3A_530 : vector<16xf32> to vector<1x16xf32>
      tpu.vector_store %arg9[%swap3A_531, %swap3A_532], %swap3A_535 {strides = array<i32>} : memref<256x64xf32, #tpu.memory_space<vmem>>, vector<1x16xf32>,
      %scan3A_536 = arith.constant 7 : i32
      %scan3A_537 = arith.addi %scan3A_161, %scan3A_536 : i32
      %mul3A_538 = arith.constant 1 : i32
      %mul3A_539 = arith.muli %scan3A_537, %mul3A_538 : i32
      %add3A_540 = arith.constant 0 : i32
      %add3A_541 = arith.addi %add3A_540, %mul3A_539 : i32
      %get3A_542 = arith.index_cast %add3A_541 : i32 to index
      %get3A_543 = arith.constant 0 : index
      %get3A_544 = tpu.vector_load %arg7[%get3A_542, %get3A_543] {strides = array<i32>} : memref<256x64xf32, #tpu.memory_space<vmem>>, vector<1x16xf32>,
      %get3A_545 = vector.shape_cast %get3A_544 : vector<1x16xf32> to vector<16xf32>
      %mul3A_546 = arith.constant 8.000000e+00 : f32
      %mul3A_547 = vector.broadcast %mul3A_546 : f32 to vector<16xf32>
      %mul3A_548 = arith.mulf %get3A_545, %mul3A_547 : vector<16xf32>
      %swap3A_549 = arith.index_cast %add3A_541 : i32 to index
      %swap3A_550 = arith.constant 0 : index
      %swap3A_551 = tpu.vector_load %arg9[%swap3A_549, %swap3A_550] {strides = array<i32>} : memref<256x64xf32, #tpu.memory_space<vmem>>, vector<1x16xf32>,
      %swap3A_552 = vector.shape_cast %swap3A_551 : vector<1x16xf32> to vector<16xf32>
      %swap3A_553 = vector.shape_cast %mul3A_548 : vector<16xf32> to vector<1x16xf32>
      tpu.vector_store %arg9[%swap3A_549, %swap3A_550], %swap3A_553 {strides = array<i32>} : memref<256x64xf32, #tpu.memory_space<vmem>>, vector<1x16xf32>,
      %get3A_554 = arith.index_cast %add3A_541 : i32 to index
      %get3A_555 = arith.constant 16 : index
      %get3A_556 = tpu.vector_load %arg7[%get3A_554, %get3A_555] {strides = array<i32>} : memref<256x64xf32, #tpu.memory_space<vmem>>, vector<1x16xf32>,
      %get3A_557 = vector.shape_cast %get3A_556 : vector<1x16xf32> to vector<16xf32>
      %mul3A_558 = arith.constant 8.000000e+00 : f32
      %mul3A_559 = vector.broadcast %mul3A_558 : f32 to vector<16xf32>
      %mul3A_560 = arith.mulf %get3A_557, %mul3A_559 : vector<16xf32>
      %swap3A_561 = arith.index_cast %add3A_541 : i32 to index
      %swap3A_562 = arith.constant 16 : index
      %swap3A_563 = tpu.vector_load %arg9[%swap3A_561, %swap3A_562] {strides = array<i32>} : memref<256x64xf32, #tpu.memory_space<vmem>>, vector<1x16xf32>,
      %swap3A_564 = vector.shape_cast %swap3A_563 : vector<1x16xf32> to vector<16xf32>
      %swap3A_565 = vector.shape_cast %mul3A_560 : vector<16xf32> to vector<1x16xf32>
      tpu.vector_store %arg9[%swap3A_561, %swap3A_562], %swap3A_565 {strides = array<i32>} : memref<256x64xf32, #tpu.memory_space<vmem>>, vector<1x16xf32>,
      %get3A_566 = arith.index_cast %add3A_541 : i32 to index
      %get3A_567 = arith.constant 32 : index
      %get3A_568 = tpu.vector_load %arg7[%get3A_566, %get3A_567] {strides = array<i32>} : memref<256x64xf32, #tpu.memory_space<vmem>>, vector<1x16xf32>,
      %get3A_569 = vector.shape_cast %get3A_568 : vector<1x16xf32> to vector<16xf32>
      %mul3A_570 = arith.constant 8.000000e+00 : f32
      %mul3A_571 = vector.broadcast %mul3A_570 : f32 to vector<16xf32>
      %mul3A_572 = arith.mulf %get3A_569, %mul3A_571 : vector<16xf32>
      %swap3A_573 = arith.index_cast %add3A_541 : i32 to index
      %swap3A_574 = arith.constant 32 : index
      %swap3A_575 = tpu.vector_load %arg9[%swap3A_573, %swap3A_574] {strides = array<i32>} : memref<256x64xf32, #tpu.memory_space<vmem>>, vector<1x16xf32>,
      %swap3A_576 = vector.shape_cast %swap3A_575 : vector<1x16xf32> to vector<16xf32>
      %swap3A_577 = vector.shape_cast %mul3A_572 : vector<16xf32> to vector<1x16xf32>
      tpu.vector_store %arg9[%swap3A_573, %swap3A_574], %swap3A_577 {strides = array<i32>} : memref<256x64xf32, #tpu.memory_space<vmem>>, vector<1x16xf32>,
      %get3A_578 = arith.index_cast %add3A_541 : i32 to index
      %get3A_579 = arith.constant 48 : index
      %get3A_580 = tpu.vector_load %arg7[%get3A_578, %get3A_579] {strides = array<i32>} : memref<256x64xf32, #tpu.memory_space<vmem>>, vector<1x16xf32>,
      %get3A_581 = vector.shape_cast %get3A_580 : vector<1x16xf32> to vector<16xf32>
      %mul3A_582 = arith.constant 8.000000e+00 : f32
      %mul3A_583 = vector.broadcast %mul3A_582 : f32 to vector<16xf32>
      %mul3A_584 = arith.mulf %get3A_581, %mul3A_583 : vector<16xf32>
      %swap3A_585 = arith.index_cast %add3A_541 : i32 to index
      %swap3A_586 = arith.constant 48 : index
      %swap3A_587 = tpu.vector_load %arg9[%swap3A_585, %swap3A_586] {strides = array<i32>} : memref<256x64xf32, #tpu.memory_space<vmem>>, vector<1x16xf32>,
      %swap3A_588 = vector.shape_cast %swap3A_587 : vector<1x16xf32> to vector<16xf32>
      %swap3A_589 = vector.shape_cast %mul3A_584 : vector<16xf32> to vector<1x16xf32>
      tpu.vector_store %arg9[%swap3A_585, %swap3A_586], %swap3A_589 {strides = array<i32>} : memref<256x64xf32, #tpu.memory_space<vmem>>, vector<1x16xf32>,
    }
    %scan3A_75 = arith.constant 256 : i32
    %add3A_76 = arith.constant 256 : i32
    %add3A_77 = arith.addi %mul3A_2, %add3A_76 : i32
    %dma_start3A_78 = arith.constant 0 : i32
    %dma_start3A_79 = tpu.memref_slice %arg4[%add3A_77, %dma_start3A_78] : memref<819200x64xf32, #tpu.memory_space<hbm>> -> memref<256x64xf32, #tpu.memory_space<hbm>>
    %dma_start3A_80 = arith.constant 0 : i32
    %dma_start3A_81 = tpu.memref_slice %arg4[%add3A_77, %dma_start3A_80] : memref<819200x64xf32, #tpu.memory_space<hbm>> -> memref<256x64xf32, #tpu.memory_space<hbm>>
    tpu.enqueue_dma source(%arg9 : memref<256x64xf32, #tpu.memory_space<vmem>>) target(%dma_start3A_81 : memref<256x64xf32, #tpu.memory_space<hbm>>) target_semaphore(%arg13 : memref<!tpu.dma_semaphore, #tpu.memory_space<semaphore_mem>>)
    %dma_start3A_82 = arith.constant 0 : i32
    %dma_start3A_83 = arith.constant 0 : i32
    %dma_start3A_84 = tpu.memref_slice %arg7[%dma_start3A_82, %dma_start3A_83] : memref<256x64xf32, #tpu.memory_space<vmem>> -> memref<128x64xf32, #tpu.memory_space<vmem>>
    %dma_start3A_85 = arith.constant 768 : i32
    %dma_start3A_86 = tpu.memref_slice %arg5[%dma_start3A_85] : memref<25600xi32, #tpu.memory_space<vmem>> -> memref<128xi32, #tpu.memory_space<vmem>>
    %dma_start3A_87 = arith.constant 0 : i32
    %dma_start3A_88 = arith.constant 0 : i32
    %dma_start3A_89 = tpu.memref_slice %arg2[%dma_start3A_87, %dma_start3A_88] : memref<1000000x64xf32, #tpu.memory_space<hbm>> -> memref<1000000x64xf32, #tpu.memory_space<hbm>>
    tpu.enqueue_indirect_dma source(%dma_start3A_89 : memref<1000000x64xf32, #tpu.memory_space<hbm>>) target(%dma_start3A_84 : memref<128x64xf32, #tpu.memory_space<vmem>>) offsets(%dma_start3A_86 : memref<128xi32, #tpu.memory_space<vmem>>) semaphore(%arg11 : memref<!tpu.dma_semaphore, #tpu.memory_space<semaphore_mem>>)
    %dma_start3A_90 = arith.constant 128 : i32
    %dma_start3A_91 = arith.constant 0 : i32
    %dma_start3A_92 = tpu.memref_slice %arg7[%dma_start3A_90, %dma_start3A_91] : memref<256x64xf32, #tpu.memory_space<vmem>> -> memref<128x64xf32, #tpu.memory_space<vmem>>
    %dma_start3A_93 = arith.constant 896 : i32
    %dma_start3A_94 = tpu.memref_slice %arg5[%dma_start3A_93] : memref<25600xi32, #tpu.memory_space<vmem>> -> memref<128xi32, #tpu.memory_space<vmem>>
    %dma_start3A_95 = arith.constant 0 : i32
    %dma_start3A_96 = arith.constant 0 : i32
    %dma_start3A_97 = tpu.memref_slice %arg2[%dma_start3A_95, %dma_start3A_96] : memref<1000000x64xf32, #tpu.memory_space<hbm>> -> memref<1000000x64xf32, #tpu.memory_space<hbm>>
    tpu.enqueue_indirect_dma source(%dma_start3A_97 : memref<1000000x64xf32, #tpu.memory_space<hbm>>) target(%dma_start3A_92 : memref<128x64xf32, #tpu.memory_space<vmem>>) offsets(%dma_start3A_94 : memref<128xi32, #tpu.memory_space<vmem>>) semaphore(%arg11 : memref<!tpu.dma_semaphore, #tpu.memory_space<semaphore_mem>>)
    %scan3A_98 = arith.constant 0 : i32
    %scan3A_99 = arith.constant 48 : i32
    %scan3A_100 = arith.addi %scan3A_98, %scan3A_99 : i32
    %scan3A_101 = arith.constant 1 : i32
    scf.for %scan3A_161 = %scan3A_98 to %scan3A_100 step %scan3A_101  : i32 {
      %mul3A_162 = arith.constant 2 : i32
      %mul3A_163 = arith.muli %scan3A_161, %mul3A_162 : i32
      %add3A_164 = arith.constant 2 : i32
      %add3A_165 = arith.addi %add3A_164, %mul3A_163 : i32
      %dma_wait3A_166 = arith.constant 0 : i32
      %dma_wait3A_167 = arith.constant 0 : i32
      %dma_wait3A_168 = tpu.memref_slice %arg4[%dma_wait3A_166, %dma_wait3A_167] : memref<819200x64xf32, #tpu.memory_space<hbm>> -> memref<256x64xf32, #tpu.memory_space<hbm>>
      %dma_wait3A_169 = arith.constant 0 : i32
      %dma_wait3A_170 = arith.constant 0 : i32
      %dma_wait3A_171 = tpu.memref_slice %arg4[%dma_wait3A_169, %dma_wait3A_170] : memref<819200x64xf32, #tpu.memory_space<hbm>> -> memref<256x64xf32, #tpu.memory_space<hbm>>
      tpu.wait_dma2 semaphore(%arg10 : memref<!tpu.dma_semaphore, #tpu.memory_space<semaphore_mem>>) src(%dma_wait3A_171 : memref<256x64xf32, #tpu.memory_space<hbm>>) dst(%arg6 : memref<256x64xf32, #tpu.memory_space<vmem>>)
      %dma_wait3A_172 = arith.constant 0 : i32
      %dma_wait3A_173 = arith.constant 0 : i32
      %dma_wait3A_174 = tpu.memref_slice %arg4[%dma_wait3A_172, %dma_wait3A_173] : memref<819200x64xf32, #tpu.memory_space<hbm>> -> memref<256x64xf32, #tpu.memory_space<hbm>>
      %dma_wait3A_175 = arith.constant 0 : i32
      %dma_wait3A_176 = arith.constant 0 : i32
      %dma_wait3A_177 = tpu.memref_slice %arg4[%dma_wait3A_175, %dma_wait3A_176] : memref<819200x64xf32, #tpu.memory_space<hbm>> -> memref<256x64xf32, #tpu.memory_space<hbm>>
      tpu.wait_dma2 semaphore(%arg12 : memref<!tpu.dma_semaphore, #tpu.memory_space<semaphore_mem>>) src(%arg8 : memref<256x64xf32, #tpu.memory_space<vmem>>) dst(%dma_wait3A_177 : memref<256x64xf32, #tpu.memory_space<hbm>>)
      %scan3A_178 = arith.constant 0 : i32
      %scan3A_179 = arith.constant 256 : i32
      %scan3A_180 = arith.addi %scan3A_178, %scan3A_179 : i32
      %scan3A_181 = arith.constant 8 : i32
      scf.for %scan3A_264 = %scan3A_178 to %scan3A_180 step %scan3A_181  : i32 {
        %mul3A_265 = arith.constant 1 : i32
        %mul3A_266 = arith.muli %scan3A_264, %mul3A_265 : i32
        %add3A_267 = arith.constant 0 : i32
        %add3A_268 = arith.addi %add3A_267, %mul3A_266 : i32
        %get3A = arith.index_cast %add3A_268 : i32 to index
        %get3A_269 = arith.constant 0 : index
        %get3A_270 = tpu.vector_load %arg6[%get3A, %get3A_269] {strides = array<i32>} : memref<256x64xf32, #tpu.memory_space<vmem>>, vector<1x16xf32>,
        %get3A_271 = vector.shape_cast %get3A_270 : vector<1x16xf32> to vector<16xf32>
        %mul3A_272 = arith.constant 8.000000e+00 : f32
        %mul3A_273 = vector.broadcast %mul3A_272 : f32 to vector<16xf32>
        %mul3A_274 = arith.mulf %get3A_271, %mul3A_273 : vector<16xf32>
        %swap3A = arith.index_cast %add3A_268 : i32 to index
        %swap3A_275 = arith.constant 0 : index
        %swap3A_276 = tpu.vector_load %arg8[%swap3A, %swap3A_275] {strides = array<i32>} : memref<256x64xf32, #tpu.memory_space<vmem>>, vector<1x16xf32>,
        %swap3A_277 = vector.shape_cast %swap3A_276 : vector<1x16xf32> to vector<16xf32>
        %swap3A_278 = vector.shape_cast %mul3A_274 : vector<16xf32> to vector<1x16xf32>
        tpu.vector_store %arg8[%swap3A, %swap3A_275], %swap3A_278 {strides = array<i32>} : memref<256x64xf32, #tpu.memory_space<vmem>>, vector<1x16xf32>,
        %get3A_279 = arith.index_cast %add3A_268 : i32 to index
        %get3A_280 = arith.constant 16 : index
        %get3A_281 = tpu.vector_load %arg6[%get3A_279, %get3A_280] {strides = array<i32>} : memref<256x64xf32, #tpu.memory_space<vmem>>, vector<1x16xf32>,
        %get3A_282 = vector.shape_cast %get3A_281 : vector<1x16xf32> to vector<16xf32>
        %mul3A_283 = arith.constant 8.000000e+00 : f32
        %mul3A_284 = vector.broadcast %mul3A_283 : f32 to vector<16xf32>
        %mul3A_285 = arith.mulf %get3A_282, %mul3A_284 : vector<16xf32>
        %swap3A_286 = arith.index_cast %add3A_268 : i32 to index
        %swap3A_287 = arith.constant 16 : index
        %swap3A_288 = tpu.vector_load %arg8[%swap3A_286, %swap3A_287] {strides = array<i32>} : memref<256x64xf32, #tpu.memory_space<vmem>>, vector<1x16xf32>,
        %swap3A_289 = vector.shape_cast %swap3A_288 : vector<1x16xf32> to vector<16xf32>
        %swap3A_290 = vector.shape_cast %mul3A_285 : vector<16xf32> to vector<1x16xf32>
        tpu.vector_store %arg8[%swap3A_286, %swap3A_287], %swap3A_290 {strides = array<i32>} : memref<256x64xf32, #tpu.memory_space<vmem>>, vector<1x16xf32>,
        %get3A_291 = arith.index_cast %add3A_268 : i32 to index
        %get3A_292 = arith.constant 32 : index
        %get3A_293 = tpu.vector_load %arg6[%get3A_291, %get3A_292] {strides = array<i32>} : memref<256x64xf32, #tpu.memory_space<vmem>>, vector<1x16xf32>,
        %get3A_294 = vector.shape_cast %get3A_293 : vector<1x16xf32> to vector<16xf32>
        %mul3A_295 = arith.constant 8.000000e+00 : f32
        %mul3A_296 = vector.broadcast %mul3A_295 : f32 to vector<16xf32>
        %mul3A_297 = arith.mulf %get3A_294, %mul3A_296 : vector<16xf32>
        %swap3A_298 = arith.index_cast %add3A_268 : i32 to index
        %swap3A_299 = arith.constant 32 : index
        %swap3A_300 = tpu.vector_load %arg8[%swap3A_298, %swap3A_299] {strides = array<i32>} : memref<256x64xf32, #tpu.memory_space<vmem>>, vector<1x16xf32>,
        %swap3A_301 = vector.shape_cast %swap3A_300 : vector<1x16xf32> to vector<16xf32>
        %swap3A_302 = vector.shape_cast %mul3A_297 : vector<16xf32> to vector<1x16xf32>
        tpu.vector_store %arg8[%swap3A_298, %swap3A_299], %swap3A_302 {strides = array<i32>} : memref<256x64xf32, #tpu.memory_space<vmem>>, vector<1x16xf32>,
        %get3A_303 = arith.index_cast %add3A_268 : i32 to index
        %get3A_304 = arith.constant 48 : index
        %get3A_305 = tpu.vector_load %arg6[%get3A_303, %get3A_304] {strides = array<i32>} : memref<256x64xf32, #tpu.memory_space<vmem>>, vector<1x16xf32>,
        %get3A_306 = vector.shape_cast %get3A_305 : vector<1x16xf32> to vector<16xf32>
        %mul3A_307 = arith.constant 8.000000e+00 : f32
        %mul3A_308 = vector.broadcast %mul3A_307 : f32 to vector<16xf32>
        %mul3A_309 = arith.mulf %get3A_306, %mul3A_308 : vector<16xf32>
        %swap3A_310 = arith.index_cast %add3A_268 : i32 to index
        %swap3A_311 = arith.constant 48 : index
        %swap3A_312 = tpu.vector_load %arg8[%swap3A_310, %swap3A_311] {strides = array<i32>} : memref<256x64xf32, #tpu.memory_space<vmem>>, vector<1x16xf32>,
        %swap3A_313 = vector.shape_cast %swap3A_312 : vector<1x16xf32> to vector<16xf32>
        %swap3A_314 = vector.shape_cast %mul3A_309 : vector<16xf32> to vector<1x16xf32>
        tpu.vector_store %arg8[%swap3A_310, %swap3A_311], %swap3A_314 {strides = array<i32>} : memref<256x64xf32, #tpu.memory_space<vmem>>, vector<1x16xf32>,
        %scan3A_315 = arith.constant 1 : i32
        %scan3A_316 = arith.addi %scan3A_264, %scan3A_315 : i32
        %mul3A_317 = arith.constant 1 : i32
        %mul3A_318 = arith.muli %scan3A_316, %mul3A_317 : i32
        %add3A_319 = arith.constant 0 : i32
        %add3A_320 = arith.addi %add3A_319, %mul3A_318 : i32
        %get3A_321 = arith.index_cast %add3A_320 : i32 to index
        %get3A_322 = arith.constant 0 : index
        %get3A_323 = tpu.vector_load %arg6[%get3A_321, %get3A_322] {strides = array<i32>} : memref<256x64xf32, #tpu.memory_space<vmem>>, vector<1x16xf32>,
        %get3A_324 = vector.shape_cast %get3A_323 : vector<1x16xf32> to vector<16xf32>
        %mul3A_325 = arith.constant 8.000000e+00 : f32
        %mul3A_326 = vector.broadcast %mul3A_325 : f32 to vector<16xf32>
        %mul3A_327 = arith.mulf %get3A_324, %mul3A_326 : vector<16xf32>
        %swap3A_328 = arith.index_cast %add3A_320 : i32 to index
        %swap3A_329 = arith.constant 0 : index
        %swap3A_330 = tpu.vector_load %arg8[%swap3A_328, %swap3A_329] {strides = array<i32>} : memref<256x64xf32, #tpu.memory_space<vmem>>, vector<1x16xf32>,
        %swap3A_331 = vector.shape_cast %swap3A_330 : vector<1x16xf32> to vector<16xf32>
        %swap3A_332 = vector.shape_cast %mul3A_327 : vector<16xf32> to vector<1x16xf32>
        tpu.vector_store %arg8[%swap3A_328, %swap3A_329], %swap3A_332 {strides = array<i32>} : memref<256x64xf32, #tpu.memory_space<vmem>>, vector<1x16xf32>,
        %get3A_333 = arith.index_cast %add3A_320 : i32 to index
        %get3A_334 = arith.constant 16 : index
        %get3A_335 = tpu.vector_load %arg6[%get3A_333, %get3A_334] {strides = array<i32>} : memref<256x64xf32, #tpu.memory_space<vmem>>, vector<1x16xf32>,
        %get3A_336 = vector.shape_cast %get3A_335 : vector<1x16xf32> to vector<16xf32>
        %mul3A_337 = arith.constant 8.000000e+00 : f32
        %mul3A_338 = vector.broadcast %mul3A_337 : f32 to vector<16xf32>
        %mul3A_339 = arith.mulf %get3A_336, %mul3A_338 : vector<16xf32>
        %swap3A_340 = arith.index_cast %add3A_320 : i32 to index
        %swap3A_341 = arith.constant 16 : index
        %swap3A_342 = tpu.vector_load %arg8[%swap3A_340, %swap3A_341] {strides = array<i32>} : memref<256x64xf32, #tpu.memory_space<vmem>>, vector<1x16xf32>,
        %swap3A_343 = vector.shape_cast %swap3A_342 : vector<1x16xf32> to vector<16xf32>
        %swap3A_344 = vector.shape_cast %mul3A_339 : vector<16xf32> to vector<1x16xf32>
        tpu.vector_store %arg8[%swap3A_340, %swap3A_341], %swap3A_344 {strides = array<i32>} : memref<256x64xf32, #tpu.memory_space<vmem>>, vector<1x16xf32>,
        %get3A_345 = arith.index_cast %add3A_320 : i32 to index
        %get3A_346 = arith.constant 32 : index
        %get3A_347 = tpu.vector_load %arg6[%get3A_345, %get3A_346] {strides = array<i32>} : memref<256x64xf32, #tpu.memory_space<vmem>>, vector<1x16xf32>,
        %get3A_348 = vector.shape_cast %get3A_347 : vector<1x16xf32> to vector<16xf32>
        %mul3A_349 = arith.constant 8.000000e+00 : f32
        %mul3A_350 = vector.broadcast %mul3A_349 : f32 to vector<16xf32>
        %mul3A_351 = arith.mulf %get3A_348, %mul3A_350 : vector<16xf32>
        %swap3A_352 = arith.index_cast %add3A_320 : i32 to index
        %swap3A_353 = arith.constant 32 : index
        %swap3A_354 = tpu.vector_load %arg8[%swap3A_352, %swap3A_353] {strides = array<i32>} : memref<256x64xf32, #tpu.memory_space<vmem>>, vector<1x16xf32>,
        %swap3A_355 = vector.shape_cast %swap3A_354 : vector<1x16xf32> to vector<16xf32>
        %swap3A_356 = vector.shape_cast %mul3A_351 : vector<16xf32> to vector<1x16xf32>
        tpu.vector_store %arg8[%swap3A_352, %swap3A_353], %swap3A_356 {strides = array<i32>} : memref<256x64xf32, #tpu.memory_space<vmem>>, vector<1x16xf32>,
        %get3A_357 = arith.index_cast %add3A_320 : i32 to index
        %get3A_358 = arith.constant 48 : index
        %get3A_359 = tpu.vector_load %arg6[%get3A_357, %get3A_358] {strides = array<i32>} : memref<256x64xf32, #tpu.memory_space<vmem>>, vector<1x16xf32>,
        %get3A_360 = vector.shape_cast %get3A_359 : vector<1x16xf32> to vector<16xf32>
        %mul3A_361 = arith.constant 8.000000e+00 : f32
        %mul3A_362 = vector.broadcast %mul3A_361 : f32 to vector<16xf32>
        %mul3A_363 = arith.mulf %get3A_360, %mul3A_362 : vector<16xf32>
        %swap3A_364 = arith.index_cast %add3A_320 : i32 to index
        %swap3A_365 = arith.constant 48 : index
        %swap3A_366 = tpu.vector_load %arg8[%swap3A_364, %swap3A_365] {strides = array<i32>} : memref<256x64xf32, #tpu.memory_space<vmem>>, vector<1x16xf32>,
        %swap3A_367 = vector.shape_cast %swap3A_366 : vector<1x16xf32> to vector<16xf32>
        %swap3A_368 = vector.shape_cast %mul3A_363 : vector<16xf32> to vector<1x16xf32>
        tpu.vector_store %arg8[%swap3A_364, %swap3A_365], %swap3A_368 {strides = array<i32>} : memref<256x64xf32, #tpu.memory_space<vmem>>, vector<1x16xf32>,
        %scan3A_369 = arith.constant 2 : i32
        %scan3A_370 = arith.addi %scan3A_264, %scan3A_369 : i32
        %mul3A_371 = arith.constant 1 : i32
        %mul3A_372 = arith.muli %scan3A_370, %mul3A_371 : i32
        %add3A_373 = arith.constant 0 : i32
        %add3A_374 = arith.addi %add3A_373, %mul3A_372 : i32
        %get3A_375 = arith.index_cast %add3A_374 : i32 to index
        %get3A_376 = arith.constant 0 : index
        %get3A_377 = tpu.vector_load %arg6[%get3A_375, %get3A_376] {strides = array<i32>} : memref<256x64xf32, #tpu.memory_space<vmem>>, vector<1x16xf32>,
        %get3A_378 = vector.shape_cast %get3A_377 : vector<1x16xf32> to vector<16xf32>
        %mul3A_379 = arith.constant 8.000000e+00 : f32
        %mul3A_380 = vector.broadcast %mul3A_379 : f32 to vector<16xf32>
        %mul3A_381 = arith.mulf %get3A_378, %mul3A_380 : vector<16xf32>
        %swap3A_382 = arith.index_cast %add3A_374 : i32 to index
        %swap3A_383 = arith.constant 0 : index
        %swap3A_384 = tpu.vector_load %arg8[%swap3A_382, %swap3A_383] {strides = array<i32>} : memref<256x64xf32, #tpu.memory_space<vmem>>, vector<1x16xf32>,
        %swap3A_385 = vector.shape_cast %swap3A_384 : vector<1x16xf32> to vector<16xf32>
        %swap3A_386 = vector.shape_cast %mul3A_381 : vector<16xf32> to vector<1x16xf32>
        tpu.vector_store %arg8[%swap3A_382, %swap3A_383], %swap3A_386 {strides = array<i32>} : memref<256x64xf32, #tpu.memory_space<vmem>>, vector<1x16xf32>,
        %get3A_387 = arith.index_cast %add3A_374 : i32 to index
        %get3A_388 = arith.constant 16 : index
        %get3A_389 = tpu.vector_load %arg6[%get3A_387, %get3A_388] {strides = array<i32>} : memref<256x64xf32, #tpu.memory_space<vmem>>, vector<1x16xf32>,
        %get3A_390 = vector.shape_cast %get3A_389 : vector<1x16xf32> to vector<16xf32>
        %mul3A_391 = arith.constant 8.000000e+00 : f32
        %mul3A_392 = vector.broadcast %mul3A_391 : f32 to vector<16xf32>
        %mul3A_393 = arith.mulf %get3A_390, %mul3A_392 : vector<16xf32>
        %swap3A_394 = arith.index_cast %add3A_374 : i32 to index
        %swap3A_395 = arith.constant 16 : index
        %swap3A_396 = tpu.vector_load %arg8[%swap3A_394, %swap3A_395] {strides = array<i32>} : memref<256x64xf32, #tpu.memory_space<vmem>>, vector<1x16xf32>,
        %swap3A_397 = vector.shape_cast %swap3A_396 : vector<1x16xf32> to vector<16xf32>
        %swap3A_398 = vector.shape_cast %mul3A_393 : vector<16xf32> to vector<1x16xf32>
        tpu.vector_store %arg8[%swap3A_394, %swap3A_395], %swap3A_398 {strides = array<i32>} : memref<256x64xf32, #tpu.memory_space<vmem>>, vector<1x16xf32>,
        %get3A_399 = arith.index_cast %add3A_374 : i32 to index
        %get3A_400 = arith.constant 32 : index
        %get3A_401 = tpu.vector_load %arg6[%get3A_399, %get3A_400] {strides = array<i32>} : memref<256x64xf32, #tpu.memory_space<vmem>>, vector<1x16xf32>,
        %get3A_402 = vector.shape_cast %get3A_401 : vector<1x16xf32> to vector<16xf32>
        %mul3A_403 = arith.constant 8.000000e+00 : f32
        %mul3A_404 = vector.broadcast %mul3A_403 : f32 to vector<16xf32>
        %mul3A_405 = arith.mulf %get3A_402, %mul3A_404 : vector<16xf32>
        %swap3A_406 = arith.index_cast %add3A_374 : i32 to index
        %swap3A_407 = arith.constant 32 : index
        %swap3A_408 = tpu.vector_load %arg8[%swap3A_406, %swap3A_407] {strides = array<i32>} : memref<256x64xf32, #tpu.memory_space<vmem>>, vector<1x16xf32>,
        %swap3A_409 = vector.shape_cast %swap3A_408 : vector<1x16xf32> to vector<16xf32>
        %swap3A_410 = vector.shape_cast %mul3A_405 : vector<16xf32> to vector<1x16xf32>
        tpu.vector_store %arg8[%swap3A_406, %swap3A_407], %swap3A_410 {strides = array<i32>} : memref<256x64xf32, #tpu.memory_space<vmem>>, vector<1x16xf32>,
        %get3A_411 = arith.index_cast %add3A_374 : i32 to index
        %get3A_412 = arith.constant 48 : index
        %get3A_413 = tpu.vector_load %arg6[%get3A_411, %get3A_412] {strides = array<i32>} : memref<256x64xf32, #tpu.memory_space<vmem>>, vector<1x16xf32>,
        %get3A_414 = vector.shape_cast %get3A_413 : vector<1x16xf32> to vector<16xf32>
        %mul3A_415 = arith.constant 8.000000e+00 : f32
        %mul3A_416 = vector.broadcast %mul3A_415 : f32 to vector<16xf32>
        %mul3A_417 = arith.mulf %get3A_414, %mul3A_416 : vector<16xf32>
        %swap3A_418 = arith.index_cast %add3A_374 : i32 to index
        %swap3A_419 = arith.constant 48 : index
        %swap3A_420 = tpu.vector_load %arg8[%swap3A_418, %swap3A_419] {strides = array<i32>} : memref<256x64xf32, #tpu.memory_space<vmem>>, vector<1x16xf32>,
        %swap3A_421 = vector.shape_cast %swap3A_420 : vector<1x16xf32> to vector<16xf32>
        %swap3A_422 = vector.shape_cast %mul3A_417 : vector<16xf32> to vector<1x16xf32>
        tpu.vector_store %arg8[%swap3A_418, %swap3A_419], %swap3A_422 {strides = array<i32>} : memref<256x64xf32, #tpu.memory_space<vmem>>, vector<1x16xf32>,
        %scan3A_423 = arith.constant 3 : i32
        %scan3A_424 = arith.addi %scan3A_264, %scan3A_423 : i32
        %mul3A_425 = arith.constant 1 : i32
        %mul3A_426 = arith.muli %scan3A_424, %mul3A_425 : i32
        %add3A_427 = arith.constant 0 : i32
        %add3A_428 = arith.addi %add3A_427, %mul3A_426 : i32
        %get3A_429 = arith.index_cast %add3A_428 : i32 to index
        %get3A_430 = arith.constant 0 : index
        %get3A_431 = tpu.vector_load %arg6[%get3A_429, %get3A_430] {strides = array<i32>} : memref<256x64xf32, #tpu.memory_space<vmem>>, vector<1x16xf32>,
        %get3A_432 = vector.shape_cast %get3A_431 : vector<1x16xf32> to vector<16xf32>
        %mul3A_433 = arith.constant 8.000000e+00 : f32
        %mul3A_434 = vector.broadcast %mul3A_433 : f32 to vector<16xf32>
        %mul3A_435 = arith.mulf %get3A_432, %mul3A_434 : vector<16xf32>
        %swap3A_436 = arith.index_cast %add3A_428 : i32 to index
        %swap3A_437 = arith.constant 0 : index
        %swap3A_438 = tpu.vector_load %arg8[%swap3A_436, %swap3A_437] {strides = array<i32>} : memref<256x64xf32, #tpu.memory_space<vmem>>, vector<1x16xf32>,
        %swap3A_439 = vector.shape_cast %swap3A_438 : vector<1x16xf32> to vector<16xf32>
        %swap3A_440 = vector.shape_cast %mul3A_435 : vector<16xf32> to vector<1x16xf32>
        tpu.vector_store %arg8[%swap3A_436, %swap3A_437], %swap3A_440 {strides = array<i32>} : memref<256x64xf32, #tpu.memory_space<vmem>>, vector<1x16xf32>,
        %get3A_441 = arith.index_cast %add3A_428 : i32 to index
        %get3A_442 = arith.constant 16 : index
        %get3A_443 = tpu.vector_load %arg6[%get3A_441, %get3A_442] {strides = array<i32>} : memref<256x64xf32, #tpu.memory_space<vmem>>, vector<1x16xf32>,
        %get3A_444 = vector.shape_cast %get3A_443 : vector<1x16xf32> to vector<16xf32>
        %mul3A_445 = arith.constant 8.000000e+00 : f32
        %mul3A_446 = vector.broadcast %mul3A_445 : f32 to vector<16xf32>
        %mul3A_447 = arith.mulf %get3A_444, %mul3A_446 : vector<16xf32>
        %swap3A_448 = arith.index_cast %add3A_428 : i32 to index
        %swap3A_449 = arith.constant 16 : index
        %swap3A_450 = tpu.vector_load %arg8[%swap3A_448, %swap3A_449] {strides = array<i32>} : memref<256x64xf32, #tpu.memory_space<vmem>>, vector<1x16xf32>,
        %swap3A_451 = vector.shape_cast %swap3A_450 : vector<1x16xf32> to vector<16xf32>
        %swap3A_452 = vector.shape_cast %mul3A_447 : vector<16xf32> to vector<1x16xf32>
        tpu.vector_store %arg8[%swap3A_448, %swap3A_449], %swap3A_452 {strides = array<i32>} : memref<256x64xf32, #tpu.memory_space<vmem>>, vector<1x16xf32>,
        %get3A_453 = arith.index_cast %add3A_428 : i32 to index
        %get3A_454 = arith.constant 32 : index
        %get3A_455 = tpu.vector_load %arg6[%get3A_453, %get3A_454] {strides = array<i32>} : memref<256x64xf32, #tpu.memory_space<vmem>>, vector<1x16xf32>,
        %get3A_456 = vector.shape_cast %get3A_455 : vector<1x16xf32> to vector<16xf32>
        %mul3A_457 = arith.constant 8.000000e+00 : f32
        %mul3A_458 = vector.broadcast %mul3A_457 : f32 to vector<16xf32>
        %mul3A_459 = arith.mulf %get3A_456, %mul3A_458 : vector<16xf32>
        %swap3A_460 = arith.index_cast %add3A_428 : i32 to index
        %swap3A_461 = arith.constant 32 : index
        %swap3A_462 = tpu.vector_load %arg8[%swap3A_460, %swap3A_461] {strides = array<i32>} : memref<256x64xf32, #tpu.memory_space<vmem>>, vector<1x16xf32>,
        %swap3A_463 = vector.shape_cast %swap3A_462 : vector<1x16xf32> to vector<16xf32>
        %swap3A_464 = vector.shape_cast %mul3A_459 : vector<16xf32> to vector<1x16xf32>
        tpu.vector_store %arg8[%swap3A_460, %swap3A_461], %swap3A_464 {strides = array<i32>} : memref<256x64xf32, #tpu.memory_space<vmem>>, vector<1x16xf32>,
        %get3A_465 = arith.index_cast %add3A_428 : i32 to index
        %get3A_466 = arith.constant 48 : index
        %get3A_467 = tpu.vector_load %arg6[%get3A_465, %get3A_466] {strides = array<i32>} : memref<256x64xf32, #tpu.memory_space<vmem>>, vector<1x16xf32>,
        %get3A_468 = vector.shape_cast %get3A_467 : vector<1x16xf32> to vector<16xf32>
        %mul3A_469 = arith.constant 8.000000e+00 : f32
        %mul3A_470 = vector.broadcast %mul3A_469 : f32 to vector<16xf32>
        %mul3A_471 = arith.mulf %get3A_468, %mul3A_470 : vector<16xf32>
        %swap3A_472 = arith.index_cast %add3A_428 : i32 to index
        %swap3A_473 = arith.constant 48 : index
        %swap3A_474 = tpu.vector_load %arg8[%swap3A_472, %swap3A_473] {strides = array<i32>} : memref<256x64xf32, #tpu.memory_space<vmem>>, vector<1x16xf32>,
        %swap3A_475 = vector.shape_cast %swap3A_474 : vector<1x16xf32> to vector<16xf32>
        %swap3A_476 = vector.shape_cast %mul3A_471 : vector<16xf32> to vector<1x16xf32>
        tpu.vector_store %arg8[%swap3A_472, %swap3A_473], %swap3A_476 {strides = array<i32>} : memref<256x64xf32, #tpu.memory_space<vmem>>, vector<1x16xf32>,
        %scan3A_477 = arith.constant 4 : i32
        %scan3A_478 = arith.addi %scan3A_264, %scan3A_477 : i32
        %mul3A_479 = arith.constant 1 : i32
        %mul3A_480 = arith.muli %scan3A_478, %mul3A_479 : i32
        %add3A_481 = arith.constant 0 : i32
        %add3A_482 = arith.addi %add3A_481, %mul3A_480 : i32
        %get3A_483 = arith.index_cast %add3A_482 : i32 to index
        %get3A_484 = arith.constant 0 : index
        %get3A_485 = tpu.vector_load %arg6[%get3A_483, %get3A_484] {strides = array<i32>} : memref<256x64xf32, #tpu.memory_space<vmem>>, vector<1x16xf32>,
        %get3A_486 = vector.shape_cast %get3A_485 : vector<1x16xf32> to vector<16xf32>
        %mul3A_487 = arith.constant 8.000000e+00 : f32
        %mul3A_488 = vector.broadcast %mul3A_487 : f32 to vector<16xf32>
        %mul3A_489 = arith.mulf %get3A_486, %mul3A_488 : vector<16xf32>
        %swap3A_490 = arith.index_cast %add3A_482 : i32 to index
        %swap3A_491 = arith.constant 0 : index
        %swap3A_492 = tpu.vector_load %arg8[%swap3A_490, %swap3A_491] {strides = array<i32>} : memref<256x64xf32, #tpu.memory_space<vmem>>, vector<1x16xf32>,
        %swap3A_493 = vector.shape_cast %swap3A_492 : vector<1x16xf32> to vector<16xf32>
        %swap3A_494 = vector.shape_cast %mul3A_489 : vector<16xf32> to vector<1x16xf32>
        tpu.vector_store %arg8[%swap3A_490, %swap3A_491], %swap3A_494 {strides = array<i32>} : memref<256x64xf32, #tpu.memory_space<vmem>>, vector<1x16xf32>,
        %get3A_495 = arith.index_cast %add3A_482 : i32 to index
        %get3A_496 = arith.constant 16 : index
        %get3A_497 = tpu.vector_load %arg6[%get3A_495, %get3A_496] {strides = array<i32>} : memref<256x64xf32, #tpu.memory_space<vmem>>, vector<1x16xf32>,
        %get3A_498 = vector.shape_cast %get3A_497 : vector<1x16xf32> to vector<16xf32>
        %mul3A_499 = arith.constant 8.000000e+00 : f32
        %mul3A_500 = vector.broadcast %mul3A_499 : f32 to vector<16xf32>
        %mul3A_501 = arith.mulf %get3A_498, %mul3A_500 : vector<16xf32>
        %swap3A_502 = arith.index_cast %add3A_482 : i32 to index
        %swap3A_503 = arith.constant 16 : index
        %swap3A_504 = tpu.vector_load %arg8[%swap3A_502, %swap3A_503] {strides = array<i32>} : memref<256x64xf32, #tpu.memory_space<vmem>>, vector<1x16xf32>,
        %swap3A_505 = vector.shape_cast %swap3A_504 : vector<1x16xf32> to vector<16xf32>
        %swap3A_506 = vector.shape_cast %mul3A_501 : vector<16xf32> to vector<1x16xf32>
        tpu.vector_store %arg8[%swap3A_502, %swap3A_503], %swap3A_506 {strides = array<i32>} : memref<256x64xf32, #tpu.memory_space<vmem>>, vector<1x16xf32>,
        %get3A_507 = arith.index_cast %add3A_482 : i32 to index
        %get3A_508 = arith.constant 32 : index
        %get3A_509 = tpu.vector_load %arg6[%get3A_507, %get3A_508] {strides = array<i32>} : memref<256x64xf32, #tpu.memory_space<vmem>>, vector<1x16xf32>,
        %get3A_510 = vector.shape_cast %get3A_509 : vector<1x16xf32> to vector<16xf32>
        %mul3A_511 = arith.constant 8.000000e+00 : f32
        %mul3A_512 = vector.broadcast %mul3A_511 : f32 to vector<16xf32>
        %mul3A_513 = arith.mulf %get3A_510, %mul3A_512 : vector<16xf32>
        %swap3A_514 = arith.index_cast %add3A_482 : i32 to index
        %swap3A_515 = arith.constant 32 : index
        %swap3A_516 = tpu.vector_load %arg8[%swap3A_514, %swap3A_515] {strides = array<i32>} : memref<256x64xf32, #tpu.memory_space<vmem>>, vector<1x16xf32>,
        %swap3A_517 = vector.shape_cast %swap3A_516 : vector<1x16xf32> to vector<16xf32>
        %swap3A_518 = vector.shape_cast %mul3A_513 : vector<16xf32> to vector<1x16xf32>
        tpu.vector_store %arg8[%swap3A_514, %swap3A_515], %swap3A_518 {strides = array<i32>} : memref<256x64xf32, #tpu.memory_space<vmem>>, vector<1x16xf32>,
        %get3A_519 = arith.index_cast %add3A_482 : i32 to index
        %get3A_520 = arith.constant 48 : index
        %get3A_521 = tpu.vector_load %arg6[%get3A_519, %get3A_520] {strides = array<i32>} : memref<256x64xf32, #tpu.memory_space<vmem>>, vector<1x16xf32>,
        %get3A_522 = vector.shape_cast %get3A_521 : vector<1x16xf32> to vector<16xf32>
        %mul3A_523 = arith.constant 8.000000e+00 : f32
        %mul3A_524 = vector.broadcast %mul3A_523 : f32 to vector<16xf32>
        %mul3A_525 = arith.mulf %get3A_522, %mul3A_524 : vector<16xf32>
        %swap3A_526 = arith.index_cast %add3A_482 : i32 to index
        %swap3A_527 = arith.constant 48 : index
        %swap3A_528 = tpu.vector_load %arg8[%swap3A_526, %swap3A_527] {strides = array<i32>} : memref<256x64xf32, #tpu.memory_space<vmem>>, vector<1x16xf32>,
        %swap3A_529 = vector.shape_cast %swap3A_528 : vector<1x16xf32> to vector<16xf32>
        %swap3A_530 = vector.shape_cast %mul3A_525 : vector<16xf32> to vector<1x16xf32>
        tpu.vector_store %arg8[%swap3A_526, %swap3A_527], %swap3A_530 {strides = array<i32>} : memref<256x64xf32, #tpu.memory_space<vmem>>, vector<1x16xf32>,
        %scan3A_531 = arith.constant 5 : i32
        %scan3A_532 = arith.addi %scan3A_264, %scan3A_531 : i32
        %mul3A_533 = arith.constant 1 : i32
        %mul3A_534 = arith.muli %scan3A_532, %mul3A_533 : i32
        %add3A_535 = arith.constant 0 : i32
        %add3A_536 = arith.addi %add3A_535, %mul3A_534 : i32
        %get3A_537 = arith.index_cast %add3A_536 : i32 to index
        %get3A_538 = arith.constant 0 : index
        %get3A_539 = tpu.vector_load %arg6[%get3A_537, %get3A_538] {strides = array<i32>} : memref<256x64xf32, #tpu.memory_space<vmem>>, vector<1x16xf32>,
        %get3A_540 = vector.shape_cast %get3A_539 : vector<1x16xf32> to vector<16xf32>
        %mul3A_541 = arith.constant 8.000000e+00 : f32
        %mul3A_542 = vector.broadcast %mul3A_541 : f32 to vector<16xf32>
        %mul3A_543 = arith.mulf %get3A_540, %mul3A_542 : vector<16xf32>
        %swap3A_544 = arith.index_cast %add3A_536 : i32 to index
        %swap3A_545 = arith.constant 0 : index
        %swap3A_546 = tpu.vector_load %arg8[%swap3A_544, %swap3A_545] {strides = array<i32>} : memref<256x64xf32, #tpu.memory_space<vmem>>, vector<1x16xf32>,
        %swap3A_547 = vector.shape_cast %swap3A_546 : vector<1x16xf32> to vector<16xf32>
        %swap3A_548 = vector.shape_cast %mul3A_543 : vector<16xf32> to vector<1x16xf32>
        tpu.vector_store %arg8[%swap3A_544, %swap3A_545], %swap3A_548 {strides = array<i32>} : memref<256x64xf32, #tpu.memory_space<vmem>>, vector<1x16xf32>,
        %get3A_549 = arith.index_cast %add3A_536 : i32 to index
        %get3A_550 = arith.constant 16 : index
        %get3A_551 = tpu.vector_load %arg6[%get3A_549, %get3A_550] {strides = array<i32>} : memref<256x64xf32, #tpu.memory_space<vmem>>, vector<1x16xf32>,
        %get3A_552 = vector.shape_cast %get3A_551 : vector<1x16xf32> to vector<16xf32>
        %mul3A_553 = arith.constant 8.000000e+00 : f32
        %mul3A_554 = vector.broadcast %mul3A_553 : f32 to vector<16xf32>
        %mul3A_555 = arith.mulf %get3A_552, %mul3A_554 : vector<16xf32>
        %swap3A_556 = arith.index_cast %add3A_536 : i32 to index
        %swap3A_557 = arith.constant 16 : index
        %swap3A_558 = tpu.vector_load %arg8[%swap3A_556, %swap3A_557] {strides = array<i32>} : memref<256x64xf32, #tpu.memory_space<vmem>>, vector<1x16xf32>,
        %swap3A_559 = vector.shape_cast %swap3A_558 : vector<1x16xf32> to vector<16xf32>
        %swap3A_560 = vector.shape_cast %mul3A_555 : vector<16xf32> to vector<1x16xf32>
        tpu.vector_store %arg8[%swap3A_556, %swap3A_557], %swap3A_560 {strides = array<i32>} : memref<256x64xf32, #tpu.memory_space<vmem>>, vector<1x16xf32>,
        %get3A_561 = arith.index_cast %add3A_536 : i32 to index
        %get3A_562 = arith.constant 32 : index
        %get3A_563 = tpu.vector_load %arg6[%get3A_561, %get3A_562] {strides = array<i32>} : memref<256x64xf32, #tpu.memory_space<vmem>>, vector<1x16xf32>,
        %get3A_564 = vector.shape_cast %get3A_563 : vector<1x16xf32> to vector<16xf32>
        %mul3A_565 = arith.constant 8.000000e+00 : f32
        %mul3A_566 = vector.broadcast %mul3A_565 : f32 to vector<16xf32>
        %mul3A_567 = arith.mulf %get3A_564, %mul3A_566 : vector<16xf32>
        %swap3A_568 = arith.index_cast %add3A_536 : i32 to index
        %swap3A_569 = arith.constant 32 : index
        %swap3A_570 = tpu.vector_load %arg8[%swap3A_568, %swap3A_569] {strides = array<i32>} : memref<256x64xf32, #tpu.memory_space<vmem>>, vector<1x16xf32>,
        %swap3A_571 = vector.shape_cast %swap3A_570 : vector<1x16xf32> to vector<16xf32>
        %swap3A_572 = vector.shape_cast %mul3A_567 : vector<16xf32> to vector<1x16xf32>
        tpu.vector_store %arg8[%swap3A_568, %swap3A_569], %swap3A_572 {strides = array<i32>} : memref<256x64xf32, #tpu.memory_space<vmem>>, vector<1x16xf32>,
        %get3A_573 = arith.index_cast %add3A_536 : i32 to index
        %get3A_574 = arith.constant 48 : index
        %get3A_575 = tpu.vector_load %arg6[%get3A_573, %get3A_574] {strides = array<i32>} : memref<256x64xf32, #tpu.memory_space<vmem>>, vector<1x16xf32>,
        %get3A_576 = vector.shape_cast %get3A_575 : vector<1x16xf32> to vector<16xf32>
        %mul3A_577 = arith.constant 8.000000e+00 : f32
        %mul3A_578 = vector.broadcast %mul3A_577 : f32 to vector<16xf32>
        %mul3A_579 = arith.mulf %get3A_576, %mul3A_578 : vector<16xf32>
        %swap3A_580 = arith.index_cast %add3A_536 : i32 to index
        %swap3A_581 = arith.constant 48 : index
        %swap3A_582 = tpu.vector_load %arg8[%swap3A_580, %swap3A_581] {strides = array<i32>} : memref<256x64xf32, #tpu.memory_space<vmem>>, vector<1x16xf32>,
        %swap3A_583 = vector.shape_cast %swap3A_582 : vector<1x16xf32> to vector<16xf32>
        %swap3A_584 = vector.shape_cast %mul3A_579 : vector<16xf32> to vector<1x16xf32>
        tpu.vector_store %arg8[%swap3A_580, %swap3A_581], %swap3A_584 {strides = array<i32>} : memref<256x64xf32, #tpu.memory_space<vmem>>, vector<1x16xf32>,
        %scan3A_585 = arith.constant 6 : i32
        %scan3A_586 = arith.addi %scan3A_264, %scan3A_585 : i32
        %mul3A_587 = arith.constant 1 : i32
        %mul3A_588 = arith.muli %scan3A_586, %mul3A_587 : i32
        %add3A_589 = arith.constant 0 : i32
        %add3A_590 = arith.addi %add3A_589, %mul3A_588 : i32
        %get3A_591 = arith.index_cast %add3A_590 : i32 to index
        %get3A_592 = arith.constant 0 : index
        %get3A_593 = tpu.vector_load %arg6[%get3A_591, %get3A_592] {strides = array<i32>} : memref<256x64xf32, #tpu.memory_space<vmem>>, vector<1x16xf32>,
        %get3A_594 = vector.shape_cast %get3A_593 : vector<1x16xf32> to vector<16xf32>
        %mul3A_595 = arith.constant 8.000000e+00 : f32
        %mul3A_596 = vector.broadcast %mul3A_595 : f32 to vector<16xf32>
        %mul3A_597 = arith.mulf %get3A_594, %mul3A_596 : vector<16xf32>
        %swap3A_598 = arith.index_cast %add3A_590 : i32 to index
        %swap3A_599 = arith.constant 0 : index
        %swap3A_600 = tpu.vector_load %arg8[%swap3A_598, %swap3A_599] {strides = array<i32>} : memref<256x64xf32, #tpu.memory_space<vmem>>, vector<1x16xf32>,
        %swap3A_601 = vector.shape_cast %swap3A_600 : vector<1x16xf32> to vector<16xf32>
        %swap3A_602 = vector.shape_cast %mul3A_597 : vector<16xf32> to vector<1x16xf32>
        tpu.vector_store %arg8[%swap3A_598, %swap3A_599], %swap3A_602 {strides = array<i32>} : memref<256x64xf32, #tpu.memory_space<vmem>>, vector<1x16xf32>,
        %get3A_603 = arith.index_cast %add3A_590 : i32 to index
        %get3A_604 = arith.constant 16 : index
        %get3A_605 = tpu.vector_load %arg6[%get3A_603, %get3A_604] {strides = array<i32>} : memref<256x64xf32, #tpu.memory_space<vmem>>, vector<1x16xf32>,
        %get3A_606 = vector.shape_cast %get3A_605 : vector<1x16xf32> to vector<16xf32>
        %mul3A_607 = arith.constant 8.000000e+00 : f32
        %mul3A_608 = vector.broadcast %mul3A_607 : f32 to vector<16xf32>
        %mul3A_609 = arith.mulf %get3A_606, %mul3A_608 : vector<16xf32>
        %swap3A_610 = arith.index_cast %add3A_590 : i32 to index
        %swap3A_611 = arith.constant 16 : index
        %swap3A_612 = tpu.vector_load %arg8[%swap3A_610, %swap3A_611] {strides = array<i32>} : memref<256x64xf32, #tpu.memory_space<vmem>>, vector<1x16xf32>,
        %swap3A_613 = vector.shape_cast %swap3A_612 : vector<1x16xf32> to vector<16xf32>
        %swap3A_614 = vector.shape_cast %mul3A_609 : vector<16xf32> to vector<1x16xf32>
        tpu.vector_store %arg8[%swap3A_610, %swap3A_611], %swap3A_614 {strides = array<i32>} : memref<256x64xf32, #tpu.memory_space<vmem>>, vector<1x16xf32>,
        %get3A_615 = arith.index_cast %add3A_590 : i32 to index
        %get3A_616 = arith.constant 32 : index
        %get3A_617 = tpu.vector_load %arg6[%get3A_615, %get3A_616] {strides = array<i32>} : memref<256x64xf32, #tpu.memory_space<vmem>>, vector<1x16xf32>,
        %get3A_618 = vector.shape_cast %get3A_617 : vector<1x16xf32> to vector<16xf32>
        %mul3A_619 = arith.constant 8.000000e+00 : f32
        %mul3A_620 = vector.broadcast %mul3A_619 : f32 to vector<16xf32>
        %mul3A_621 = arith.mulf %get3A_618, %mul3A_620 : vector<16xf32>
        %swap3A_622 = arith.index_cast %add3A_590 : i32 to index
        %swap3A_623 = arith.constant 32 : index
        %swap3A_624 = tpu.vector_load %arg8[%swap3A_622, %swap3A_623] {strides = array<i32>} : memref<256x64xf32, #tpu.memory_space<vmem>>, vector<1x16xf32>,
        %swap3A_625 = vector.shape_cast %swap3A_624 : vector<1x16xf32> to vector<16xf32>
        %swap3A_626 = vector.shape_cast %mul3A_621 : vector<16xf32> to vector<1x16xf32>
        tpu.vector_store %arg8[%swap3A_622, %swap3A_623], %swap3A_626 {strides = array<i32>} : memref<256x64xf32, #tpu.memory_space<vmem>>, vector<1x16xf32>,
        %get3A_627 = arith.index_cast %add3A_590 : i32 to index
        %get3A_628 = arith.constant 48 : index
        %get3A_629 = tpu.vector_load %arg6[%get3A_627, %get3A_628] {strides = array<i32>} : memref<256x64xf32, #tpu.memory_space<vmem>>, vector<1x16xf32>,
        %get3A_630 = vector.shape_cast %get3A_629 : vector<1x16xf32> to vector<16xf32>
        %mul3A_631 = arith.constant 8.000000e+00 : f32
        %mul3A_632 = vector.broadcast %mul3A_631 : f32 to vector<16xf32>
        %mul3A_633 = arith.mulf %get3A_630, %mul3A_632 : vector<16xf32>
        %swap3A_634 = arith.index_cast %add3A_590 : i32 to index
        %swap3A_635 = arith.constant 48 : index
        %swap3A_636 = tpu.vector_load %arg8[%swap3A_634, %swap3A_635] {strides = array<i32>} : memref<256x64xf32, #tpu.memory_space<vmem>>, vector<1x16xf32>,
        %swap3A_637 = vector.shape_cast %swap3A_636 : vector<1x16xf32> to vector<16xf32>
        %swap3A_638 = vector.shape_cast %mul3A_633 : vector<16xf32> to vector<1x16xf32>
        tpu.vector_store %arg8[%swap3A_634, %swap3A_635], %swap3A_638 {strides = array<i32>} : memref<256x64xf32, #tpu.memory_space<vmem>>, vector<1x16xf32>,
        %scan3A_639 = arith.constant 7 : i32
        %scan3A_640 = arith.addi %scan3A_264, %scan3A_639 : i32
        %mul3A_641 = arith.constant 1 : i32
        %mul3A_642 = arith.muli %scan3A_640, %mul3A_641 : i32
        %add3A_643 = arith.constant 0 : i32
        %add3A_644 = arith.addi %add3A_643, %mul3A_642 : i32
        %get3A_645 = arith.index_cast %add3A_644 : i32 to index
        %get3A_646 = arith.constant 0 : index
        %get3A_647 = tpu.vector_load %arg6[%get3A_645, %get3A_646] {strides = array<i32>} : memref<256x64xf32, #tpu.memory_space<vmem>>, vector<1x16xf32>,
        %get3A_648 = vector.shape_cast %get3A_647 : vector<1x16xf32> to vector<16xf32>
        %mul3A_649 = arith.constant 8.000000e+00 : f32
        %mul3A_650 = vector.broadcast %mul3A_649 : f32 to vector<16xf32>
        %mul3A_651 = arith.mulf %get3A_648, %mul3A_650 : vector<16xf32>
        %swap3A_652 = arith.index_cast %add3A_644 : i32 to index
        %swap3A_653 = arith.constant 0 : index
        %swap3A_654 = tpu.vector_load %arg8[%swap3A_652, %swap3A_653] {strides = array<i32>} : memref<256x64xf32, #tpu.memory_space<vmem>>, vector<1x16xf32>,
        %swap3A_655 = vector.shape_cast %swap3A_654 : vector<1x16xf32> to vector<16xf32>
        %swap3A_656 = vector.shape_cast %mul3A_651 : vector<16xf32> to vector<1x16xf32>
        tpu.vector_store %arg8[%swap3A_652, %swap3A_653], %swap3A_656 {strides = array<i32>} : memref<256x64xf32, #tpu.memory_space<vmem>>, vector<1x16xf32>,
        %get3A_657 = arith.index_cast %add3A_644 : i32 to index
        %get3A_658 = arith.constant 16 : index
        %get3A_659 = tpu.vector_load %arg6[%get3A_657, %get3A_658] {strides = array<i32>} : memref<256x64xf32, #tpu.memory_space<vmem>>, vector<1x16xf32>,
        %get3A_660 = vector.shape_cast %get3A_659 : vector<1x16xf32> to vector<16xf32>
        %mul3A_661 = arith.constant 8.000000e+00 : f32
        %mul3A_662 = vector.broadcast %mul3A_661 : f32 to vector<16xf32>
        %mul3A_663 = arith.mulf %get3A_660, %mul3A_662 : vector<16xf32>
        %swap3A_664 = arith.index_cast %add3A_644 : i32 to index
        %swap3A_665 = arith.constant 16 : index
        %swap3A_666 = tpu.vector_load %arg8[%swap3A_664, %swap3A_665] {strides = array<i32>} : memref<256x64xf32, #tpu.memory_space<vmem>>, vector<1x16xf32>,
        %swap3A_667 = vector.shape_cast %swap3A_666 : vector<1x16xf32> to vector<16xf32>
        %swap3A_668 = vector.shape_cast %mul3A_663 : vector<16xf32> to vector<1x16xf32>
        tpu.vector_store %arg8[%swap3A_664, %swap3A_665], %swap3A_668 {strides = array<i32>} : memref<256x64xf32, #tpu.memory_space<vmem>>, vector<1x16xf32>,
        %get3A_669 = arith.index_cast %add3A_644 : i32 to index
        %get3A_670 = arith.constant 32 : index
        %get3A_671 = tpu.vector_load %arg6[%get3A_669, %get3A_670] {strides = array<i32>} : memref<256x64xf32, #tpu.memory_space<vmem>>, vector<1x16xf32>,
        %get3A_672 = vector.shape_cast %get3A_671 : vector<1x16xf32> to vector<16xf32>
        %mul3A_673 = arith.constant 8.000000e+00 : f32
        %mul3A_674 = vector.broadcast %mul3A_673 : f32 to vector<16xf32>
        %mul3A_675 = arith.mulf %get3A_672, %mul3A_674 : vector<16xf32>
        %swap3A_676 = arith.index_cast %add3A_644 : i32 to index
        %swap3A_677 = arith.constant 32 : index
        %swap3A_678 = tpu.vector_load %arg8[%swap3A_676, %swap3A_677] {strides = array<i32>} : memref<256x64xf32, #tpu.memory_space<vmem>>, vector<1x16xf32>,
        %swap3A_679 = vector.shape_cast %swap3A_678 : vector<1x16xf32> to vector<16xf32>
        %swap3A_680 = vector.shape_cast %mul3A_675 : vector<16xf32> to vector<1x16xf32>
        tpu.vector_store %arg8[%swap3A_676, %swap3A_677], %swap3A_680 {strides = array<i32>} : memref<256x64xf32, #tpu.memory_space<vmem>>, vector<1x16xf32>,
        %get3A_681 = arith.index_cast %add3A_644 : i32 to index
        %get3A_682 = arith.constant 48 : index
        %get3A_683 = tpu.vector_load %arg6[%get3A_681, %get3A_682] {strides = array<i32>} : memref<256x64xf32, #tpu.memory_space<vmem>>, vector<1x16xf32>,
        %get3A_684 = vector.shape_cast %get3A_683 : vector<1x16xf32> to vector<16xf32>
        %mul3A_685 = arith.constant 8.000000e+00 : f32
        %mul3A_686 = vector.broadcast %mul3A_685 : f32 to vector<16xf32>
        %mul3A_687 = arith.mulf %get3A_684, %mul3A_686 : vector<16xf32>
        %swap3A_688 = arith.index_cast %add3A_644 : i32 to index
        %swap3A_689 = arith.constant 48 : index
        %swap3A_690 = tpu.vector_load %arg8[%swap3A_688, %swap3A_689] {strides = array<i32>} : memref<256x64xf32, #tpu.memory_space<vmem>>, vector<1x16xf32>,
        %swap3A_691 = vector.shape_cast %swap3A_690 : vector<1x16xf32> to vector<16xf32>
        %swap3A_692 = vector.shape_cast %mul3A_687 : vector<16xf32> to vector<1x16xf32>
        tpu.vector_store %arg8[%swap3A_688, %swap3A_689], %swap3A_692 {strides = array<i32>} : memref<256x64xf32, #tpu.memory_space<vmem>>, vector<1x16xf32>,
      }
      %scan3A_182 = arith.constant 256 : i32
      %mul3A_183 = arith.constant 256 : i32
      %mul3A_184 = arith.muli %add3A_165, %mul3A_183 : i32
      %add3A_185 = arith.addi %mul3A_2, %mul3A_184 : i32
      %dma_start3A_186 = arith.constant 0 : i32
      %dma_start3A_187 = tpu.memref_slice %arg4[%add3A_185, %dma_start3A_186] : memref<819200x64xf32, #tpu.memory_space<hbm>> -> memref<256x64xf32, #tpu.memory_space<hbm>>
      %dma_start3A_188 = arith.constant 0 : i32
      %dma_start3A_189 = tpu.memref_slice %arg4[%add3A_185, %dma_start3A_188] : memref<819200x64xf32, #tpu.memory_space<hbm>> -> memref<256x64xf32, #tpu.memory_space<hbm>>
      tpu.enqueue_dma source(%arg8 : memref<256x64xf32, #tpu.memory_space<vmem>>) target(%dma_start3A_189 : memref<256x64xf32, #tpu.memory_space<hbm>>) target_semaphore(%arg12 : memref<!tpu.dma_semaphore, #tpu.memory_space<semaphore_mem>>)
      %add3A_190 = arith.constant 2 : i32
      %add3A_191 = arith.addi %add3A_165, %add3A_190 : i32
      %mul3A_192 = arith.constant 256 : i32
      %mul3A_193 = arith.muli %add3A_191, %mul3A_192 : i32
      %add3A_194 = arith.constant 0 : i32
      %add3A_195 = arith.addi %mul3A_193, %add3A_194 : i32
      %dma_start3A_196 = arith.constant 0 : i32
      %dma_start3A_197 = arith.constant 0 : i32
      %dma_start3A_198 = tpu.memref_slice %arg6[%dma_start3A_196, %dma_start3A_197] : memref<256x64xf32, #tpu.memory_space<vmem>> -> memref<128x64xf32, #tpu.memory_space<vmem>>
      %dma_start3A_199 = tpu.memref_slice %arg5[%add3A_195] : memref<25600xi32, #tpu.memory_space<vmem>> -> memref<128xi32, #tpu.memory_space<vmem>>
      %dma_start3A_200 = arith.constant 0 : i32
      %dma_start3A_201 = arith.constant 0 : i32
      %dma_start3A_202 = tpu.memref_slice %arg2[%dma_start3A_200, %dma_start3A_201] : memref<1000000x64xf32, #tpu.memory_space<hbm>> -> memref<1000000x64xf32, #tpu.memory_space<hbm>>
      tpu.enqueue_indirect_dma source(%dma_start3A_202 : memref<1000000x64xf32, #tpu.memory_space<hbm>>) target(%dma_start3A_198 : memref<128x64xf32, #tpu.memory_space<vmem>>) offsets(%dma_start3A_199 : memref<128xi32, #tpu.memory_space<vmem>>) semaphore(%arg10 : memref<!tpu.dma_semaphore, #tpu.memory_space<semaphore_mem>>)
      %mul3A_203 = arith.constant 256 : i32
      %mul3A_204 = arith.muli %add3A_191, %mul3A_203 : i32
      %add3A_205 = arith.constant 128 : i32
      %add3A_206 = arith.addi %mul3A_204, %add3A_205 : i32
      %dma_start3A_207 = arith.constant 128 : i32
      %dma_start3A_208 = arith.constant 0 : i32
      %dma_start3A_209 = tpu.memref_slice %arg6[%dma_start3A_207, %dma_start3A_208] : memref<256x64xf32, #tpu.memory_space<vmem>> -> memref<128x64xf32, #tpu.memory_space<vmem>>
      %dma_start3A_210 = tpu.memref_slice %arg5[%add3A_206] : memref<25600xi32, #tpu.memory_space<vmem>> -> memref<128xi32, #tpu.memory_space<vmem>>
      %dma_start3A_211 = arith.constant 0 : i32
      %dma_start3A_212 = arith.constant 0 : i32
      %dma_start3A_213 = tpu.memref_slice %arg2[%dma_start3A_211, %dma_start3A_212] : memref<1000000x64xf32, #tpu.memory_space<hbm>> -> memref<1000000x64xf32, #tpu.memory_space<hbm>>
      tpu.enqueue_indirect_dma source(%dma_start3A_213 : memref<1000000x64xf32, #tpu.memory_space<hbm>>) target(%dma_start3A_209 : memref<128x64xf32, #tpu.memory_space<vmem>>) offsets(%dma_start3A_210 : memref<128xi32, #tpu.memory_space<vmem>>) semaphore(%arg10 : memref<!tpu.dma_semaphore, #tpu.memory_space<semaphore_mem>>)
      %add3A_214 = arith.constant 1 : i32
      %add3A_215 = arith.addi %add3A_165, %add3A_214 : i32
      %dma_wait3A_216 = arith.constant 0 : i32
      %dma_wait3A_217 = arith.constant 0 : i32
      %dma_wait3A_218 = tpu.memref_slice %arg4[%dma_wait3A_216, %dma_wait3A_217] : memref<819200x64xf32, #tpu.memory_space<hbm>> -> memref<256x64xf32, #tpu.memory_space<hbm>>
      %dma_wait3A_219 = arith.constant 0 : i32
      %dma_wait3A_220 = arith.constant 0 : i32
      %dma_wait3A_221 = tpu.memref_slice %arg4[%dma_wait3A_219, %dma_wait3A_220] : memref<819200x64xf32, #tpu.memory_space<hbm>> -> memref<256x64xf32, #tpu.memory_space<hbm>>
      tpu.wait_dma2 semaphore(%arg11 : memref<!tpu.dma_semaphore, #tpu.memory_space<semaphore_mem>>) src(%dma_wait3A_221 : memref<256x64xf32, #tpu.memory_space<hbm>>) dst(%arg7 : memref<256x64xf32, #tpu.memory_space<vmem>>)
      %dma_wait3A_222 = arith.constant 0 : i32
      %dma_wait3A_223 = arith.constant 0 : i32
      %dma_wait3A_224 = tpu.memref_slice %arg4[%dma_wait3A_222, %dma_wait3A_223] : memref<819200x64xf32, #tpu.memory_space<hbm>> -> memref<256x64xf32, #tpu.memory_space<hbm>>
      %dma_wait3A_225 = arith.constant 0 : i32
      %dma_wait3A_226 = arith.constant 0 : i32
      %dma_wait3A_227 = tpu.memref_slice %arg4[%dma_wait3A_225, %dma_wait3A_226] : memref<819200x64xf32, #tpu.memory_space<hbm>> -> memref<256x64xf32, #tpu.memory_space<hbm>>
      tpu.wait_dma2 semaphore(%arg13 : memref<!tpu.dma_semaphore, #tpu.memory_space<semaphore_mem>>) src(%arg9 : memref<256x64xf32, #tpu.memory_space<vmem>>) dst(%dma_wait3A_227 : memref<256x64xf32, #tpu.memory_space<hbm>>)
      %scan3A_228 = arith.constant 0 : i32
      %scan3A_229 = arith.constant 256 : i32
      %scan3A_230 = arith.addi %scan3A_228, %scan3A_229 : i32
      %scan3A_231 = arith.constant 8 : i32
      scf.for %scan3A_264 = %scan3A_228 to %scan3A_230 step %scan3A_231  : i32 {
        %mul3A_265 = arith.constant 1 : i32
        %mul3A_266 = arith.muli %scan3A_264, %mul3A_265 : i32
        %add3A_267 = arith.constant 0 : i32
        %add3A_268 = arith.addi %add3A_267, %mul3A_266 : i32
        %get3A = arith.index_cast %add3A_268 : i32 to index
        %get3A_269 = arith.constant 0 : index
        %get3A_270 = tpu.vector_load %arg7[%get3A, %get3A_269] {strides = array<i32>} : memref<256x64xf32, #tpu.memory_space<vmem>>, vector<1x16xf32>,
        %get3A_271 = vector.shape_cast %get3A_270 : vector<1x16xf32> to vector<16xf32>
        %mul3A_272 = arith.constant 8.000000e+00 : f32
        %mul3A_273 = vector.broadcast %mul3A_272 : f32 to vector<16xf32>
        %mul3A_274 = arith.mulf %get3A_271, %mul3A_273 : vector<16xf32>
        %swap3A = arith.index_cast %add3A_268 : i32 to index
        %swap3A_275 = arith.constant 0 : index
        %swap3A_276 = tpu.vector_load %arg9[%swap3A, %swap3A_275] {strides = array<i32>} : memref<256x64xf32, #tpu.memory_space<vmem>>, vector<1x16xf32>,
        %swap3A_277 = vector.shape_cast %swap3A_276 : vector<1x16xf32> to vector<16xf32>
        %swap3A_278 = vector.shape_cast %mul3A_274 : vector<16xf32> to vector<1x16xf32>
        tpu.vector_store %arg9[%swap3A, %swap3A_275], %swap3A_278 {strides = array<i32>} : memref<256x64xf32, #tpu.memory_space<vmem>>, vector<1x16xf32>,
        %get3A_279 = arith.index_cast %add3A_268 : i32 to index
        %get3A_280 = arith.constant 16 : index
        %get3A_281 = tpu.vector_load %arg7[%get3A_279, %get3A_280] {strides = array<i32>} : memref<256x64xf32, #tpu.memory_space<vmem>>, vector<1x16xf32>,
        %get3A_282 = vector.shape_cast %get3A_281 : vector<1x16xf32> to vector<16xf32>
        %mul3A_283 = arith.constant 8.000000e+00 : f32
        %mul3A_284 = vector.broadcast %mul3A_283 : f32 to vector<16xf32>
        %mul3A_285 = arith.mulf %get3A_282, %mul3A_284 : vector<16xf32>
        %swap3A_286 = arith.index_cast %add3A_268 : i32 to index
        %swap3A_287 = arith.constant 16 : index
        %swap3A_288 = tpu.vector_load %arg9[%swap3A_286, %swap3A_287] {strides = array<i32>} : memref<256x64xf32, #tpu.memory_space<vmem>>, vector<1x16xf32>,
        %swap3A_289 = vector.shape_cast %swap3A_288 : vector<1x16xf32> to vector<16xf32>
        %swap3A_290 = vector.shape_cast %mul3A_285 : vector<16xf32> to vector<1x16xf32>
        tpu.vector_store %arg9[%swap3A_286, %swap3A_287], %swap3A_290 {strides = array<i32>} : memref<256x64xf32, #tpu.memory_space<vmem>>, vector<1x16xf32>,
        %get3A_291 = arith.index_cast %add3A_268 : i32 to index
        %get3A_292 = arith.constant 32 : index
        %get3A_293 = tpu.vector_load %arg7[%get3A_291, %get3A_292] {strides = array<i32>} : memref<256x64xf32, #tpu.memory_space<vmem>>, vector<1x16xf32>,
        %get3A_294 = vector.shape_cast %get3A_293 : vector<1x16xf32> to vector<16xf32>
        %mul3A_295 = arith.constant 8.000000e+00 : f32
        %mul3A_296 = vector.broadcast %mul3A_295 : f32 to vector<16xf32>
        %mul3A_297 = arith.mulf %get3A_294, %mul3A_296 : vector<16xf32>
        %swap3A_298 = arith.index_cast %add3A_268 : i32 to index
        %swap3A_299 = arith.constant 32 : index
        %swap3A_300 = tpu.vector_load %arg9[%swap3A_298, %swap3A_299] {strides = array<i32>} : memref<256x64xf32, #tpu.memory_space<vmem>>, vector<1x16xf32>,
        %swap3A_301 = vector.shape_cast %swap3A_300 : vector<1x16xf32> to vector<16xf32>
        %swap3A_302 = vector.shape_cast %mul3A_297 : vector<16xf32> to vector<1x16xf32>
        tpu.vector_store %arg9[%swap3A_298, %swap3A_299], %swap3A_302 {strides = array<i32>} : memref<256x64xf32, #tpu.memory_space<vmem>>, vector<1x16xf32>,
        %get3A_303 = arith.index_cast %add3A_268 : i32 to index
        %get3A_304 = arith.constant 48 : index
        %get3A_305 = tpu.vector_load %arg7[%get3A_303, %get3A_304] {strides = array<i32>} : memref<256x64xf32, #tpu.memory_space<vmem>>, vector<1x16xf32>,
        %get3A_306 = vector.shape_cast %get3A_305 : vector<1x16xf32> to vector<16xf32>
        %mul3A_307 = arith.constant 8.000000e+00 : f32
        %mul3A_308 = vector.broadcast %mul3A_307 : f32 to vector<16xf32>
        %mul3A_309 = arith.mulf %get3A_306, %mul3A_308 : vector<16xf32>
        %swap3A_310 = arith.index_cast %add3A_268 : i32 to index
        %swap3A_311 = arith.constant 48 : index
        %swap3A_312 = tpu.vector_load %arg9[%swap3A_310, %swap3A_311] {strides = array<i32>} : memref<256x64xf32, #tpu.memory_space<vmem>>, vector<1x16xf32>,
        %swap3A_313 = vector.shape_cast %swap3A_312 : vector<1x16xf32> to vector<16xf32>
        %swap3A_314 = vector.shape_cast %mul3A_309 : vector<16xf32> to vector<1x16xf32>
        tpu.vector_store %arg9[%swap3A_310, %swap3A_311], %swap3A_314 {strides = array<i32>} : memref<256x64xf32, #tpu.memory_space<vmem>>, vector<1x16xf32>,
        %scan3A_315 = arith.constant 1 : i32
        %scan3A_316 = arith.addi %scan3A_264, %scan3A_315 : i32
        %mul3A_317 = arith.constant 1 : i32
        %mul3A_318 = arith.muli %scan3A_316, %mul3A_317 : i32
        %add3A_319 = arith.constant 0 : i32
        %add3A_320 = arith.addi %add3A_319, %mul3A_318 : i32
        %get3A_321 = arith.index_cast %add3A_320 : i32 to index
        %get3A_322 = arith.constant 0 : index
        %get3A_323 = tpu.vector_load %arg7[%get3A_321, %get3A_322] {strides = array<i32>} : memref<256x64xf32, #tpu.memory_space<vmem>>, vector<1x16xf32>,
        %get3A_324 = vector.shape_cast %get3A_323 : vector<1x16xf32> to vector<16xf32>
        %mul3A_325 = arith.constant 8.000000e+00 : f32
        %mul3A_326 = vector.broadcast %mul3A_325 : f32 to vector<16xf32>
        %mul3A_327 = arith.mulf %get3A_324, %mul3A_326 : vector<16xf32>
        %swap3A_328 = arith.index_cast %add3A_320 : i32 to index
        %swap3A_329 = arith.constant 0 : index
        %swap3A_330 = tpu.vector_load %arg9[%swap3A_328, %swap3A_329] {strides = array<i32>} : memref<256x64xf32, #tpu.memory_space<vmem>>, vector<1x16xf32>,
        %swap3A_331 = vector.shape_cast %swap3A_330 : vector<1x16xf32> to vector<16xf32>
        %swap3A_332 = vector.shape_cast %mul3A_327 : vector<16xf32> to vector<1x16xf32>
        tpu.vector_store %arg9[%swap3A_328, %swap3A_329], %swap3A_332 {strides = array<i32>} : memref<256x64xf32, #tpu.memory_space<vmem>>, vector<1x16xf32>,
        %get3A_333 = arith.index_cast %add3A_320 : i32 to index
        %get3A_334 = arith.constant 16 : index
        %get3A_335 = tpu.vector_load %arg7[%get3A_333, %get3A_334] {strides = array<i32>} : memref<256x64xf32, #tpu.memory_space<vmem>>, vector<1x16xf32>,
        %get3A_336 = vector.shape_cast %get3A_335 : vector<1x16xf32> to vector<16xf32>
        %mul3A_337 = arith.constant 8.000000e+00 : f32
        %mul3A_338 = vector.broadcast %mul3A_337 : f32 to vector<16xf32>
        %mul3A_339 = arith.mulf %get3A_336, %mul3A_338 : vector<16xf32>
        %swap3A_340 = arith.index_cast %add3A_320 : i32 to index
        %swap3A_341 = arith.constant 16 : index
        %swap3A_342 = tpu.vector_load %arg9[%swap3A_340, %swap3A_341] {strides = array<i32>} : memref<256x64xf32, #tpu.memory_space<vmem>>, vector<1x16xf32>,
        %swap3A_343 = vector.shape_cast %swap3A_342 : vector<1x16xf32> to vector<16xf32>
        %swap3A_344 = vector.shape_cast %mul3A_339 : vector<16xf32> to vector<1x16xf32>
        tpu.vector_store %arg9[%swap3A_340, %swap3A_341], %swap3A_344 {strides = array<i32>} : memref<256x64xf32, #tpu.memory_space<vmem>>, vector<1x16xf32>,
        %get3A_345 = arith.index_cast %add3A_320 : i32 to index
        %get3A_346 = arith.constant 32 : index
        %get3A_347 = tpu.vector_load %arg7[%get3A_345, %get3A_346] {strides = array<i32>} : memref<256x64xf32, #tpu.memory_space<vmem>>, vector<1x16xf32>,
        %get3A_348 = vector.shape_cast %get3A_347 : vector<1x16xf32> to vector<16xf32>
        %mul3A_349 = arith.constant 8.000000e+00 : f32
        %mul3A_350 = vector.broadcast %mul3A_349 : f32 to vector<16xf32>
        %mul3A_351 = arith.mulf %get3A_348, %mul3A_350 : vector<16xf32>
        %swap3A_352 = arith.index_cast %add3A_320 : i32 to index
        %swap3A_353 = arith.constant 32 : index
        %swap3A_354 = tpu.vector_load %arg9[%swap3A_352, %swap3A_353] {strides = array<i32>} : memref<256x64xf32, #tpu.memory_space<vmem>>, vector<1x16xf32>,
        %swap3A_355 = vector.shape_cast %swap3A_354 : vector<1x16xf32> to vector<16xf32>
        %swap3A_356 = vector.shape_cast %mul3A_351 : vector<16xf32> to vector<1x16xf32>
        tpu.vector_store %arg9[%swap3A_352, %swap3A_353], %swap3A_356 {strides = array<i32>} : memref<256x64xf32, #tpu.memory_space<vmem>>, vector<1x16xf32>,
        %get3A_357 = arith.index_cast %add3A_320 : i32 to index
        %get3A_358 = arith.constant 48 : index
        %get3A_359 = tpu.vector_load %arg7[%get3A_357, %get3A_358] {strides = array<i32>} : memref<256x64xf32, #tpu.memory_space<vmem>>, vector<1x16xf32>,
        %get3A_360 = vector.shape_cast %get3A_359 : vector<1x16xf32> to vector<16xf32>
        %mul3A_361 = arith.constant 8.000000e+00 : f32
        %mul3A_362 = vector.broadcast %mul3A_361 : f32 to vector<16xf32>
        %mul3A_363 = arith.mulf %get3A_360, %mul3A_362 : vector<16xf32>
        %swap3A_364 = arith.index_cast %add3A_320 : i32 to index
        %swap3A_365 = arith.constant 48 : index
        %swap3A_366 = tpu.vector_load %arg9[%swap3A_364, %swap3A_365] {strides = array<i32>} : memref<256x64xf32, #tpu.memory_space<vmem>>, vector<1x16xf32>,
        %swap3A_367 = vector.shape_cast %swap3A_366 : vector<1x16xf32> to vector<16xf32>
        %swap3A_368 = vector.shape_cast %mul3A_363 : vector<16xf32> to vector<1x16xf32>
        tpu.vector_store %arg9[%swap3A_364, %swap3A_365], %swap3A_368 {strides = array<i32>} : memref<256x64xf32, #tpu.memory_space<vmem>>, vector<1x16xf32>,
        %scan3A_369 = arith.constant 2 : i32
        %scan3A_370 = arith.addi %scan3A_264, %scan3A_369 : i32
        %mul3A_371 = arith.constant 1 : i32
        %mul3A_372 = arith.muli %scan3A_370, %mul3A_371 : i32
        %add3A_373 = arith.constant 0 : i32
        %add3A_374 = arith.addi %add3A_373, %mul3A_372 : i32
        %get3A_375 = arith.index_cast %add3A_374 : i32 to index
        %get3A_376 = arith.constant 0 : index
        %get3A_377 = tpu.vector_load %arg7[%get3A_375, %get3A_376] {strides = array<i32>} : memref<256x64xf32, #tpu.memory_space<vmem>>, vector<1x16xf32>,
        %get3A_378 = vector.shape_cast %get3A_377 : vector<1x16xf32> to vector<16xf32>
        %mul3A_379 = arith.constant 8.000000e+00 : f32
        %mul3A_380 = vector.broadcast %mul3A_379 : f32 to vector<16xf32>
        %mul3A_381 = arith.mulf %get3A_378, %mul3A_380 : vector<16xf32>
        %swap3A_382 = arith.index_cast %add3A_374 : i32 to index
        %swap3A_383 = arith.constant 0 : index
        %swap3A_384 = tpu.vector_load %arg9[%swap3A_382, %swap3A_383] {strides = array<i32>} : memref<256x64xf32, #tpu.memory_space<vmem>>, vector<1x16xf32>,
        %swap3A_385 = vector.shape_cast %swap3A_384 : vector<1x16xf32> to vector<16xf32>
        %swap3A_386 = vector.shape_cast %mul3A_381 : vector<16xf32> to vector<1x16xf32>
        tpu.vector_store %arg9[%swap3A_382, %swap3A_383], %swap3A_386 {strides = array<i32>} : memref<256x64xf32, #tpu.memory_space<vmem>>, vector<1x16xf32>,
        %get3A_387 = arith.index_cast %add3A_374 : i32 to index
        %get3A_388 = arith.constant 16 : index
        %get3A_389 = tpu.vector_load %arg7[%get3A_387, %get3A_388] {strides = array<i32>} : memref<256x64xf32, #tpu.memory_space<vmem>>, vector<1x16xf32>,
        %get3A_390 = vector.shape_cast %get3A_389 : vector<1x16xf32> to vector<16xf32>
        %mul3A_391 = arith.constant 8.000000e+00 : f32
        %mul3A_392 = vector.broadcast %mul3A_391 : f32 to vector<16xf32>
        %mul3A_393 = arith.mulf %get3A_390, %mul3A_392 : vector<16xf32>
        %swap3A_394 = arith.index_cast %add3A_374 : i32 to index
        %swap3A_395 = arith.constant 16 : index
        %swap3A_396 = tpu.vector_load %arg9[%swap3A_394, %swap3A_395] {strides = array<i32>} : memref<256x64xf32, #tpu.memory_space<vmem>>, vector<1x16xf32>,
        %swap3A_397 = vector.shape_cast %swap3A_396 : vector<1x16xf32> to vector<16xf32>
        %swap3A_398 = vector.shape_cast %mul3A_393 : vector<16xf32> to vector<1x16xf32>
        tpu.vector_store %arg9[%swap3A_394, %swap3A_395], %swap3A_398 {strides = array<i32>} : memref<256x64xf32, #tpu.memory_space<vmem>>, vector<1x16xf32>,
        %get3A_399 = arith.index_cast %add3A_374 : i32 to index
        %get3A_400 = arith.constant 32 : index
        %get3A_401 = tpu.vector_load %arg7[%get3A_399, %get3A_400] {strides = array<i32>} : memref<256x64xf32, #tpu.memory_space<vmem>>, vector<1x16xf32>,
        %get3A_402 = vector.shape_cast %get3A_401 : vector<1x16xf32> to vector<16xf32>
        %mul3A_403 = arith.constant 8.000000e+00 : f32
        %mul3A_404 = vector.broadcast %mul3A_403 : f32 to vector<16xf32>
        %mul3A_405 = arith.mulf %get3A_402, %mul3A_404 : vector<16xf32>
        %swap3A_406 = arith.index_cast %add3A_374 : i32 to index
        %swap3A_407 = arith.constant 32 : index
        %swap3A_408 = tpu.vector_load %arg9[%swap3A_406, %swap3A_407] {strides = array<i32>} : memref<256x64xf32, #tpu.memory_space<vmem>>, vector<1x16xf32>,
        %swap3A_409 = vector.shape_cast %swap3A_408 : vector<1x16xf32> to vector<16xf32>
        %swap3A_410 = vector.shape_cast %mul3A_405 : vector<16xf32> to vector<1x16xf32>
        tpu.vector_store %arg9[%swap3A_406, %swap3A_407], %swap3A_410 {strides = array<i32>} : memref<256x64xf32, #tpu.memory_space<vmem>>, vector<1x16xf32>,
        %get3A_411 = arith.index_cast %add3A_374 : i32 to index
        %get3A_412 = arith.constant 48 : index
        %get3A_413 = tpu.vector_load %arg7[%get3A_411, %get3A_412] {strides = array<i32>} : memref<256x64xf32, #tpu.memory_space<vmem>>, vector<1x16xf32>,
        %get3A_414 = vector.shape_cast %get3A_413 : vector<1x16xf32> to vector<16xf32>
        %mul3A_415 = arith.constant 8.000000e+00 : f32
        %mul3A_416 = vector.broadcast %mul3A_415 : f32 to vector<16xf32>
        %mul3A_417 = arith.mulf %get3A_414, %mul3A_416 : vector<16xf32>
        %swap3A_418 = arith.index_cast %add3A_374 : i32 to index
        %swap3A_419 = arith.constant 48 : index
        %swap3A_420 = tpu.vector_load %arg9[%swap3A_418, %swap3A_419] {strides = array<i32>} : memref<256x64xf32, #tpu.memory_space<vmem>>, vector<1x16xf32>,
        %swap3A_421 = vector.shape_cast %swap3A_420 : vector<1x16xf32> to vector<16xf32>
        %swap3A_422 = vector.shape_cast %mul3A_417 : vector<16xf32> to vector<1x16xf32>
        tpu.vector_store %arg9[%swap3A_418, %swap3A_419], %swap3A_422 {strides = array<i32>} : memref<256x64xf32, #tpu.memory_space<vmem>>, vector<1x16xf32>,
        %scan3A_423 = arith.constant 3 : i32
        %scan3A_424 = arith.addi %scan3A_264, %scan3A_423 : i32
        %mul3A_425 = arith.constant 1 : i32
        %mul3A_426 = arith.muli %scan3A_424, %mul3A_425 : i32
        %add3A_427 = arith.constant 0 : i32
        %add3A_428 = arith.addi %add3A_427, %mul3A_426 : i32
        %get3A_429 = arith.index_cast %add3A_428 : i32 to index
        %get3A_430 = arith.constant 0 : index
        %get3A_431 = tpu.vector_load %arg7[%get3A_429, %get3A_430] {strides = array<i32>} : memref<256x64xf32, #tpu.memory_space<vmem>>, vector<1x16xf32>,
        %get3A_432 = vector.shape_cast %get3A_431 : vector<1x16xf32> to vector<16xf32>
        %mul3A_433 = arith.constant 8.000000e+00 : f32
        %mul3A_434 = vector.broadcast %mul3A_433 : f32 to vector<16xf32>
        %mul3A_435 = arith.mulf %get3A_432, %mul3A_434 : vector<16xf32>
        %swap3A_436 = arith.index_cast %add3A_428 : i32 to index
        %swap3A_437 = arith.constant 0 : index
        %swap3A_438 = tpu.vector_load %arg9[%swap3A_436, %swap3A_437] {strides = array<i32>} : memref<256x64xf32, #tpu.memory_space<vmem>>, vector<1x16xf32>,
        %swap3A_439 = vector.shape_cast %swap3A_438 : vector<1x16xf32> to vector<16xf32>
        %swap3A_440 = vector.shape_cast %mul3A_435 : vector<16xf32> to vector<1x16xf32>
        tpu.vector_store %arg9[%swap3A_436, %swap3A_437], %swap3A_440 {strides = array<i32>} : memref<256x64xf32, #tpu.memory_space<vmem>>, vector<1x16xf32>,
        %get3A_441 = arith.index_cast %add3A_428 : i32 to index
        %get3A_442 = arith.constant 16 : index
        %get3A_443 = tpu.vector_load %arg7[%get3A_441, %get3A_442] {strides = array<i32>} : memref<256x64xf32, #tpu.memory_space<vmem>>, vector<1x16xf32>,
        %get3A_444 = vector.shape_cast %get3A_443 : vector<1x16xf32> to vector<16xf32>
        %mul3A_445 = arith.constant 8.000000e+00 : f32
        %mul3A_446 = vector.broadcast %mul3A_445 : f32 to vector<16xf32>
        %mul3A_447 = arith.mulf %get3A_444, %mul3A_446 : vector<16xf32>
        %swap3A_448 = arith.index_cast %add3A_428 : i32 to index
        %swap3A_449 = arith.constant 16 : index
        %swap3A_450 = tpu.vector_load %arg9[%swap3A_448, %swap3A_449] {strides = array<i32>} : memref<256x64xf32, #tpu.memory_space<vmem>>, vector<1x16xf32>,
        %swap3A_451 = vector.shape_cast %swap3A_450 : vector<1x16xf32> to vector<16xf32>
        %swap3A_452 = vector.shape_cast %mul3A_447 : vector<16xf32> to vector<1x16xf32>
        tpu.vector_store %arg9[%swap3A_448, %swap3A_449], %swap3A_452 {strides = array<i32>} : memref<256x64xf32, #tpu.memory_space<vmem>>, vector<1x16xf32>,
        %get3A_453 = arith.index_cast %add3A_428 : i32 to index
        %get3A_454 = arith.constant 32 : index
        %get3A_455 = tpu.vector_load %arg7[%get3A_453, %get3A_454] {strides = array<i32>} : memref<256x64xf32, #tpu.memory_space<vmem>>, vector<1x16xf32>,
        %get3A_456 = vector.shape_cast %get3A_455 : vector<1x16xf32> to vector<16xf32>
        %mul3A_457 = arith.constant 8.000000e+00 : f32
        %mul3A_458 = vector.broadcast %mul3A_457 : f32 to vector<16xf32>
        %mul3A_459 = arith.mulf %get3A_456, %mul3A_458 : vector<16xf32>
        %swap3A_460 = arith.index_cast %add3A_428 : i32 to index
        %swap3A_461 = arith.constant 32 : index
        %swap3A_462 = tpu.vector_load %arg9[%swap3A_460, %swap3A_461] {strides = array<i32>} : memref<256x64xf32, #tpu.memory_space<vmem>>, vector<1x16xf32>,
        %swap3A_463 = vector.shape_cast %swap3A_462 : vector<1x16xf32> to vector<16xf32>
        %swap3A_464 = vector.shape_cast %mul3A_459 : vector<16xf32> to vector<1x16xf32>
        tpu.vector_store %arg9[%swap3A_460, %swap3A_461], %swap3A_464 {strides = array<i32>} : memref<256x64xf32, #tpu.memory_space<vmem>>, vector<1x16xf32>,
        %get3A_465 = arith.index_cast %add3A_428 : i32 to index
        %get3A_466 = arith.constant 48 : index
        %get3A_467 = tpu.vector_load %arg7[%get3A_465, %get3A_466] {strides = array<i32>} : memref<256x64xf32, #tpu.memory_space<vmem>>, vector<1x16xf32>,
        %get3A_468 = vector.shape_cast %get3A_467 : vector<1x16xf32> to vector<16xf32>
        %mul3A_469 = arith.constant 8.000000e+00 : f32
        %mul3A_470 = vector.broadcast %mul3A_469 : f32 to vector<16xf32>
        %mul3A_471 = arith.mulf %get3A_468, %mul3A_470 : vector<16xf32>
        %swap3A_472 = arith.index_cast %add3A_428 : i32 to index
        %swap3A_473 = arith.constant 48 : index
        %swap3A_474 = tpu.vector_load %arg9[%swap3A_472, %swap3A_473] {strides = array<i32>} : memref<256x64xf32, #tpu.memory_space<vmem>>, vector<1x16xf32>,
        %swap3A_475 = vector.shape_cast %swap3A_474 : vector<1x16xf32> to vector<16xf32>
        %swap3A_476 = vector.shape_cast %mul3A_471 : vector<16xf32> to vector<1x16xf32>
        tpu.vector_store %arg9[%swap3A_472, %swap3A_473], %swap3A_476 {strides = array<i32>} : memref<256x64xf32, #tpu.memory_space<vmem>>, vector<1x16xf32>,
        %scan3A_477 = arith.constant 4 : i32
        %scan3A_478 = arith.addi %scan3A_264, %scan3A_477 : i32
        %mul3A_479 = arith.constant 1 : i32
        %mul3A_480 = arith.muli %scan3A_478, %mul3A_479 : i32
        %add3A_481 = arith.constant 0 : i32
        %add3A_482 = arith.addi %add3A_481, %mul3A_480 : i32
        %get3A_483 = arith.index_cast %add3A_482 : i32 to index
        %get3A_484 = arith.constant 0 : index
        %get3A_485 = tpu.vector_load %arg7[%get3A_483, %get3A_484] {strides = array<i32>} : memref<256x64xf32, #tpu.memory_space<vmem>>, vector<1x16xf32>,
        %get3A_486 = vector.shape_cast %get3A_485 : vector<1x16xf32> to vector<16xf32>
        %mul3A_487 = arith.constant 8.000000e+00 : f32
        %mul3A_488 = vector.broadcast %mul3A_487 : f32 to vector<16xf32>
        %mul3A_489 = arith.mulf %get3A_486, %mul3A_488 : vector<16xf32>
        %swap3A_490 = arith.index_cast %add3A_482 : i32 to index
        %swap3A_491 = arith.constant 0 : index
        %swap3A_492 = tpu.vector_load %arg9[%swap3A_490, %swap3A_491] {strides = array<i32>} : memref<256x64xf32, #tpu.memory_space<vmem>>, vector<1x16xf32>,
        %swap3A_493 = vector.shape_cast %swap3A_492 : vector<1x16xf32> to vector<16xf32>
        %swap3A_494 = vector.shape_cast %mul3A_489 : vector<16xf32> to vector<1x16xf32>
        tpu.vector_store %arg9[%swap3A_490, %swap3A_491], %swap3A_494 {strides = array<i32>} : memref<256x64xf32, #tpu.memory_space<vmem>>, vector<1x16xf32>,
        %get3A_495 = arith.index_cast %add3A_482 : i32 to index
        %get3A_496 = arith.constant 16 : index
        %get3A_497 = tpu.vector_load %arg7[%get3A_495, %get3A_496] {strides = array<i32>} : memref<256x64xf32, #tpu.memory_space<vmem>>, vector<1x16xf32>,
        %get3A_498 = vector.shape_cast %get3A_497 : vector<1x16xf32> to vector<16xf32>
        %mul3A_499 = arith.constant 8.000000e+00 : f32
        %mul3A_500 = vector.broadcast %mul3A_499 : f32 to vector<16xf32>
        %mul3A_501 = arith.mulf %get3A_498, %mul3A_500 : vector<16xf32>
        %swap3A_502 = arith.index_cast %add3A_482 : i32 to index
        %swap3A_503 = arith.constant 16 : index
        %swap3A_504 = tpu.vector_load %arg9[%swap3A_502, %swap3A_503] {strides = array<i32>} : memref<256x64xf32, #tpu.memory_space<vmem>>, vector<1x16xf32>,
        %swap3A_505 = vector.shape_cast %swap3A_504 : vector<1x16xf32> to vector<16xf32>
        %swap3A_506 = vector.shape_cast %mul3A_501 : vector<16xf32> to vector<1x16xf32>
        tpu.vector_store %arg9[%swap3A_502, %swap3A_503], %swap3A_506 {strides = array<i32>} : memref<256x64xf32, #tpu.memory_space<vmem>>, vector<1x16xf32>,
        %get3A_507 = arith.index_cast %add3A_482 : i32 to index
        %get3A_508 = arith.constant 32 : index
        %get3A_509 = tpu.vector_load %arg7[%get3A_507, %get3A_508] {strides = array<i32>} : memref<256x64xf32, #tpu.memory_space<vmem>>, vector<1x16xf32>,
        %get3A_510 = vector.shape_cast %get3A_509 : vector<1x16xf32> to vector<16xf32>
        %mul3A_511 = arith.constant 8.000000e+00 : f32
        %mul3A_512 = vector.broadcast %mul3A_511 : f32 to vector<16xf32>
        %mul3A_513 = arith.mulf %get3A_510, %mul3A_512 : vector<16xf32>
        %swap3A_514 = arith.index_cast %add3A_482 : i32 to index
        %swap3A_515 = arith.constant 32 : index
        %swap3A_516 = tpu.vector_load %arg9[%swap3A_514, %swap3A_515] {strides = array<i32>} : memref<256x64xf32, #tpu.memory_space<vmem>>, vector<1x16xf32>,
        %swap3A_517 = vector.shape_cast %swap3A_516 : vector<1x16xf32> to vector<16xf32>
        %swap3A_518 = vector.shape_cast %mul3A_513 : vector<16xf32> to vector<1x16xf32>
        tpu.vector_store %arg9[%swap3A_514, %swap3A_515], %swap3A_518 {strides = array<i32>} : memref<256x64xf32, #tpu.memory_space<vmem>>, vector<1x16xf32>,
        %get3A_519 = arith.index_cast %add3A_482 : i32 to index
        %get3A_520 = arith.constant 48 : index
        %get3A_521 = tpu.vector_load %arg7[%get3A_519, %get3A_520] {strides = array<i32>} : memref<256x64xf32, #tpu.memory_space<vmem>>, vector<1x16xf32>,
        %get3A_522 = vector.shape_cast %get3A_521 : vector<1x16xf32> to vector<16xf32>
        %mul3A_523 = arith.constant 8.000000e+00 : f32
        %mul3A_524 = vector.broadcast %mul3A_523 : f32 to vector<16xf32>
        %mul3A_525 = arith.mulf %get3A_522, %mul3A_524 : vector<16xf32>
        %swap3A_526 = arith.index_cast %add3A_482 : i32 to index
        %swap3A_527 = arith.constant 48 : index
        %swap3A_528 = tpu.vector_load %arg9[%swap3A_526, %swap3A_527] {strides = array<i32>} : memref<256x64xf32, #tpu.memory_space<vmem>>, vector<1x16xf32>,
        %swap3A_529 = vector.shape_cast %swap3A_528 : vector<1x16xf32> to vector<16xf32>
        %swap3A_530 = vector.shape_cast %mul3A_525 : vector<16xf32> to vector<1x16xf32>
        tpu.vector_store %arg9[%swap3A_526, %swap3A_527], %swap3A_530 {strides = array<i32>} : memref<256x64xf32, #tpu.memory_space<vmem>>, vector<1x16xf32>,
        %scan3A_531 = arith.constant 5 : i32
        %scan3A_532 = arith.addi %scan3A_264, %scan3A_531 : i32
        %mul3A_533 = arith.constant 1 : i32
        %mul3A_534 = arith.muli %scan3A_532, %mul3A_533 : i32
        %add3A_535 = arith.constant 0 : i32
        %add3A_536 = arith.addi %add3A_535, %mul3A_534 : i32
        %get3A_537 = arith.index_cast %add3A_536 : i32 to index
        %get3A_538 = arith.constant 0 : index
        %get3A_539 = tpu.vector_load %arg7[%get3A_537, %get3A_538] {strides = array<i32>} : memref<256x64xf32, #tpu.memory_space<vmem>>, vector<1x16xf32>,
        %get3A_540 = vector.shape_cast %get3A_539 : vector<1x16xf32> to vector<16xf32>
        %mul3A_541 = arith.constant 8.000000e+00 : f32
        %mul3A_542 = vector.broadcast %mul3A_541 : f32 to vector<16xf32>
        %mul3A_543 = arith.mulf %get3A_540, %mul3A_542 : vector<16xf32>
        %swap3A_544 = arith.index_cast %add3A_536 : i32 to index
        %swap3A_545 = arith.constant 0 : index
        %swap3A_546 = tpu.vector_load %arg9[%swap3A_544, %swap3A_545] {strides = array<i32>} : memref<256x64xf32, #tpu.memory_space<vmem>>, vector<1x16xf32>,
        %swap3A_547 = vector.shape_cast %swap3A_546 : vector<1x16xf32> to vector<16xf32>
        %swap3A_548 = vector.shape_cast %mul3A_543 : vector<16xf32> to vector<1x16xf32>
        tpu.vector_store %arg9[%swap3A_544, %swap3A_545], %swap3A_548 {strides = array<i32>} : memref<256x64xf32, #tpu.memory_space<vmem>>, vector<1x16xf32>,
        %get3A_549 = arith.index_cast %add3A_536 : i32 to index
        %get3A_550 = arith.constant 16 : index
        %get3A_551 = tpu.vector_load %arg7[%get3A_549, %get3A_550] {strides = array<i32>} : memref<256x64xf32, #tpu.memory_space<vmem>>, vector<1x16xf32>,
        %get3A_552 = vector.shape_cast %get3A_551 : vector<1x16xf32> to vector<16xf32>
        %mul3A_553 = arith.constant 8.000000e+00 : f32
        %mul3A_554 = vector.broadcast %mul3A_553 : f32 to vector<16xf32>
        %mul3A_555 = arith.mulf %get3A_552, %mul3A_554 : vector<16xf32>
        %swap3A_556 = arith.index_cast %add3A_536 : i32 to index
        %swap3A_557 = arith.constant 16 : index
        %swap3A_558 = tpu.vector_load %arg9[%swap3A_556, %swap3A_557] {strides = array<i32>} : memref<256x64xf32, #tpu.memory_space<vmem>>, vector<1x16xf32>,
        %swap3A_559 = vector.shape_cast %swap3A_558 : vector<1x16xf32> to vector<16xf32>
        %swap3A_560 = vector.shape_cast %mul3A_555 : vector<16xf32> to vector<1x16xf32>
        tpu.vector_store %arg9[%swap3A_556, %swap3A_557], %swap3A_560 {strides = array<i32>} : memref<256x64xf32, #tpu.memory_space<vmem>>, vector<1x16xf32>,
        %get3A_561 = arith.index_cast %add3A_536 : i32 to index
        %get3A_562 = arith.constant 32 : index
        %get3A_563 = tpu.vector_load %arg7[%get3A_561, %get3A_562] {strides = array<i32>} : memref<256x64xf32, #tpu.memory_space<vmem>>, vector<1x16xf32>,
        %get3A_564 = vector.shape_cast %get3A_563 : vector<1x16xf32> to vector<16xf32>
        %mul3A_565 = arith.constant 8.000000e+00 : f32
        %mul3A_566 = vector.broadcast %mul3A_565 : f32 to vector<16xf32>
        %mul3A_567 = arith.mulf %get3A_564, %mul3A_566 : vector<16xf32>
        %swap3A_568 = arith.index_cast %add3A_536 : i32 to index
        %swap3A_569 = arith.constant 32 : index
        %swap3A_570 = tpu.vector_load %arg9[%swap3A_568, %swap3A_569] {strides = array<i32>} : memref<256x64xf32, #tpu.memory_space<vmem>>, vector<1x16xf32>,
        %swap3A_571 = vector.shape_cast %swap3A_570 : vector<1x16xf32> to vector<16xf32>
        %swap3A_572 = vector.shape_cast %mul3A_567 : vector<16xf32> to vector<1x16xf32>
        tpu.vector_store %arg9[%swap3A_568, %swap3A_569], %swap3A_572 {strides = array<i32>} : memref<256x64xf32, #tpu.memory_space<vmem>>, vector<1x16xf32>,
        %get3A_573 = arith.index_cast %add3A_536 : i32 to index
        %get3A_574 = arith.constant 48 : index
        %get3A_575 = tpu.vector_load %arg7[%get3A_573, %get3A_574] {strides = array<i32>} : memref<256x64xf32, #tpu.memory_space<vmem>>, vector<1x16xf32>,
        %get3A_576 = vector.shape_cast %get3A_575 : vector<1x16xf32> to vector<16xf32>
        %mul3A_577 = arith.constant 8.000000e+00 : f32
        %mul3A_578 = vector.broadcast %mul3A_577 : f32 to vector<16xf32>
        %mul3A_579 = arith.mulf %get3A_576, %mul3A_578 : vector<16xf32>
        %swap3A_580 = arith.index_cast %add3A_536 : i32 to index
        %swap3A_581 = arith.constant 48 : index
        %swap3A_582 = tpu.vector_load %arg9[%swap3A_580, %swap3A_581] {strides = array<i32>} : memref<256x64xf32, #tpu.memory_space<vmem>>, vector<1x16xf32>,
        %swap3A_583 = vector.shape_cast %swap3A_582 : vector<1x16xf32> to vector<16xf32>
        %swap3A_584 = vector.shape_cast %mul3A_579 : vector<16xf32> to vector<1x16xf32>
        tpu.vector_store %arg9[%swap3A_580, %swap3A_581], %swap3A_584 {strides = array<i32>} : memref<256x64xf32, #tpu.memory_space<vmem>>, vector<1x16xf32>,
        %scan3A_585 = arith.constant 6 : i32
        %scan3A_586 = arith.addi %scan3A_264, %scan3A_585 : i32
        %mul3A_587 = arith.constant 1 : i32
        %mul3A_588 = arith.muli %scan3A_586, %mul3A_587 : i32
        %add3A_589 = arith.constant 0 : i32
        %add3A_590 = arith.addi %add3A_589, %mul3A_588 : i32
        %get3A_591 = arith.index_cast %add3A_590 : i32 to index
        %get3A_592 = arith.constant 0 : index
        %get3A_593 = tpu.vector_load %arg7[%get3A_591, %get3A_592] {strides = array<i32>} : memref<256x64xf32, #tpu.memory_space<vmem>>, vector<1x16xf32>,
        %get3A_594 = vector.shape_cast %get3A_593 : vector<1x16xf32> to vector<16xf32>
        %mul3A_595 = arith.constant 8.000000e+00 : f32
        %mul3A_596 = vector.broadcast %mul3A_595 : f32 to vector<16xf32>
        %mul3A_597 = arith.mulf %get3A_594, %mul3A_596 : vector<16xf32>
        %swap3A_598 = arith.index_cast %add3A_590 : i32 to index
        %swap3A_599 = arith.constant 0 : index
        %swap3A_600 = tpu.vector_load %arg9[%swap3A_598, %swap3A_599] {strides = array<i32>} : memref<256x64xf32, #tpu.memory_space<vmem>>, vector<1x16xf32>,
        %swap3A_601 = vector.shape_cast %swap3A_600 : vector<1x16xf32> to vector<16xf32>
        %swap3A_602 = vector.shape_cast %mul3A_597 : vector<16xf32> to vector<1x16xf32>
        tpu.vector_store %arg9[%swap3A_598, %swap3A_599], %swap3A_602 {strides = array<i32>} : memref<256x64xf32, #tpu.memory_space<vmem>>, vector<1x16xf32>,
        %get3A_603 = arith.index_cast %add3A_590 : i32 to index
        %get3A_604 = arith.constant 16 : index
        %get3A_605 = tpu.vector_load %arg7[%get3A_603, %get3A_604] {strides = array<i32>} : memref<256x64xf32, #tpu.memory_space<vmem>>, vector<1x16xf32>,
        %get3A_606 = vector.shape_cast %get3A_605 : vector<1x16xf32> to vector<16xf32>
        %mul3A_607 = arith.constant 8.000000e+00 : f32
        %mul3A_608 = vector.broadcast %mul3A_607 : f32 to vector<16xf32>
        %mul3A_609 = arith.mulf %get3A_606, %mul3A_608 : vector<16xf32>
        %swap3A_610 = arith.index_cast %add3A_590 : i32 to index
        %swap3A_611 = arith.constant 16 : index
        %swap3A_612 = tpu.vector_load %arg9[%swap3A_610, %swap3A_611] {strides = array<i32>} : memref<256x64xf32, #tpu.memory_space<vmem>>, vector<1x16xf32>,
        %swap3A_613 = vector.shape_cast %swap3A_612 : vector<1x16xf32> to vector<16xf32>
        %swap3A_614 = vector.shape_cast %mul3A_609 : vector<16xf32> to vector<1x16xf32>
        tpu.vector_store %arg9[%swap3A_610, %swap3A_611], %swap3A_614 {strides = array<i32>} : memref<256x64xf32, #tpu.memory_space<vmem>>, vector<1x16xf32>,
        %get3A_615 = arith.index_cast %add3A_590 : i32 to index
        %get3A_616 = arith.constant 32 : index
        %get3A_617 = tpu.vector_load %arg7[%get3A_615, %get3A_616] {strides = array<i32>} : memref<256x64xf32, #tpu.memory_space<vmem>>, vector<1x16xf32>,
        %get3A_618 = vector.shape_cast %get3A_617 : vector<1x16xf32> to vector<16xf32>
        %mul3A_619 = arith.constant 8.000000e+00 : f32
        %mul3A_620 = vector.broadcast %mul3A_619 : f32 to vector<16xf32>
        %mul3A_621 = arith.mulf %get3A_618, %mul3A_620 : vector<16xf32>
        %swap3A_622 = arith.index_cast %add3A_590 : i32 to index
        %swap3A_623 = arith.constant 32 : index
        %swap3A_624 = tpu.vector_load %arg9[%swap3A_622, %swap3A_623] {strides = array<i32>} : memref<256x64xf32, #tpu.memory_space<vmem>>, vector<1x16xf32>,
        %swap3A_625 = vector.shape_cast %swap3A_624 : vector<1x16xf32> to vector<16xf32>
        %swap3A_626 = vector.shape_cast %mul3A_621 : vector<16xf32> to vector<1x16xf32>
        tpu.vector_store %arg9[%swap3A_622, %swap3A_623], %swap3A_626 {strides = array<i32>} : memref<256x64xf32, #tpu.memory_space<vmem>>, vector<1x16xf32>,
        %get3A_627 = arith.index_cast %add3A_590 : i32 to index
        %get3A_628 = arith.constant 48 : index
        %get3A_629 = tpu.vector_load %arg7[%get3A_627, %get3A_628] {strides = array<i32>} : memref<256x64xf32, #tpu.memory_space<vmem>>, vector<1x16xf32>,
        %get3A_630 = vector.shape_cast %get3A_629 : vector<1x16xf32> to vector<16xf32>
        %mul3A_631 = arith.constant 8.000000e+00 : f32
        %mul3A_632 = vector.broadcast %mul3A_631 : f32 to vector<16xf32>
        %mul3A_633 = arith.mulf %get3A_630, %mul3A_632 : vector<16xf32>
        %swap3A_634 = arith.index_cast %add3A_590 : i32 to index
        %swap3A_635 = arith.constant 48 : index
        %swap3A_636 = tpu.vector_load %arg9[%swap3A_634, %swap3A_635] {strides = array<i32>} : memref<256x64xf32, #tpu.memory_space<vmem>>, vector<1x16xf32>,
        %swap3A_637 = vector.shape_cast %swap3A_636 : vector<1x16xf32> to vector<16xf32>
        %swap3A_638 = vector.shape_cast %mul3A_633 : vector<16xf32> to vector<1x16xf32>
        tpu.vector_store %arg9[%swap3A_634, %swap3A_635], %swap3A_638 {strides = array<i32>} : memref<256x64xf32, #tpu.memory_space<vmem>>, vector<1x16xf32>,
        %scan3A_639 = arith.constant 7 : i32
        %scan3A_640 = arith.addi %scan3A_264, %scan3A_639 : i32
        %mul3A_641 = arith.constant 1 : i32
        %mul3A_642 = arith.muli %scan3A_640, %mul3A_641 : i32
        %add3A_643 = arith.constant 0 : i32
        %add3A_644 = arith.addi %add3A_643, %mul3A_642 : i32
        %get3A_645 = arith.index_cast %add3A_644 : i32 to index
        %get3A_646 = arith.constant 0 : index
        %get3A_647 = tpu.vector_load %arg7[%get3A_645, %get3A_646] {strides = array<i32>} : memref<256x64xf32, #tpu.memory_space<vmem>>, vector<1x16xf32>,
        %get3A_648 = vector.shape_cast %get3A_647 : vector<1x16xf32> to vector<16xf32>
        %mul3A_649 = arith.constant 8.000000e+00 : f32
        %mul3A_650 = vector.broadcast %mul3A_649 : f32 to vector<16xf32>
        %mul3A_651 = arith.mulf %get3A_648, %mul3A_650 : vector<16xf32>
        %swap3A_652 = arith.index_cast %add3A_644 : i32 to index
        %swap3A_653 = arith.constant 0 : index
        %swap3A_654 = tpu.vector_load %arg9[%swap3A_652, %swap3A_653] {strides = array<i32>} : memref<256x64xf32, #tpu.memory_space<vmem>>, vector<1x16xf32>,
        %swap3A_655 = vector.shape_cast %swap3A_654 : vector<1x16xf32> to vector<16xf32>
        %swap3A_656 = vector.shape_cast %mul3A_651 : vector<16xf32> to vector<1x16xf32>
        tpu.vector_store %arg9[%swap3A_652, %swap3A_653], %swap3A_656 {strides = array<i32>} : memref<256x64xf32, #tpu.memory_space<vmem>>, vector<1x16xf32>,
        %get3A_657 = arith.index_cast %add3A_644 : i32 to index
        %get3A_658 = arith.constant 16 : index
        %get3A_659 = tpu.vector_load %arg7[%get3A_657, %get3A_658] {strides = array<i32>} : memref<256x64xf32, #tpu.memory_space<vmem>>, vector<1x16xf32>,
        %get3A_660 = vector.shape_cast %get3A_659 : vector<1x16xf32> to vector<16xf32>
        %mul3A_661 = arith.constant 8.000000e+00 : f32
        %mul3A_662 = vector.broadcast %mul3A_661 : f32 to vector<16xf32>
        %mul3A_663 = arith.mulf %get3A_660, %mul3A_662 : vector<16xf32>
        %swap3A_664 = arith.index_cast %add3A_644 : i32 to index
        %swap3A_665 = arith.constant 16 : index
        %swap3A_666 = tpu.vector_load %arg9[%swap3A_664, %swap3A_665] {strides = array<i32>} : memref<256x64xf32, #tpu.memory_space<vmem>>, vector<1x16xf32>,
        %swap3A_667 = vector.shape_cast %swap3A_666 : vector<1x16xf32> to vector<16xf32>
        %swap3A_668 = vector.shape_cast %mul3A_663 : vector<16xf32> to vector<1x16xf32>
        tpu.vector_store %arg9[%swap3A_664, %swap3A_665], %swap3A_668 {strides = array<i32>} : memref<256x64xf32, #tpu.memory_space<vmem>>, vector<1x16xf32>,
        %get3A_669 = arith.index_cast %add3A_644 : i32 to index
        %get3A_670 = arith.constant 32 : index
        %get3A_671 = tpu.vector_load %arg7[%get3A_669, %get3A_670] {strides = array<i32>} : memref<256x64xf32, #tpu.memory_space<vmem>>, vector<1x16xf32>,
        %get3A_672 = vector.shape_cast %get3A_671 : vector<1x16xf32> to vector<16xf32>
        %mul3A_673 = arith.constant 8.000000e+00 : f32
        %mul3A_674 = vector.broadcast %mul3A_673 : f32 to vector<16xf32>
        %mul3A_675 = arith.mulf %get3A_672, %mul3A_674 : vector<16xf32>
        %swap3A_676 = arith.index_cast %add3A_644 : i32 to index
        %swap3A_677 = arith.constant 32 : index
        %swap3A_678 = tpu.vector_load %arg9[%swap3A_676, %swap3A_677] {strides = array<i32>} : memref<256x64xf32, #tpu.memory_space<vmem>>, vector<1x16xf32>,
        %swap3A_679 = vector.shape_cast %swap3A_678 : vector<1x16xf32> to vector<16xf32>
        %swap3A_680 = vector.shape_cast %mul3A_675 : vector<16xf32> to vector<1x16xf32>
        tpu.vector_store %arg9[%swap3A_676, %swap3A_677], %swap3A_680 {strides = array<i32>} : memref<256x64xf32, #tpu.memory_space<vmem>>, vector<1x16xf32>,
        %get3A_681 = arith.index_cast %add3A_644 : i32 to index
        %get3A_682 = arith.constant 48 : index
        %get3A_683 = tpu.vector_load %arg7[%get3A_681, %get3A_682] {strides = array<i32>} : memref<256x64xf32, #tpu.memory_space<vmem>>, vector<1x16xf32>,
        %get3A_684 = vector.shape_cast %get3A_683 : vector<1x16xf32> to vector<16xf32>
        %mul3A_685 = arith.constant 8.000000e+00 : f32
        %mul3A_686 = vector.broadcast %mul3A_685 : f32 to vector<16xf32>
        %mul3A_687 = arith.mulf %get3A_684, %mul3A_686 : vector<16xf32>
        %swap3A_688 = arith.index_cast %add3A_644 : i32 to index
        %swap3A_689 = arith.constant 48 : index
        %swap3A_690 = tpu.vector_load %arg9[%swap3A_688, %swap3A_689] {strides = array<i32>} : memref<256x64xf32, #tpu.memory_space<vmem>>, vector<1x16xf32>,
        %swap3A_691 = vector.shape_cast %swap3A_690 : vector<1x16xf32> to vector<16xf32>
        %swap3A_692 = vector.shape_cast %mul3A_687 : vector<16xf32> to vector<1x16xf32>
        tpu.vector_store %arg9[%swap3A_688, %swap3A_689], %swap3A_692 {strides = array<i32>} : memref<256x64xf32, #tpu.memory_space<vmem>>, vector<1x16xf32>,
      }
      %scan3A_232 = arith.constant 256 : i32
      %mul3A_233 = arith.constant 256 : i32
      %mul3A_234 = arith.muli %add3A_215, %mul3A_233 : i32
      %add3A_235 = arith.addi %mul3A_2, %mul3A_234 : i32
      %dma_start3A_236 = arith.constant 0 : i32
      %dma_start3A_237 = tpu.memref_slice %arg4[%add3A_235, %dma_start3A_236] : memref<819200x64xf32, #tpu.memory_space<hbm>> -> memref<256x64xf32, #tpu.memory_space<hbm>>
      %dma_start3A_238 = arith.constant 0 : i32
      %dma_start3A_239 = tpu.memref_slice %arg4[%add3A_235, %dma_start3A_238] : memref<819200x64xf32, #tpu.memory_space<hbm>> -> memref<256x64xf32, #tpu.memory_space<hbm>>
      tpu.enqueue_dma source(%arg9 : memref<256x64xf32, #tpu.memory_space<vmem>>) target(%dma_start3A_239 : memref<256x64xf32, #tpu.memory_space<hbm>>) target_semaphore(%arg13 : memref<!tpu.dma_semaphore, #tpu.memory_space<semaphore_mem>>)
      %add3A_240 = arith.constant 2 : i32
      %add3A_241 = arith.addi %add3A_215, %add3A_240 : i32
      %mul3A_242 = arith.constant 256 : i32
      %mul3A_243 = arith.muli %add3A_241, %mul3A_242 : i32
      %add3A_244 = arith.constant 0 : i32
      %add3A_245 = arith.addi %mul3A_243, %add3A_244 : i32
      %dma_start3A_246 = arith.constant 0 : i32
      %dma_start3A_247 = arith.constant 0 : i32
      %dma_start3A_248 = tpu.memref_slice %arg7[%dma_start3A_246, %dma_start3A_247] : memref<256x64xf32, #tpu.memory_space<vmem>> -> memref<128x64xf32, #tpu.memory_space<vmem>>
      %dma_start3A_249 = tpu.memref_slice %arg5[%add3A_245] : memref<25600xi32, #tpu.memory_space<vmem>> -> memref<128xi32, #tpu.memory_space<vmem>>
      %dma_start3A_250 = arith.constant 0 : i32
      %dma_start3A_251 = arith.constant 0 : i32
      %dma_start3A_252 = tpu.memref_slice %arg2[%dma_start3A_250, %dma_start3A_251] : memref<1000000x64xf32, #tpu.memory_space<hbm>> -> memref<1000000x64xf32, #tpu.memory_space<hbm>>
      tpu.enqueue_indirect_dma source(%dma_start3A_252 : memref<1000000x64xf32, #tpu.memory_space<hbm>>) target(%dma_start3A_248 : memref<128x64xf32, #tpu.memory_space<vmem>>) offsets(%dma_start3A_249 : memref<128xi32, #tpu.memory_space<vmem>>) semaphore(%arg11 : memref<!tpu.dma_semaphore, #tpu.memory_space<semaphore_mem>>)
      %mul3A_253 = arith.constant 256 : i32
      %mul3A_254 = arith.muli %add3A_241, %mul3A_253 : i32
      %add3A_255 = arith.constant 128 : i32
      %add3A_256 = arith.addi %mul3A_254, %add3A_255 : i32
      %dma_start3A_257 = arith.constant 128 : i32
      %dma_start3A_258 = arith.constant 0 : i32
      %dma_start3A_259 = tpu.memref_slice %arg7[%dma_start3A_257, %dma_start3A_258] : memref<256x64xf32, #tpu.memory_space<vmem>> -> memref<128x64xf32, #tpu.memory_space<vmem>>
      %dma_start3A_260 = tpu.memref_slice %arg5[%add3A_256] : memref<25600xi32, #tpu.memory_space<vmem>> -> memref<128xi32, #tpu.memory_space<vmem>>
      %dma_start3A_261 = arith.constant 0 : i32
      %dma_start3A_262 = arith.constant 0 : i32
      %dma_start3A_263 = tpu.memref_slice %arg2[%dma_start3A_261, %dma_start3A_262] : memref<1000000x64xf32, #tpu.memory_space<hbm>> -> memref<1000000x64xf32, #tpu.memory_space<hbm>>
      tpu.enqueue_indirect_dma source(%dma_start3A_263 : memref<1000000x64xf32, #tpu.memory_space<hbm>>) target(%dma_start3A_259 : memref<128x64xf32, #tpu.memory_space<vmem>>) offsets(%dma_start3A_260 : memref<128xi32, #tpu.memory_space<vmem>>) semaphore(%arg11 : memref<!tpu.dma_semaphore, #tpu.memory_space<semaphore_mem>>)
    }
    %scan3A_102 = arith.constant 48 : i32
    %dma_wait3A_103 = arith.constant 0 : i32
    %dma_wait3A_104 = arith.constant 0 : i32
    %dma_wait3A_105 = tpu.memref_slice %arg4[%dma_wait3A_103, %dma_wait3A_104] : memref<819200x64xf32, #tpu.memory_space<hbm>> -> memref<256x64xf32, #tpu.memory_space<hbm>>
    %dma_wait3A_106 = arith.constant 0 : i32
    %dma_wait3A_107 = arith.constant 0 : i32
    %dma_wait3A_108 = tpu.memref_slice %arg4[%dma_wait3A_106, %dma_wait3A_107] : memref<819200x64xf32, #tpu.memory_space<hbm>> -> memref<256x64xf32, #tpu.memory_space<hbm>>
    tpu.wait_dma2 semaphore(%arg10 : memref<!tpu.dma_semaphore, #tpu.memory_space<semaphore_mem>>) src(%dma_wait3A_108 : memref<256x64xf32, #tpu.memory_space<hbm>>) dst(%arg6 : memref<256x64xf32, #tpu.memory_space<vmem>>)
    %dma_wait3A_109 = arith.constant 0 : i32
    %dma_wait3A_110 = arith.constant 0 : i32
    %dma_wait3A_111 = tpu.memref_slice %arg4[%dma_wait3A_109, %dma_wait3A_110] : memref<819200x64xf32, #tpu.memory_space<hbm>> -> memref<256x64xf32, #tpu.memory_space<hbm>>
    %dma_wait3A_112 = arith.constant 0 : i32
    %dma_wait3A_113 = arith.constant 0 : i32
    %dma_wait3A_114 = tpu.memref_slice %arg4[%dma_wait3A_112, %dma_wait3A_113] : memref<819200x64xf32, #tpu.memory_space<hbm>> -> memref<256x64xf32, #tpu.memory_space<hbm>>
    tpu.wait_dma2 semaphore(%arg12 : memref<!tpu.dma_semaphore, #tpu.memory_space<semaphore_mem>>) src(%arg8 : memref<256x64xf32, #tpu.memory_space<vmem>>) dst(%dma_wait3A_114 : memref<256x64xf32, #tpu.memory_space<hbm>>)
    %scan3A_115 = arith.constant 0 : i32
    %scan3A_116 = arith.constant 256 : i32
    %scan3A_117 = arith.addi %scan3A_115, %scan3A_116 : i32
    %scan3A_118 = arith.constant 8 : i32
    scf.for %scan3A_161 = %scan3A_115 to %scan3A_117 step %scan3A_118  : i32 {
      %mul3A_162 = arith.constant 1 : i32
      %mul3A_163 = arith.muli %scan3A_161, %mul3A_162 : i32
      %add3A_164 = arith.constant 0 : i32
      %add3A_165 = arith.addi %add3A_164, %mul3A_163 : i32
      %get3A = arith.index_cast %add3A_165 : i32 to index
      %get3A_166 = arith.constant 0 : index
      %get3A_167 = tpu.vector_load %arg6[%get3A, %get3A_166] {strides = array<i32>} : memref<256x64xf32, #tpu.memory_space<vmem>>, vector<1x16xf32>,
      %get3A_168 = vector.shape_cast %get3A_167 : vector<1x16xf32> to vector<16xf32>
      %mul3A_169 = arith.constant 8.000000e+00 : f32
      %mul3A_170 = vector.broadcast %mul3A_169 : f32 to vector<16xf32>
      %mul3A_171 = arith.mulf %get3A_168, %mul3A_170 : vector<16xf32>
      %swap3A = arith.index_cast %add3A_165 : i32 to index
      %swap3A_172 = arith.constant 0 : index
      %swap3A_173 = tpu.vector_load %arg8[%swap3A, %swap3A_172] {strides = array<i32>} : memref<256x64xf32, #tpu.memory_space<vmem>>, vector<1x16xf32>,
      %swap3A_174 = vector.shape_cast %swap3A_173 : vector<1x16xf32> to vector<16xf32>
      %swap3A_175 = vector.shape_cast %mul3A_171 : vector<16xf32> to vector<1x16xf32>
      tpu.vector_store %arg8[%swap3A, %swap3A_172], %swap3A_175 {strides = array<i32>} : memref<256x64xf32, #tpu.memory_space<vmem>>, vector<1x16xf32>,
      %get3A_176 = arith.index_cast %add3A_165 : i32 to index
      %get3A_177 = arith.constant 16 : index
      %get3A_178 = tpu.vector_load %arg6[%get3A_176, %get3A_177] {strides = array<i32>} : memref<256x64xf32, #tpu.memory_space<vmem>>, vector<1x16xf32>,
      %get3A_179 = vector.shape_cast %get3A_178 : vector<1x16xf32> to vector<16xf32>
      %mul3A_180 = arith.constant 8.000000e+00 : f32
      %mul3A_181 = vector.broadcast %mul3A_180 : f32 to vector<16xf32>
      %mul3A_182 = arith.mulf %get3A_179, %mul3A_181 : vector<16xf32>
      %swap3A_183 = arith.index_cast %add3A_165 : i32 to index
      %swap3A_184 = arith.constant 16 : index
      %swap3A_185 = tpu.vector_load %arg8[%swap3A_183, %swap3A_184] {strides = array<i32>} : memref<256x64xf32, #tpu.memory_space<vmem>>, vector<1x16xf32>,
      %swap3A_186 = vector.shape_cast %swap3A_185 : vector<1x16xf32> to vector<16xf32>
      %swap3A_187 = vector.shape_cast %mul3A_182 : vector<16xf32> to vector<1x16xf32>
      tpu.vector_store %arg8[%swap3A_183, %swap3A_184], %swap3A_187 {strides = array<i32>} : memref<256x64xf32, #tpu.memory_space<vmem>>, vector<1x16xf32>,
      %get3A_188 = arith.index_cast %add3A_165 : i32 to index
      %get3A_189 = arith.constant 32 : index
      %get3A_190 = tpu.vector_load %arg6[%get3A_188, %get3A_189] {strides = array<i32>} : memref<256x64xf32, #tpu.memory_space<vmem>>, vector<1x16xf32>,
      %get3A_191 = vector.shape_cast %get3A_190 : vector<1x16xf32> to vector<16xf32>
      %mul3A_192 = arith.constant 8.000000e+00 : f32
      %mul3A_193 = vector.broadcast %mul3A_192 : f32 to vector<16xf32>
      %mul3A_194 = arith.mulf %get3A_191, %mul3A_193 : vector<16xf32>
      %swap3A_195 = arith.index_cast %add3A_165 : i32 to index
      %swap3A_196 = arith.constant 32 : index
      %swap3A_197 = tpu.vector_load %arg8[%swap3A_195, %swap3A_196] {strides = array<i32>} : memref<256x64xf32, #tpu.memory_space<vmem>>, vector<1x16xf32>,
      %swap3A_198 = vector.shape_cast %swap3A_197 : vector<1x16xf32> to vector<16xf32>
      %swap3A_199 = vector.shape_cast %mul3A_194 : vector<16xf32> to vector<1x16xf32>
      tpu.vector_store %arg8[%swap3A_195, %swap3A_196], %swap3A_199 {strides = array<i32>} : memref<256x64xf32, #tpu.memory_space<vmem>>, vector<1x16xf32>,
      %get3A_200 = arith.index_cast %add3A_165 : i32 to index
      %get3A_201 = arith.constant 48 : index
      %get3A_202 = tpu.vector_load %arg6[%get3A_200, %get3A_201] {strides = array<i32>} : memref<256x64xf32, #tpu.memory_space<vmem>>, vector<1x16xf32>,
      %get3A_203 = vector.shape_cast %get3A_202 : vector<1x16xf32> to vector<16xf32>
      %mul3A_204 = arith.constant 8.000000e+00 : f32
      %mul3A_205 = vector.broadcast %mul3A_204 : f32 to vector<16xf32>
      %mul3A_206 = arith.mulf %get3A_203, %mul3A_205 : vector<16xf32>
      %swap3A_207 = arith.index_cast %add3A_165 : i32 to index
      %swap3A_208 = arith.constant 48 : index
      %swap3A_209 = tpu.vector_load %arg8[%swap3A_207, %swap3A_208] {strides = array<i32>} : memref<256x64xf32, #tpu.memory_space<vmem>>, vector<1x16xf32>,
      %swap3A_210 = vector.shape_cast %swap3A_209 : vector<1x16xf32> to vector<16xf32>
      %swap3A_211 = vector.shape_cast %mul3A_206 : vector<16xf32> to vector<1x16xf32>
      tpu.vector_store %arg8[%swap3A_207, %swap3A_208], %swap3A_211 {strides = array<i32>} : memref<256x64xf32, #tpu.memory_space<vmem>>, vector<1x16xf32>,
      %scan3A_212 = arith.constant 1 : i32
      %scan3A_213 = arith.addi %scan3A_161, %scan3A_212 : i32
      %mul3A_214 = arith.constant 1 : i32
      %mul3A_215 = arith.muli %scan3A_213, %mul3A_214 : i32
      %add3A_216 = arith.constant 0 : i32
      %add3A_217 = arith.addi %add3A_216, %mul3A_215 : i32
      %get3A_218 = arith.index_cast %add3A_217 : i32 to index
      %get3A_219 = arith.constant 0 : index
      %get3A_220 = tpu.vector_load %arg6[%get3A_218, %get3A_219] {strides = array<i32>} : memref<256x64xf32, #tpu.memory_space<vmem>>, vector<1x16xf32>,
      %get3A_221 = vector.shape_cast %get3A_220 : vector<1x16xf32> to vector<16xf32>
      %mul3A_222 = arith.constant 8.000000e+00 : f32
      %mul3A_223 = vector.broadcast %mul3A_222 : f32 to vector<16xf32>
      %mul3A_224 = arith.mulf %get3A_221, %mul3A_223 : vector<16xf32>
      %swap3A_225 = arith.index_cast %add3A_217 : i32 to index
      %swap3A_226 = arith.constant 0 : index
      %swap3A_227 = tpu.vector_load %arg8[%swap3A_225, %swap3A_226] {strides = array<i32>} : memref<256x64xf32, #tpu.memory_space<vmem>>, vector<1x16xf32>,
      %swap3A_228 = vector.shape_cast %swap3A_227 : vector<1x16xf32> to vector<16xf32>
      %swap3A_229 = vector.shape_cast %mul3A_224 : vector<16xf32> to vector<1x16xf32>
      tpu.vector_store %arg8[%swap3A_225, %swap3A_226], %swap3A_229 {strides = array<i32>} : memref<256x64xf32, #tpu.memory_space<vmem>>, vector<1x16xf32>,
      %get3A_230 = arith.index_cast %add3A_217 : i32 to index
      %get3A_231 = arith.constant 16 : index
      %get3A_232 = tpu.vector_load %arg6[%get3A_230, %get3A_231] {strides = array<i32>} : memref<256x64xf32, #tpu.memory_space<vmem>>, vector<1x16xf32>,
      %get3A_233 = vector.shape_cast %get3A_232 : vector<1x16xf32> to vector<16xf32>
      %mul3A_234 = arith.constant 8.000000e+00 : f32
      %mul3A_235 = vector.broadcast %mul3A_234 : f32 to vector<16xf32>
      %mul3A_236 = arith.mulf %get3A_233, %mul3A_235 : vector<16xf32>
      %swap3A_237 = arith.index_cast %add3A_217 : i32 to index
      %swap3A_238 = arith.constant 16 : index
      %swap3A_239 = tpu.vector_load %arg8[%swap3A_237, %swap3A_238] {strides = array<i32>} : memref<256x64xf32, #tpu.memory_space<vmem>>, vector<1x16xf32>,
      %swap3A_240 = vector.shape_cast %swap3A_239 : vector<1x16xf32> to vector<16xf32>
      %swap3A_241 = vector.shape_cast %mul3A_236 : vector<16xf32> to vector<1x16xf32>
      tpu.vector_store %arg8[%swap3A_237, %swap3A_238], %swap3A_241 {strides = array<i32>} : memref<256x64xf32, #tpu.memory_space<vmem>>, vector<1x16xf32>,
      %get3A_242 = arith.index_cast %add3A_217 : i32 to index
      %get3A_243 = arith.constant 32 : index
      %get3A_244 = tpu.vector_load %arg6[%get3A_242, %get3A_243] {strides = array<i32>} : memref<256x64xf32, #tpu.memory_space<vmem>>, vector<1x16xf32>,
      %get3A_245 = vector.shape_cast %get3A_244 : vector<1x16xf32> to vector<16xf32>
      %mul3A_246 = arith.constant 8.000000e+00 : f32
      %mul3A_247 = vector.broadcast %mul3A_246 : f32 to vector<16xf32>
      %mul3A_248 = arith.mulf %get3A_245, %mul3A_247 : vector<16xf32>
      %swap3A_249 = arith.index_cast %add3A_217 : i32 to index
      %swap3A_250 = arith.constant 32 : index
      %swap3A_251 = tpu.vector_load %arg8[%swap3A_249, %swap3A_250] {strides = array<i32>} : memref<256x64xf32, #tpu.memory_space<vmem>>, vector<1x16xf32>,
      %swap3A_252 = vector.shape_cast %swap3A_251 : vector<1x16xf32> to vector<16xf32>
      %swap3A_253 = vector.shape_cast %mul3A_248 : vector<16xf32> to vector<1x16xf32>
      tpu.vector_store %arg8[%swap3A_249, %swap3A_250], %swap3A_253 {strides = array<i32>} : memref<256x64xf32, #tpu.memory_space<vmem>>, vector<1x16xf32>,
      %get3A_254 = arith.index_cast %add3A_217 : i32 to index
      %get3A_255 = arith.constant 48 : index
      %get3A_256 = tpu.vector_load %arg6[%get3A_254, %get3A_255] {strides = array<i32>} : memref<256x64xf32, #tpu.memory_space<vmem>>, vector<1x16xf32>,
      %get3A_257 = vector.shape_cast %get3A_256 : vector<1x16xf32> to vector<16xf32>
      %mul3A_258 = arith.constant 8.000000e+00 : f32
      %mul3A_259 = vector.broadcast %mul3A_258 : f32 to vector<16xf32>
      %mul3A_260 = arith.mulf %get3A_257, %mul3A_259 : vector<16xf32>
      %swap3A_261 = arith.index_cast %add3A_217 : i32 to index
      %swap3A_262 = arith.constant 48 : index
      %swap3A_263 = tpu.vector_load %arg8[%swap3A_261, %swap3A_262] {strides = array<i32>} : memref<256x64xf32, #tpu.memory_space<vmem>>, vector<1x16xf32>,
      %swap3A_264 = vector.shape_cast %swap3A_263 : vector<1x16xf32> to vector<16xf32>
      %swap3A_265 = vector.shape_cast %mul3A_260 : vector<16xf32> to vector<1x16xf32>
      tpu.vector_store %arg8[%swap3A_261, %swap3A_262], %swap3A_265 {strides = array<i32>} : memref<256x64xf32, #tpu.memory_space<vmem>>, vector<1x16xf32>,
      %scan3A_266 = arith.constant 2 : i32
      %scan3A_267 = arith.addi %scan3A_161, %scan3A_266 : i32
      %mul3A_268 = arith.constant 1 : i32
      %mul3A_269 = arith.muli %scan3A_267, %mul3A_268 : i32
      %add3A_270 = arith.constant 0 : i32
      %add3A_271 = arith.addi %add3A_270, %mul3A_269 : i32
      %get3A_272 = arith.index_cast %add3A_271 : i32 to index
      %get3A_273 = arith.constant 0 : index
      %get3A_274 = tpu.vector_load %arg6[%get3A_272, %get3A_273] {strides = array<i32>} : memref<256x64xf32, #tpu.memory_space<vmem>>, vector<1x16xf32>,
      %get3A_275 = vector.shape_cast %get3A_274 : vector<1x16xf32> to vector<16xf32>
      %mul3A_276 = arith.constant 8.000000e+00 : f32
      %mul3A_277 = vector.broadcast %mul3A_276 : f32 to vector<16xf32>
      %mul3A_278 = arith.mulf %get3A_275, %mul3A_277 : vector<16xf32>
      %swap3A_279 = arith.index_cast %add3A_271 : i32 to index
      %swap3A_280 = arith.constant 0 : index
      %swap3A_281 = tpu.vector_load %arg8[%swap3A_279, %swap3A_280] {strides = array<i32>} : memref<256x64xf32, #tpu.memory_space<vmem>>, vector<1x16xf32>,
      %swap3A_282 = vector.shape_cast %swap3A_281 : vector<1x16xf32> to vector<16xf32>
      %swap3A_283 = vector.shape_cast %mul3A_278 : vector<16xf32> to vector<1x16xf32>
      tpu.vector_store %arg8[%swap3A_279, %swap3A_280], %swap3A_283 {strides = array<i32>} : memref<256x64xf32, #tpu.memory_space<vmem>>, vector<1x16xf32>,
      %get3A_284 = arith.index_cast %add3A_271 : i32 to index
      %get3A_285 = arith.constant 16 : index
      %get3A_286 = tpu.vector_load %arg6[%get3A_284, %get3A_285] {strides = array<i32>} : memref<256x64xf32, #tpu.memory_space<vmem>>, vector<1x16xf32>,
      %get3A_287 = vector.shape_cast %get3A_286 : vector<1x16xf32> to vector<16xf32>
      %mul3A_288 = arith.constant 8.000000e+00 : f32
      %mul3A_289 = vector.broadcast %mul3A_288 : f32 to vector<16xf32>
      %mul3A_290 = arith.mulf %get3A_287, %mul3A_289 : vector<16xf32>
      %swap3A_291 = arith.index_cast %add3A_271 : i32 to index
      %swap3A_292 = arith.constant 16 : index
      %swap3A_293 = tpu.vector_load %arg8[%swap3A_291, %swap3A_292] {strides = array<i32>} : memref<256x64xf32, #tpu.memory_space<vmem>>, vector<1x16xf32>,
      %swap3A_294 = vector.shape_cast %swap3A_293 : vector<1x16xf32> to vector<16xf32>
      %swap3A_295 = vector.shape_cast %mul3A_290 : vector<16xf32> to vector<1x16xf32>
      tpu.vector_store %arg8[%swap3A_291, %swap3A_292], %swap3A_295 {strides = array<i32>} : memref<256x64xf32, #tpu.memory_space<vmem>>, vector<1x16xf32>,
      %get3A_296 = arith.index_cast %add3A_271 : i32 to index
      %get3A_297 = arith.constant 32 : index
      %get3A_298 = tpu.vector_load %arg6[%get3A_296, %get3A_297] {strides = array<i32>} : memref<256x64xf32, #tpu.memory_space<vmem>>, vector<1x16xf32>,
      %get3A_299 = vector.shape_cast %get3A_298 : vector<1x16xf32> to vector<16xf32>
      %mul3A_300 = arith.constant 8.000000e+00 : f32
      %mul3A_301 = vector.broadcast %mul3A_300 : f32 to vector<16xf32>
      %mul3A_302 = arith.mulf %get3A_299, %mul3A_301 : vector<16xf32>
      %swap3A_303 = arith.index_cast %add3A_271 : i32 to index
      %swap3A_304 = arith.constant 32 : index
      %swap3A_305 = tpu.vector_load %arg8[%swap3A_303, %swap3A_304] {strides = array<i32>} : memref<256x64xf32, #tpu.memory_space<vmem>>, vector<1x16xf32>,
      %swap3A_306 = vector.shape_cast %swap3A_305 : vector<1x16xf32> to vector<16xf32>
      %swap3A_307 = vector.shape_cast %mul3A_302 : vector<16xf32> to vector<1x16xf32>
      tpu.vector_store %arg8[%swap3A_303, %swap3A_304], %swap3A_307 {strides = array<i32>} : memref<256x64xf32, #tpu.memory_space<vmem>>, vector<1x16xf32>,
      %get3A_308 = arith.index_cast %add3A_271 : i32 to index
      %get3A_309 = arith.constant 48 : index
      %get3A_310 = tpu.vector_load %arg6[%get3A_308, %get3A_309] {strides = array<i32>} : memref<256x64xf32, #tpu.memory_space<vmem>>, vector<1x16xf32>,
      %get3A_311 = vector.shape_cast %get3A_310 : vector<1x16xf32> to vector<16xf32>
      %mul3A_312 = arith.constant 8.000000e+00 : f32
      %mul3A_313 = vector.broadcast %mul3A_312 : f32 to vector<16xf32>
      %mul3A_314 = arith.mulf %get3A_311, %mul3A_313 : vector<16xf32>
      %swap3A_315 = arith.index_cast %add3A_271 : i32 to index
      %swap3A_316 = arith.constant 48 : index
      %swap3A_317 = tpu.vector_load %arg8[%swap3A_315, %swap3A_316] {strides = array<i32>} : memref<256x64xf32, #tpu.memory_space<vmem>>, vector<1x16xf32>,
      %swap3A_318 = vector.shape_cast %swap3A_317 : vector<1x16xf32> to vector<16xf32>
      %swap3A_319 = vector.shape_cast %mul3A_314 : vector<16xf32> to vector<1x16xf32>
      tpu.vector_store %arg8[%swap3A_315, %swap3A_316], %swap3A_319 {strides = array<i32>} : memref<256x64xf32, #tpu.memory_space<vmem>>, vector<1x16xf32>,
      %scan3A_320 = arith.constant 3 : i32
      %scan3A_321 = arith.addi %scan3A_161, %scan3A_320 : i32
      %mul3A_322 = arith.constant 1 : i32
      %mul3A_323 = arith.muli %scan3A_321, %mul3A_322 : i32
      %add3A_324 = arith.constant 0 : i32
      %add3A_325 = arith.addi %add3A_324, %mul3A_323 : i32
      %get3A_326 = arith.index_cast %add3A_325 : i32 to index
      %get3A_327 = arith.constant 0 : index
      %get3A_328 = tpu.vector_load %arg6[%get3A_326, %get3A_327] {strides = array<i32>} : memref<256x64xf32, #tpu.memory_space<vmem>>, vector<1x16xf32>,
      %get3A_329 = vector.shape_cast %get3A_328 : vector<1x16xf32> to vector<16xf32>
      %mul3A_330 = arith.constant 8.000000e+00 : f32
      %mul3A_331 = vector.broadcast %mul3A_330 : f32 to vector<16xf32>
      %mul3A_332 = arith.mulf %get3A_329, %mul3A_331 : vector<16xf32>
      %swap3A_333 = arith.index_cast %add3A_325 : i32 to index
      %swap3A_334 = arith.constant 0 : index
      %swap3A_335 = tpu.vector_load %arg8[%swap3A_333, %swap3A_334] {strides = array<i32>} : memref<256x64xf32, #tpu.memory_space<vmem>>, vector<1x16xf32>,
      %swap3A_336 = vector.shape_cast %swap3A_335 : vector<1x16xf32> to vector<16xf32>
      %swap3A_337 = vector.shape_cast %mul3A_332 : vector<16xf32> to vector<1x16xf32>
      tpu.vector_store %arg8[%swap3A_333, %swap3A_334], %swap3A_337 {strides = array<i32>} : memref<256x64xf32, #tpu.memory_space<vmem>>, vector<1x16xf32>,
      %get3A_338 = arith.index_cast %add3A_325 : i32 to index
      %get3A_339 = arith.constant 16 : index
      %get3A_340 = tpu.vector_load %arg6[%get3A_338, %get3A_339] {strides = array<i32>} : memref<256x64xf32, #tpu.memory_space<vmem>>, vector<1x16xf32>,
      %get3A_341 = vector.shape_cast %get3A_340 : vector<1x16xf32> to vector<16xf32>
      %mul3A_342 = arith.constant 8.000000e+00 : f32
      %mul3A_343 = vector.broadcast %mul3A_342 : f32 to vector<16xf32>
      %mul3A_344 = arith.mulf %get3A_341, %mul3A_343 : vector<16xf32>
      %swap3A_345 = arith.index_cast %add3A_325 : i32 to index
      %swap3A_346 = arith.constant 16 : index
      %swap3A_347 = tpu.vector_load %arg8[%swap3A_345, %swap3A_346] {strides = array<i32>} : memref<256x64xf32, #tpu.memory_space<vmem>>, vector<1x16xf32>,
      %swap3A_348 = vector.shape_cast %swap3A_347 : vector<1x16xf32> to vector<16xf32>
      %swap3A_349 = vector.shape_cast %mul3A_344 : vector<16xf32> to vector<1x16xf32>
      tpu.vector_store %arg8[%swap3A_345, %swap3A_346], %swap3A_349 {strides = array<i32>} : memref<256x64xf32, #tpu.memory_space<vmem>>, vector<1x16xf32>,
      %get3A_350 = arith.index_cast %add3A_325 : i32 to index
      %get3A_351 = arith.constant 32 : index
      %get3A_352 = tpu.vector_load %arg6[%get3A_350, %get3A_351] {strides = array<i32>} : memref<256x64xf32, #tpu.memory_space<vmem>>, vector<1x16xf32>,
      %get3A_353 = vector.shape_cast %get3A_352 : vector<1x16xf32> to vector<16xf32>
      %mul3A_354 = arith.constant 8.000000e+00 : f32
      %mul3A_355 = vector.broadcast %mul3A_354 : f32 to vector<16xf32>
      %mul3A_356 = arith.mulf %get3A_353, %mul3A_355 : vector<16xf32>
      %swap3A_357 = arith.index_cast %add3A_325 : i32 to index
      %swap3A_358 = arith.constant 32 : index
      %swap3A_359 = tpu.vector_load %arg8[%swap3A_357, %swap3A_358] {strides = array<i32>} : memref<256x64xf32, #tpu.memory_space<vmem>>, vector<1x16xf32>,
      %swap3A_360 = vector.shape_cast %swap3A_359 : vector<1x16xf32> to vector<16xf32>
      %swap3A_361 = vector.shape_cast %mul3A_356 : vector<16xf32> to vector<1x16xf32>
      tpu.vector_store %arg8[%swap3A_357, %swap3A_358], %swap3A_361 {strides = array<i32>} : memref<256x64xf32, #tpu.memory_space<vmem>>, vector<1x16xf32>,
      %get3A_362 = arith.index_cast %add3A_325 : i32 to index
      %get3A_363 = arith.constant 48 : index
      %get3A_364 = tpu.vector_load %arg6[%get3A_362, %get3A_363] {strides = array<i32>} : memref<256x64xf32, #tpu.memory_space<vmem>>, vector<1x16xf32>,
      %get3A_365 = vector.shape_cast %get3A_364 : vector<1x16xf32> to vector<16xf32>
      %mul3A_366 = arith.constant 8.000000e+00 : f32
      %mul3A_367 = vector.broadcast %mul3A_366 : f32 to vector<16xf32>
      %mul3A_368 = arith.mulf %get3A_365, %mul3A_367 : vector<16xf32>
      %swap3A_369 = arith.index_cast %add3A_325 : i32 to index
      %swap3A_370 = arith.constant 48 : index
      %swap3A_371 = tpu.vector_load %arg8[%swap3A_369, %swap3A_370] {strides = array<i32>} : memref<256x64xf32, #tpu.memory_space<vmem>>, vector<1x16xf32>,
      %swap3A_372 = vector.shape_cast %swap3A_371 : vector<1x16xf32> to vector<16xf32>
      %swap3A_373 = vector.shape_cast %mul3A_368 : vector<16xf32> to vector<1x16xf32>
      tpu.vector_store %arg8[%swap3A_369, %swap3A_370], %swap3A_373 {strides = array<i32>} : memref<256x64xf32, #tpu.memory_space<vmem>>, vector<1x16xf32>,
      %scan3A_374 = arith.constant 4 : i32
      %scan3A_375 = arith.addi %scan3A_161, %scan3A_374 : i32
      %mul3A_376 = arith.constant 1 : i32
      %mul3A_377 = arith.muli %scan3A_375, %mul3A_376 : i32
      %add3A_378 = arith.constant 0 : i32
      %add3A_379 = arith.addi %add3A_378, %mul3A_377 : i32
      %get3A_380 = arith.index_cast %add3A_379 : i32 to index
      %get3A_381 = arith.constant 0 : index
      %get3A_382 = tpu.vector_load %arg6[%get3A_380, %get3A_381] {strides = array<i32>} : memref<256x64xf32, #tpu.memory_space<vmem>>, vector<1x16xf32>,
      %get3A_383 = vector.shape_cast %get3A_382 : vector<1x16xf32> to vector<16xf32>
      %mul3A_384 = arith.constant 8.000000e+00 : f32
      %mul3A_385 = vector.broadcast %mul3A_384 : f32 to vector<16xf32>
      %mul3A_386 = arith.mulf %get3A_383, %mul3A_385 : vector<16xf32>
      %swap3A_387 = arith.index_cast %add3A_379 : i32 to index
      %swap3A_388 = arith.constant 0 : index
      %swap3A_389 = tpu.vector_load %arg8[%swap3A_387, %swap3A_388] {strides = array<i32>} : memref<256x64xf32, #tpu.memory_space<vmem>>, vector<1x16xf32>,
      %swap3A_390 = vector.shape_cast %swap3A_389 : vector<1x16xf32> to vector<16xf32>
      %swap3A_391 = vector.shape_cast %mul3A_386 : vector<16xf32> to vector<1x16xf32>
      tpu.vector_store %arg8[%swap3A_387, %swap3A_388], %swap3A_391 {strides = array<i32>} : memref<256x64xf32, #tpu.memory_space<vmem>>, vector<1x16xf32>,
      %get3A_392 = arith.index_cast %add3A_379 : i32 to index
      %get3A_393 = arith.constant 16 : index
      %get3A_394 = tpu.vector_load %arg6[%get3A_392, %get3A_393] {strides = array<i32>} : memref<256x64xf32, #tpu.memory_space<vmem>>, vector<1x16xf32>,
      %get3A_395 = vector.shape_cast %get3A_394 : vector<1x16xf32> to vector<16xf32>
      %mul3A_396 = arith.constant 8.000000e+00 : f32
      %mul3A_397 = vector.broadcast %mul3A_396 : f32 to vector<16xf32>
      %mul3A_398 = arith.mulf %get3A_395, %mul3A_397 : vector<16xf32>
      %swap3A_399 = arith.index_cast %add3A_379 : i32 to index
      %swap3A_400 = arith.constant 16 : index
      %swap3A_401 = tpu.vector_load %arg8[%swap3A_399, %swap3A_400] {strides = array<i32>} : memref<256x64xf32, #tpu.memory_space<vmem>>, vector<1x16xf32>,
      %swap3A_402 = vector.shape_cast %swap3A_401 : vector<1x16xf32> to vector<16xf32>
      %swap3A_403 = vector.shape_cast %mul3A_398 : vector<16xf32> to vector<1x16xf32>
      tpu.vector_store %arg8[%swap3A_399, %swap3A_400], %swap3A_403 {strides = array<i32>} : memref<256x64xf32, #tpu.memory_space<vmem>>, vector<1x16xf32>,
      %get3A_404 = arith.index_cast %add3A_379 : i32 to index
      %get3A_405 = arith.constant 32 : index
      %get3A_406 = tpu.vector_load %arg6[%get3A_404, %get3A_405] {strides = array<i32>} : memref<256x64xf32, #tpu.memory_space<vmem>>, vector<1x16xf32>,
      %get3A_407 = vector.shape_cast %get3A_406 : vector<1x16xf32> to vector<16xf32>
      %mul3A_408 = arith.constant 8.000000e+00 : f32
      %mul3A_409 = vector.broadcast %mul3A_408 : f32 to vector<16xf32>
      %mul3A_410 = arith.mulf %get3A_407, %mul3A_409 : vector<16xf32>
      %swap3A_411 = arith.index_cast %add3A_379 : i32 to index
      %swap3A_412 = arith.constant 32 : index
      %swap3A_413 = tpu.vector_load %arg8[%swap3A_411, %swap3A_412] {strides = array<i32>} : memref<256x64xf32, #tpu.memory_space<vmem>>, vector<1x16xf32>,
      %swap3A_414 = vector.shape_cast %swap3A_413 : vector<1x16xf32> to vector<16xf32>
      %swap3A_415 = vector.shape_cast %mul3A_410 : vector<16xf32> to vector<1x16xf32>
      tpu.vector_store %arg8[%swap3A_411, %swap3A_412], %swap3A_415 {strides = array<i32>} : memref<256x64xf32, #tpu.memory_space<vmem>>, vector<1x16xf32>,
      %get3A_416 = arith.index_cast %add3A_379 : i32 to index
      %get3A_417 = arith.constant 48 : index
      %get3A_418 = tpu.vector_load %arg6[%get3A_416, %get3A_417] {strides = array<i32>} : memref<256x64xf32, #tpu.memory_space<vmem>>, vector<1x16xf32>,
      %get3A_419 = vector.shape_cast %get3A_418 : vector<1x16xf32> to vector<16xf32>
      %mul3A_420 = arith.constant 8.000000e+00 : f32
      %mul3A_421 = vector.broadcast %mul3A_420 : f32 to vector<16xf32>
      %mul3A_422 = arith.mulf %get3A_419, %mul3A_421 : vector<16xf32>
      %swap3A_423 = arith.index_cast %add3A_379 : i32 to index
      %swap3A_424 = arith.constant 48 : index
      %swap3A_425 = tpu.vector_load %arg8[%swap3A_423, %swap3A_424] {strides = array<i32>} : memref<256x64xf32, #tpu.memory_space<vmem>>, vector<1x16xf32>,
      %swap3A_426 = vector.shape_cast %swap3A_425 : vector<1x16xf32> to vector<16xf32>
      %swap3A_427 = vector.shape_cast %mul3A_422 : vector<16xf32> to vector<1x16xf32>
      tpu.vector_store %arg8[%swap3A_423, %swap3A_424], %swap3A_427 {strides = array<i32>} : memref<256x64xf32, #tpu.memory_space<vmem>>, vector<1x16xf32>,
      %scan3A_428 = arith.constant 5 : i32
      %scan3A_429 = arith.addi %scan3A_161, %scan3A_428 : i32
      %mul3A_430 = arith.constant 1 : i32
      %mul3A_431 = arith.muli %scan3A_429, %mul3A_430 : i32
      %add3A_432 = arith.constant 0 : i32
      %add3A_433 = arith.addi %add3A_432, %mul3A_431 : i32
      %get3A_434 = arith.index_cast %add3A_433 : i32 to index
      %get3A_435 = arith.constant 0 : index
      %get3A_436 = tpu.vector_load %arg6[%get3A_434, %get3A_435] {strides = array<i32>} : memref<256x64xf32, #tpu.memory_space<vmem>>, vector<1x16xf32>,
      %get3A_437 = vector.shape_cast %get3A_436 : vector<1x16xf32> to vector<16xf32>
      %mul3A_438 = arith.constant 8.000000e+00 : f32
      %mul3A_439 = vector.broadcast %mul3A_438 : f32 to vector<16xf32>
      %mul3A_440 = arith.mulf %get3A_437, %mul3A_439 : vector<16xf32>
      %swap3A_441 = arith.index_cast %add3A_433 : i32 to index
      %swap3A_442 = arith.constant 0 : index
      %swap3A_443 = tpu.vector_load %arg8[%swap3A_441, %swap3A_442] {strides = array<i32>} : memref<256x64xf32, #tpu.memory_space<vmem>>, vector<1x16xf32>,
      %swap3A_444 = vector.shape_cast %swap3A_443 : vector<1x16xf32> to vector<16xf32>
      %swap3A_445 = vector.shape_cast %mul3A_440 : vector<16xf32> to vector<1x16xf32>
      tpu.vector_store %arg8[%swap3A_441, %swap3A_442], %swap3A_445 {strides = array<i32>} : memref<256x64xf32, #tpu.memory_space<vmem>>, vector<1x16xf32>,
      %get3A_446 = arith.index_cast %add3A_433 : i32 to index
      %get3A_447 = arith.constant 16 : index
      %get3A_448 = tpu.vector_load %arg6[%get3A_446, %get3A_447] {strides = array<i32>} : memref<256x64xf32, #tpu.memory_space<vmem>>, vector<1x16xf32>,
      %get3A_449 = vector.shape_cast %get3A_448 : vector<1x16xf32> to vector<16xf32>
      %mul3A_450 = arith.constant 8.000000e+00 : f32
      %mul3A_451 = vector.broadcast %mul3A_450 : f32 to vector<16xf32>
      %mul3A_452 = arith.mulf %get3A_449, %mul3A_451 : vector<16xf32>
      %swap3A_453 = arith.index_cast %add3A_433 : i32 to index
      %swap3A_454 = arith.constant 16 : index
      %swap3A_455 = tpu.vector_load %arg8[%swap3A_453, %swap3A_454] {strides = array<i32>} : memref<256x64xf32, #tpu.memory_space<vmem>>, vector<1x16xf32>,
      %swap3A_456 = vector.shape_cast %swap3A_455 : vector<1x16xf32> to vector<16xf32>
      %swap3A_457 = vector.shape_cast %mul3A_452 : vector<16xf32> to vector<1x16xf32>
      tpu.vector_store %arg8[%swap3A_453, %swap3A_454], %swap3A_457 {strides = array<i32>} : memref<256x64xf32, #tpu.memory_space<vmem>>, vector<1x16xf32>,
      %get3A_458 = arith.index_cast %add3A_433 : i32 to index
      %get3A_459 = arith.constant 32 : index
      %get3A_460 = tpu.vector_load %arg6[%get3A_458, %get3A_459] {strides = array<i32>} : memref<256x64xf32, #tpu.memory_space<vmem>>, vector<1x16xf32>,
      %get3A_461 = vector.shape_cast %get3A_460 : vector<1x16xf32> to vector<16xf32>
      %mul3A_462 = arith.constant 8.000000e+00 : f32
      %mul3A_463 = vector.broadcast %mul3A_462 : f32 to vector<16xf32>
      %mul3A_464 = arith.mulf %get3A_461, %mul3A_463 : vector<16xf32>
      %swap3A_465 = arith.index_cast %add3A_433 : i32 to index
      %swap3A_466 = arith.constant 32 : index
      %swap3A_467 = tpu.vector_load %arg8[%swap3A_465, %swap3A_466] {strides = array<i32>} : memref<256x64xf32, #tpu.memory_space<vmem>>, vector<1x16xf32>,
      %swap3A_468 = vector.shape_cast %swap3A_467 : vector<1x16xf32> to vector<16xf32>
      %swap3A_469 = vector.shape_cast %mul3A_464 : vector<16xf32> to vector<1x16xf32>
      tpu.vector_store %arg8[%swap3A_465, %swap3A_466], %swap3A_469 {strides = array<i32>} : memref<256x64xf32, #tpu.memory_space<vmem>>, vector<1x16xf32>,
      %get3A_470 = arith.index_cast %add3A_433 : i32 to index
      %get3A_471 = arith.constant 48 : index
      %get3A_472 = tpu.vector_load %arg6[%get3A_470, %get3A_471] {strides = array<i32>} : memref<256x64xf32, #tpu.memory_space<vmem>>, vector<1x16xf32>,
      %get3A_473 = vector.shape_cast %get3A_472 : vector<1x16xf32> to vector<16xf32>
      %mul3A_474 = arith.constant 8.000000e+00 : f32
      %mul3A_475 = vector.broadcast %mul3A_474 : f32 to vector<16xf32>
      %mul3A_476 = arith.mulf %get3A_473, %mul3A_475 : vector<16xf32>
      %swap3A_477 = arith.index_cast %add3A_433 : i32 to index
      %swap3A_478 = arith.constant 48 : index
      %swap3A_479 = tpu.vector_load %arg8[%swap3A_477, %swap3A_478] {strides = array<i32>} : memref<256x64xf32, #tpu.memory_space<vmem>>, vector<1x16xf32>,
      %swap3A_480 = vector.shape_cast %swap3A_479 : vector<1x16xf32> to vector<16xf32>
      %swap3A_481 = vector.shape_cast %mul3A_476 : vector<16xf32> to vector<1x16xf32>
      tpu.vector_store %arg8[%swap3A_477, %swap3A_478], %swap3A_481 {strides = array<i32>} : memref<256x64xf32, #tpu.memory_space<vmem>>, vector<1x16xf32>,
      %scan3A_482 = arith.constant 6 : i32
      %scan3A_483 = arith.addi %scan3A_161, %scan3A_482 : i32
      %mul3A_484 = arith.constant 1 : i32
      %mul3A_485 = arith.muli %scan3A_483, %mul3A_484 : i32
      %add3A_486 = arith.constant 0 : i32
      %add3A_487 = arith.addi %add3A_486, %mul3A_485 : i32
      %get3A_488 = arith.index_cast %add3A_487 : i32 to index
      %get3A_489 = arith.constant 0 : index
      %get3A_490 = tpu.vector_load %arg6[%get3A_488, %get3A_489] {strides = array<i32>} : memref<256x64xf32, #tpu.memory_space<vmem>>, vector<1x16xf32>,
      %get3A_491 = vector.shape_cast %get3A_490 : vector<1x16xf32> to vector<16xf32>
      %mul3A_492 = arith.constant 8.000000e+00 : f32
      %mul3A_493 = vector.broadcast %mul3A_492 : f32 to vector<16xf32>
      %mul3A_494 = arith.mulf %get3A_491, %mul3A_493 : vector<16xf32>
      %swap3A_495 = arith.index_cast %add3A_487 : i32 to index
      %swap3A_496 = arith.constant 0 : index
      %swap3A_497 = tpu.vector_load %arg8[%swap3A_495, %swap3A_496] {strides = array<i32>} : memref<256x64xf32, #tpu.memory_space<vmem>>, vector<1x16xf32>,
      %swap3A_498 = vector.shape_cast %swap3A_497 : vector<1x16xf32> to vector<16xf32>
      %swap3A_499 = vector.shape_cast %mul3A_494 : vector<16xf32> to vector<1x16xf32>
      tpu.vector_store %arg8[%swap3A_495, %swap3A_496], %swap3A_499 {strides = array<i32>} : memref<256x64xf32, #tpu.memory_space<vmem>>, vector<1x16xf32>,
      %get3A_500 = arith.index_cast %add3A_487 : i32 to index
      %get3A_501 = arith.constant 16 : index
      %get3A_502 = tpu.vector_load %arg6[%get3A_500, %get3A_501] {strides = array<i32>} : memref<256x64xf32, #tpu.memory_space<vmem>>, vector<1x16xf32>,
      %get3A_503 = vector.shape_cast %get3A_502 : vector<1x16xf32> to vector<16xf32>
      %mul3A_504 = arith.constant 8.000000e+00 : f32
      %mul3A_505 = vector.broadcast %mul3A_504 : f32 to vector<16xf32>
      %mul3A_506 = arith.mulf %get3A_503, %mul3A_505 : vector<16xf32>
      %swap3A_507 = arith.index_cast %add3A_487 : i32 to index
      %swap3A_508 = arith.constant 16 : index
      %swap3A_509 = tpu.vector_load %arg8[%swap3A_507, %swap3A_508] {strides = array<i32>} : memref<256x64xf32, #tpu.memory_space<vmem>>, vector<1x16xf32>,
      %swap3A_510 = vector.shape_cast %swap3A_509 : vector<1x16xf32> to vector<16xf32>
      %swap3A_511 = vector.shape_cast %mul3A_506 : vector<16xf32> to vector<1x16xf32>
      tpu.vector_store %arg8[%swap3A_507, %swap3A_508], %swap3A_511 {strides = array<i32>} : memref<256x64xf32, #tpu.memory_space<vmem>>, vector<1x16xf32>,
      %get3A_512 = arith.index_cast %add3A_487 : i32 to index
      %get3A_513 = arith.constant 32 : index
      %get3A_514 = tpu.vector_load %arg6[%get3A_512, %get3A_513] {strides = array<i32>} : memref<256x64xf32, #tpu.memory_space<vmem>>, vector<1x16xf32>,
      %get3A_515 = vector.shape_cast %get3A_514 : vector<1x16xf32> to vector<16xf32>
      %mul3A_516 = arith.constant 8.000000e+00 : f32
      %mul3A_517 = vector.broadcast %mul3A_516 : f32 to vector<16xf32>
      %mul3A_518 = arith.mulf %get3A_515, %mul3A_517 : vector<16xf32>
      %swap3A_519 = arith.index_cast %add3A_487 : i32 to index
      %swap3A_520 = arith.constant 32 : index
      %swap3A_521 = tpu.vector_load %arg8[%swap3A_519, %swap3A_520] {strides = array<i32>} : memref<256x64xf32, #tpu.memory_space<vmem>>, vector<1x16xf32>,
      %swap3A_522 = vector.shape_cast %swap3A_521 : vector<1x16xf32> to vector<16xf32>
      %swap3A_523 = vector.shape_cast %mul3A_518 : vector<16xf32> to vector<1x16xf32>
      tpu.vector_store %arg8[%swap3A_519, %swap3A_520], %swap3A_523 {strides = array<i32>} : memref<256x64xf32, #tpu.memory_space<vmem>>, vector<1x16xf32>,
      %get3A_524 = arith.index_cast %add3A_487 : i32 to index
      %get3A_525 = arith.constant 48 : index
      %get3A_526 = tpu.vector_load %arg6[%get3A_524, %get3A_525] {strides = array<i32>} : memref<256x64xf32, #tpu.memory_space<vmem>>, vector<1x16xf32>,
      %get3A_527 = vector.shape_cast %get3A_526 : vector<1x16xf32> to vector<16xf32>
      %mul3A_528 = arith.constant 8.000000e+00 : f32
      %mul3A_529 = vector.broadcast %mul3A_528 : f32 to vector<16xf32>
      %mul3A_530 = arith.mulf %get3A_527, %mul3A_529 : vector<16xf32>
      %swap3A_531 = arith.index_cast %add3A_487 : i32 to index
      %swap3A_532 = arith.constant 48 : index
      %swap3A_533 = tpu.vector_load %arg8[%swap3A_531, %swap3A_532] {strides = array<i32>} : memref<256x64xf32, #tpu.memory_space<vmem>>, vector<1x16xf32>,
      %swap3A_534 = vector.shape_cast %swap3A_533 : vector<1x16xf32> to vector<16xf32>
      %swap3A_535 = vector.shape_cast %mul3A_530 : vector<16xf32> to vector<1x16xf32>
      tpu.vector_store %arg8[%swap3A_531, %swap3A_532], %swap3A_535 {strides = array<i32>} : memref<256x64xf32, #tpu.memory_space<vmem>>, vector<1x16xf32>,
      %scan3A_536 = arith.constant 7 : i32
      %scan3A_537 = arith.addi %scan3A_161, %scan3A_536 : i32
      %mul3A_538 = arith.constant 1 : i32
      %mul3A_539 = arith.muli %scan3A_537, %mul3A_538 : i32
      %add3A_540 = arith.constant 0 : i32
      %add3A_541 = arith.addi %add3A_540, %mul3A_539 : i32
      %get3A_542 = arith.index_cast %add3A_541 : i32 to index
      %get3A_543 = arith.constant 0 : index
      %get3A_544 = tpu.vector_load %arg6[%get3A_542, %get3A_543] {strides = array<i32>} : memref<256x64xf32, #tpu.memory_space<vmem>>, vector<1x16xf32>,
      %get3A_545 = vector.shape_cast %get3A_544 : vector<1x16xf32> to vector<16xf32>
      %mul3A_546 = arith.constant 8.000000e+00 : f32
      %mul3A_547 = vector.broadcast %mul3A_546 : f32 to vector<16xf32>
      %mul3A_548 = arith.mulf %get3A_545, %mul3A_547 : vector<16xf32>
      %swap3A_549 = arith.index_cast %add3A_541 : i32 to index
      %swap3A_550 = arith.constant 0 : index
      %swap3A_551 = tpu.vector_load %arg8[%swap3A_549, %swap3A_550] {strides = array<i32>} : memref<256x64xf32, #tpu.memory_space<vmem>>, vector<1x16xf32>,
      %swap3A_552 = vector.shape_cast %swap3A_551 : vector<1x16xf32> to vector<16xf32>
      %swap3A_553 = vector.shape_cast %mul3A_548 : vector<16xf32> to vector<1x16xf32>
      tpu.vector_store %arg8[%swap3A_549, %swap3A_550], %swap3A_553 {strides = array<i32>} : memref<256x64xf32, #tpu.memory_space<vmem>>, vector<1x16xf32>,
      %get3A_554 = arith.index_cast %add3A_541 : i32 to index
      %get3A_555 = arith.constant 16 : index
      %get3A_556 = tpu.vector_load %arg6[%get3A_554, %get3A_555] {strides = array<i32>} : memref<256x64xf32, #tpu.memory_space<vmem>>, vector<1x16xf32>,
      %get3A_557 = vector.shape_cast %get3A_556 : vector<1x16xf32> to vector<16xf32>
      %mul3A_558 = arith.constant 8.000000e+00 : f32
      %mul3A_559 = vector.broadcast %mul3A_558 : f32 to vector<16xf32>
      %mul3A_560 = arith.mulf %get3A_557, %mul3A_559 : vector<16xf32>
      %swap3A_561 = arith.index_cast %add3A_541 : i32 to index
      %swap3A_562 = arith.constant 16 : index
      %swap3A_563 = tpu.vector_load %arg8[%swap3A_561, %swap3A_562] {strides = array<i32>} : memref<256x64xf32, #tpu.memory_space<vmem>>, vector<1x16xf32>,
      %swap3A_564 = vector.shape_cast %swap3A_563 : vector<1x16xf32> to vector<16xf32>
      %swap3A_565 = vector.shape_cast %mul3A_560 : vector<16xf32> to vector<1x16xf32>
      tpu.vector_store %arg8[%swap3A_561, %swap3A_562], %swap3A_565 {strides = array<i32>} : memref<256x64xf32, #tpu.memory_space<vmem>>, vector<1x16xf32>,
      %get3A_566 = arith.index_cast %add3A_541 : i32 to index
      %get3A_567 = arith.constant 32 : index
      %get3A_568 = tpu.vector_load %arg6[%get3A_566, %get3A_567] {strides = array<i32>} : memref<256x64xf32, #tpu.memory_space<vmem>>, vector<1x16xf32>,
      %get3A_569 = vector.shape_cast %get3A_568 : vector<1x16xf32> to vector<16xf32>
      %mul3A_570 = arith.constant 8.000000e+00 : f32
      %mul3A_571 = vector.broadcast %mul3A_570 : f32 to vector<16xf32>
      %mul3A_572 = arith.mulf %get3A_569, %mul3A_571 : vector<16xf32>
      %swap3A_573 = arith.index_cast %add3A_541 : i32 to index
      %swap3A_574 = arith.constant 32 : index
      %swap3A_575 = tpu.vector_load %arg8[%swap3A_573, %swap3A_574] {strides = array<i32>} : memref<256x64xf32, #tpu.memory_space<vmem>>, vector<1x16xf32>,
      %swap3A_576 = vector.shape_cast %swap3A_575 : vector<1x16xf32> to vector<16xf32>
      %swap3A_577 = vector.shape_cast %mul3A_572 : vector<16xf32> to vector<1x16xf32>
      tpu.vector_store %arg8[%swap3A_573, %swap3A_574], %swap3A_577 {strides = array<i32>} : memref<256x64xf32, #tpu.memory_space<vmem>>, vector<1x16xf32>,
      %get3A_578 = arith.index_cast %add3A_541 : i32 to index
      %get3A_579 = arith.constant 48 : index
      %get3A_580 = tpu.vector_load %arg6[%get3A_578, %get3A_579] {strides = array<i32>} : memref<256x64xf32, #tpu.memory_space<vmem>>, vector<1x16xf32>,
      %get3A_581 = vector.shape_cast %get3A_580 : vector<1x16xf32> to vector<16xf32>
      %mul3A_582 = arith.constant 8.000000e+00 : f32
      %mul3A_583 = vector.broadcast %mul3A_582 : f32 to vector<16xf32>
      %mul3A_584 = arith.mulf %get3A_581, %mul3A_583 : vector<16xf32>
      %swap3A_585 = arith.index_cast %add3A_541 : i32 to index
      %swap3A_586 = arith.constant 48 : index
      %swap3A_587 = tpu.vector_load %arg8[%swap3A_585, %swap3A_586] {strides = array<i32>} : memref<256x64xf32, #tpu.memory_space<vmem>>, vector<1x16xf32>,
      %swap3A_588 = vector.shape_cast %swap3A_587 : vector<1x16xf32> to vector<16xf32>
      %swap3A_589 = vector.shape_cast %mul3A_584 : vector<16xf32> to vector<1x16xf32>
      tpu.vector_store %arg8[%swap3A_585, %swap3A_586], %swap3A_589 {strides = array<i32>} : memref<256x64xf32, #tpu.memory_space<vmem>>, vector<1x16xf32>,
    }
    %scan3A_119 = arith.constant 256 : i32
    %add3A_120 = arith.constant 25088 : i32
    %add3A_121 = arith.addi %mul3A_2, %add3A_120 : i32
    %dma_start3A_122 = arith.constant 0 : i32
    %dma_start3A_123 = tpu.memref_slice %arg4[%add3A_121, %dma_start3A_122] : memref<819200x64xf32, #tpu.memory_space<hbm>> -> memref<256x64xf32, #tpu.memory_space<hbm>>
    %dma_start3A_124 = arith.constant 0 : i32
    %dma_start3A_125 = tpu.memref_slice %arg4[%add3A_121, %dma_start3A_124] : memref<819200x64xf32, #tpu.memory_space<hbm>> -> memref<256x64xf32, #tpu.memory_space<hbm>>
    tpu.enqueue_dma source(%arg8 : memref<256x64xf32, #tpu.memory_space<vmem>>) target(%dma_start3A_125 : memref<256x64xf32, #tpu.memory_space<hbm>>) target_semaphore(%arg12 : memref<!tpu.dma_semaphore, #tpu.memory_space<semaphore_mem>>)
    %dma_wait3A_126 = arith.constant 0 : i32
    %dma_wait3A_127 = arith.constant 0 : i32
    %dma_wait3A_128 = tpu.memref_slice %arg4[%dma_wait3A_126, %dma_wait3A_127] : memref<819200x64xf32, #tpu.memory_space<hbm>> -> memref<256x64xf32, #tpu.memory_space<hbm>>
    %dma_wait3A_129 = arith.constant 0 : i32
    %dma_wait3A_130 = arith.constant 0 : i32
    %dma_wait3A_131 = tpu.memref_slice %arg4[%dma_wait3A_129, %dma_wait3A_130] : memref<819200x64xf32, #tpu.memory_space<hbm>> -> memref<256x64xf32, #tpu.memory_space<hbm>>
    tpu.wait_dma2 semaphore(%arg11 : memref<!tpu.dma_semaphore, #tpu.memory_space<semaphore_mem>>) src(%dma_wait3A_131 : memref<256x64xf32, #tpu.memory_space<hbm>>) dst(%arg7 : memref<256x64xf32, #tpu.memory_space<vmem>>)
    %dma_wait3A_132 = arith.constant 0 : i32
    %dma_wait3A_133 = arith.constant 0 : i32
    %dma_wait3A_134 = tpu.memref_slice %arg4[%dma_wait3A_132, %dma_wait3A_133] : memref<819200x64xf32, #tpu.memory_space<hbm>> -> memref<256x64xf32, #tpu.memory_space<hbm>>
    %dma_wait3A_135 = arith.constant 0 : i32
    %dma_wait3A_136 = arith.constant 0 : i32
    %dma_wait3A_137 = tpu.memref_slice %arg4[%dma_wait3A_135, %dma_wait3A_136] : memref<819200x64xf32, #tpu.memory_space<hbm>> -> memref<256x64xf32, #tpu.memory_space<hbm>>
    tpu.wait_dma2 semaphore(%arg13 : memref<!tpu.dma_semaphore, #tpu.memory_space<semaphore_mem>>) src(%arg9 : memref<256x64xf32, #tpu.memory_space<vmem>>) dst(%dma_wait3A_137 : memref<256x64xf32, #tpu.memory_space<hbm>>)
    %scan3A_138 = arith.constant 0 : i32
    %scan3A_139 = arith.constant 256 : i32
    %scan3A_140 = arith.addi %scan3A_138, %scan3A_139 : i32
    %scan3A_141 = arith.constant 8 : i32
    scf.for %scan3A_161 = %scan3A_138 to %scan3A_140 step %scan3A_141  : i32 {
      %mul3A_162 = arith.constant 1 : i32
      %mul3A_163 = arith.muli %scan3A_161, %mul3A_162 : i32
      %add3A_164 = arith.constant 0 : i32
      %add3A_165 = arith.addi %add3A_164, %mul3A_163 : i32
      %get3A = arith.index_cast %add3A_165 : i32 to index
      %get3A_166 = arith.constant 0 : index
      %get3A_167 = tpu.vector_load %arg7[%get3A, %get3A_166] {strides = array<i32>} : memref<256x64xf32, #tpu.memory_space<vmem>>, vector<1x16xf32>,
      %get3A_168 = vector.shape_cast %get3A_167 : vector<1x16xf32> to vector<16xf32>
      %mul3A_169 = arith.constant 8.000000e+00 : f32
      %mul3A_170 = vector.broadcast %mul3A_169 : f32 to vector<16xf32>
      %mul3A_171 = arith.mulf %get3A_168, %mul3A_170 : vector<16xf32>
      %swap3A = arith.index_cast %add3A_165 : i32 to index
      %swap3A_172 = arith.constant 0 : index
      %swap3A_173 = tpu.vector_load %arg9[%swap3A, %swap3A_172] {strides = array<i32>} : memref<256x64xf32, #tpu.memory_space<vmem>>, vector<1x16xf32>,
      %swap3A_174 = vector.shape_cast %swap3A_173 : vector<1x16xf32> to vector<16xf32>
      %swap3A_175 = vector.shape_cast %mul3A_171 : vector<16xf32> to vector<1x16xf32>
      tpu.vector_store %arg9[%swap3A, %swap3A_172], %swap3A_175 {strides = array<i32>} : memref<256x64xf32, #tpu.memory_space<vmem>>, vector<1x16xf32>,
      %get3A_176 = arith.index_cast %add3A_165 : i32 to index
      %get3A_177 = arith.constant 16 : index
      %get3A_178 = tpu.vector_load %arg7[%get3A_176, %get3A_177] {strides = array<i32>} : memref<256x64xf32, #tpu.memory_space<vmem>>, vector<1x16xf32>,
      %get3A_179 = vector.shape_cast %get3A_178 : vector<1x16xf32> to vector<16xf32>
      %mul3A_180 = arith.constant 8.000000e+00 : f32
      %mul3A_181 = vector.broadcast %mul3A_180 : f32 to vector<16xf32>
      %mul3A_182 = arith.mulf %get3A_179, %mul3A_181 : vector<16xf32>
      %swap3A_183 = arith.index_cast %add3A_165 : i32 to index
      %swap3A_184 = arith.constant 16 : index
      %swap3A_185 = tpu.vector_load %arg9[%swap3A_183, %swap3A_184] {strides = array<i32>} : memref<256x64xf32, #tpu.memory_space<vmem>>, vector<1x16xf32>,
      %swap3A_186 = vector.shape_cast %swap3A_185 : vector<1x16xf32> to vector<16xf32>
      %swap3A_187 = vector.shape_cast %mul3A_182 : vector<16xf32> to vector<1x16xf32>
      tpu.vector_store %arg9[%swap3A_183, %swap3A_184], %swap3A_187 {strides = array<i32>} : memref<256x64xf32, #tpu.memory_space<vmem>>, vector<1x16xf32>,
      %get3A_188 = arith.index_cast %add3A_165 : i32 to index
      %get3A_189 = arith.constant 32 : index
      %get3A_190 = tpu.vector_load %arg7[%get3A_188, %get3A_189] {strides = array<i32>} : memref<256x64xf32, #tpu.memory_space<vmem>>, vector<1x16xf32>,
      %get3A_191 = vector.shape_cast %get3A_190 : vector<1x16xf32> to vector<16xf32>
      %mul3A_192 = arith.constant 8.000000e+00 : f32
      %mul3A_193 = vector.broadcast %mul3A_192 : f32 to vector<16xf32>
      %mul3A_194 = arith.mulf %get3A_191, %mul3A_193 : vector<16xf32>
      %swap3A_195 = arith.index_cast %add3A_165 : i32 to index
      %swap3A_196 = arith.constant 32 : index
      %swap3A_197 = tpu.vector_load %arg9[%swap3A_195, %swap3A_196] {strides = array<i32>} : memref<256x64xf32, #tpu.memory_space<vmem>>, vector<1x16xf32>,
      %swap3A_198 = vector.shape_cast %swap3A_197 : vector<1x16xf32> to vector<16xf32>
      %swap3A_199 = vector.shape_cast %mul3A_194 : vector<16xf32> to vector<1x16xf32>
      tpu.vector_store %arg9[%swap3A_195, %swap3A_196], %swap3A_199 {strides = array<i32>} : memref<256x64xf32, #tpu.memory_space<vmem>>, vector<1x16xf32>,
      %get3A_200 = arith.index_cast %add3A_165 : i32 to index
      %get3A_201 = arith.constant 48 : index
      %get3A_202 = tpu.vector_load %arg7[%get3A_200, %get3A_201] {strides = array<i32>} : memref<256x64xf32, #tpu.memory_space<vmem>>, vector<1x16xf32>,
      %get3A_203 = vector.shape_cast %get3A_202 : vector<1x16xf32> to vector<16xf32>
      %mul3A_204 = arith.constant 8.000000e+00 : f32
      %mul3A_205 = vector.broadcast %mul3A_204 : f32 to vector<16xf32>
      %mul3A_206 = arith.mulf %get3A_203, %mul3A_205 : vector<16xf32>
      %swap3A_207 = arith.index_cast %add3A_165 : i32 to index
      %swap3A_208 = arith.constant 48 : index
      %swap3A_209 = tpu.vector_load %arg9[%swap3A_207, %swap3A_208] {strides = array<i32>} : memref<256x64xf32, #tpu.memory_space<vmem>>, vector<1x16xf32>,
      %swap3A_210 = vector.shape_cast %swap3A_209 : vector<1x16xf32> to vector<16xf32>
      %swap3A_211 = vector.shape_cast %mul3A_206 : vector<16xf32> to vector<1x16xf32>
      tpu.vector_store %arg9[%swap3A_207, %swap3A_208], %swap3A_211 {strides = array<i32>} : memref<256x64xf32, #tpu.memory_space<vmem>>, vector<1x16xf32>,
      %scan3A_212 = arith.constant 1 : i32
      %scan3A_213 = arith.addi %scan3A_161, %scan3A_212 : i32
      %mul3A_214 = arith.constant 1 : i32
      %mul3A_215 = arith.muli %scan3A_213, %mul3A_214 : i32
      %add3A_216 = arith.constant 0 : i32
      %add3A_217 = arith.addi %add3A_216, %mul3A_215 : i32
      %get3A_218 = arith.index_cast %add3A_217 : i32 to index
      %get3A_219 = arith.constant 0 : index
      %get3A_220 = tpu.vector_load %arg7[%get3A_218, %get3A_219] {strides = array<i32>} : memref<256x64xf32, #tpu.memory_space<vmem>>, vector<1x16xf32>,
      %get3A_221 = vector.shape_cast %get3A_220 : vector<1x16xf32> to vector<16xf32>
      %mul3A_222 = arith.constant 8.000000e+00 : f32
      %mul3A_223 = vector.broadcast %mul3A_222 : f32 to vector<16xf32>
      %mul3A_224 = arith.mulf %get3A_221, %mul3A_223 : vector<16xf32>
      %swap3A_225 = arith.index_cast %add3A_217 : i32 to index
      %swap3A_226 = arith.constant 0 : index
      %swap3A_227 = tpu.vector_load %arg9[%swap3A_225, %swap3A_226] {strides = array<i32>} : memref<256x64xf32, #tpu.memory_space<vmem>>, vector<1x16xf32>,
      %swap3A_228 = vector.shape_cast %swap3A_227 : vector<1x16xf32> to vector<16xf32>
      %swap3A_229 = vector.shape_cast %mul3A_224 : vector<16xf32> to vector<1x16xf32>
      tpu.vector_store %arg9[%swap3A_225, %swap3A_226], %swap3A_229 {strides = array<i32>} : memref<256x64xf32, #tpu.memory_space<vmem>>, vector<1x16xf32>,
      %get3A_230 = arith.index_cast %add3A_217 : i32 to index
      %get3A_231 = arith.constant 16 : index
      %get3A_232 = tpu.vector_load %arg7[%get3A_230, %get3A_231] {strides = array<i32>} : memref<256x64xf32, #tpu.memory_space<vmem>>, vector<1x16xf32>,
      %get3A_233 = vector.shape_cast %get3A_232 : vector<1x16xf32> to vector<16xf32>
      %mul3A_234 = arith.constant 8.000000e+00 : f32
      %mul3A_235 = vector.broadcast %mul3A_234 : f32 to vector<16xf32>
      %mul3A_236 = arith.mulf %get3A_233, %mul3A_235 : vector<16xf32>
      %swap3A_237 = arith.index_cast %add3A_217 : i32 to index
      %swap3A_238 = arith.constant 16 : index
      %swap3A_239 = tpu.vector_load %arg9[%swap3A_237, %swap3A_238] {strides = array<i32>} : memref<256x64xf32, #tpu.memory_space<vmem>>, vector<1x16xf32>,
      %swap3A_240 = vector.shape_cast %swap3A_239 : vector<1x16xf32> to vector<16xf32>
      %swap3A_241 = vector.shape_cast %mul3A_236 : vector<16xf32> to vector<1x16xf32>
      tpu.vector_store %arg9[%swap3A_237, %swap3A_238], %swap3A_241 {strides = array<i32>} : memref<256x64xf32, #tpu.memory_space<vmem>>, vector<1x16xf32>,
      %get3A_242 = arith.index_cast %add3A_217 : i32 to index
      %get3A_243 = arith.constant 32 : index
      %get3A_244 = tpu.vector_load %arg7[%get3A_242, %get3A_243] {strides = array<i32>} : memref<256x64xf32, #tpu.memory_space<vmem>>, vector<1x16xf32>,
      %get3A_245 = vector.shape_cast %get3A_244 : vector<1x16xf32> to vector<16xf32>
      %mul3A_246 = arith.constant 8.000000e+00 : f32
      %mul3A_247 = vector.broadcast %mul3A_246 : f32 to vector<16xf32>
      %mul3A_248 = arith.mulf %get3A_245, %mul3A_247 : vector<16xf32>
      %swap3A_249 = arith.index_cast %add3A_217 : i32 to index
      %swap3A_250 = arith.constant 32 : index
      %swap3A_251 = tpu.vector_load %arg9[%swap3A_249, %swap3A_250] {strides = array<i32>} : memref<256x64xf32, #tpu.memory_space<vmem>>, vector<1x16xf32>,
      %swap3A_252 = vector.shape_cast %swap3A_251 : vector<1x16xf32> to vector<16xf32>
      %swap3A_253 = vector.shape_cast %mul3A_248 : vector<16xf32> to vector<1x16xf32>
      tpu.vector_store %arg9[%swap3A_249, %swap3A_250], %swap3A_253 {strides = array<i32>} : memref<256x64xf32, #tpu.memory_space<vmem>>, vector<1x16xf32>,
      %get3A_254 = arith.index_cast %add3A_217 : i32 to index
      %get3A_255 = arith.constant 48 : index
      %get3A_256 = tpu.vector_load %arg7[%get3A_254, %get3A_255] {strides = array<i32>} : memref<256x64xf32, #tpu.memory_space<vmem>>, vector<1x16xf32>,
      %get3A_257 = vector.shape_cast %get3A_256 : vector<1x16xf32> to vector<16xf32>
      %mul3A_258 = arith.constant 8.000000e+00 : f32
      %mul3A_259 = vector.broadcast %mul3A_258 : f32 to vector<16xf32>
      %mul3A_260 = arith.mulf %get3A_257, %mul3A_259 : vector<16xf32>
      %swap3A_261 = arith.index_cast %add3A_217 : i32 to index
      %swap3A_262 = arith.constant 48 : index
      %swap3A_263 = tpu.vector_load %arg9[%swap3A_261, %swap3A_262] {strides = array<i32>} : memref<256x64xf32, #tpu.memory_space<vmem>>, vector<1x16xf32>,
      %swap3A_264 = vector.shape_cast %swap3A_263 : vector<1x16xf32> to vector<16xf32>
      %swap3A_265 = vector.shape_cast %mul3A_260 : vector<16xf32> to vector<1x16xf32>
      tpu.vector_store %arg9[%swap3A_261, %swap3A_262], %swap3A_265 {strides = array<i32>} : memref<256x64xf32, #tpu.memory_space<vmem>>, vector<1x16xf32>,
      %scan3A_266 = arith.constant 2 : i32
      %scan3A_267 = arith.addi %scan3A_161, %scan3A_266 : i32
      %mul3A_268 = arith.constant 1 : i32
      %mul3A_269 = arith.muli %scan3A_267, %mul3A_268 : i32
      %add3A_270 = arith.constant 0 : i32
      %add3A_271 = arith.addi %add3A_270, %mul3A_269 : i32
      %get3A_272 = arith.index_cast %add3A_271 : i32 to index
      %get3A_273 = arith.constant 0 : index
      %get3A_274 = tpu.vector_load %arg7[%get3A_272, %get3A_273] {strides = array<i32>} : memref<256x64xf32, #tpu.memory_space<vmem>>, vector<1x16xf32>,
      %get3A_275 = vector.shape_cast %get3A_274 : vector<1x16xf32> to vector<16xf32>
      %mul3A_276 = arith.constant 8.000000e+00 : f32
      %mul3A_277 = vector.broadcast %mul3A_276 : f32 to vector<16xf32>
      %mul3A_278 = arith.mulf %get3A_275, %mul3A_277 : vector<16xf32>
      %swap3A_279 = arith.index_cast %add3A_271 : i32 to index
      %swap3A_280 = arith.constant 0 : index
      %swap3A_281 = tpu.vector_load %arg9[%swap3A_279, %swap3A_280] {strides = array<i32>} : memref<256x64xf32, #tpu.memory_space<vmem>>, vector<1x16xf32>,
      %swap3A_282 = vector.shape_cast %swap3A_281 : vector<1x16xf32> to vector<16xf32>
      %swap3A_283 = vector.shape_cast %mul3A_278 : vector<16xf32> to vector<1x16xf32>
      tpu.vector_store %arg9[%swap3A_279, %swap3A_280], %swap3A_283 {strides = array<i32>} : memref<256x64xf32, #tpu.memory_space<vmem>>, vector<1x16xf32>,
      %get3A_284 = arith.index_cast %add3A_271 : i32 to index
      %get3A_285 = arith.constant 16 : index
      %get3A_286 = tpu.vector_load %arg7[%get3A_284, %get3A_285] {strides = array<i32>} : memref<256x64xf32, #tpu.memory_space<vmem>>, vector<1x16xf32>,
      %get3A_287 = vector.shape_cast %get3A_286 : vector<1x16xf32> to vector<16xf32>
      %mul3A_288 = arith.constant 8.000000e+00 : f32
      %mul3A_289 = vector.broadcast %mul3A_288 : f32 to vector<16xf32>
      %mul3A_290 = arith.mulf %get3A_287, %mul3A_289 : vector<16xf32>
      %swap3A_291 = arith.index_cast %add3A_271 : i32 to index
      %swap3A_292 = arith.constant 16 : index
      %swap3A_293 = tpu.vector_load %arg9[%swap3A_291, %swap3A_292] {strides = array<i32>} : memref<256x64xf32, #tpu.memory_space<vmem>>, vector<1x16xf32>,
      %swap3A_294 = vector.shape_cast %swap3A_293 : vector<1x16xf32> to vector<16xf32>
      %swap3A_295 = vector.shape_cast %mul3A_290 : vector<16xf32> to vector<1x16xf32>
      tpu.vector_store %arg9[%swap3A_291, %swap3A_292], %swap3A_295 {strides = array<i32>} : memref<256x64xf32, #tpu.memory_space<vmem>>, vector<1x16xf32>,
      %get3A_296 = arith.index_cast %add3A_271 : i32 to index
      %get3A_297 = arith.constant 32 : index
      %get3A_298 = tpu.vector_load %arg7[%get3A_296, %get3A_297] {strides = array<i32>} : memref<256x64xf32, #tpu.memory_space<vmem>>, vector<1x16xf32>,
      %get3A_299 = vector.shape_cast %get3A_298 : vector<1x16xf32> to vector<16xf32>
      %mul3A_300 = arith.constant 8.000000e+00 : f32
      %mul3A_301 = vector.broadcast %mul3A_300 : f32 to vector<16xf32>
      %mul3A_302 = arith.mulf %get3A_299, %mul3A_301 : vector<16xf32>
      %swap3A_303 = arith.index_cast %add3A_271 : i32 to index
      %swap3A_304 = arith.constant 32 : index
      %swap3A_305 = tpu.vector_load %arg9[%swap3A_303, %swap3A_304] {strides = array<i32>} : memref<256x64xf32, #tpu.memory_space<vmem>>, vector<1x16xf32>,
      %swap3A_306 = vector.shape_cast %swap3A_305 : vector<1x16xf32> to vector<16xf32>
      %swap3A_307 = vector.shape_cast %mul3A_302 : vector<16xf32> to vector<1x16xf32>
      tpu.vector_store %arg9[%swap3A_303, %swap3A_304], %swap3A_307 {strides = array<i32>} : memref<256x64xf32, #tpu.memory_space<vmem>>, vector<1x16xf32>,
      %get3A_308 = arith.index_cast %add3A_271 : i32 to index
      %get3A_309 = arith.constant 48 : index
      %get3A_310 = tpu.vector_load %arg7[%get3A_308, %get3A_309] {strides = array<i32>} : memref<256x64xf32, #tpu.memory_space<vmem>>, vector<1x16xf32>,
      %get3A_311 = vector.shape_cast %get3A_310 : vector<1x16xf32> to vector<16xf32>
      %mul3A_312 = arith.constant 8.000000e+00 : f32
      %mul3A_313 = vector.broadcast %mul3A_312 : f32 to vector<16xf32>
      %mul3A_314 = arith.mulf %get3A_311, %mul3A_313 : vector<16xf32>
      %swap3A_315 = arith.index_cast %add3A_271 : i32 to index
      %swap3A_316 = arith.constant 48 : index
      %swap3A_317 = tpu.vector_load %arg9[%swap3A_315, %swap3A_316] {strides = array<i32>} : memref<256x64xf32, #tpu.memory_space<vmem>>, vector<1x16xf32>,
      %swap3A_318 = vector.shape_cast %swap3A_317 : vector<1x16xf32> to vector<16xf32>
      %swap3A_319 = vector.shape_cast %mul3A_314 : vector<16xf32> to vector<1x16xf32>
      tpu.vector_store %arg9[%swap3A_315, %swap3A_316], %swap3A_319 {strides = array<i32>} : memref<256x64xf32, #tpu.memory_space<vmem>>, vector<1x16xf32>,
      %scan3A_320 = arith.constant 3 : i32
      %scan3A_321 = arith.addi %scan3A_161, %scan3A_320 : i32
      %mul3A_322 = arith.constant 1 : i32
      %mul3A_323 = arith.muli %scan3A_321, %mul3A_322 : i32
      %add3A_324 = arith.constant 0 : i32
      %add3A_325 = arith.addi %add3A_324, %mul3A_323 : i32
      %get3A_326 = arith.index_cast %add3A_325 : i32 to index
      %get3A_327 = arith.constant 0 : index
      %get3A_328 = tpu.vector_load %arg7[%get3A_326, %get3A_327] {strides = array<i32>} : memref<256x64xf32, #tpu.memory_space<vmem>>, vector<1x16xf32>,
      %get3A_329 = vector.shape_cast %get3A_328 : vector<1x16xf32> to vector<16xf32>
      %mul3A_330 = arith.constant 8.000000e+00 : f32
      %mul3A_331 = vector.broadcast %mul3A_330 : f32 to vector<16xf32>
      %mul3A_332 = arith.mulf %get3A_329, %mul3A_331 : vector<16xf32>
      %swap3A_333 = arith.index_cast %add3A_325 : i32 to index
      %swap3A_334 = arith.constant 0 : index
      %swap3A_335 = tpu.vector_load %arg9[%swap3A_333, %swap3A_334] {strides = array<i32>} : memref<256x64xf32, #tpu.memory_space<vmem>>, vector<1x16xf32>,
      %swap3A_336 = vector.shape_cast %swap3A_335 : vector<1x16xf32> to vector<16xf32>
      %swap3A_337 = vector.shape_cast %mul3A_332 : vector<16xf32> to vector<1x16xf32>
      tpu.vector_store %arg9[%swap3A_333, %swap3A_334], %swap3A_337 {strides = array<i32>} : memref<256x64xf32, #tpu.memory_space<vmem>>, vector<1x16xf32>,
      %get3A_338 = arith.index_cast %add3A_325 : i32 to index
      %get3A_339 = arith.constant 16 : index
      %get3A_340 = tpu.vector_load %arg7[%get3A_338, %get3A_339] {strides = array<i32>} : memref<256x64xf32, #tpu.memory_space<vmem>>, vector<1x16xf32>,
      %get3A_341 = vector.shape_cast %get3A_340 : vector<1x16xf32> to vector<16xf32>
      %mul3A_342 = arith.constant 8.000000e+00 : f32
      %mul3A_343 = vector.broadcast %mul3A_342 : f32 to vector<16xf32>
      %mul3A_344 = arith.mulf %get3A_341, %mul3A_343 : vector<16xf32>
      %swap3A_345 = arith.index_cast %add3A_325 : i32 to index
      %swap3A_346 = arith.constant 16 : index
      %swap3A_347 = tpu.vector_load %arg9[%swap3A_345, %swap3A_346] {strides = array<i32>} : memref<256x64xf32, #tpu.memory_space<vmem>>, vector<1x16xf32>,
      %swap3A_348 = vector.shape_cast %swap3A_347 : vector<1x16xf32> to vector<16xf32>
      %swap3A_349 = vector.shape_cast %mul3A_344 : vector<16xf32> to vector<1x16xf32>
      tpu.vector_store %arg9[%swap3A_345, %swap3A_346], %swap3A_349 {strides = array<i32>} : memref<256x64xf32, #tpu.memory_space<vmem>>, vector<1x16xf32>,
      %get3A_350 = arith.index_cast %add3A_325 : i32 to index
      %get3A_351 = arith.constant 32 : index
      %get3A_352 = tpu.vector_load %arg7[%get3A_350, %get3A_351] {strides = array<i32>} : memref<256x64xf32, #tpu.memory_space<vmem>>, vector<1x16xf32>,
      %get3A_353 = vector.shape_cast %get3A_352 : vector<1x16xf32> to vector<16xf32>
      %mul3A_354 = arith.constant 8.000000e+00 : f32
      %mul3A_355 = vector.broadcast %mul3A_354 : f32 to vector<16xf32>
      %mul3A_356 = arith.mulf %get3A_353, %mul3A_355 : vector<16xf32>
      %swap3A_357 = arith.index_cast %add3A_325 : i32 to index
      %swap3A_358 = arith.constant 32 : index
      %swap3A_359 = tpu.vector_load %arg9[%swap3A_357, %swap3A_358] {strides = array<i32>} : memref<256x64xf32, #tpu.memory_space<vmem>>, vector<1x16xf32>,
      %swap3A_360 = vector.shape_cast %swap3A_359 : vector<1x16xf32> to vector<16xf32>
      %swap3A_361 = vector.shape_cast %mul3A_356 : vector<16xf32> to vector<1x16xf32>
      tpu.vector_store %arg9[%swap3A_357, %swap3A_358], %swap3A_361 {strides = array<i32>} : memref<256x64xf32, #tpu.memory_space<vmem>>, vector<1x16xf32>,
      %get3A_362 = arith.index_cast %add3A_325 : i32 to index
      %get3A_363 = arith.constant 48 : index
      %get3A_364 = tpu.vector_load %arg7[%get3A_362, %get3A_363] {strides = array<i32>} : memref<256x64xf32, #tpu.memory_space<vmem>>, vector<1x16xf32>,
      %get3A_365 = vector.shape_cast %get3A_364 : vector<1x16xf32> to vector<16xf32>
      %mul3A_366 = arith.constant 8.000000e+00 : f32
      %mul3A_367 = vector.broadcast %mul3A_366 : f32 to vector<16xf32>
      %mul3A_368 = arith.mulf %get3A_365, %mul3A_367 : vector<16xf32>
      %swap3A_369 = arith.index_cast %add3A_325 : i32 to index
      %swap3A_370 = arith.constant 48 : index
      %swap3A_371 = tpu.vector_load %arg9[%swap3A_369, %swap3A_370] {strides = array<i32>} : memref<256x64xf32, #tpu.memory_space<vmem>>, vector<1x16xf32>,
      %swap3A_372 = vector.shape_cast %swap3A_371 : vector<1x16xf32> to vector<16xf32>
      %swap3A_373 = vector.shape_cast %mul3A_368 : vector<16xf32> to vector<1x16xf32>
      tpu.vector_store %arg9[%swap3A_369, %swap3A_370], %swap3A_373 {strides = array<i32>} : memref<256x64xf32, #tpu.memory_space<vmem>>, vector<1x16xf32>,
      %scan3A_374 = arith.constant 4 : i32
      %scan3A_375 = arith.addi %scan3A_161, %scan3A_374 : i32
      %mul3A_376 = arith.constant 1 : i32
      %mul3A_377 = arith.muli %scan3A_375, %mul3A_376 : i32
      %add3A_378 = arith.constant 0 : i32
      %add3A_379 = arith.addi %add3A_378, %mul3A_377 : i32
      %get3A_380 = arith.index_cast %add3A_379 : i32 to index
      %get3A_381 = arith.constant 0 : index
      %get3A_382 = tpu.vector_load %arg7[%get3A_380, %get3A_381] {strides = array<i32>} : memref<256x64xf32, #tpu.memory_space<vmem>>, vector<1x16xf32>,
      %get3A_383 = vector.shape_cast %get3A_382 : vector<1x16xf32> to vector<16xf32>
      %mul3A_384 = arith.constant 8.000000e+00 : f32
      %mul3A_385 = vector.broadcast %mul3A_384 : f32 to vector<16xf32>
      %mul3A_386 = arith.mulf %get3A_383, %mul3A_385 : vector<16xf32>
      %swap3A_387 = arith.index_cast %add3A_379 : i32 to index
      %swap3A_388 = arith.constant 0 : index
      %swap3A_389 = tpu.vector_load %arg9[%swap3A_387, %swap3A_388] {strides = array<i32>} : memref<256x64xf32, #tpu.memory_space<vmem>>, vector<1x16xf32>,
      %swap3A_390 = vector.shape_cast %swap3A_389 : vector<1x16xf32> to vector<16xf32>
      %swap3A_391 = vector.shape_cast %mul3A_386 : vector<16xf32> to vector<1x16xf32>
      tpu.vector_store %arg9[%swap3A_387, %swap3A_388], %swap3A_391 {strides = array<i32>} : memref<256x64xf32, #tpu.memory_space<vmem>>, vector<1x16xf32>,
      %get3A_392 = arith.index_cast %add3A_379 : i32 to index
      %get3A_393 = arith.constant 16 : index
      %get3A_394 = tpu.vector_load %arg7[%get3A_392, %get3A_393] {strides = array<i32>} : memref<256x64xf32, #tpu.memory_space<vmem>>, vector<1x16xf32>,
      %get3A_395 = vector.shape_cast %get3A_394 : vector<1x16xf32> to vector<16xf32>
      %mul3A_396 = arith.constant 8.000000e+00 : f32
      %mul3A_397 = vector.broadcast %mul3A_396 : f32 to vector<16xf32>
      %mul3A_398 = arith.mulf %get3A_395, %mul3A_397 : vector<16xf32>
      %swap3A_399 = arith.index_cast %add3A_379 : i32 to index
      %swap3A_400 = arith.constant 16 : index
      %swap3A_401 = tpu.vector_load %arg9[%swap3A_399, %swap3A_400] {strides = array<i32>} : memref<256x64xf32, #tpu.memory_space<vmem>>, vector<1x16xf32>,
      %swap3A_402 = vector.shape_cast %swap3A_401 : vector<1x16xf32> to vector<16xf32>
      %swap3A_403 = vector.shape_cast %mul3A_398 : vector<16xf32> to vector<1x16xf32>
      tpu.vector_store %arg9[%swap3A_399, %swap3A_400], %swap3A_403 {strides = array<i32>} : memref<256x64xf32, #tpu.memory_space<vmem>>, vector<1x16xf32>,
      %get3A_404 = arith.index_cast %add3A_379 : i32 to index
      %get3A_405 = arith.constant 32 : index
      %get3A_406 = tpu.vector_load %arg7[%get3A_404, %get3A_405] {strides = array<i32>} : memref<256x64xf32, #tpu.memory_space<vmem>>, vector<1x16xf32>,
      %get3A_407 = vector.shape_cast %get3A_406 : vector<1x16xf32> to vector<16xf32>
      %mul3A_408 = arith.constant 8.000000e+00 : f32
      %mul3A_409 = vector.broadcast %mul3A_408 : f32 to vector<16xf32>
      %mul3A_410 = arith.mulf %get3A_407, %mul3A_409 : vector<16xf32>
      %swap3A_411 = arith.index_cast %add3A_379 : i32 to index
      %swap3A_412 = arith.constant 32 : index
      %swap3A_413 = tpu.vector_load %arg9[%swap3A_411, %swap3A_412] {strides = array<i32>} : memref<256x64xf32, #tpu.memory_space<vmem>>, vector<1x16xf32>,
      %swap3A_414 = vector.shape_cast %swap3A_413 : vector<1x16xf32> to vector<16xf32>
      %swap3A_415 = vector.shape_cast %mul3A_410 : vector<16xf32> to vector<1x16xf32>
      tpu.vector_store %arg9[%swap3A_411, %swap3A_412], %swap3A_415 {strides = array<i32>} : memref<256x64xf32, #tpu.memory_space<vmem>>, vector<1x16xf32>,
      %get3A_416 = arith.index_cast %add3A_379 : i32 to index
      %get3A_417 = arith.constant 48 : index
      %get3A_418 = tpu.vector_load %arg7[%get3A_416, %get3A_417] {strides = array<i32>} : memref<256x64xf32, #tpu.memory_space<vmem>>, vector<1x16xf32>,
      %get3A_419 = vector.shape_cast %get3A_418 : vector<1x16xf32> to vector<16xf32>
      %mul3A_420 = arith.constant 8.000000e+00 : f32
      %mul3A_421 = vector.broadcast %mul3A_420 : f32 to vector<16xf32>
      %mul3A_422 = arith.mulf %get3A_419, %mul3A_421 : vector<16xf32>
      %swap3A_423 = arith.index_cast %add3A_379 : i32 to index
      %swap3A_424 = arith.constant 48 : index
      %swap3A_425 = tpu.vector_load %arg9[%swap3A_423, %swap3A_424] {strides = array<i32>} : memref<256x64xf32, #tpu.memory_space<vmem>>, vector<1x16xf32>,
      %swap3A_426 = vector.shape_cast %swap3A_425 : vector<1x16xf32> to vector<16xf32>
      %swap3A_427 = vector.shape_cast %mul3A_422 : vector<16xf32> to vector<1x16xf32>
      tpu.vector_store %arg9[%swap3A_423, %swap3A_424], %swap3A_427 {strides = array<i32>} : memref<256x64xf32, #tpu.memory_space<vmem>>, vector<1x16xf32>,
      %scan3A_428 = arith.constant 5 : i32
      %scan3A_429 = arith.addi %scan3A_161, %scan3A_428 : i32
      %mul3A_430 = arith.constant 1 : i32
      %mul3A_431 = arith.muli %scan3A_429, %mul3A_430 : i32
      %add3A_432 = arith.constant 0 : i32
      %add3A_433 = arith.addi %add3A_432, %mul3A_431 : i32
      %get3A_434 = arith.index_cast %add3A_433 : i32 to index
      %get3A_435 = arith.constant 0 : index
      %get3A_436 = tpu.vector_load %arg7[%get3A_434, %get3A_435] {strides = array<i32>} : memref<256x64xf32, #tpu.memory_space<vmem>>, vector<1x16xf32>,
      %get3A_437 = vector.shape_cast %get3A_436 : vector<1x16xf32> to vector<16xf32>
      %mul3A_438 = arith.constant 8.000000e+00 : f32
      %mul3A_439 = vector.broadcast %mul3A_438 : f32 to vector<16xf32>
      %mul3A_440 = arith.mulf %get3A_437, %mul3A_439 : vector<16xf32>
      %swap3A_441 = arith.index_cast %add3A_433 : i32 to index
      %swap3A_442 = arith.constant 0 : index
      %swap3A_443 = tpu.vector_load %arg9[%swap3A_441, %swap3A_442] {strides = array<i32>} : memref<256x64xf32, #tpu.memory_space<vmem>>, vector<1x16xf32>,
      %swap3A_444 = vector.shape_cast %swap3A_443 : vector<1x16xf32> to vector<16xf32>
      %swap3A_445 = vector.shape_cast %mul3A_440 : vector<16xf32> to vector<1x16xf32>
      tpu.vector_store %arg9[%swap3A_441, %swap3A_442], %swap3A_445 {strides = array<i32>} : memref<256x64xf32, #tpu.memory_space<vmem>>, vector<1x16xf32>,
      %get3A_446 = arith.index_cast %add3A_433 : i32 to index
      %get3A_447 = arith.constant 16 : index
      %get3A_448 = tpu.vector_load %arg7[%get3A_446, %get3A_447] {strides = array<i32>} : memref<256x64xf32, #tpu.memory_space<vmem>>, vector<1x16xf32>,
      %get3A_449 = vector.shape_cast %get3A_448 : vector<1x16xf32> to vector<16xf32>
      %mul3A_450 = arith.constant 8.000000e+00 : f32
      %mul3A_451 = vector.broadcast %mul3A_450 : f32 to vector<16xf32>
      %mul3A_452 = arith.mulf %get3A_449, %mul3A_451 : vector<16xf32>
      %swap3A_453 = arith.index_cast %add3A_433 : i32 to index
      %swap3A_454 = arith.constant 16 : index
      %swap3A_455 = tpu.vector_load %arg9[%swap3A_453, %swap3A_454] {strides = array<i32>} : memref<256x64xf32, #tpu.memory_space<vmem>>, vector<1x16xf32>,
      %swap3A_456 = vector.shape_cast %swap3A_455 : vector<1x16xf32> to vector<16xf32>
      %swap3A_457 = vector.shape_cast %mul3A_452 : vector<16xf32> to vector<1x16xf32>
      tpu.vector_store %arg9[%swap3A_453, %swap3A_454], %swap3A_457 {strides = array<i32>} : memref<256x64xf32, #tpu.memory_space<vmem>>, vector<1x16xf32>,
      %get3A_458 = arith.index_cast %add3A_433 : i32 to index
      %get3A_459 = arith.constant 32 : index
      %get3A_460 = tpu.vector_load %arg7[%get3A_458, %get3A_459] {strides = array<i32>} : memref<256x64xf32, #tpu.memory_space<vmem>>, vector<1x16xf32>,
      %get3A_461 = vector.shape_cast %get3A_460 : vector<1x16xf32> to vector<16xf32>
      %mul3A_462 = arith.constant 8.000000e+00 : f32
      %mul3A_463 = vector.broadcast %mul3A_462 : f32 to vector<16xf32>
      %mul3A_464 = arith.mulf %get3A_461, %mul3A_463 : vector<16xf32>
      %swap3A_465 = arith.index_cast %add3A_433 : i32 to index
      %swap3A_466 = arith.constant 32 : index
      %swap3A_467 = tpu.vector_load %arg9[%swap3A_465, %swap3A_466] {strides = array<i32>} : memref<256x64xf32, #tpu.memory_space<vmem>>, vector<1x16xf32>,
      %swap3A_468 = vector.shape_cast %swap3A_467 : vector<1x16xf32> to vector<16xf32>
      %swap3A_469 = vector.shape_cast %mul3A_464 : vector<16xf32> to vector<1x16xf32>
      tpu.vector_store %arg9[%swap3A_465, %swap3A_466], %swap3A_469 {strides = array<i32>} : memref<256x64xf32, #tpu.memory_space<vmem>>, vector<1x16xf32>,
      %get3A_470 = arith.index_cast %add3A_433 : i32 to index
      %get3A_471 = arith.constant 48 : index
      %get3A_472 = tpu.vector_load %arg7[%get3A_470, %get3A_471] {strides = array<i32>} : memref<256x64xf32, #tpu.memory_space<vmem>>, vector<1x16xf32>,
      %get3A_473 = vector.shape_cast %get3A_472 : vector<1x16xf32> to vector<16xf32>
      %mul3A_474 = arith.constant 8.000000e+00 : f32
      %mul3A_475 = vector.broadcast %mul3A_474 : f32 to vector<16xf32>
      %mul3A_476 = arith.mulf %get3A_473, %mul3A_475 : vector<16xf32>
      %swap3A_477 = arith.index_cast %add3A_433 : i32 to index
      %swap3A_478 = arith.constant 48 : index
      %swap3A_479 = tpu.vector_load %arg9[%swap3A_477, %swap3A_478] {strides = array<i32>} : memref<256x64xf32, #tpu.memory_space<vmem>>, vector<1x16xf32>,
      %swap3A_480 = vector.shape_cast %swap3A_479 : vector<1x16xf32> to vector<16xf32>
      %swap3A_481 = vector.shape_cast %mul3A_476 : vector<16xf32> to vector<1x16xf32>
      tpu.vector_store %arg9[%swap3A_477, %swap3A_478], %swap3A_481 {strides = array<i32>} : memref<256x64xf32, #tpu.memory_space<vmem>>, vector<1x16xf32>,
      %scan3A_482 = arith.constant 6 : i32
      %scan3A_483 = arith.addi %scan3A_161, %scan3A_482 : i32
      %mul3A_484 = arith.constant 1 : i32
      %mul3A_485 = arith.muli %scan3A_483, %mul3A_484 : i32
      %add3A_486 = arith.constant 0 : i32
      %add3A_487 = arith.addi %add3A_486, %mul3A_485 : i32
      %get3A_488 = arith.index_cast %add3A_487 : i32 to index
      %get3A_489 = arith.constant 0 : index
      %get3A_490 = tpu.vector_load %arg7[%get3A_488, %get3A_489] {strides = array<i32>} : memref<256x64xf32, #tpu.memory_space<vmem>>, vector<1x16xf32>,
      %get3A_491 = vector.shape_cast %get3A_490 : vector<1x16xf32> to vector<16xf32>
      %mul3A_492 = arith.constant 8.000000e+00 : f32
      %mul3A_493 = vector.broadcast %mul3A_492 : f32 to vector<16xf32>
      %mul3A_494 = arith.mulf %get3A_491, %mul3A_493 : vector<16xf32>
      %swap3A_495 = arith.index_cast %add3A_487 : i32 to index
      %swap3A_496 = arith.constant 0 : index
      %swap3A_497 = tpu.vector_load %arg9[%swap3A_495, %swap3A_496] {strides = array<i32>} : memref<256x64xf32, #tpu.memory_space<vmem>>, vector<1x16xf32>,
      %swap3A_498 = vector.shape_cast %swap3A_497 : vector<1x16xf32> to vector<16xf32>
      %swap3A_499 = vector.shape_cast %mul3A_494 : vector<16xf32> to vector<1x16xf32>
      tpu.vector_store %arg9[%swap3A_495, %swap3A_496], %swap3A_499 {strides = array<i32>} : memref<256x64xf32, #tpu.memory_space<vmem>>, vector<1x16xf32>,
      %get3A_500 = arith.index_cast %add3A_487 : i32 to index
      %get3A_501 = arith.constant 16 : index
      %get3A_502 = tpu.vector_load %arg7[%get3A_500, %get3A_501] {strides = array<i32>} : memref<256x64xf32, #tpu.memory_space<vmem>>, vector<1x16xf32>,
      %get3A_503 = vector.shape_cast %get3A_502 : vector<1x16xf32> to vector<16xf32>
      %mul3A_504 = arith.constant 8.000000e+00 : f32
      %mul3A_505 = vector.broadcast %mul3A_504 : f32 to vector<16xf32>
      %mul3A_506 = arith.mulf %get3A_503, %mul3A_505 : vector<16xf32>
      %swap3A_507 = arith.index_cast %add3A_487 : i32 to index
      %swap3A_508 = arith.constant 16 : index
      %swap3A_509 = tpu.vector_load %arg9[%swap3A_507, %swap3A_508] {strides = array<i32>} : memref<256x64xf32, #tpu.memory_space<vmem>>, vector<1x16xf32>,
      %swap3A_510 = vector.shape_cast %swap3A_509 : vector<1x16xf32> to vector<16xf32>
      %swap3A_511 = vector.shape_cast %mul3A_506 : vector<16xf32> to vector<1x16xf32>
      tpu.vector_store %arg9[%swap3A_507, %swap3A_508], %swap3A_511 {strides = array<i32>} : memref<256x64xf32, #tpu.memory_space<vmem>>, vector<1x16xf32>,
      %get3A_512 = arith.index_cast %add3A_487 : i32 to index
      %get3A_513 = arith.constant 32 : index
      %get3A_514 = tpu.vector_load %arg7[%get3A_512, %get3A_513] {strides = array<i32>} : memref<256x64xf32, #tpu.memory_space<vmem>>, vector<1x16xf32>,
      %get3A_515 = vector.shape_cast %get3A_514 : vector<1x16xf32> to vector<16xf32>
      %mul3A_516 = arith.constant 8.000000e+00 : f32
      %mul3A_517 = vector.broadcast %mul3A_516 : f32 to vector<16xf32>
      %mul3A_518 = arith.mulf %get3A_515, %mul3A_517 : vector<16xf32>
      %swap3A_519 = arith.index_cast %add3A_487 : i32 to index
      %swap3A_520 = arith.constant 32 : index
      %swap3A_521 = tpu.vector_load %arg9[%swap3A_519, %swap3A_520] {strides = array<i32>} : memref<256x64xf32, #tpu.memory_space<vmem>>, vector<1x16xf32>,
      %swap3A_522 = vector.shape_cast %swap3A_521 : vector<1x16xf32> to vector<16xf32>
      %swap3A_523 = vector.shape_cast %mul3A_518 : vector<16xf32> to vector<1x16xf32>
      tpu.vector_store %arg9[%swap3A_519, %swap3A_520], %swap3A_523 {strides = array<i32>} : memref<256x64xf32, #tpu.memory_space<vmem>>, vector<1x16xf32>,
      %get3A_524 = arith.index_cast %add3A_487 : i32 to index
      %get3A_525 = arith.constant 48 : index
      %get3A_526 = tpu.vector_load %arg7[%get3A_524, %get3A_525] {strides = array<i32>} : memref<256x64xf32, #tpu.memory_space<vmem>>, vector<1x16xf32>,
      %get3A_527 = vector.shape_cast %get3A_526 : vector<1x16xf32> to vector<16xf32>
      %mul3A_528 = arith.constant 8.000000e+00 : f32
      %mul3A_529 = vector.broadcast %mul3A_528 : f32 to vector<16xf32>
      %mul3A_530 = arith.mulf %get3A_527, %mul3A_529 : vector<16xf32>
      %swap3A_531 = arith.index_cast %add3A_487 : i32 to index
      %swap3A_532 = arith.constant 48 : index
      %swap3A_533 = tpu.vector_load %arg9[%swap3A_531, %swap3A_532] {strides = array<i32>} : memref<256x64xf32, #tpu.memory_space<vmem>>, vector<1x16xf32>,
      %swap3A_534 = vector.shape_cast %swap3A_533 : vector<1x16xf32> to vector<16xf32>
      %swap3A_535 = vector.shape_cast %mul3A_530 : vector<16xf32> to vector<1x16xf32>
      tpu.vector_store %arg9[%swap3A_531, %swap3A_532], %swap3A_535 {strides = array<i32>} : memref<256x64xf32, #tpu.memory_space<vmem>>, vector<1x16xf32>,
      %scan3A_536 = arith.constant 7 : i32
      %scan3A_537 = arith.addi %scan3A_161, %scan3A_536 : i32
      %mul3A_538 = arith.constant 1 : i32
      %mul3A_539 = arith.muli %scan3A_537, %mul3A_538 : i32
      %add3A_540 = arith.constant 0 : i32
      %add3A_541 = arith.addi %add3A_540, %mul3A_539 : i32
      %get3A_542 = arith.index_cast %add3A_541 : i32 to index
      %get3A_543 = arith.constant 0 : index
      %get3A_544 = tpu.vector_load %arg7[%get3A_542, %get3A_543] {strides = array<i32>} : memref<256x64xf32, #tpu.memory_space<vmem>>, vector<1x16xf32>,
      %get3A_545 = vector.shape_cast %get3A_544 : vector<1x16xf32> to vector<16xf32>
      %mul3A_546 = arith.constant 8.000000e+00 : f32
      %mul3A_547 = vector.broadcast %mul3A_546 : f32 to vector<16xf32>
      %mul3A_548 = arith.mulf %get3A_545, %mul3A_547 : vector<16xf32>
      %swap3A_549 = arith.index_cast %add3A_541 : i32 to index
      %swap3A_550 = arith.constant 0 : index
      %swap3A_551 = tpu.vector_load %arg9[%swap3A_549, %swap3A_550] {strides = array<i32>} : memref<256x64xf32, #tpu.memory_space<vmem>>, vector<1x16xf32>,
      %swap3A_552 = vector.shape_cast %swap3A_551 : vector<1x16xf32> to vector<16xf32>
      %swap3A_553 = vector.shape_cast %mul3A_548 : vector<16xf32> to vector<1x16xf32>
      tpu.vector_store %arg9[%swap3A_549, %swap3A_550], %swap3A_553 {strides = array<i32>} : memref<256x64xf32, #tpu.memory_space<vmem>>, vector<1x16xf32>,
      %get3A_554 = arith.index_cast %add3A_541 : i32 to index
      %get3A_555 = arith.constant 16 : index
      %get3A_556 = tpu.vector_load %arg7[%get3A_554, %get3A_555] {strides = array<i32>} : memref<256x64xf32, #tpu.memory_space<vmem>>, vector<1x16xf32>,
      %get3A_557 = vector.shape_cast %get3A_556 : vector<1x16xf32> to vector<16xf32>
      %mul3A_558 = arith.constant 8.000000e+00 : f32
      %mul3A_559 = vector.broadcast %mul3A_558 : f32 to vector<16xf32>
      %mul3A_560 = arith.mulf %get3A_557, %mul3A_559 : vector<16xf32>
      %swap3A_561 = arith.index_cast %add3A_541 : i32 to index
      %swap3A_562 = arith.constant 16 : index
      %swap3A_563 = tpu.vector_load %arg9[%swap3A_561, %swap3A_562] {strides = array<i32>} : memref<256x64xf32, #tpu.memory_space<vmem>>, vector<1x16xf32>,
      %swap3A_564 = vector.shape_cast %swap3A_563 : vector<1x16xf32> to vector<16xf32>
      %swap3A_565 = vector.shape_cast %mul3A_560 : vector<16xf32> to vector<1x16xf32>
      tpu.vector_store %arg9[%swap3A_561, %swap3A_562], %swap3A_565 {strides = array<i32>} : memref<256x64xf32, #tpu.memory_space<vmem>>, vector<1x16xf32>,
      %get3A_566 = arith.index_cast %add3A_541 : i32 to index
      %get3A_567 = arith.constant 32 : index
      %get3A_568 = tpu.vector_load %arg7[%get3A_566, %get3A_567] {strides = array<i32>} : memref<256x64xf32, #tpu.memory_space<vmem>>, vector<1x16xf32>,
      %get3A_569 = vector.shape_cast %get3A_568 : vector<1x16xf32> to vector<16xf32>
      %mul3A_570 = arith.constant 8.000000e+00 : f32
      %mul3A_571 = vector.broadcast %mul3A_570 : f32 to vector<16xf32>
      %mul3A_572 = arith.mulf %get3A_569, %mul3A_571 : vector<16xf32>
      %swap3A_573 = arith.index_cast %add3A_541 : i32 to index
      %swap3A_574 = arith.constant 32 : index
      %swap3A_575 = tpu.vector_load %arg9[%swap3A_573, %swap3A_574] {strides = array<i32>} : memref<256x64xf32, #tpu.memory_space<vmem>>, vector<1x16xf32>,
      %swap3A_576 = vector.shape_cast %swap3A_575 : vector<1x16xf32> to vector<16xf32>
      %swap3A_577 = vector.shape_cast %mul3A_572 : vector<16xf32> to vector<1x16xf32>
      tpu.vector_store %arg9[%swap3A_573, %swap3A_574], %swap3A_577 {strides = array<i32>} : memref<256x64xf32, #tpu.memory_space<vmem>>, vector<1x16xf32>,
      %get3A_578 = arith.index_cast %add3A_541 : i32 to index
      %get3A_579 = arith.constant 48 : index
      %get3A_580 = tpu.vector_load %arg7[%get3A_578, %get3A_579] {strides = array<i32>} : memref<256x64xf32, #tpu.memory_space<vmem>>, vector<1x16xf32>,
      %get3A_581 = vector.shape_cast %get3A_580 : vector<1x16xf32> to vector<16xf32>
      %mul3A_582 = arith.constant 8.000000e+00 : f32
      %mul3A_583 = vector.broadcast %mul3A_582 : f32 to vector<16xf32>
      %mul3A_584 = arith.mulf %get3A_581, %mul3A_583 : vector<16xf32>
      %swap3A_585 = arith.index_cast %add3A_541 : i32 to index
      %swap3A_586 = arith.constant 48 : index
      %swap3A_587 = tpu.vector_load %arg9[%swap3A_585, %swap3A_586] {strides = array<i32>} : memref<256x64xf32, #tpu.memory_space<vmem>>, vector<1x16xf32>,
      %swap3A_588 = vector.shape_cast %swap3A_587 : vector<1x16xf32> to vector<16xf32>
      %swap3A_589 = vector.shape_cast %mul3A_584 : vector<16xf32> to vector<1x16xf32>
      tpu.vector_store %arg9[%swap3A_585, %swap3A_586], %swap3A_589 {strides = array<i32>} : memref<256x64xf32, #tpu.memory_space<vmem>>, vector<1x16xf32>,
    }
    %scan3A_142 = arith.constant 256 : i32
    %add3A_143 = arith.constant 25344 : i32
    %add3A_144 = arith.addi %mul3A_2, %add3A_143 : i32
    %dma_start3A_145 = arith.constant 0 : i32
    %dma_start3A_146 = tpu.memref_slice %arg4[%add3A_144, %dma_start3A_145] : memref<819200x64xf32, #tpu.memory_space<hbm>> -> memref<256x64xf32, #tpu.memory_space<hbm>>
    %dma_start3A_147 = arith.constant 0 : i32
    %dma_start3A_148 = tpu.memref_slice %arg4[%add3A_144, %dma_start3A_147] : memref<819200x64xf32, #tpu.memory_space<hbm>> -> memref<256x64xf32, #tpu.memory_space<hbm>>
    tpu.enqueue_dma source(%arg9 : memref<256x64xf32, #tpu.memory_space<vmem>>) target(%dma_start3A_148 : memref<256x64xf32, #tpu.memory_space<hbm>>) target_semaphore(%arg13 : memref<!tpu.dma_semaphore, #tpu.memory_space<semaphore_mem>>)
    %dma_wait3A_149 = arith.constant 0 : i32
    %dma_wait3A_150 = arith.constant 0 : i32
    %dma_wait3A_151 = tpu.memref_slice %arg4[%dma_wait3A_149, %dma_wait3A_150] : memref<819200x64xf32, #tpu.memory_space<hbm>> -> memref<256x64xf32, #tpu.memory_space<hbm>>
    %dma_wait3A_152 = arith.constant 0 : i32
    %dma_wait3A_153 = arith.constant 0 : i32
    %dma_wait3A_154 = tpu.memref_slice %arg4[%dma_wait3A_152, %dma_wait3A_153] : memref<819200x64xf32, #tpu.memory_space<hbm>> -> memref<256x64xf32, #tpu.memory_space<hbm>>
    tpu.wait_dma2 semaphore(%arg12 : memref<!tpu.dma_semaphore, #tpu.memory_space<semaphore_mem>>) src(%arg8 : memref<256x64xf32, #tpu.memory_space<vmem>>) dst(%dma_wait3A_154 : memref<256x64xf32, #tpu.memory_space<hbm>>)
    %dma_wait3A_155 = arith.constant 0 : i32
    %dma_wait3A_156 = arith.constant 0 : i32
    %dma_wait3A_157 = tpu.memref_slice %arg4[%dma_wait3A_155, %dma_wait3A_156] : memref<819200x64xf32, #tpu.memory_space<hbm>> -> memref<256x64xf32, #tpu.memory_space<hbm>>
    %dma_wait3A_158 = arith.constant 0 : i32
    %dma_wait3A_159 = arith.constant 0 : i32
    %dma_wait3A_160 = tpu.memref_slice %arg4[%dma_wait3A_158, %dma_wait3A_159] : memref<819200x64xf32, #tpu.memory_space<hbm>> -> memref<256x64xf32, #tpu.memory_space<hbm>>
    tpu.wait_dma2 semaphore(%arg13 : memref<!tpu.dma_semaphore, #tpu.memory_space<semaphore_mem>>) src(%arg9 : memref<256x64xf32, #tpu.memory_space<vmem>>) dst(%dma_wait3A_160 : memref<256x64xf32, #tpu.memory_space<hbm>>)
    return
  }
}

</mosaic_0001>

<sc_bundles>
// kernel: kernel.3.cloned.1.call-start
scs
__scs_entry_jumppad:
0x0: {  	(pc) =	sbr.rel $0x88, $3  }
0x1: {  	(tag) =	ssettag $0x0;
	lr =	simm.s32 $0x1  }
0x2: {  	[smem:$0x3F9F] =	sst lr;
	_ =	strace $0xD0000000  }
0x3: {  	_ = 	snop  }
0x4: {  	_ = 	snop  }
0x5: {  	_ = 	snop  }
0x6: {  	_ = 	snop  }
0x7: {  	_ = 	snop  }
__scs_overlays_trampoline_lowered:
0x8: {  	[smem:$0x3FAE] =	sst s0  }
0x9: {  	[smem:$0x3FAF] =	sst s1  }
0xa: {  	[smem:$0x3FB0] =	sst s2  }
0xb: {  	[smem:$0x3FB1] =	sst s3  }
0xc: {  	[smem:$0x3FB2] =	sst s4  }
0xd: {  	[smem:$0x3FB3] =	sst s5  }
0xe: {  	[smem:$0x3FB4] =	sst s6  }
0xf: {  	[smem:$0x3FB5] =	sst s7  }
0x10: {  	[smem:$0x3FB6] =	sst s8  }
0x11: {  	[smem:$0x3FB7] =	sst s9;
	s0 =	simm.s32 @!p0 $0x0  }
0x12: {  	s1 =	sld [smem:$0x3F9D];
	s0 =	simm.s32 @p0 $0x1  }
0x13: {  	[smem:$0x3FB8] =	sst s0;
	s0 =	simm.s32 @!p1 $0x0  }
0x14: {  	s2 =	sld [smem:$0x3F9C];
	s0 =	simm.s32 @p1 $0x1  }
0x15: {  	[smem:$0x3FB9] =	sst s0;
	s0 =	simm.s32 @!p2 $0x0  }
0x16: {  	s3 =	sld [smem:$0x3FDB];
	s0 =	simm.s32 @p2 $0x1  }
0x17: {  	s4 =	simm.s32 $0x1BF5;
	[smem:$0x3FBB] =	sst s0  }
0x18: {  	s0 =	sld [smem:$0x3F9E];
	_ =	swait.ge [sflag:s4], $0x0  }
0x19: {  	s7 =	sld [smem:$0x3F9F]  }
0x1a: {  	s8 =	sadd.s32 $0xFFFFE003, lr  }
0x1b: {  	s9 =	sadd.s32 $0xFFFFFEF7, lr;
	s5 =	simm.s32 $0xFFFFFFFF;
	p2 =	slt.u32 s8, $0xFFFFF086  }
0x1c: {  	p1 =	slt.u32 s9, $0xF7A;
	s5 =	simm.s32 @!p2 $0x0  }
0x1d: {  	s5 =	simm.s32 @p1 $0x1;
	p0 =	seq.s32 s7, s2  }
0x1e: {  	s7 =	smul.u32 @!p0 $0xF7A, s2;
	p2 =	seq.s32 @!p0 s5, $0x0  }
0x1f: {  	s9 =	smul.u32 $0xF7A, s1;
	s8 =	simm.s32 @!p0 $0x1BF5;
	p2 =	por !p2, p0  }
0x20: {  	[sflag:s8] =	ssyncset.s32 @!p0 $0xFFFFF086;
	s6 =	sadd.s32 @!p0 s3, s7;
	s7 =	simm.s32 @!p0 $0x108  }
0x21: {  	s3 =	sadd.s32 s3, s9;
	s6 =	sadd.s32 @!p0 $0x88, s6;
	s7 =	simm.s32 @p2 $0x1082  }
0x22: {  	[simem:s7], [sflag:s8] =	dma.local @!p0 [hbm:s6], $0xF7A  }
0x23: {  	s9 =	sor.u32 $0xD0000000, s2;
	s6 =	simm.s32 $0x108;
	_ =	swait.ge @!p0 [sflag:s8], $0x0  }
0x24: {  	s3 =	sadd.s32 $0x88, s3;
	s6 =	simm.s32 @!p1 $0x1082;
	[sflag:s4] =	ssyncset.s32 $0xFFFFF086  }
0x25: {  	[simem:s6], [sflag:s4] =	dma.local [hbm:s3], $0xF7A  }
0x26: {  	[smem:$0x3F9F] =	sst s1;
	(tag) =	ssettag s2;
	_ =	strace s9  }
0x27: {  	s1 =	sld [smem:$0x3FAF]  }
0x28: {  	s2 =	sld [smem:$0x3FB0]  }
0x29: {  	s4 =	sld [smem:$0x3FB2]  }
0x2a: {  	p0 =	seq.s32 s5, $0x0;
	s5 =	sld [smem:$0x3FB3]  }
0x2b: {  	s6 =	sld [smem:$0x3FB4]  }
0x2c: {  	s7 =	sld [smem:$0x3FB5]  }
0x2d: {  	s3 =	simm.s32 $0x108;
	s8 =	sld [smem:$0x3FB6]  }
0x2e: {  	s3 =	simm.s32 @!p0 $0x1082;
	s9 =	sld [smem:$0x3FB7]  }
0x2f: {  	lr =	sadd.s32 s0, s3;
	s0 =	sld [smem:$0x3FAE]  }
0x30: {  	s3 =	sld [smem:$0x3FB1]  }
0x31: {  	[smem:$0x3FBA] =	sst s10  }
0x32: {  	s10 =	sld [smem:$0x3FB8];
	_ =	sdelay $0x3  }
0x33: {  	p0 =	seq.s32 s10, $0x1;
	s10 =	sld [smem:$0x3FBA];
	_ =	sdelay $0x3  }
0x34: {  	[smem:$0x3FBA] =	sst s10  }
0x35: {  	s10 =	sld [smem:$0x3FB9];
	_ =	sdelay $0x3  }
0x36: {  	p1 =	seq.s32 s10, $0x1;
	s10 =	sld [smem:$0x3FBA];
	_ =	sdelay $0x3  }
0x37: {  	[smem:$0x3FBA] =	sst s10  }
0x38: {  	s10 =	sld [smem:$0x3FBB]  }
0x39: {  	_ = 	snop;
	(pc) =	sbr.ind lr, $3  }
0x3a: {  	_ = 	snop  }
0x3b: {  	_ = 	snop  }
0x3c: {  	p2 =	seq.s32 s10, $0x1;
	s10 =	sld [smem:$0x3FBA]  }
0x3d: {  	_ =	shalt  }
0x3e: {  	_ =	shalt  }
0x3f: {  	_ =	shalt  }
0x40: {  	_ =	shalt  }
0x41: {  	_ =	shalt  }
0x42: {  	_ =	shalt  }
0x43: {  	_ =	shalt  }
0x44: {  	_ =	shalt  }
0x45: {  	_ =	shalt  }
0x46: {  	_ =	shalt  }
0x47: {  	_ =	shalt  }
0x48: {  	_ =	shalt  }
0x49: {  	_ =	shalt  }
0x4a: {  	_ =	shalt  }
0x4b: {  	_ =	shalt  }
0x4c: {  	_ =	shalt  }
0x4d: {  	_ =	shalt  }
0x4e: {  	_ =	shalt  }
0x4f: {  	_ =	shalt  }
0x50: {  	_ =	shalt  }
0x51: {  	_ =	shalt  }
0x52: {  	_ =	shalt  }
0x53: {  	_ =	shalt  }
0x54: {  	_ =	shalt  }
0x55: {  	_ =	shalt  }
0x56: {  	_ =	shalt  }
0x57: {  	_ =	shalt  }
0x58: {  	_ =	shalt  }
0x59: {  	_ =	shalt  }
0x5a: {  	_ =	shalt  }
0x5b: {  	_ =	shalt  }
0x5c: {  	_ =	shalt  }
0x5d: {  	_ =	shalt  }
0x5e: {  	_ =	shalt  }
0x5f: {  	_ =	shalt  }
0x60: {  	_ =	shalt  }
0x61: {  	_ =	shalt  }
0x62: {  	_ =	shalt  }
0x63: {  	_ =	shalt  }
0x64: {  	_ =	shalt  }
0x65: {  	_ =	shalt  }
0x66: {  	_ =	shalt  }
0x67: {  	_ =	shalt  }
0x68: {  	_ =	shalt  }
0x69: {  	_ =	shalt  }
0x6a: {  	_ =	shalt  }
0x6b: {  	_ =	shalt  }
0x6c: {  	_ =	shalt  }
0x6d: {  	_ =	shalt  }
0x6e: {  	_ =	shalt  }
0x6f: {  	_ =	shalt  }
0x70: {  	_ =	shalt  }
0x71: {  	_ =	shalt  }
0x72: {  	_ =	shalt  }
0x73: {  	_ =	shalt  }
0x74: {  	_ =	shalt  }
0x75: {  	_ =	shalt  }
0x76: {  	_ =	shalt  }
0x77: {  	_ =	shalt  }
0x78: {  	_ =	shalt  }
0x79: {  	_ =	shalt  }
0x7a: {  	_ =	shalt  }
0x7b: {  	_ =	shalt  }
0x7c: {  	_ =	shalt  }
0x7d: {  	_ =	shalt  }
0x7e: {  	_ =	shalt  }
0x7f: {  	_ =	shalt  }
0x80: {  	_ =	shalt  }
0x81: {  	_ =	shalt  }
0x82: {  	_ =	shalt  }
0x83: {  	_ =	shalt  }
0x84: {  	_ =	shalt  }
0x85: {  	_ =	shalt  }
0x86: {  	_ =	shalt  }
0x87: {  	_ =	shalt  }
.Lfunc_end0:
.L_simem_size_0:
called_computation.1_lowered:
.L_overlay_start_0:
0x88: {  	s2 =	sld [smem:$0x3FD9]  }
0x89: {  	s3 =	sld [smem:$0x3FFE];
	_ =	sdelay $0x1  }
0x8a: {  	s1 =	srdreg.scid  }
0x8b: {  	s0 =	sand.u32 $0x1, s1  }
0x8c: {  	s17 =	sshll.u32 s0, $0xA;
	s2 =	sadd.s32 s3, s2  }
0x8d: {  	s2 =	sadd.s32 s2, s17  }
0x8e: {  	[smem:$0x3FC6] =	sst s2  }
0x8f: {  	_ = 	snop  }
0x90: {  	s2 =	sld [smem:$0x3FD0];
	(tm) =	ssettm $0x1  }
0x91: {  	s18 =	sld [smem:$0x3FFB];
	_ =	sdelay $0x3  }
0x92: {  	_ =	strace s18  }
0x93: {  	s3 =	sld [smem:$0x3FFC];
	_ =	sdelay $0x3  }
0x94: {  	_ =	strace s3  }
0x95: {  	s3 =	sld [smem:$0x3FFD];
	_ =	sdelay $0x3  }
0x96: {  	_ =	strace s3  }
0x97: {  	_ =	strace $0x8FFFFFFF  }
0x98: {  	s19 =	sld [smem:$0x3FDB];
	_ =	sdelay $0x1  }
0x99: {  	s4 =	simm.s32 $_scs_section_size  }
0x9a: {  	s5 =	simm.s32 $_size__tile_overlayer_lowered;
	s6 =	simm.s32 $_tile_overlayer_lowered  }
0x9b: {  	s22 =	simm.s32 $0x1BFF;
	s21 =	sshll.u32 s6, $0x1;
	s3 =	sadd.s32 s4, s19  }
0x9c: {  	s7 =	simm.s32 $0x0;
	s20 =	sshll.u32 s5, $0x1;
	s5 =	sadd.s32 s21, s3  }
0x9d: {  	[timem:s7], [sflag:s22] =	dma.local [hbm:s5], s20  }
0x9e: {  	_ =	swait.ge [sflag:s22], s20  }
0x9f: {  	s4 =	ssub.s32 $0x0, s20;
	[sflag:s22] =	ssyncset.done $0x0  }
0xa0: {  	[sflag:s22] =	ssyncadd.s32 s4;
	_ =	sdelay $0x1  }
0xa1: {  	s23 =	simm.s32 $0x1B8B  }
0xa2: {  	_ =	swait.ge [sflag:s23], $0x1  }
0xa3: {  	[sflag:s23] =	ssyncset.done $0x0  }
0xa4: {  	s25 =	simm.s32 $0x1B8E;
	s24 =	sld [smem:$0x3FFE];
	[sflag:s23] =	ssyncadd.s32 $0xFFFFFFFF  }
0xa5: {  	s26 =	simm.s32 $execute0_lowered;
	[smem:$0x3FD2] =	sst s25  }
0xa6: {  	s5 =	sshll.u32 s26, $0x1;
	_ =	strace $0x80000046;
	[dreg:$0x1] =	wrdreg $0xFFFFFFFF  }
0xa7: {  	s28 =	simm.s32 $_size_execute0_lowered;
	s3 =	sadd.s32 s3, s5;
	[dreg:$0x0] =	wrdreg $0x0  }
0xa8: {  	s5 =	sshll.u32 s28, $0x1;
	[dreg:$0x2] =	wrdreg s3  }
0xa9: {  	[dreg:$0x3] =	wrdreg s5  }
0xaa: {  	[dreg:$0x4] =	wrdreg $0xC0  }
0xab: {  	_ =	task [dreg:s7], $0x5FFFF  }
0xac: {  	[dreg:$0x1] =	wrdreg $0xFFFFFFFF  }
0xad: {  	[dreg:$0x0] =	wrdreg $0x60  }
0xae: {  	[dreg:$0x2] =	wrdreg s24  }
0xaf: {  	[dreg:$0x3] =	wrdreg s2  }
0xb0: {  	[dreg:$0x4] =	wrdreg $0x9  }
0xb1: {  	_ =	task.clear_ibuf [dreg:s7], $0x5FFFF;
	_ =	strace $0x90000046  }
0xb2: {  	s29 =	simm.s32 $0x9;
	_ =	strace $0x80000048  }
0xb3: {  	_ =	swait.ge [sflag:s29], $0x1  }
0xb4: {  	[sflag:s29] =	ssyncadd.s32 $0xFFFFFFFF  }
0xb5: {  	_ =	strace $0x90000048  }
0xb6: {  	_ =	sfence  }
0xb7: {  	s30 =	sld [smem:$0x0];
	_ =	sdelay $0x2  }
0xb8: {  	s31 =	sshll.u32 s1, $0xD;
	s1 =	sshrl.u32 s1, $0x2  }
0xb9: {  	s3 =	sand.u32 $0x4000, s31;
	s1 =	sadd.s32 s1, s30  }
0xba: {  	s0 =	sor.u32 s3, s0;
	s1 =	sshll.u32 s1, $0x11  }
0xbb: {  	s0 =	sor.u32 s1, s0  }
0xbc: {  	s0 =	sadd.s32 $0x8F2B, s0  }
0xbd: {  	[sflag:s0] =	ssyncadd.remote.s32 $0x1  }
0xbe: {  	_ =	sfence.sel $0xFFFF  }
0xbf: {  	[dreg:$0x0] =	wrdreg $0xFFFFFFFF;
	(pc) =	sbr.abs _section_cstart, $3  }
0xc0: {  	[dreg:$0x1] =	wrdreg $0xFFFFFFFF  }
0xc1: {  	_ =	task.clear_ibuf [dreg:s7], $0x2FFFF;
	_ =	strace $0x9FFFFFFF  }
0xc2: {  	(tm) =	ssettm $0x7FFFFFFF  }
0xc3: {  	_ =	shalt  }
tec
execute0_lowered:
.L_overlay_start_1:
0x0: {  	(tag) =	ssettag $0x1  }
0x1: {  	s0 =	rddreg [dreg:$0x0];
	s1 =	srdreg.scid  }
0x2: {  	s3 =	stileid.u32;
	s2 =	rddreg [dreg:$0x1];
	s13 =	simm.s32 $0x5  }
0x3: {  	s14 =	simm.s32 $0x80;
	s15 =	simm.s32 $0x6400;
	s16 =	simm.s32 $0x8400  }
0x4: {  	s18 =	simm.s32 $0xA400;
	s20 =	simm.s32 $0xC400;
	s21 =	simm.s32 $0x1  }
0x5: {  	s22 =	simm.s32 $0xE400;
	s28 =	simm.s32 $0x300;
	s29 =	simm.s32 $0x380  }
0x6: {  	s30 =	simm.s32 $0x3;
	s1 =	sand.u32 $0x1, s1;
	s4 =	sshll.u32 s3, $0x1  }
0x7: {  	s31 =	simm.s32 $0x4;
	s3 =	simm.s32 $0x0;
	s4 =	sor.u32 s1, s4  }
0x8: {  	[smem:$0x7FF] =	sst s3;
	s1 =	ssub.s32 $0x2, s1;
	s9 =	smul.u32 $0x6400, s4  }
0x9: {  	_ =	strace $0x80000047;
	s5 =	smul.u32 $0x32000, s4;
	s25 =	sshrl.u32 s1, $0x1  }
0xa: {  	s7 =	smul.u32 $0x190000, s4;
	s4 =	sadd.s32 $0xF42E00, s0;
	s1 =	ssub.s32 s1, s25  }
0xb: {  	s25 =	simm.s32 $0x2;
	s6 =	sshrl.u32 s9, $0x3;
	s5 =	sadd.s32 s2, s5  }
0xc: {  	s8 =	sshrl.u32 s7, $0x3;
	s12 =	smax.u32 s1, $0x1;
	s1 =	simm.s32 $0x0  }
0xd: {  	s0 =	sadd.s32 s6, s0;
	s7 =	sadd.s32 $0x800, s5;
	s26 =	sadd.s32 s2, s8  }
0xe: {  	s8 =	sor.u32 $0x200, s9;
	s9 =	sor.u32 $0x300, s9;
	s6 =	sadd.s32 $0xA00, s0  }
0xf: {  	s10 =	sadd.s32 $0x31000, s26;
	s11 =	sadd.s32 $0x31800, s26;
	s26 =	simm.s32 $0x12400  }
.LBB2_1:
0x10: {  	[tilespmem:s3], [sflag:$0x5] =	stream.linear.gather [hbm4b:s6+s3], $0x6400, $0x38;
	[tilespmem:$0x16400] =	vst v63  }
0x11: {  	_ =	swait.ge [sflag:s13], $0x6400  }
0x12: {  	[sflag:s13] =	ssyncset.done $0x0  }
0x13: {  	[sflag:s13] =	ssyncadd.s32 $0xFFFF9C00  }
0x14: {  	[tilespmem:s15], [sflag:$0x1] =	stream.indirect.gather [hbm4b:s4+s14], $0x40, s3, s14, $0xb8;
	[tilespmem:$0x16400] =	vst v63  }
0x15: {  	_ = 	snop  }
0x16: {  	[tilespmem:s16], [sflag:$0x1] =	stream.indirect.gather [hbm4b:s4+s14], $0x40, s14, s14, $0xb8;
	[tilespmem:$0x16400] =	vst v63  }
0x17: {  	s0 =	simm.s32 $0x100  }
0x18: {  	[tilespmem:s18], [sflag:$0x2] =	stream.indirect.gather [hbm4b:s4+s14], $0x40, s0, s14, $0xb8;
	[tilespmem:$0x16400] =	vst v63  }
0x19: {  	s24 =	simm.s32 $0x180  }
0x1a: {  	[tilespmem:s20], [sflag:$0x2] =	stream.indirect.gather [hbm4b:s4+s14], $0x40, s24, s14, $0xb8;
	[tilespmem:$0x16400] =	vst v63  }
0x1b: {  	_ =	swait.ge [sflag:s21], $0x4000  }
0x1c: {  	[sflag:s21] =	ssyncset.done $0x0  }
0x1d: {  	s17 =	simm.s32 $0x6500;
	[sflag:s21] =	ssyncadd.s32 $0xFFFFC000  }
0x1e: {  	v0 =	vld [tilespmem:s17+$0xFFFFFF00];
	_ =	sdelay $0x4  }
0x1f: {  	v0 =	vmul.f32 $8.000000000e+00, v0  }
0x20: {  	s0 =	simm.s32 $0xE500  }
0x21: {  	[tilespmem:s0+$0xFFFFFF00] =	vst v0  }
0x22: {  	v0 =	vld [tilespmem:s17+$0xFFFFFF10];
	_ =	sdelay $0x4  }
0x23: {  	v0 =	vmul.f32 $8.000000000e+00, v0;
	_ =	sdelay $0x1  }
0x24: {  	[tilespmem:s0+$0xFFFFFF10] =	vst v0  }
0x25: {  	v0 =	vld [tilespmem:s17+$0xFFFFFF20];
	_ =	sdelay $0x4  }
0x26: {  	v0 =	vmul.f32 $8.000000000e+00, v0;
	_ =	sdelay $0x1  }
0x27: {  	[tilespmem:s0+$0xFFFFFF20] =	vst v0  }
0x28: {  	v0 =	vld [tilespmem:s17+$0xFFFFFF30];
	_ =	sdelay $0x4  }
0x29: {  	v0 =	vmul.f32 $8.000000000e+00, v0;
	_ =	sdelay $0x1  }
0x2a: {  	[tilespmem:s0+$0xFFFFFF30] =	vst v0  }
0x2b: {  	v0 =	vld [tilespmem:s17+$0xFFFFFF40];
	_ =	sdelay $0x4  }
0x2c: {  	v0 =	vmul.f32 $8.000000000e+00, v0;
	_ =	sdelay $0x1  }
0x2d: {  	[tilespmem:s0+$0xFFFFFF40] =	vst v0  }
0x2e: {  	v0 =	vld [tilespmem:s17+$0xFFFFFF50];
	_ =	sdelay $0x4  }
0x2f: {  	v0 =	vmul.f32 $8.000000000e+00, v0;
	_ =	sdelay $0x1  }
0x30: {  	[tilespmem:s0+$0xFFFFFF50] =	vst v0  }
0x31: {  	v0 =	vld [tilespmem:s17+$0xFFFFFF60];
	_ =	sdelay $0x4  }
0x32: {  	v0 =	vmul.f32 $8.000000000e+00, v0;
	_ =	sdelay $0x1  }
0x33: {  	[tilespmem:s0+$0xFFFFFF60] =	vst v0  }
0x34: {  	v0 =	vld [tilespmem:s17+$0xFFFFFF70];
	_ =	sdelay $0x4  }
0x35: {  	v0 =	vmul.f32 $8.000000000e+00, v0;
	_ =	sdelay $0x1  }
0x36: {  	[tilespmem:s0+$0xFFFFFF70] =	vst v0  }
0x37: {  	v0 =	vld [tilespmem:s17+$0xFFFFFF80];
	_ =	sdelay $0x4  }
0x38: {  	v0 =	vmul.f32 $8.000000000e+00, v0;
	_ =	sdelay $0x1  }
0x39: {  	[tilespmem:s0+$0xFFFFFF80] =	vst v0  }
0x3a: {  	v0 =	vld [tilespmem:s17+$0xFFFFFF90];
	_ =	sdelay $0x4  }
0x3b: {  	v0 =	vmul.f32 $8.000000000e+00, v0;
	_ =	sdelay $0x1  }
0x3c: {  	[tilespmem:s0+$0xFFFFFF90] =	vst v0  }
0x3d: {  	v0 =	vld [tilespmem:s17+$0xFFFFFFA0];
	_ =	sdelay $0x4  }
0x3e: {  	v0 =	vmul.f32 $8.000000000e+00, v0;
	_ =	sdelay $0x1  }
0x3f: {  	[tilespmem:s0+$0xFFFFFFA0] =	vst v0  }
0x40: {  	v0 =	vld [tilespmem:s17+$0xFFFFFFB0];
	_ =	sdelay $0x4  }
0x41: {  	v0 =	vmul.f32 $8.000000000e+00, v0;
	_ =	sdelay $0x1  }
0x42: {  	[tilespmem:s0+$0xFFFFFFB0] =	vst v0  }
0x43: {  	v0 =	vld [tilespmem:s17+$0xFFFFFFC0];
	_ =	sdelay $0x4  }
0x44: {  	v0 =	vmul.f32 $8.000000000e+00, v0;
	_ =	sdelay $0x1  }
0x45: {  	[tilespmem:s0+$0xFFFFFFC0] =	vst v0  }
0x46: {  	v0 =	vld [tilespmem:s17+$0xFFFFFFD0];
	_ =	sdelay $0x4  }
0x47: {  	v0 =	vmul.f32 $8.000000000e+00, v0;
	_ =	sdelay $0x1  }
0x48: {  	[tilespmem:s0+$0xFFFFFFD0] =	vst v0  }
0x49: {  	v0 =	vld [tilespmem:s17+$0xFFFFFFE0];
	_ =	sdelay $0x4  }
0x4a: {  	v0 =	vmul.f32 $8.000000000e+00, v0;
	_ =	sdelay $0x1  }
0x4b: {  	[tilespmem:s0+$0xFFFFFFE0] =	vst v0  }
0x4c: {  	v0 =	vld [tilespmem:s17+$0xFFFFFFF0];
	_ =	sdelay $0x4  }
0x4d: {  	v0 =	vmul.f32 $8.000000000e+00, v0;
	_ =	sdelay $0x1  }
0x4e: {  	[tilespmem:s0+$0xFFFFFFF0] =	vst v0  }
0x4f: {  	v0 =	vld [tilespmem:s17+$0x0];
	_ =	sdelay $0x4  }
0x50: {  	v0 =	vmul.f32 $8.000000000e+00, v0;
	_ =	sdelay $0x1  }
0x51: {  	[tilespmem:s0+$0x0] =	vst v0  }
0x52: {  	v0 =	vld [tilespmem:s17+$0x10];
	_ =	sdelay $0x4  }
0x53: {  	v0 =	vmul.f32 $8.000000000e+00, v0;
	_ =	sdelay $0x1  }
0x54: {  	[tilespmem:s0+$0x10] =	vst v0  }
0x55: {  	v0 =	vld [tilespmem:s17+$0x20];
	_ =	sdelay $0x4  }
0x56: {  	v0 =	vmul.f32 $8.000000000e+00, v0;
	_ =	sdelay $0x1  }
0x57: {  	[tilespmem:s0+$0x20] =	vst v0  }
0x58: {  	v0 =	vld [tilespmem:s17+$0x30];
	_ =	sdelay $0x4  }
0x59: {  	v0 =	vmul.f32 $8.000000000e+00, v0;
	_ =	sdelay $0x1  }
0x5a: {  	[tilespmem:s0+$0x30] =	vst v0  }
0x5b: {  	v0 =	vld [tilespmem:s17+$0x40];
	_ =	sdelay $0x4  }
0x5c: {  	v0 =	vmul.f32 $8.000000000e+00, v0;
	_ =	sdelay $0x1  }
0x5d: {  	[tilespmem:s0+$0x40] =	vst v0  }
0x5e: {  	v0 =	vld [tilespmem:s17+$0x50];
	_ =	sdelay $0x4  }
0x5f: {  	v0 =	vmul.f32 $8.000000000e+00, v0;
	_ =	sdelay $0x1  }
0x60: {  	[tilespmem:s0+$0x50] =	vst v0  }
0x61: {  	v0 =	vld [tilespmem:s17+$0x60];
	_ =	sdelay $0x4  }
0x62: {  	v0 =	vmul.f32 $8.000000000e+00, v0;
	_ =	sdelay $0x1  }
0x63: {  	[tilespmem:s0+$0x60] =	vst v0  }
0x64: {  	v0 =	vld [tilespmem:s17+$0x70];
	_ =	sdelay $0x4  }
0x65: {  	v0 =	vmul.f32 $8.000000000e+00, v0;
	_ =	sdelay $0x1  }
0x66: {  	[tilespmem:s0+$0x70] =	vst v0  }
0x67: {  	v0 =	vld [tilespmem:s17+$0x80];
	_ =	sdelay $0x4  }
0x68: {  	v0 =	vmul.f32 $8.000000000e+00, v0;
	_ =	sdelay $0x1  }
0x69: {  	[tilespmem:s0+$0x80] =	vst v0  }
0x6a: {  	v0 =	vld [tilespmem:s17+$0x90];
	_ =	sdelay $0x4  }
0x6b: {  	v0 =	vmul.f32 $8.000000000e+00, v0;
	_ =	sdelay $0x1  }
0x6c: {  	[tilespmem:s0+$0x90] =	vst v0  }
0x6d: {  	v0 =	vld [tilespmem:s17+$0xA0];
	_ =	sdelay $0x4  }
0x6e: {  	v0 =	vmul.f32 $8.000000000e+00, v0;
	_ =	sdelay $0x1  }
0x6f: {  	[tilespmem:s0+$0xA0] =	vst v0  }
0x70: {  	v0 =	vld [tilespmem:s17+$0xB0];
	_ =	sdelay $0x4  }
0x71: {  	v0 =	vmul.f32 $8.000000000e+00, v0;
	_ =	sdelay $0x1  }
0x72: {  	[tilespmem:s0+$0xB0] =	vst v0  }
0x73: {  	v0 =	vld [tilespmem:s17+$0xC0];
	_ =	sdelay $0x4  }
0x74: {  	v0 =	vmul.f32 $8.000000000e+00, v0;
	_ =	sdelay $0x1  }
0x75: {  	[tilespmem:s0+$0xC0] =	vst v0  }
0x76: {  	v0 =	vld [tilespmem:s17+$0xD0];
	_ =	sdelay $0x4  }
0x77: {  	v0 =	vmul.f32 $8.000000000e+00, v0;
	_ =	sdelay $0x1  }
0x78: {  	[tilespmem:s0+$0xD0] =	vst v0  }
0x79: {  	v0 =	vld [tilespmem:s17+$0xE0];
	_ =	sdelay $0x4  }
0x7a: {  	v0 =	vmul.f32 $8.000000000e+00, v0;
	_ =	sdelay $0x1  }
0x7b: {  	[tilespmem:s0+$0xE0] =	vst v0  }
0x7c: {  	v0 =	vld [tilespmem:s17+$0xF0];
	_ =	sdelay $0x4  }
0x7d: {  	v0 =	vmul.f32 $8.000000000e+00, v0;
	_ =	sdelay $0x1  }
0x7e: {  	s19 =	simm.s32 $0x6700;
	s17 =	simm.s32 $0x0;
	[tilespmem:s0+$0xF0] =	vst v0  }
.LBB2_2:
0x7f: {  	v0 =	vld [tilespmem:s19+$0xFFFFFF00];
	s17 =	sadd.s32 $0x8, s17  }
0x80: {  	p0 =	slt.u32 s17, $0xF8;
	_ =	sdelay $0x3  }
0x81: {  	v0 =	vmul.f32 $8.000000000e+00, v0  }
0x82: {  	s0 =	sadd.s32 $0x200, s0  }
0x83: {  	[tilespmem:s0+$0xFFFFFF00] =	vst v0  }
0x84: {  	v0 =	vld [tilespmem:s19+$0xFFFFFF10];
	_ =	sdelay $0x4  }
0x85: {  	v0 =	vmul.f32 $8.000000000e+00, v0;
	_ =	sdelay $0x1  }
0x86: {  	[tilespmem:s0+$0xFFFFFF10] =	vst v0  }
0x87: {  	v0 =	vld [tilespmem:s19+$0xFFFFFF20];
	_ =	sdelay $0x4  }
0x88: {  	v0 =	vmul.f32 $8.000000000e+00, v0;
	_ =	sdelay $0x1  }
0x89: {  	[tilespmem:s0+$0xFFFFFF20] =	vst v0  }
0x8a: {  	v0 =	vld [tilespmem:s19+$0xFFFFFF30];
	_ =	sdelay $0x4  }
0x8b: {  	v0 =	vmul.f32 $8.000000000e+00, v0;
	_ =	sdelay $0x1  }
0x8c: {  	[tilespmem:s0+$0xFFFFFF30] =	vst v0  }
0x8d: {  	v0 =	vld [tilespmem:s19+$0xFFFFFF40];
	_ =	sdelay $0x4  }
0x8e: {  	v0 =	vmul.f32 $8.000000000e+00, v0;
	_ =	sdelay $0x1  }
0x8f: {  	[tilespmem:s0+$0xFFFFFF40] =	vst v0  }
0x90: {  	v0 =	vld [tilespmem:s19+$0xFFFFFF50];
	_ =	sdelay $0x4  }
0x91: {  	v0 =	vmul.f32 $8.000000000e+00, v0;
	_ =	sdelay $0x1  }
0x92: {  	[tilespmem:s0+$0xFFFFFF50] =	vst v0  }
0x93: {  	v0 =	vld [tilespmem:s19+$0xFFFFFF60];
	_ =	sdelay $0x4  }
0x94: {  	v0 =	vmul.f32 $8.000000000e+00, v0;
	_ =	sdelay $0x1  }
0x95: {  	[tilespmem:s0+$0xFFFFFF60] =	vst v0  }
0x96: {  	v0 =	vld [tilespmem:s19+$0xFFFFFF70];
	_ =	sdelay $0x4  }
0x97: {  	v0 =	vmul.f32 $8.000000000e+00, v0;
	_ =	sdelay $0x1  }
0x98: {  	[tilespmem:s0+$0xFFFFFF70] =	vst v0  }
0x99: {  	v0 =	vld [tilespmem:s19+$0xFFFFFF80];
	_ =	sdelay $0x4  }
0x9a: {  	v0 =	vmul.f32 $8.000000000e+00, v0;
	_ =	sdelay $0x1  }
0x9b: {  	[tilespmem:s0+$0xFFFFFF80] =	vst v0  }
0x9c: {  	v0 =	vld [tilespmem:s19+$0xFFFFFF90];
	_ =	sdelay $0x4  }
0x9d: {  	v0 =	vmul.f32 $8.000000000e+00, v0;
	_ =	sdelay $0x1  }
0x9e: {  	[tilespmem:s0+$0xFFFFFF90] =	vst v0  }
0x9f: {  	v0 =	vld [tilespmem:s19+$0xFFFFFFA0];
	_ =	sdelay $0x4  }
0xa0: {  	v0 =	vmul.f32 $8.000000000e+00, v0;
	_ =	sdelay $0x1  }
0xa1: {  	[tilespmem:s0+$0xFFFFFFA0] =	vst v0  }
0xa2: {  	v0 =	vld [tilespmem:s19+$0xFFFFFFB0];
	_ =	sdelay $0x4  }
0xa3: {  	v0 =	vmul.f32 $8.000000000e+00, v0;
	_ =	sdelay $0x1  }
0xa4: {  	[tilespmem:s0+$0xFFFFFFB0] =	vst v0  }
0xa5: {  	v0 =	vld [tilespmem:s19+$0xFFFFFFC0];
	_ =	sdelay $0x4  }
0xa6: {  	v0 =	vmul.f32 $8.000000000e+00, v0;
	_ =	sdelay $0x1  }
0xa7: {  	[tilespmem:s0+$0xFFFFFFC0] =	vst v0  }
0xa8: {  	v0 =	vld [tilespmem:s19+$0xFFFFFFD0];
	_ =	sdelay $0x4  }
0xa9: {  	v0 =	vmul.f32 $8.000000000e+00, v0;
	_ =	sdelay $0x1  }
0xaa: {  	[tilespmem:s0+$0xFFFFFFD0] =	vst v0  }
0xab: {  	v0 =	vld [tilespmem:s19+$0xFFFFFFE0];
	_ =	sdelay $0x4  }
0xac: {  	v0 =	vmul.f32 $8.000000000e+00, v0;
	_ =	sdelay $0x1  }
0xad: {  	[tilespmem:s0+$0xFFFFFFE0] =	vst v0  }
0xae: {  	v0 =	vld [tilespmem:s19+$0xFFFFFFF0];
	_ =	sdelay $0x4  }
0xaf: {  	v0 =	vmul.f32 $8.000000000e+00, v0;
	_ =	sdelay $0x1  }
0xb0: {  	[tilespmem:s0+$0xFFFFFFF0] =	vst v0  }
0xb1: {  	v0 =	vld [tilespmem:s19+$0x0];
	_ =	sdelay $0x4  }
0xb2: {  	v0 =	vmul.f32 $8.000000000e+00, v0;
	_ =	sdelay $0x1  }
0xb3: {  	[tilespmem:s0+$0x0] =	vst v0  }
0xb4: {  	v0 =	vld [tilespmem:s19+$0x10];
	_ =	sdelay $0x4  }
0xb5: {  	v0 =	vmul.f32 $8.000000000e+00, v0;
	_ =	sdelay $0x1  }
0xb6: {  	[tilespmem:s0+$0x10] =	vst v0  }
0xb7: {  	v0 =	vld [tilespmem:s19+$0x20];
	_ =	sdelay $0x4  }
0xb8: {  	v0 =	vmul.f32 $8.000000000e+00, v0;
	_ =	sdelay $0x1  }
0xb9: {  	[tilespmem:s0+$0x20] =	vst v0  }
0xba: {  	v0 =	vld [tilespmem:s19+$0x30];
	_ =	sdelay $0x4  }
0xbb: {  	v0 =	vmul.f32 $8.000000000e+00, v0;
	_ =	sdelay $0x1  }
0xbc: {  	[tilespmem:s0+$0x30] =	vst v0  }
0xbd: {  	v0 =	vld [tilespmem:s19+$0x40];
	_ =	sdelay $0x4  }
0xbe: {  	v0 =	vmul.f32 $8.000000000e+00, v0;
	_ =	sdelay $0x1  }
0xbf: {  	[tilespmem:s0+$0x40] =	vst v0  }
0xc0: {  	v0 =	vld [tilespmem:s19+$0x50];
	_ =	sdelay $0x4  }
0xc1: {  	v0 =	vmul.f32 $8.000000000e+00, v0;
	_ =	sdelay $0x1  }
0xc2: {  	[tilespmem:s0+$0x50] =	vst v0  }
0xc3: {  	v0 =	vld [tilespmem:s19+$0x60];
	_ =	sdelay $0x4  }
0xc4: {  	v0 =	vmul.f32 $8.000000000e+00, v0;
	_ =	sdelay $0x1  }
0xc5: {  	[tilespmem:s0+$0x60] =	vst v0  }
0xc6: {  	v0 =	vld [tilespmem:s19+$0x70];
	_ =	sdelay $0x4  }
0xc7: {  	v0 =	vmul.f32 $8.000000000e+00, v0;
	_ =	sdelay $0x1  }
0xc8: {  	[tilespmem:s0+$0x70] =	vst v0  }
0xc9: {  	v0 =	vld [tilespmem:s19+$0x80];
	_ =	sdelay $0x4  }
0xca: {  	v0 =	vmul.f32 $8.000000000e+00, v0;
	_ =	sdelay $0x1  }
0xcb: {  	[tilespmem:s0+$0x80] =	vst v0  }
0xcc: {  	v0 =	vld [tilespmem:s19+$0x90];
	_ =	sdelay $0x4  }
0xcd: {  	v0 =	vmul.f32 $8.000000000e+00, v0;
	_ =	sdelay $0x1  }
0xce: {  	[tilespmem:s0+$0x90] =	vst v0  }
0xcf: {  	v0 =	vld [tilespmem:s19+$0xA0];
	_ =	sdelay $0x4  }
0xd0: {  	v0 =	vmul.f32 $8.000000000e+00, v0;
	_ =	sdelay $0x1  }
0xd1: {  	[tilespmem:s0+$0xA0] =	vst v0  }
0xd2: {  	v0 =	vld [tilespmem:s19+$0xB0];
	_ =	sdelay $0x4  }
0xd3: {  	v0 =	vmul.f32 $8.000000000e+00, v0;
	_ =	sdelay $0x1  }
0xd4: {  	[tilespmem:s0+$0xB0] =	vst v0  }
0xd5: {  	v0 =	vld [tilespmem:s19+$0xC0];
	_ =	sdelay $0x4  }
0xd6: {  	v0 =	vmul.f32 $8.000000000e+00, v0;
	_ =	sdelay $0x1  }
0xd7: {  	[tilespmem:s0+$0xC0] =	vst v0  }
0xd8: {  	v0 =	vld [tilespmem:s19+$0xD0];
	_ =	sdelay $0x4  }
0xd9: {  	v0 =	vmul.f32 $8.000000000e+00, v0;
	_ =	sdelay $0x1  }
0xda: {  	[tilespmem:s0+$0xD0] =	vst v0  }
0xdb: {  	v0 =	vld [tilespmem:s19+$0xE0];
	_ =	sdelay $0x4  }
0xdc: {  	v0 =	vmul.f32 $8.000000000e+00, v0;
	_ =	sdelay $0x1  }
0xdd: {  	[tilespmem:s0+$0xE0] =	vst v0  }
0xde: {  	v0 =	vld [tilespmem:s19+$0xF0];
	_ =	sdelay $0x2  }
.Ltmp0:
0xdf: {  	(pc) =	sbr.rel @p0 .LBB2_2-.Ltmp0, $3  }
0xe0: {  	_ = 	snop  }
0xe1: {  	v0 =	vmul.f32 $8.000000000e+00, v0;
	_ =	sdelay $0x1  }
0xe2: {  	s19 =	sadd.s32 $0x200, s19;
	[tilespmem:s0+$0xF0] =	vst v0  }
0xe3: {  	[hbm4b:s5+s3] =	stream.linear.scatter [tilespmem:s22], [sflag:$0x3], $0x4000, $0x38;
	[tilespmem:$0x16400] =	vst v63  }
0xe4: {  	s0 =	simm.s32 $0x200  }
0xe5: {  	[tilespmem:s15], [sflag:$0x1] =	stream.indirect.gather [hbm4b:s4+s14], $0x40, s0, s14, $0xb8;
	[tilespmem:$0x16400] =	vst v63  }
0xe6: {  	s24 =	simm.s32 $0x280  }
0xe7: {  	[tilespmem:s16], [sflag:$0x1] =	stream.indirect.gather [hbm4b:s4+s14], $0x40, s24, s14, $0xb8;
	[tilespmem:$0x16400] =	vst v63  }
0xe8: {  	_ =	swait.ge [sflag:s25], $0x4000  }
0xe9: {  	[sflag:s25] =	ssyncset.done $0x0  }
0xea: {  	s17 =	simm.s32 $0xA500;
	[sflag:s25] =	ssyncadd.s32 $0xFFFFC000  }
0xeb: {  	v0 =	vld [tilespmem:s17+$0xFFFFFF00];
	_ =	sdelay $0x4  }
0xec: {  	v0 =	vmul.f32 $8.000000000e+00, v0  }
0xed: {  	s0 =	simm.s32 $0x12500  }
0xee: {  	[tilespmem:s0+$0xFFFFFF00] =	vst v0  }
0xef: {  	v0 =	vld [tilespmem:s17+$0xFFFFFF10];
	_ =	sdelay $0x4  }
0xf0: {  	v0 =	vmul.f32 $8.000000000e+00, v0;
	_ =	sdelay $0x1  }
0xf1: {  	[tilespmem:s0+$0xFFFFFF10] =	vst v0  }
0xf2: {  	v0 =	vld [tilespmem:s17+$0xFFFFFF20];
	_ =	sdelay $0x4  }
0xf3: {  	v0 =	vmul.f32 $8.000000000e+00, v0;
	_ =	sdelay $0x1  }
0xf4: {  	[tilespmem:s0+$0xFFFFFF20] =	vst v0  }
0xf5: {  	v0 =	vld [tilespmem:s17+$0xFFFFFF30];
	_ =	sdelay $0x4  }
0xf6: {  	v0 =	vmul.f32 $8.000000000e+00, v0;
	_ =	sdelay $0x1  }
0xf7: {  	[tilespmem:s0+$0xFFFFFF30] =	vst v0  }
0xf8: {  	v0 =	vld [tilespmem:s17+$0xFFFFFF40];
	_ =	sdelay $0x4  }
0xf9: {  	v0 =	vmul.f32 $8.000000000e+00, v0;
	_ =	sdelay $0x1  }
0xfa: {  	[tilespmem:s0+$0xFFFFFF40] =	vst v0  }
0xfb: {  	v0 =	vld [tilespmem:s17+$0xFFFFFF50];
	_ =	sdelay $0x4  }
0xfc: {  	v0 =	vmul.f32 $8.000000000e+00, v0;
	_ =	sdelay $0x1  }
0xfd: {  	[tilespmem:s0+$0xFFFFFF50] =	vst v0  }
0xfe: {  	v0 =	vld [tilespmem:s17+$0xFFFFFF60];
	_ =	sdelay $0x4  }
0xff: {  	v0 =	vmul.f32 $8.000000000e+00, v0;
	_ =	sdelay $0x1  }
0x100: {  	[tilespmem:s0+$0xFFFFFF60] =	vst v0  }
0x101: {  	v0 =	vld [tilespmem:s17+$0xFFFFFF70];
	_ =	sdelay $0x4  }
0x102: {  	v0 =	vmul.f32 $8.000000000e+00, v0;
	_ =	sdelay $0x1  }
0x103: {  	[tilespmem:s0+$0xFFFFFF70] =	vst v0  }
0x104: {  	v0 =	vld [tilespmem:s17+$0xFFFFFF80];
	_ =	sdelay $0x4  }
0x105: {  	v0 =	vmul.f32 $8.000000000e+00, v0;
	_ =	sdelay $0x1  }
0x106: {  	[tilespmem:s0+$0xFFFFFF80] =	vst v0  }
0x107: {  	v0 =	vld [tilespmem:s17+$0xFFFFFF90];
	_ =	sdelay $0x4  }
0x108: {  	v0 =	vmul.f32 $8.000000000e+00, v0;
	_ =	sdelay $0x1  }
0x109: {  	[tilespmem:s0+$0xFFFFFF90] =	vst v0  }
0x10a: {  	v0 =	vld [tilespmem:s17+$0xFFFFFFA0];
	_ =	sdelay $0x4  }
0x10b: {  	v0 =	vmul.f32 $8.000000000e+00, v0;
	_ =	sdelay $0x1  }
0x10c: {  	[tilespmem:s0+$0xFFFFFFA0] =	vst v0  }
0x10d: {  	v0 =	vld [tilespmem:s17+$0xFFFFFFB0];
	_ =	sdelay $0x4  }
0x10e: {  	v0 =	vmul.f32 $8.000000000e+00, v0;
	_ =	sdelay $0x1  }
0x10f: {  	[tilespmem:s0+$0xFFFFFFB0] =	vst v0  }
0x110: {  	v0 =	vld [tilespmem:s17+$0xFFFFFFC0];
	_ =	sdelay $0x4  }
0x111: {  	v0 =	vmul.f32 $8.000000000e+00, v0;
	_ =	sdelay $0x1  }
0x112: {  	[tilespmem:s0+$0xFFFFFFC0] =	vst v0  }
0x113: {  	v0 =	vld [tilespmem:s17+$0xFFFFFFD0];
	_ =	sdelay $0x4  }
0x114: {  	v0 =	vmul.f32 $8.000000000e+00, v0;
	_ =	sdelay $0x1  }
0x115: {  	[tilespmem:s0+$0xFFFFFFD0] =	vst v0  }
0x116: {  	v0 =	vld [tilespmem:s17+$0xFFFFFFE0];
	_ =	sdelay $0x4  }
0x117: {  	v0 =	vmul.f32 $8.000000000e+00, v0;
	_ =	sdelay $0x1  }
0x118: {  	[tilespmem:s0+$0xFFFFFFE0] =	vst v0  }
0x119: {  	v0 =	vld [tilespmem:s17+$0xFFFFFFF0];
	_ =	sdelay $0x4  }
0x11a: {  	v0 =	vmul.f32 $8.000000000e+00, v0;
	_ =	sdelay $0x1  }
0x11b: {  	[tilespmem:s0+$0xFFFFFFF0] =	vst v0  }
0x11c: {  	v0 =	vld [tilespmem:s17+$0x0];
	_ =	sdelay $0x4  }
0x11d: {  	v0 =	vmul.f32 $8.000000000e+00, v0;
	_ =	sdelay $0x1  }
0x11e: {  	[tilespmem:s0+$0x0] =	vst v0  }
0x11f: {  	v0 =	vld [tilespmem:s17+$0x10];
	_ =	sdelay $0x4  }
0x120: {  	v0 =	vmul.f32 $8.000000000e+00, v0;
	_ =	sdelay $0x1  }
0x121: {  	[tilespmem:s0+$0x10] =	vst v0  }
0x122: {  	v0 =	vld [tilespmem:s17+$0x20];
	_ =	sdelay $0x4  }
0x123: {  	v0 =	vmul.f32 $8.000000000e+00, v0;
	_ =	sdelay $0x1  }
0x124: {  	[tilespmem:s0+$0x20] =	vst v0  }
0x125: {  	v0 =	vld [tilespmem:s17+$0x30];
	_ =	sdelay $0x4  }
0x126: {  	v0 =	vmul.f32 $8.000000000e+00, v0;
	_ =	sdelay $0x1  }
0x127: {  	[tilespmem:s0+$0x30] =	vst v0  }
0x128: {  	v0 =	vld [tilespmem:s17+$0x40];
	_ =	sdelay $0x4  }
0x129: {  	v0 =	vmul.f32 $8.000000000e+00, v0;
	_ =	sdelay $0x1  }
0x12a: {  	[tilespmem:s0+$0x40] =	vst v0  }
0x12b: {  	v0 =	vld [tilespmem:s17+$0x50];
	_ =	sdelay $0x4  }
0x12c: {  	v0 =	vmul.f32 $8.000000000e+00, v0;
	_ =	sdelay $0x1  }
0x12d: {  	[tilespmem:s0+$0x50] =	vst v0  }
0x12e: {  	v0 =	vld [tilespmem:s17+$0x60];
	_ =	sdelay $0x4  }
0x12f: {  	v0 =	vmul.f32 $8.000000000e+00, v0;
	_ =	sdelay $0x1  }
0x130: {  	[tilespmem:s0+$0x60] =	vst v0  }
0x131: {  	v0 =	vld [tilespmem:s17+$0x70];
	_ =	sdelay $0x4  }
0x132: {  	v0 =	vmul.f32 $8.000000000e+00, v0;
	_ =	sdelay $0x1  }
0x133: {  	[tilespmem:s0+$0x70] =	vst v0  }
0x134: {  	v0 =	vld [tilespmem:s17+$0x80];
	_ =	sdelay $0x4  }
0x135: {  	v0 =	vmul.f32 $8.000000000e+00, v0;
	_ =	sdelay $0x1  }
0x136: {  	[tilespmem:s0+$0x80] =	vst v0  }
0x137: {  	v0 =	vld [tilespmem:s17+$0x90];
	_ =	sdelay $0x4  }
0x138: {  	v0 =	vmul.f32 $8.000000000e+00, v0;
	_ =	sdelay $0x1  }
0x139: {  	[tilespmem:s0+$0x90] =	vst v0  }
0x13a: {  	v0 =	vld [tilespmem:s17+$0xA0];
	_ =	sdelay $0x4  }
0x13b: {  	v0 =	vmul.f32 $8.000000000e+00, v0;
	_ =	sdelay $0x1  }
0x13c: {  	[tilespmem:s0+$0xA0] =	vst v0  }
0x13d: {  	v0 =	vld [tilespmem:s17+$0xB0];
	_ =	sdelay $0x4  }
0x13e: {  	v0 =	vmul.f32 $8.000000000e+00, v0;
	_ =	sdelay $0x1  }
0x13f: {  	[tilespmem:s0+$0xB0] =	vst v0  }
0x140: {  	v0 =	vld [tilespmem:s17+$0xC0];
	_ =	sdelay $0x4  }
0x141: {  	v0 =	vmul.f32 $8.000000000e+00, v0;
	_ =	sdelay $0x1  }
0x142: {  	[tilespmem:s0+$0xC0] =	vst v0  }
0x143: {  	v0 =	vld [tilespmem:s17+$0xD0];
	_ =	sdelay $0x4  }
0x144: {  	v0 =	vmul.f32 $8.000000000e+00, v0;
	_ =	sdelay $0x1  }
0x145: {  	[tilespmem:s0+$0xD0] =	vst v0  }
0x146: {  	v0 =	vld [tilespmem:s17+$0xE0];
	_ =	sdelay $0x4  }
0x147: {  	v0 =	vmul.f32 $8.000000000e+00, v0;
	_ =	sdelay $0x1  }
0x148: {  	[tilespmem:s0+$0xE0] =	vst v0  }
0x149: {  	v0 =	vld [tilespmem:s17+$0xF0];
	_ =	sdelay $0x4  }
0x14a: {  	v0 =	vmul.f32 $8.000000000e+00, v0;
	_ =	sdelay $0x1  }
0x14b: {  	s19 =	simm.s32 $0xA700;
	s17 =	simm.s32 $0x0;
	[tilespmem:s0+$0xF0] =	vst v0  }
.LBB2_4:
0x14c: {  	v0 =	vld [tilespmem:s19+$0xFFFFFF00];
	s17 =	sadd.s32 $0x8, s17  }
0x14d: {  	p0 =	slt.u32 s17, $0xF8;
	_ =	sdelay $0x3  }
0x14e: {  	v0 =	vmul.f32 $8.000000000e+00, v0  }
0x14f: {  	s0 =	sadd.s32 $0x200, s0  }
0x150: {  	[tilespmem:s0+$0xFFFFFF00] =	vst v0  }
0x151: {  	v0 =	vld [tilespmem:s19+$0xFFFFFF10];
	_ =	sdelay $0x4  }
0x152: {  	v0 =	vmul.f32 $8.000000000e+00, v0;
	_ =	sdelay $0x1  }
0x153: {  	[tilespmem:s0+$0xFFFFFF10] =	vst v0  }
0x154: {  	v0 =	vld [tilespmem:s19+$0xFFFFFF20];
	_ =	sdelay $0x4  }
0x155: {  	v0 =	vmul.f32 $8.000000000e+00, v0;
	_ =	sdelay $0x1  }
0x156: {  	[tilespmem:s0+$0xFFFFFF20] =	vst v0  }
0x157: {  	v0 =	vld [tilespmem:s19+$0xFFFFFF30];
	_ =	sdelay $0x4  }
0x158: {  	v0 =	vmul.f32 $8.000000000e+00, v0;
	_ =	sdelay $0x1  }
0x159: {  	[tilespmem:s0+$0xFFFFFF30] =	vst v0  }
0x15a: {  	v0 =	vld [tilespmem:s19+$0xFFFFFF40];
	_ =	sdelay $0x4  }
0x15b: {  	v0 =	vmul.f32 $8.000000000e+00, v0;
	_ =	sdelay $0x1  }
0x15c: {  	[tilespmem:s0+$0xFFFFFF40] =	vst v0  }
0x15d: {  	v0 =	vld [tilespmem:s19+$0xFFFFFF50];
	_ =	sdelay $0x4  }
0x15e: {  	v0 =	vmul.f32 $8.000000000e+00, v0;
	_ =	sdelay $0x1  }
0x15f: {  	[tilespmem:s0+$0xFFFFFF50] =	vst v0  }
0x160: {  	v0 =	vld [tilespmem:s19+$0xFFFFFF60];
	_ =	sdelay $0x4  }
0x161: {  	v0 =	vmul.f32 $8.000000000e+00, v0;
	_ =	sdelay $0x1  }
0x162: {  	[tilespmem:s0+$0xFFFFFF60] =	vst v0  }
0x163: {  	v0 =	vld [tilespmem:s19+$0xFFFFFF70];
	_ =	sdelay $0x4  }
0x164: {  	v0 =	vmul.f32 $8.000000000e+00, v0;
	_ =	sdelay $0x1  }
0x165: {  	[tilespmem:s0+$0xFFFFFF70] =	vst v0  }
0x166: {  	v0 =	vld [tilespmem:s19+$0xFFFFFF80];
	_ =	sdelay $0x4  }
0x167: {  	v0 =	vmul.f32 $8.000000000e+00, v0;
	_ =	sdelay $0x1  }
0x168: {  	[tilespmem:s0+$0xFFFFFF80] =	vst v0  }
0x169: {  	v0 =	vld [tilespmem:s19+$0xFFFFFF90];
	_ =	sdelay $0x4  }
0x16a: {  	v0 =	vmul.f32 $8.000000000e+00, v0;
	_ =	sdelay $0x1  }
0x16b: {  	[tilespmem:s0+$0xFFFFFF90] =	vst v0  }
0x16c: {  	v0 =	vld [tilespmem:s19+$0xFFFFFFA0];
	_ =	sdelay $0x4  }
0x16d: {  	v0 =	vmul.f32 $8.000000000e+00, v0;
	_ =	sdelay $0x1  }
0x16e: {  	[tilespmem:s0+$0xFFFFFFA0] =	vst v0  }
0x16f: {  	v0 =	vld [tilespmem:s19+$0xFFFFFFB0];
	_ =	sdelay $0x4  }
0x170: {  	v0 =	vmul.f32 $8.000000000e+00, v0;
	_ =	sdelay $0x1  }
0x171: {  	[tilespmem:s0+$0xFFFFFFB0] =	vst v0  }
0x172: {  	v0 =	vld [tilespmem:s19+$0xFFFFFFC0];
	_ =	sdelay $0x4  }
0x173: {  	v0 =	vmul.f32 $8.000000000e+00, v0;
	_ =	sdelay $0x1  }
0x174: {  	[tilespmem:s0+$0xFFFFFFC0] =	vst v0  }
0x175: {  	v0 =	vld [tilespmem:s19+$0xFFFFFFD0];
	_ =	sdelay $0x4  }
0x176: {  	v0 =	vmul.f32 $8.000000000e+00, v0;
	_ =	sdelay $0x1  }
0x177: {  	[tilespmem:s0+$0xFFFFFFD0] =	vst v0  }
0x178: {  	v0 =	vld [tilespmem:s19+$0xFFFFFFE0];
	_ =	sdelay $0x4  }
0x179: {  	v0 =	vmul.f32 $8.000000000e+00, v0;
	_ =	sdelay $0x1  }
0x17a: {  	[tilespmem:s0+$0xFFFFFFE0] =	vst v0  }
0x17b: {  	v0 =	vld [tilespmem:s19+$0xFFFFFFF0];
	_ =	sdelay $0x4  }
0x17c: {  	v0 =	vmul.f32 $8.000000000e+00, v0;
	_ =	sdelay $0x1  }
0x17d: {  	[tilespmem:s0+$0xFFFFFFF0] =	vst v0  }
0x17e: {  	v0 =	vld [tilespmem:s19+$0x0];
	_ =	sdelay $0x4  }
0x17f: {  	v0 =	vmul.f32 $8.000000000e+00, v0;
	_ =	sdelay $0x1  }
0x180: {  	[tilespmem:s0+$0x0] =	vst v0  }
0x181: {  	v0 =	vld [tilespmem:s19+$0x10];
	_ =	sdelay $0x4  }
0x182: {  	v0 =	vmul.f32 $8.000000000e+00, v0;
	_ =	sdelay $0x1  }
0x183: {  	[tilespmem:s0+$0x10] =	vst v0  }
0x184: {  	v0 =	vld [tilespmem:s19+$0x20];
	_ =	sdelay $0x4  }
0x185: {  	v0 =	vmul.f32 $8.000000000e+00, v0;
	_ =	sdelay $0x1  }
0x186: {  	[tilespmem:s0+$0x20] =	vst v0  }
0x187: {  	v0 =	vld [tilespmem:s19+$0x30];
	_ =	sdelay $0x4  }
0x188: {  	v0 =	vmul.f32 $8.000000000e+00, v0;
	_ =	sdelay $0x1  }
0x189: {  	[tilespmem:s0+$0x30] =	vst v0  }
0x18a: {  	v0 =	vld [tilespmem:s19+$0x40];
	_ =	sdelay $0x4  }
0x18b: {  	v0 =	vmul.f32 $8.000000000e+00, v0;
	_ =	sdelay $0x1  }
0x18c: {  	[tilespmem:s0+$0x40] =	vst v0  }
0x18d: {  	v0 =	vld [tilespmem:s19+$0x50];
	_ =	sdelay $0x4  }
0x18e: {  	v0 =	vmul.f32 $8.000000000e+00, v0;
	_ =	sdelay $0x1  }
0x18f: {  	[tilespmem:s0+$0x50] =	vst v0  }
0x190: {  	v0 =	vld [tilespmem:s19+$0x60];
	_ =	sdelay $0x4  }
0x191: {  	v0 =	vmul.f32 $8.000000000e+00, v0;
	_ =	sdelay $0x1  }
0x192: {  	[tilespmem:s0+$0x60] =	vst v0  }
0x193: {  	v0 =	vld [tilespmem:s19+$0x70];
	_ =	sdelay $0x4  }
0x194: {  	v0 =	vmul.f32 $8.000000000e+00, v0;
	_ =	sdelay $0x1  }
0x195: {  	[tilespmem:s0+$0x70] =	vst v0  }
0x196: {  	v0 =	vld [tilespmem:s19+$0x80];
	_ =	sdelay $0x4  }
0x197: {  	v0 =	vmul.f32 $8.000000000e+00, v0;
	_ =	sdelay $0x1  }
0x198: {  	[tilespmem:s0+$0x80] =	vst v0  }
0x199: {  	v0 =	vld [tilespmem:s19+$0x90];
	_ =	sdelay $0x4  }
0x19a: {  	v0 =	vmul.f32 $8.000000000e+00, v0;
	_ =	sdelay $0x1  }
0x19b: {  	[tilespmem:s0+$0x90] =	vst v0  }
0x19c: {  	v0 =	vld [tilespmem:s19+$0xA0];
	_ =	sdelay $0x4  }
0x19d: {  	v0 =	vmul.f32 $8.000000000e+00, v0;
	_ =	sdelay $0x1  }
0x19e: {  	[tilespmem:s0+$0xA0] =	vst v0  }
0x19f: {  	v0 =	vld [tilespmem:s19+$0xB0];
	_ =	sdelay $0x4  }
0x1a0: {  	v0 =	vmul.f32 $8.000000000e+00, v0;
	_ =	sdelay $0x1  }
0x1a1: {  	[tilespmem:s0+$0xB0] =	vst v0  }
0x1a2: {  	v0 =	vld [tilespmem:s19+$0xC0];
	_ =	sdelay $0x4  }
0x1a3: {  	v0 =	vmul.f32 $8.000000000e+00, v0;
	_ =	sdelay $0x1  }
0x1a4: {  	[tilespmem:s0+$0xC0] =	vst v0  }
0x1a5: {  	v0 =	vld [tilespmem:s19+$0xD0];
	_ =	sdelay $0x4  }
0x1a6: {  	v0 =	vmul.f32 $8.000000000e+00, v0;
	_ =	sdelay $0x1  }
0x1a7: {  	[tilespmem:s0+$0xD0] =	vst v0  }
0x1a8: {  	v0 =	vld [tilespmem:s19+$0xE0];
	_ =	sdelay $0x4  }
0x1a9: {  	v0 =	vmul.f32 $8.000000000e+00, v0;
	_ =	sdelay $0x1  }
0x1aa: {  	[tilespmem:s0+$0xE0] =	vst v0  }
0x1ab: {  	v0 =	vld [tilespmem:s19+$0xF0];
	_ =	sdelay $0x2  }
.Ltmp1:
0x1ac: {  	(pc) =	sbr.rel @p0 .LBB2_4-.Ltmp1, $3  }
0x1ad: {  	_ = 	snop  }
0x1ae: {  	v0 =	vmul.f32 $8.000000000e+00, v0;
	_ =	sdelay $0x1  }
0x1af: {  	s19 =	sadd.s32 $0x200, s19;
	[tilespmem:s0+$0xF0] =	vst v0  }
0x1b0: {  	s0 =	simm.s32 $0x0  }
0x1b1: {  	[hbm4b:s7+s0] =	stream.linear.scatter [tilespmem:s26], [sflag:$0x4], $0x4000, $0x38;
	[tilespmem:$0x16400] =	vst v63  }
0x1b2: {  	_ = 	snop  }
0x1b3: {  	[tilespmem:s18], [sflag:$0x2] =	stream.indirect.gather [hbm4b:s4+s14], $0x40, s28, s14, $0xb8;
	[tilespmem:$0x16400] =	vst v63  }
0x1b4: {  	_ = 	snop  }
0x1b5: {  	[tilespmem:s20], [sflag:$0x2] =	stream.indirect.gather [hbm4b:s4+s14], $0x40, s29, s14, $0xb8;
	[tilespmem:$0x16400] =	vst v63  }
.LBB2_6:
0x1b6: {  	_ =	swait.ge [sflag:s21], $0x4000  }
0x1b7: {  	[sflag:s21] =	ssyncset.done $0x0  }
0x1b8: {  	[sflag:s21] =	ssyncadd.s32 $0xFFFFC000  }
0x1b9: {  	_ =	swait.ge [sflag:s30], $0x4000  }
0x1ba: {  	[sflag:s30] =	ssyncset.done $0x0  }
0x1bb: {  	s19 =	simm.s32 $0x6500;
	[sflag:s30] =	ssyncadd.s32 $0xFFFFC000  }
0x1bc: {  	v0 =	vld [tilespmem:s19+$0xFFFFFF00];
	_ =	sdelay $0x4  }
0x1bd: {  	v0 =	vmul.f32 $8.000000000e+00, v0  }
0x1be: {  	s17 =	simm.s32 $0xE500  }
0x1bf: {  	[tilespmem:s17+$0xFFFFFF00] =	vst v0  }
0x1c0: {  	v0 =	vld [tilespmem:s19+$0xFFFFFF10];
	_ =	sdelay $0x4  }
0x1c1: {  	v0 =	vmul.f32 $8.000000000e+00, v0;
	_ =	sdelay $0x1  }
0x1c2: {  	[tilespmem:s17+$0xFFFFFF10] =	vst v0  }
0x1c3: {  	v0 =	vld [tilespmem:s19+$0xFFFFFF20];
	_ =	sdelay $0x4  }
0x1c4: {  	v0 =	vmul.f32 $8.000000000e+00, v0;
	_ =	sdelay $0x1  }
0x1c5: {  	[tilespmem:s17+$0xFFFFFF20] =	vst v0  }
0x1c6: {  	v0 =	vld [tilespmem:s19+$0xFFFFFF30];
	_ =	sdelay $0x4  }
0x1c7: {  	v0 =	vmul.f32 $8.000000000e+00, v0;
	_ =	sdelay $0x1  }
0x1c8: {  	[tilespmem:s17+$0xFFFFFF30] =	vst v0  }
0x1c9: {  	v0 =	vld [tilespmem:s19+$0xFFFFFF40];
	_ =	sdelay $0x4  }
0x1ca: {  	v0 =	vmul.f32 $8.000000000e+00, v0;
	_ =	sdelay $0x1  }
0x1cb: {  	[tilespmem:s17+$0xFFFFFF40] =	vst v0  }
0x1cc: {  	v0 =	vld [tilespmem:s19+$0xFFFFFF50];
	_ =	sdelay $0x4  }
0x1cd: {  	v0 =	vmul.f32 $8.000000000e+00, v0;
	_ =	sdelay $0x1  }
0x1ce: {  	[tilespmem:s17+$0xFFFFFF50] =	vst v0  }
0x1cf: {  	v0 =	vld [tilespmem:s19+$0xFFFFFF60];
	_ =	sdelay $0x4  }
0x1d0: {  	v0 =	vmul.f32 $8.000000000e+00, v0;
	_ =	sdelay $0x1  }
0x1d1: {  	[tilespmem:s17+$0xFFFFFF60] =	vst v0  }
0x1d2: {  	v0 =	vld [tilespmem:s19+$0xFFFFFF70];
	_ =	sdelay $0x4  }
0x1d3: {  	v0 =	vmul.f32 $8.000000000e+00, v0;
	_ =	sdelay $0x1  }
0x1d4: {  	[tilespmem:s17+$0xFFFFFF70] =	vst v0  }
0x1d5: {  	v0 =	vld [tilespmem:s19+$0xFFFFFF80];
	_ =	sdelay $0x4  }
0x1d6: {  	v0 =	vmul.f32 $8.000000000e+00, v0;
	_ =	sdelay $0x1  }
0x1d7: {  	[tilespmem:s17+$0xFFFFFF80] =	vst v0  }
0x1d8: {  	v0 =	vld [tilespmem:s19+$0xFFFFFF90];
	_ =	sdelay $0x4  }
0x1d9: {  	v0 =	vmul.f32 $8.000000000e+00, v0;
	_ =	sdelay $0x1  }
0x1da: {  	[tilespmem:s17+$0xFFFFFF90] =	vst v0  }
0x1db: {  	v0 =	vld [tilespmem:s19+$0xFFFFFFA0];
	_ =	sdelay $0x4  }
0x1dc: {  	v0 =	vmul.f32 $8.000000000e+00, v0;
	_ =	sdelay $0x1  }
0x1dd: {  	[tilespmem:s17+$0xFFFFFFA0] =	vst v0  }
0x1de: {  	v0 =	vld [tilespmem:s19+$0xFFFFFFB0];
	_ =	sdelay $0x4  }
0x1df: {  	v0 =	vmul.f32 $8.000000000e+00, v0;
	_ =	sdelay $0x1  }
0x1e0: {  	[tilespmem:s17+$0xFFFFFFB0] =	vst v0  }
0x1e1: {  	v0 =	vld [tilespmem:s19+$0xFFFFFFC0];
	_ =	sdelay $0x4  }
0x1e2: {  	v0 =	vmul.f32 $8.000000000e+00, v0;
	_ =	sdelay $0x1  }
0x1e3: {  	[tilespmem:s17+$0xFFFFFFC0] =	vst v0  }
0x1e4: {  	v0 =	vld [tilespmem:s19+$0xFFFFFFD0];
	_ =	sdelay $0x4  }
0x1e5: {  	v0 =	vmul.f32 $8.000000000e+00, v0;
	_ =	sdelay $0x1  }
0x1e6: {  	[tilespmem:s17+$0xFFFFFFD0] =	vst v0  }
0x1e7: {  	v0 =	vld [tilespmem:s19+$0xFFFFFFE0];
	_ =	sdelay $0x4  }
0x1e8: {  	v0 =	vmul.f32 $8.000000000e+00, v0;
	_ =	sdelay $0x1  }
0x1e9: {  	[tilespmem:s17+$0xFFFFFFE0] =	vst v0  }
0x1ea: {  	v0 =	vld [tilespmem:s19+$0xFFFFFFF0];
	_ =	sdelay $0x4  }
0x1eb: {  	v0 =	vmul.f32 $8.000000000e+00, v0;
	_ =	sdelay $0x1  }
0x1ec: {  	[tilespmem:s17+$0xFFFFFFF0] =	vst v0  }
0x1ed: {  	v0 =	vld [tilespmem:s19+$0x0];
	_ =	sdelay $0x4  }
0x1ee: {  	v0 =	vmul.f32 $8.000000000e+00, v0;
	_ =	sdelay $0x1  }
0x1ef: {  	[tilespmem:s17+$0x0] =	vst v0  }
0x1f0: {  	v0 =	vld [tilespmem:s19+$0x10];
	_ =	sdelay $0x4  }
0x1f1: {  	v0 =	vmul.f32 $8.000000000e+00, v0;
	_ =	sdelay $0x1  }
0x1f2: {  	[tilespmem:s17+$0x10] =	vst v0  }
0x1f3: {  	v0 =	vld [tilespmem:s19+$0x20];
	_ =	sdelay $0x4  }
0x1f4: {  	v0 =	vmul.f32 $8.000000000e+00, v0;
	_ =	sdelay $0x1  }
0x1f5: {  	[tilespmem:s17+$0x20] =	vst v0  }
0x1f6: {  	v0 =	vld [tilespmem:s19+$0x30];
	_ =	sdelay $0x4  }
0x1f7: {  	v0 =	vmul.f32 $8.000000000e+00, v0;
	_ =	sdelay $0x1  }
0x1f8: {  	[tilespmem:s17+$0x30] =	vst v0  }
0x1f9: {  	v0 =	vld [tilespmem:s19+$0x40];
	_ =	sdelay $0x4  }
0x1fa: {  	v0 =	vmul.f32 $8.000000000e+00, v0;
	_ =	sdelay $0x1  }
0x1fb: {  	[tilespmem:s17+$0x40] =	vst v0  }
0x1fc: {  	v0 =	vld [tilespmem:s19+$0x50];
	_ =	sdelay $0x4  }
0x1fd: {  	v0 =	vmul.f32 $8.000000000e+00, v0;
	_ =	sdelay $0x1  }
0x1fe: {  	[tilespmem:s17+$0x50] =	vst v0  }
0x1ff: {  	v0 =	vld [tilespmem:s19+$0x60];
	_ =	sdelay $0x4  }
0x200: {  	v0 =	vmul.f32 $8.000000000e+00, v0;
	_ =	sdelay $0x1  }
0x201: {  	[tilespmem:s17+$0x60] =	vst v0  }
0x202: {  	v0 =	vld [tilespmem:s19+$0x70];
	_ =	sdelay $0x4  }
0x203: {  	v0 =	vmul.f32 $8.000000000e+00, v0;
	_ =	sdelay $0x1  }
0x204: {  	[tilespmem:s17+$0x70] =	vst v0  }
0x205: {  	v0 =	vld [tilespmem:s19+$0x80];
	_ =	sdelay $0x4  }
0x206: {  	v0 =	vmul.f32 $8.000000000e+00, v0;
	_ =	sdelay $0x1  }
0x207: {  	[tilespmem:s17+$0x80] =	vst v0  }
0x208: {  	v0 =	vld [tilespmem:s19+$0x90];
	_ =	sdelay $0x4  }
0x209: {  	v0 =	vmul.f32 $8.000000000e+00, v0;
	_ =	sdelay $0x1  }
0x20a: {  	[tilespmem:s17+$0x90] =	vst v0  }
0x20b: {  	v0 =	vld [tilespmem:s19+$0xA0];
	_ =	sdelay $0x4  }
0x20c: {  	v0 =	vmul.f32 $8.000000000e+00, v0;
	_ =	sdelay $0x1  }
0x20d: {  	[tilespmem:s17+$0xA0] =	vst v0  }
0x20e: {  	v0 =	vld [tilespmem:s19+$0xB0];
	_ =	sdelay $0x4  }
0x20f: {  	v0 =	vmul.f32 $8.000000000e+00, v0;
	_ =	sdelay $0x1  }
0x210: {  	[tilespmem:s17+$0xB0] =	vst v0  }
0x211: {  	v0 =	vld [tilespmem:s19+$0xC0];
	_ =	sdelay $0x4  }
0x212: {  	v0 =	vmul.f32 $8.000000000e+00, v0;
	_ =	sdelay $0x1  }
0x213: {  	[tilespmem:s17+$0xC0] =	vst v0  }
0x214: {  	v0 =	vld [tilespmem:s19+$0xD0];
	_ =	sdelay $0x4  }
0x215: {  	v0 =	vmul.f32 $8.000000000e+00, v0;
	_ =	sdelay $0x1  }
0x216: {  	[tilespmem:s17+$0xD0] =	vst v0  }
0x217: {  	v0 =	vld [tilespmem:s19+$0xE0];
	_ =	sdelay $0x4  }
0x218: {  	v0 =	vmul.f32 $8.000000000e+00, v0;
	_ =	sdelay $0x1  }
0x219: {  	[tilespmem:s17+$0xE0] =	vst v0  }
0x21a: {  	v0 =	vld [tilespmem:s19+$0xF0];
	_ =	sdelay $0x4  }
0x21b: {  	v0 =	vmul.f32 $8.000000000e+00, v0;
	_ =	sdelay $0x1  }
0x21c: {  	s23 =	simm.s32 $0x6700;
	s19 =	simm.s32 $0x0;
	[tilespmem:s17+$0xF0] =	vst v0  }
.LBB2_7:
0x21d: {  	v0 =	vld [tilespmem:s23+$0xFFFFFF00];
	s19 =	sadd.s32 $0x8, s19  }
0x21e: {  	p0 =	slt.u32 s19, $0xF8;
	_ =	sdelay $0x3  }
0x21f: {  	v0 =	vmul.f32 $8.000000000e+00, v0  }
0x220: {  	s17 =	sadd.s32 $0x200, s17  }
0x221: {  	[tilespmem:s17+$0xFFFFFF00] =	vst v0  }
0x222: {  	v0 =	vld [tilespmem:s23+$0xFFFFFF10];
	_ =	sdelay $0x4  }
0x223: {  	v0 =	vmul.f32 $8.000000000e+00, v0;
	_ =	sdelay $0x1  }
0x224: {  	[tilespmem:s17+$0xFFFFFF10] =	vst v0  }
0x225: {  	v0 =	vld [tilespmem:s23+$0xFFFFFF20];
	_ =	sdelay $0x4  }
0x226: {  	v0 =	vmul.f32 $8.000000000e+00, v0;
	_ =	sdelay $0x1  }
0x227: {  	[tilespmem:s17+$0xFFFFFF20] =	vst v0  }
0x228: {  	v0 =	vld [tilespmem:s23+$0xFFFFFF30];
	_ =	sdelay $0x4  }
0x229: {  	v0 =	vmul.f32 $8.000000000e+00, v0;
	_ =	sdelay $0x1  }
0x22a: {  	[tilespmem:s17+$0xFFFFFF30] =	vst v0  }
0x22b: {  	v0 =	vld [tilespmem:s23+$0xFFFFFF40];
	_ =	sdelay $0x4  }
0x22c: {  	v0 =	vmul.f32 $8.000000000e+00, v0;
	_ =	sdelay $0x1  }
0x22d: {  	[tilespmem:s17+$0xFFFFFF40] =	vst v0  }
0x22e: {  	v0 =	vld [tilespmem:s23+$0xFFFFFF50];
	_ =	sdelay $0x4  }
0x22f: {  	v0 =	vmul.f32 $8.000000000e+00, v0;
	_ =	sdelay $0x1  }
0x230: {  	[tilespmem:s17+$0xFFFFFF50] =	vst v0  }
0x231: {  	v0 =	vld [tilespmem:s23+$0xFFFFFF60];
	_ =	sdelay $0x4  }
0x232: {  	v0 =	vmul.f32 $8.000000000e+00, v0;
	_ =	sdelay $0x1  }
0x233: {  	[tilespmem:s17+$0xFFFFFF60] =	vst v0  }
0x234: {  	v0 =	vld [tilespmem:s23+$0xFFFFFF70];
	_ =	sdelay $0x4  }
0x235: {  	v0 =	vmul.f32 $8.000000000e+00, v0;
	_ =	sdelay $0x1  }
0x236: {  	[tilespmem:s17+$0xFFFFFF70] =	vst v0  }
0x237: {  	v0 =	vld [tilespmem:s23+$0xFFFFFF80];
	_ =	sdelay $0x4  }
0x238: {  	v0 =	vmul.f32 $8.000000000e+00, v0;
	_ =	sdelay $0x1  }
0x239: {  	[tilespmem:s17+$0xFFFFFF80] =	vst v0  }
0x23a: {  	v0 =	vld [tilespmem:s23+$0xFFFFFF90];
	_ =	sdelay $0x4  }
0x23b: {  	v0 =	vmul.f32 $8.000000000e+00, v0;
	_ =	sdelay $0x1  }
0x23c: {  	[tilespmem:s17+$0xFFFFFF90] =	vst v0  }
0x23d: {  	v0 =	vld [tilespmem:s23+$0xFFFFFFA0];
	_ =	sdelay $0x4  }
0x23e: {  	v0 =	vmul.f32 $8.000000000e+00, v0;
	_ =	sdelay $0x1  }
0x23f: {  	[tilespmem:s17+$0xFFFFFFA0] =	vst v0  }
0x240: {  	v0 =	vld [tilespmem:s23+$0xFFFFFFB0];
	_ =	sdelay $0x4  }
0x241: {  	v0 =	vmul.f32 $8.000000000e+00, v0;
	_ =	sdelay $0x1  }
0x242: {  	[tilespmem:s17+$0xFFFFFFB0] =	vst v0  }
0x243: {  	v0 =	vld [tilespmem:s23+$0xFFFFFFC0];
	_ =	sdelay $0x4  }
0x244: {  	v0 =	vmul.f32 $8.000000000e+00, v0;
	_ =	sdelay $0x1  }
0x245: {  	[tilespmem:s17+$0xFFFFFFC0] =	vst v0  }
0x246: {  	v0 =	vld [tilespmem:s23+$0xFFFFFFD0];
	_ =	sdelay $0x4  }
0x247: {  	v0 =	vmul.f32 $8.000000000e+00, v0;
	_ =	sdelay $0x1  }
0x248: {  	[tilespmem:s17+$0xFFFFFFD0] =	vst v0  }
0x249: {  	v0 =	vld [tilespmem:s23+$0xFFFFFFE0];
	_ =	sdelay $0x4  }
0x24a: {  	v0 =	vmul.f32 $8.000000000e+00, v0;
	_ =	sdelay $0x1  }
0x24b: {  	[tilespmem:s17+$0xFFFFFFE0] =	vst v0  }
0x24c: {  	v0 =	vld [tilespmem:s23+$0xFFFFFFF0];
	_ =	sdelay $0x4  }
0x24d: {  	v0 =	vmul.f32 $8.000000000e+00, v0;
	_ =	sdelay $0x1  }
0x24e: {  	[tilespmem:s17+$0xFFFFFFF0] =	vst v0  }
0x24f: {  	v0 =	vld [tilespmem:s23+$0x0];
	_ =	sdelay $0x4  }
0x250: {  	v0 =	vmul.f32 $8.000000000e+00, v0;
	_ =	sdelay $0x1  }
0x251: {  	[tilespmem:s17+$0x0] =	vst v0  }
0x252: {  	v0 =	vld [tilespmem:s23+$0x10];
	_ =	sdelay $0x4  }
0x253: {  	v0 =	vmul.f32 $8.000000000e+00, v0;
	_ =	sdelay $0x1  }
0x254: {  	[tilespmem:s17+$0x10] =	vst v0  }
0x255: {  	v0 =	vld [tilespmem:s23+$0x20];
	_ =	sdelay $0x4  }
0x256: {  	v0 =	vmul.f32 $8.000000000e+00, v0;
	_ =	sdelay $0x1  }
0x257: {  	[tilespmem:s17+$0x20] =	vst v0  }
0x258: {  	v0 =	vld [tilespmem:s23+$0x30];
	_ =	sdelay $0x4  }
0x259: {  	v0 =	vmul.f32 $8.000000000e+00, v0;
	_ =	sdelay $0x1  }
0x25a: {  	[tilespmem:s17+$0x30] =	vst v0  }
0x25b: {  	v0 =	vld [tilespmem:s23+$0x40];
	_ =	sdelay $0x4  }
0x25c: {  	v0 =	vmul.f32 $8.000000000e+00, v0;
	_ =	sdelay $0x1  }
0x25d: {  	[tilespmem:s17+$0x40] =	vst v0  }
0x25e: {  	v0 =	vld [tilespmem:s23+$0x50];
	_ =	sdelay $0x4  }
0x25f: {  	v0 =	vmul.f32 $8.000000000e+00, v0;
	_ =	sdelay $0x1  }
0x260: {  	[tilespmem:s17+$0x50] =	vst v0  }
0x261: {  	v0 =	vld [tilespmem:s23+$0x60];
	_ =	sdelay $0x4  }
0x262: {  	v0 =	vmul.f32 $8.000000000e+00, v0;
	_ =	sdelay $0x1  }
0x263: {  	[tilespmem:s17+$0x60] =	vst v0  }
0x264: {  	v0 =	vld [tilespmem:s23+$0x70];
	_ =	sdelay $0x4  }
0x265: {  	v0 =	vmul.f32 $8.000000000e+00, v0;
	_ =	sdelay $0x1  }
0x266: {  	[tilespmem:s17+$0x70] =	vst v0  }
0x267: {  	v0 =	vld [tilespmem:s23+$0x80];
	_ =	sdelay $0x4  }
0x268: {  	v0 =	vmul.f32 $8.000000000e+00, v0;
	_ =	sdelay $0x1  }
0x269: {  	[tilespmem:s17+$0x80] =	vst v0  }
0x26a: {  	v0 =	vld [tilespmem:s23+$0x90];
	_ =	sdelay $0x4  }
0x26b: {  	v0 =	vmul.f32 $8.000000000e+00, v0;
	_ =	sdelay $0x1  }
0x26c: {  	[tilespmem:s17+$0x90] =	vst v0  }
0x26d: {  	v0 =	vld [tilespmem:s23+$0xA0];
	_ =	sdelay $0x4  }
0x26e: {  	v0 =	vmul.f32 $8.000000000e+00, v0;
	_ =	sdelay $0x1  }
0x26f: {  	[tilespmem:s17+$0xA0] =	vst v0  }
0x270: {  	v0 =	vld [tilespmem:s23+$0xB0];
	_ =	sdelay $0x4  }
0x271: {  	v0 =	vmul.f32 $8.000000000e+00, v0;
	_ =	sdelay $0x1  }
0x272: {  	[tilespmem:s17+$0xB0] =	vst v0  }
0x273: {  	v0 =	vld [tilespmem:s23+$0xC0];
	_ =	sdelay $0x4  }
0x274: {  	v0 =	vmul.f32 $8.000000000e+00, v0;
	_ =	sdelay $0x1  }
0x275: {  	[tilespmem:s17+$0xC0] =	vst v0  }
0x276: {  	v0 =	vld [tilespmem:s23+$0xD0];
	_ =	sdelay $0x4  }
0x277: {  	v0 =	vmul.f32 $8.000000000e+00, v0;
	_ =	sdelay $0x1  }
0x278: {  	[tilespmem:s17+$0xD0] =	vst v0  }
0x279: {  	v0 =	vld [tilespmem:s23+$0xE0];
	_ =	sdelay $0x4  }
0x27a: {  	v0 =	vmul.f32 $8.000000000e+00, v0;
	_ =	sdelay $0x1  }
0x27b: {  	[tilespmem:s17+$0xE0] =	vst v0  }
0x27c: {  	v0 =	vld [tilespmem:s23+$0xF0];
	_ =	sdelay $0x2  }
.Ltmp2:
0x27d: {  	(pc) =	sbr.rel @p0 .LBB2_7-.Ltmp2, $3  }
0x27e: {  	_ = 	snop  }
0x27f: {  	v0 =	vmul.f32 $8.000000000e+00, v0;
	_ =	sdelay $0x1  }
0x280: {  	s23 =	sadd.s32 $0x200, s23;
	[tilespmem:s17+$0xF0] =	vst v0  }
0x281: {  	s17 =	sshll.u32 s0, $0x9  }
0x282: {  	s19 =	sadd.s32 s17, s8  }
0x283: {  	s19 =	sshll.u32 s19, $0x3  }
0x284: {  	s19 =	sand.u32 $0x1FFFF000, s19  }
0x285: {  	s19 =	sadd.s32 s2, s19  }
0x286: {  	[hbm4b:s19+s3] =	stream.linear.scatter [tilespmem:s22], [sflag:$0x3], $0x4000, $0x38;
	[tilespmem:$0x16400] =	vst v63  }
0x287: {  	s23 =	sadd.s32 $0x400, s17  }
0x288: {  	[tilespmem:s15], [sflag:$0x1] =	stream.indirect.gather [hbm4b:s4+s14], $0x40, s23, s14, $0xb8;
	[tilespmem:$0x16400] =	vst v63  }
0x289: {  	s24 =	sadd.s32 $0x480, s17  }
0x28a: {  	[tilespmem:s16], [sflag:$0x1] =	stream.indirect.gather [hbm4b:s4+s14], $0x40, s24, s14, $0xb8;
	[tilespmem:$0x16400] =	vst v63  }
0x28b: {  	_ =	swait.ge [sflag:s25], $0x4000  }
0x28c: {  	[sflag:s25] =	ssyncset.done $0x0  }
0x28d: {  	[sflag:s25] =	ssyncadd.s32 $0xFFFFC000  }
0x28e: {  	_ =	swait.ge [sflag:s31], $0x4000  }
0x28f: {  	[sflag:s31] =	ssyncset.done $0x0  }
0x290: {  	s23 =	simm.s32 $0xA500;
	[sflag:s31] =	ssyncadd.s32 $0xFFFFC000  }
0x291: {  	v0 =	vld [tilespmem:s23+$0xFFFFFF00];
	_ =	sdelay $0x4  }
0x292: {  	v0 =	vmul.f32 $8.000000000e+00, v0  }
0x293: {  	s19 =	simm.s32 $0x12500  }
0x294: {  	[tilespmem:s19+$0xFFFFFF00] =	vst v0  }
0x295: {  	v0 =	vld [tilespmem:s23+$0xFFFFFF10];
	_ =	sdelay $0x4  }
0x296: {  	v0 =	vmul.f32 $8.000000000e+00, v0;
	_ =	sdelay $0x1  }
0x297: {  	[tilespmem:s19+$0xFFFFFF10] =	vst v0  }
0x298: {  	v0 =	vld [tilespmem:s23+$0xFFFFFF20];
	_ =	sdelay $0x4  }
0x299: {  	v0 =	vmul.f32 $8.000000000e+00, v0;
	_ =	sdelay $0x1  }
0x29a: {  	[tilespmem:s19+$0xFFFFFF20] =	vst v0  }
0x29b: {  	v0 =	vld [tilespmem:s23+$0xFFFFFF30];
	_ =	sdelay $0x4  }
0x29c: {  	v0 =	vmul.f32 $8.000000000e+00, v0;
	_ =	sdelay $0x1  }
0x29d: {  	[tilespmem:s19+$0xFFFFFF30] =	vst v0  }
0x29e: {  	v0 =	vld [tilespmem:s23+$0xFFFFFF40];
	_ =	sdelay $0x4  }
0x29f: {  	v0 =	vmul.f32 $8.000000000e+00, v0;
	_ =	sdelay $0x1  }
0x2a0: {  	[tilespmem:s19+$0xFFFFFF40] =	vst v0  }
0x2a1: {  	v0 =	vld [tilespmem:s23+$0xFFFFFF50];
	_ =	sdelay $0x4  }
0x2a2: {  	v0 =	vmul.f32 $8.000000000e+00, v0;
	_ =	sdelay $0x1  }
0x2a3: {  	[tilespmem:s19+$0xFFFFFF50] =	vst v0  }
0x2a4: {  	v0 =	vld [tilespmem:s23+$0xFFFFFF60];
	_ =	sdelay $0x4  }
0x2a5: {  	v0 =	vmul.f32 $8.000000000e+00, v0;
	_ =	sdelay $0x1  }
0x2a6: {  	[tilespmem:s19+$0xFFFFFF60] =	vst v0  }
0x2a7: {  	v0 =	vld [tilespmem:s23+$0xFFFFFF70];
	_ =	sdelay $0x4  }
0x2a8: {  	v0 =	vmul.f32 $8.000000000e+00, v0;
	_ =	sdelay $0x1  }
0x2a9: {  	[tilespmem:s19+$0xFFFFFF70] =	vst v0  }
0x2aa: {  	v0 =	vld [tilespmem:s23+$0xFFFFFF80];
	_ =	sdelay $0x4  }
0x2ab: {  	v0 =	vmul.f32 $8.000000000e+00, v0;
	_ =	sdelay $0x1  }
0x2ac: {  	[tilespmem:s19+$0xFFFFFF80] =	vst v0  }
0x2ad: {  	v0 =	vld [tilespmem:s23+$0xFFFFFF90];
	_ =	sdelay $0x4  }
0x2ae: {  	v0 =	vmul.f32 $8.000000000e+00, v0;
	_ =	sdelay $0x1  }
0x2af: {  	[tilespmem:s19+$0xFFFFFF90] =	vst v0  }
0x2b0: {  	v0 =	vld [tilespmem:s23+$0xFFFFFFA0];
	_ =	sdelay $0x4  }
0x2b1: {  	v0 =	vmul.f32 $8.000000000e+00, v0;
	_ =	sdelay $0x1  }
0x2b2: {  	[tilespmem:s19+$0xFFFFFFA0] =	vst v0  }
0x2b3: {  	v0 =	vld [tilespmem:s23+$0xFFFFFFB0];
	_ =	sdelay $0x4  }
0x2b4: {  	v0 =	vmul.f32 $8.000000000e+00, v0;
	_ =	sdelay $0x1  }
0x2b5: {  	[tilespmem:s19+$0xFFFFFFB0] =	vst v0  }
0x2b6: {  	v0 =	vld [tilespmem:s23+$0xFFFFFFC0];
	_ =	sdelay $0x4  }
0x2b7: {  	v0 =	vmul.f32 $8.000000000e+00, v0;
	_ =	sdelay $0x1  }
0x2b8: {  	[tilespmem:s19+$0xFFFFFFC0] =	vst v0  }
0x2b9: {  	v0 =	vld [tilespmem:s23+$0xFFFFFFD0];
	_ =	sdelay $0x4  }
0x2ba: {  	v0 =	vmul.f32 $8.000000000e+00, v0;
	_ =	sdelay $0x1  }
0x2bb: {  	[tilespmem:s19+$0xFFFFFFD0] =	vst v0  }
0x2bc: {  	v0 =	vld [tilespmem:s23+$0xFFFFFFE0];
	_ =	sdelay $0x4  }
0x2bd: {  	v0 =	vmul.f32 $8.000000000e+00, v0;
	_ =	sdelay $0x1  }
0x2be: {  	[tilespmem:s19+$0xFFFFFFE0] =	vst v0  }
0x2bf: {  	v0 =	vld [tilespmem:s23+$0xFFFFFFF0];
	_ =	sdelay $0x4  }
0x2c0: {  	v0 =	vmul.f32 $8.000000000e+00, v0;
	_ =	sdelay $0x1  }
0x2c1: {  	[tilespmem:s19+$0xFFFFFFF0] =	vst v0  }
0x2c2: {  	v0 =	vld [tilespmem:s23+$0x0];
	_ =	sdelay $0x4  }
0x2c3: {  	v0 =	vmul.f32 $8.000000000e+00, v0;
	_ =	sdelay $0x1  }
0x2c4: {  	[tilespmem:s19+$0x0] =	vst v0  }
0x2c5: {  	v0 =	vld [tilespmem:s23+$0x10];
	_ =	sdelay $0x4  }
0x2c6: {  	v0 =	vmul.f32 $8.000000000e+00, v0;
	_ =	sdelay $0x1  }
0x2c7: {  	[tilespmem:s19+$0x10] =	vst v0  }
0x2c8: {  	v0 =	vld [tilespmem:s23+$0x20];
	_ =	sdelay $0x4  }
0x2c9: {  	v0 =	vmul.f32 $8.000000000e+00, v0;
	_ =	sdelay $0x1  }
0x2ca: {  	[tilespmem:s19+$0x20] =	vst v0  }
0x2cb: {  	v0 =	vld [tilespmem:s23+$0x30];
	_ =	sdelay $0x4  }
0x2cc: {  	v0 =	vmul.f32 $8.000000000e+00, v0;
	_ =	sdelay $0x1  }
0x2cd: {  	[tilespmem:s19+$0x30] =	vst v0  }
0x2ce: {  	v0 =	vld [tilespmem:s23+$0x40];
	_ =	sdelay $0x4  }
0x2cf: {  	v0 =	vmul.f32 $8.000000000e+00, v0;
	_ =	sdelay $0x1  }
0x2d0: {  	[tilespmem:s19+$0x40] =	vst v0  }
0x2d1: {  	v0 =	vld [tilespmem:s23+$0x50];
	_ =	sdelay $0x4  }
0x2d2: {  	v0 =	vmul.f32 $8.000000000e+00, v0;
	_ =	sdelay $0x1  }
0x2d3: {  	[tilespmem:s19+$0x50] =	vst v0  }
0x2d4: {  	v0 =	vld [tilespmem:s23+$0x60];
	_ =	sdelay $0x4  }
0x2d5: {  	v0 =	vmul.f32 $8.000000000e+00, v0;
	_ =	sdelay $0x1  }
0x2d6: {  	[tilespmem:s19+$0x60] =	vst v0  }
0x2d7: {  	v0 =	vld [tilespmem:s23+$0x70];
	_ =	sdelay $0x4  }
0x2d8: {  	v0 =	vmul.f32 $8.000000000e+00, v0;
	_ =	sdelay $0x1  }
0x2d9: {  	[tilespmem:s19+$0x70] =	vst v0  }
0x2da: {  	v0 =	vld [tilespmem:s23+$0x80];
	_ =	sdelay $0x4  }
0x2db: {  	v0 =	vmul.f32 $8.000000000e+00, v0;
	_ =	sdelay $0x1  }
0x2dc: {  	[tilespmem:s19+$0x80] =	vst v0  }
0x2dd: {  	v0 =	vld [tilespmem:s23+$0x90];
	_ =	sdelay $0x4  }
0x2de: {  	v0 =	vmul.f32 $8.000000000e+00, v0;
	_ =	sdelay $0x1  }
0x2df: {  	[tilespmem:s19+$0x90] =	vst v0  }
0x2e0: {  	v0 =	vld [tilespmem:s23+$0xA0];
	_ =	sdelay $0x4  }
0x2e1: {  	v0 =	vmul.f32 $8.000000000e+00, v0;
	_ =	sdelay $0x1  }
0x2e2: {  	[tilespmem:s19+$0xA0] =	vst v0  }
0x2e3: {  	v0 =	vld [tilespmem:s23+$0xB0];
	_ =	sdelay $0x4  }
0x2e4: {  	v0 =	vmul.f32 $8.000000000e+00, v0;
	_ =	sdelay $0x1  }
0x2e5: {  	[tilespmem:s19+$0xB0] =	vst v0  }
0x2e6: {  	v0 =	vld [tilespmem:s23+$0xC0];
	_ =	sdelay $0x4  }
0x2e7: {  	v0 =	vmul.f32 $8.000000000e+00, v0;
	_ =	sdelay $0x1  }
0x2e8: {  	[tilespmem:s19+$0xC0] =	vst v0  }
0x2e9: {  	v0 =	vld [tilespmem:s23+$0xD0];
	_ =	sdelay $0x4  }
0x2ea: {  	v0 =	vmul.f32 $8.000000000e+00, v0;
	_ =	sdelay $0x1  }
0x2eb: {  	[tilespmem:s19+$0xD0] =	vst v0  }
0x2ec: {  	v0 =	vld [tilespmem:s23+$0xE0];
	_ =	sdelay $0x4  }
0x2ed: {  	v0 =	vmul.f32 $8.000000000e+00, v0;
	_ =	sdelay $0x1  }
0x2ee: {  	[tilespmem:s19+$0xE0] =	vst v0  }
0x2ef: {  	v0 =	vld [tilespmem:s23+$0xF0];
	_ =	sdelay $0x4  }
0x2f0: {  	v0 =	vmul.f32 $8.000000000e+00, v0;
	_ =	sdelay $0x1  }
0x2f1: {  	s24 =	simm.s32 $0xA700;
	s23 =	simm.s32 $0x0;
	[tilespmem:s19+$0xF0] =	vst v0  }
.LBB2_9:
0x2f2: {  	v0 =	vld [tilespmem:s24+$0xFFFFFF00];
	s23 =	sadd.s32 $0x8, s23  }
0x2f3: {  	p0 =	slt.u32 s23, $0xF8;
	_ =	sdelay $0x3  }
0x2f4: {  	v0 =	vmul.f32 $8.000000000e+00, v0  }
0x2f5: {  	s19 =	sadd.s32 $0x200, s19  }
0x2f6: {  	[tilespmem:s19+$0xFFFFFF00] =	vst v0  }
0x2f7: {  	v0 =	vld [tilespmem:s24+$0xFFFFFF10];
	_ =	sdelay $0x4  }
0x2f8: {  	v0 =	vmul.f32 $8.000000000e+00, v0;
	_ =	sdelay $0x1  }
0x2f9: {  	[tilespmem:s19+$0xFFFFFF10] =	vst v0  }
0x2fa: {  	v0 =	vld [tilespmem:s24+$0xFFFFFF20];
	_ =	sdelay $0x4  }
0x2fb: {  	v0 =	vmul.f32 $8.000000000e+00, v0;
	_ =	sdelay $0x1  }
0x2fc: {  	[tilespmem:s19+$0xFFFFFF20] =	vst v0  }
0x2fd: {  	v0 =	vld [tilespmem:s24+$0xFFFFFF30];
	_ =	sdelay $0x4  }
0x2fe: {  	v0 =	vmul.f32 $8.000000000e+00, v0;
	_ =	sdelay $0x1  }
0x2ff: {  	[tilespmem:s19+$0xFFFFFF30] =	vst v0  }
0x300: {  	v0 =	vld [tilespmem:s24+$0xFFFFFF40];
	_ =	sdelay $0x4  }
0x301: {  	v0 =	vmul.f32 $8.000000000e+00, v0;
	_ =	sdelay $0x1  }
0x302: {  	[tilespmem:s19+$0xFFFFFF40] =	vst v0  }
0x303: {  	v0 =	vld [tilespmem:s24+$0xFFFFFF50];
	_ =	sdelay $0x4  }
0x304: {  	v0 =	vmul.f32 $8.000000000e+00, v0;
	_ =	sdelay $0x1  }
0x305: {  	[tilespmem:s19+$0xFFFFFF50] =	vst v0  }
0x306: {  	v0 =	vld [tilespmem:s24+$0xFFFFFF60];
	_ =	sdelay $0x4  }
0x307: {  	v0 =	vmul.f32 $8.000000000e+00, v0;
	_ =	sdelay $0x1  }
0x308: {  	[tilespmem:s19+$0xFFFFFF60] =	vst v0  }
0x309: {  	v0 =	vld [tilespmem:s24+$0xFFFFFF70];
	_ =	sdelay $0x4  }
0x30a: {  	v0 =	vmul.f32 $8.000000000e+00, v0;
	_ =	sdelay $0x1  }
0x30b: {  	[tilespmem:s19+$0xFFFFFF70] =	vst v0  }
0x30c: {  	v0 =	vld [tilespmem:s24+$0xFFFFFF80];
	_ =	sdelay $0x4  }
0x30d: {  	v0 =	vmul.f32 $8.000000000e+00, v0;
	_ =	sdelay $0x1  }
0x30e: {  	[tilespmem:s19+$0xFFFFFF80] =	vst v0  }
0x30f: {  	v0 =	vld [tilespmem:s24+$0xFFFFFF90];
	_ =	sdelay $0x4  }
0x310: {  	v0 =	vmul.f32 $8.000000000e+00, v0;
	_ =	sdelay $0x1  }
0x311: {  	[tilespmem:s19+$0xFFFFFF90] =	vst v0  }
0x312: {  	v0 =	vld [tilespmem:s24+$0xFFFFFFA0];
	_ =	sdelay $0x4  }
0x313: {  	v0 =	vmul.f32 $8.000000000e+00, v0;
	_ =	sdelay $0x1  }
0x314: {  	[tilespmem:s19+$0xFFFFFFA0] =	vst v0  }
0x315: {  	v0 =	vld [tilespmem:s24+$0xFFFFFFB0];
	_ =	sdelay $0x4  }
0x316: {  	v0 =	vmul.f32 $8.000000000e+00, v0;
	_ =	sdelay $0x1  }
0x317: {  	[tilespmem:s19+$0xFFFFFFB0] =	vst v0  }
0x318: {  	v0 =	vld [tilespmem:s24+$0xFFFFFFC0];
	_ =	sdelay $0x4  }
0x319: {  	v0 =	vmul.f32 $8.000000000e+00, v0;
	_ =	sdelay $0x1  }
0x31a: {  	[tilespmem:s19+$0xFFFFFFC0] =	vst v0  }
0x31b: {  	v0 =	vld [tilespmem:s24+$0xFFFFFFD0];
	_ =	sdelay $0x4  }
0x31c: {  	v0 =	vmul.f32 $8.000000000e+00, v0;
	_ =	sdelay $0x1  }
0x31d: {  	[tilespmem:s19+$0xFFFFFFD0] =	vst v0  }
0x31e: {  	v0 =	vld [tilespmem:s24+$0xFFFFFFE0];
	_ =	sdelay $0x4  }
0x31f: {  	v0 =	vmul.f32 $8.000000000e+00, v0;
	_ =	sdelay $0x1  }
0x320: {  	[tilespmem:s19+$0xFFFFFFE0] =	vst v0  }
0x321: {  	v0 =	vld [tilespmem:s24+$0xFFFFFFF0];
	_ =	sdelay $0x4  }
0x322: {  	v0 =	vmul.f32 $8.000000000e+00, v0;
	_ =	sdelay $0x1  }
0x323: {  	[tilespmem:s19+$0xFFFFFFF0] =	vst v0  }
0x324: {  	v0 =	vld [tilespmem:s24+$0x0];
	_ =	sdelay $0x4  }
0x325: {  	v0 =	vmul.f32 $8.000000000e+00, v0;
	_ =	sdelay $0x1  }
0x326: {  	[tilespmem:s19+$0x0] =	vst v0  }
0x327: {  	v0 =	vld [tilespmem:s24+$0x10];
	_ =	sdelay $0x4  }
0x328: {  	v0 =	vmul.f32 $8.000000000e+00, v0;
	_ =	sdelay $0x1  }
0x329: {  	[tilespmem:s19+$0x10] =	vst v0  }
0x32a: {  	v0 =	vld [tilespmem:s24+$0x20];
	_ =	sdelay $0x4  }
0x32b: {  	v0 =	vmul.f32 $8.000000000e+00, v0;
	_ =	sdelay $0x1  }
0x32c: {  	[tilespmem:s19+$0x20] =	vst v0  }
0x32d: {  	v0 =	vld [tilespmem:s24+$0x30];
	_ =	sdelay $0x4  }
0x32e: {  	v0 =	vmul.f32 $8.000000000e+00, v0;
	_ =	sdelay $0x1  }
0x32f: {  	[tilespmem:s19+$0x30] =	vst v0  }
0x330: {  	v0 =	vld [tilespmem:s24+$0x40];
	_ =	sdelay $0x4  }
0x331: {  	v0 =	vmul.f32 $8.000000000e+00, v0;
	_ =	sdelay $0x1  }
0x332: {  	[tilespmem:s19+$0x40] =	vst v0  }
0x333: {  	v0 =	vld [tilespmem:s24+$0x50];
	_ =	sdelay $0x4  }
0x334: {  	v0 =	vmul.f32 $8.000000000e+00, v0;
	_ =	sdelay $0x1  }
0x335: {  	[tilespmem:s19+$0x50] =	vst v0  }
0x336: {  	v0 =	vld [tilespmem:s24+$0x60];
	_ =	sdelay $0x4  }
0x337: {  	v0 =	vmul.f32 $8.000000000e+00, v0;
	_ =	sdelay $0x1  }
0x338: {  	[tilespmem:s19+$0x60] =	vst v0  }
0x339: {  	v0 =	vld [tilespmem:s24+$0x70];
	_ =	sdelay $0x4  }
0x33a: {  	v0 =	vmul.f32 $8.000000000e+00, v0;
	_ =	sdelay $0x1  }
0x33b: {  	[tilespmem:s19+$0x70] =	vst v0  }
0x33c: {  	v0 =	vld [tilespmem:s24+$0x80];
	_ =	sdelay $0x4  }
0x33d: {  	v0 =	vmul.f32 $8.000000000e+00, v0;
	_ =	sdelay $0x1  }
0x33e: {  	[tilespmem:s19+$0x80] =	vst v0  }
0x33f: {  	v0 =	vld [tilespmem:s24+$0x90];
	_ =	sdelay $0x4  }
0x340: {  	v0 =	vmul.f32 $8.000000000e+00, v0;
	_ =	sdelay $0x1  }
0x341: {  	[tilespmem:s19+$0x90] =	vst v0  }
0x342: {  	v0 =	vld [tilespmem:s24+$0xA0];
	_ =	sdelay $0x4  }
0x343: {  	v0 =	vmul.f32 $8.000000000e+00, v0;
	_ =	sdelay $0x1  }
0x344: {  	[tilespmem:s19+$0xA0] =	vst v0  }
0x345: {  	v0 =	vld [tilespmem:s24+$0xB0];
	_ =	sdelay $0x4  }
0x346: {  	v0 =	vmul.f32 $8.000000000e+00, v0;
	_ =	sdelay $0x1  }
0x347: {  	[tilespmem:s19+$0xB0] =	vst v0  }
0x348: {  	v0 =	vld [tilespmem:s24+$0xC0];
	_ =	sdelay $0x4  }
0x349: {  	v0 =	vmul.f32 $8.000000000e+00, v0;
	_ =	sdelay $0x1  }
0x34a: {  	[tilespmem:s19+$0xC0] =	vst v0  }
0x34b: {  	v0 =	vld [tilespmem:s24+$0xD0];
	_ =	sdelay $0x4  }
0x34c: {  	v0 =	vmul.f32 $8.000000000e+00, v0;
	_ =	sdelay $0x1  }
0x34d: {  	[tilespmem:s19+$0xD0] =	vst v0  }
0x34e: {  	v0 =	vld [tilespmem:s24+$0xE0];
	_ =	sdelay $0x4  }
0x34f: {  	v0 =	vmul.f32 $8.000000000e+00, v0;
	_ =	sdelay $0x1  }
0x350: {  	[tilespmem:s19+$0xE0] =	vst v0  }
0x351: {  	v0 =	vld [tilespmem:s24+$0xF0];
	_ =	sdelay $0x2  }
.Ltmp3:
0x352: {  	(pc) =	sbr.rel @p0 .LBB2_9-.Ltmp3, $3  }
0x353: {  	_ = 	snop  }
0x354: {  	v0 =	vmul.f32 $8.000000000e+00, v0;
	_ =	sdelay $0x1  }
0x355: {  	s24 =	sadd.s32 $0x200, s24;
	[tilespmem:s19+$0xF0] =	vst v0  }
0x356: {  	s19 =	sadd.s32 s17, s9  }
0x357: {  	s19 =	sshll.u32 s19, $0x3  }
0x358: {  	s0 =	sadd.s32 $0x1, s0;
	s19 =	sand.u32 $0x1FFFF800, s19  }
0x359: {  	p0 =	sne.s32 s0, $0x30;
	s19 =	sadd.s32 s2, s19  }
0x35a: {  	[hbm4b:s19+s3] =	stream.linear.scatter [tilespmem:s26], [sflag:$0x4], $0x4000, $0x38;
	[tilespmem:$0x16400] =	vst v63  }
.Ltmp4:
0x35b: {  	_ = 	snop;
	(pc) =	sbr.rel @p0 .LBB2_6-.Ltmp4, $4  }
0x35c: {  	s23 =	sadd.s32 $0x500, s17  }
0x35d: {  	[tilespmem:s18], [sflag:$0x2] =	stream.indirect.gather [hbm4b:s4+s14], $0x40, s23, s14, $0xb8;
	[tilespmem:$0x16400] =	vst v63  }
0x35e: {  	s24 =	sadd.s32 $0x580, s17  }
0x35f: {  	[tilespmem:s20], [sflag:$0x2] =	stream.indirect.gather [hbm4b:s4+s14], $0x40, s24, s14, $0xb8;
	[tilespmem:$0x16400] =	vst v63  }
0x360: {  	_ =	swait.ge [sflag:s21], $0x4000  }
0x361: {  	[sflag:s21] =	ssyncset.done $0x0  }
0x362: {  	[sflag:s21] =	ssyncadd.s32 $0xFFFFC000  }
0x363: {  	_ =	swait.ge [sflag:s30], $0x4000  }
0x364: {  	[sflag:s30] =	ssyncset.done $0x0  }
0x365: {  	s17 =	simm.s32 $0x6500;
	[sflag:s30] =	ssyncadd.s32 $0xFFFFC000  }
0x366: {  	v0 =	vld [tilespmem:s17+$0xFFFFFF00];
	_ =	sdelay $0x4  }
0x367: {  	v0 =	vmul.f32 $8.000000000e+00, v0  }
0x368: {  	s0 =	simm.s32 $0xE500  }
0x369: {  	[tilespmem:s0+$0xFFFFFF00] =	vst v0  }
0x36a: {  	v0 =	vld [tilespmem:s17+$0xFFFFFF10];
	_ =	sdelay $0x4  }
0x36b: {  	v0 =	vmul.f32 $8.000000000e+00, v0;
	_ =	sdelay $0x1  }
0x36c: {  	[tilespmem:s0+$0xFFFFFF10] =	vst v0  }
0x36d: {  	v0 =	vld [tilespmem:s17+$0xFFFFFF20];
	_ =	sdelay $0x4  }
0x36e: {  	v0 =	vmul.f32 $8.000000000e+00, v0;
	_ =	sdelay $0x1  }
0x36f: {  	[tilespmem:s0+$0xFFFFFF20] =	vst v0  }
0x370: {  	v0 =	vld [tilespmem:s17+$0xFFFFFF30];
	_ =	sdelay $0x4  }
0x371: {  	v0 =	vmul.f32 $8.000000000e+00, v0;
	_ =	sdelay $0x1  }
0x372: {  	[tilespmem:s0+$0xFFFFFF30] =	vst v0  }
0x373: {  	v0 =	vld [tilespmem:s17+$0xFFFFFF40];
	_ =	sdelay $0x4  }
0x374: {  	v0 =	vmul.f32 $8.000000000e+00, v0;
	_ =	sdelay $0x1  }
0x375: {  	[tilespmem:s0+$0xFFFFFF40] =	vst v0  }
0x376: {  	v0 =	vld [tilespmem:s17+$0xFFFFFF50];
	_ =	sdelay $0x4  }
0x377: {  	v0 =	vmul.f32 $8.000000000e+00, v0;
	_ =	sdelay $0x1  }
0x378: {  	[tilespmem:s0+$0xFFFFFF50] =	vst v0  }
0x379: {  	v0 =	vld [tilespmem:s17+$0xFFFFFF60];
	_ =	sdelay $0x4  }
0x37a: {  	v0 =	vmul.f32 $8.000000000e+00, v0;
	_ =	sdelay $0x1  }
0x37b: {  	[tilespmem:s0+$0xFFFFFF60] =	vst v0  }
0x37c: {  	v0 =	vld [tilespmem:s17+$0xFFFFFF70];
	_ =	sdelay $0x4  }
0x37d: {  	v0 =	vmul.f32 $8.000000000e+00, v0;
	_ =	sdelay $0x1  }
0x37e: {  	[tilespmem:s0+$0xFFFFFF70] =	vst v0  }
0x37f: {  	v0 =	vld [tilespmem:s17+$0xFFFFFF80];
	_ =	sdelay $0x4  }
0x380: {  	v0 =	vmul.f32 $8.000000000e+00, v0;
	_ =	sdelay $0x1  }
0x381: {  	[tilespmem:s0+$0xFFFFFF80] =	vst v0  }
0x382: {  	v0 =	vld [tilespmem:s17+$0xFFFFFF90];
	_ =	sdelay $0x4  }
0x383: {  	v0 =	vmul.f32 $8.000000000e+00, v0;
	_ =	sdelay $0x1  }
0x384: {  	[tilespmem:s0+$0xFFFFFF90] =	vst v0  }
0x385: {  	v0 =	vld [tilespmem:s17+$0xFFFFFFA0];
	_ =	sdelay $0x4  }
0x386: {  	v0 =	vmul.f32 $8.000000000e+00, v0;
	_ =	sdelay $0x1  }
0x387: {  	[tilespmem:s0+$0xFFFFFFA0] =	vst v0  }
0x388: {  	v0 =	vld [tilespmem:s17+$0xFFFFFFB0];
	_ =	sdelay $0x4  }
0x389: {  	v0 =	vmul.f32 $8.000000000e+00, v0;
	_ =	sdelay $0x1  }
0x38a: {  	[tilespmem:s0+$0xFFFFFFB0] =	vst v0  }
0x38b: {  	v0 =	vld [tilespmem:s17+$0xFFFFFFC0];
	_ =	sdelay $0x4  }
0x38c: {  	v0 =	vmul.f32 $8.000000000e+00, v0;
	_ =	sdelay $0x1  }
0x38d: {  	[tilespmem:s0+$0xFFFFFFC0] =	vst v0  }
0x38e: {  	v0 =	vld [tilespmem:s17+$0xFFFFFFD0];
	_ =	sdelay $0x4  }
0x38f: {  	v0 =	vmul.f32 $8.000000000e+00, v0;
	_ =	sdelay $0x1  }
0x390: {  	[tilespmem:s0+$0xFFFFFFD0] =	vst v0  }
0x391: {  	v0 =	vld [tilespmem:s17+$0xFFFFFFE0];
	_ =	sdelay $0x4  }
0x392: {  	v0 =	vmul.f32 $8.000000000e+00, v0;
	_ =	sdelay $0x1  }
0x393: {  	[tilespmem:s0+$0xFFFFFFE0] =	vst v0  }
0x394: {  	v0 =	vld [tilespmem:s17+$0xFFFFFFF0];
	_ =	sdelay $0x4  }
0x395: {  	v0 =	vmul.f32 $8.000000000e+00, v0;
	_ =	sdelay $0x1  }
0x396: {  	[tilespmem:s0+$0xFFFFFFF0] =	vst v0  }
0x397: {  	v0 =	vld [tilespmem:s17+$0x0];
	_ =	sdelay $0x4  }
0x398: {  	v0 =	vmul.f32 $8.000000000e+00, v0;
	_ =	sdelay $0x1  }
0x399: {  	[tilespmem:s0+$0x0] =	vst v0  }
0x39a: {  	v0 =	vld [tilespmem:s17+$0x10];
	_ =	sdelay $0x4  }
0x39b: {  	v0 =	vmul.f32 $8.000000000e+00, v0;
	_ =	sdelay $0x1  }
0x39c: {  	[tilespmem:s0+$0x10] =	vst v0  }
0x39d: {  	v0 =	vld [tilespmem:s17+$0x20];
	_ =	sdelay $0x4  }
0x39e: {  	v0 =	vmul.f32 $8.000000000e+00, v0;
	_ =	sdelay $0x1  }
0x39f: {  	[tilespmem:s0+$0x20] =	vst v0  }
0x3a0: {  	v0 =	vld [tilespmem:s17+$0x30];
	_ =	sdelay $0x4  }
0x3a1: {  	v0 =	vmul.f32 $8.000000000e+00, v0;
	_ =	sdelay $0x1  }
0x3a2: {  	[tilespmem:s0+$0x30] =	vst v0  }
0x3a3: {  	v0 =	vld [tilespmem:s17+$0x40];
	_ =	sdelay $0x4  }
0x3a4: {  	v0 =	vmul.f32 $8.000000000e+00, v0;
	_ =	sdelay $0x1  }
0x3a5: {  	[tilespmem:s0+$0x40] =	vst v0  }
0x3a6: {  	v0 =	vld [tilespmem:s17+$0x50];
	_ =	sdelay $0x4  }
0x3a7: {  	v0 =	vmul.f32 $8.000000000e+00, v0;
	_ =	sdelay $0x1  }
0x3a8: {  	[tilespmem:s0+$0x50] =	vst v0  }
0x3a9: {  	v0 =	vld [tilespmem:s17+$0x60];
	_ =	sdelay $0x4  }
0x3aa: {  	v0 =	vmul.f32 $8.000000000e+00, v0;
	_ =	sdelay $0x1  }
0x3ab: {  	[tilespmem:s0+$0x60] =	vst v0  }
0x3ac: {  	v0 =	vld [tilespmem:s17+$0x70];
	_ =	sdelay $0x4  }
0x3ad: {  	v0 =	vmul.f32 $8.000000000e+00, v0;
	_ =	sdelay $0x1  }
0x3ae: {  	[tilespmem:s0+$0x70] =	vst v0  }
0x3af: {  	v0 =	vld [tilespmem:s17+$0x80];
	_ =	sdelay $0x4  }
0x3b0: {  	v0 =	vmul.f32 $8.000000000e+00, v0;
	_ =	sdelay $0x1  }
0x3b1: {  	[tilespmem:s0+$0x80] =	vst v0  }
0x3b2: {  	v0 =	vld [tilespmem:s17+$0x90];
	_ =	sdelay $0x4  }
0x3b3: {  	v0 =	vmul.f32 $8.000000000e+00, v0;
	_ =	sdelay $0x1  }
0x3b4: {  	[tilespmem:s0+$0x90] =	vst v0  }
0x3b5: {  	v0 =	vld [tilespmem:s17+$0xA0];
	_ =	sdelay $0x4  }
0x3b6: {  	v0 =	vmul.f32 $8.000000000e+00, v0;
	_ =	sdelay $0x1  }
0x3b7: {  	[tilespmem:s0+$0xA0] =	vst v0  }
0x3b8: {  	v0 =	vld [tilespmem:s17+$0xB0];
	_ =	sdelay $0x4  }
0x3b9: {  	v0 =	vmul.f32 $8.000000000e+00, v0;
	_ =	sdelay $0x1  }
0x3ba: {  	[tilespmem:s0+$0xB0] =	vst v0  }
0x3bb: {  	v0 =	vld [tilespmem:s17+$0xC0];
	_ =	sdelay $0x4  }
0x3bc: {  	v0 =	vmul.f32 $8.000000000e+00, v0;
	_ =	sdelay $0x1  }
0x3bd: {  	[tilespmem:s0+$0xC0] =	vst v0  }
0x3be: {  	v0 =	vld [tilespmem:s17+$0xD0];
	_ =	sdelay $0x4  }
0x3bf: {  	v0 =	vmul.f32 $8.000000000e+00, v0;
	_ =	sdelay $0x1  }
0x3c0: {  	[tilespmem:s0+$0xD0] =	vst v0  }
0x3c1: {  	v0 =	vld [tilespmem:s17+$0xE0];
	_ =	sdelay $0x4  }
0x3c2: {  	v0 =	vmul.f32 $8.000000000e+00, v0;
	_ =	sdelay $0x1  }
0x3c3: {  	[tilespmem:s0+$0xE0] =	vst v0  }
0x3c4: {  	v0 =	vld [tilespmem:s17+$0xF0];
	_ =	sdelay $0x4  }
0x3c5: {  	v0 =	vmul.f32 $8.000000000e+00, v0;
	_ =	sdelay $0x1  }
0x3c6: {  	s19 =	simm.s32 $0x6700;
	s17 =	simm.s32 $0x0;
	[tilespmem:s0+$0xF0] =	vst v0  }
.LBB2_12:
0x3c7: {  	v0 =	vld [tilespmem:s19+$0xFFFFFF00];
	s17 =	sadd.s32 $0x8, s17  }
0x3c8: {  	p0 =	slt.u32 s17, $0xF8;
	_ =	sdelay $0x3  }
0x3c9: {  	v0 =	vmul.f32 $8.000000000e+00, v0  }
0x3ca: {  	s0 =	sadd.s32 $0x200, s0  }
0x3cb: {  	[tilespmem:s0+$0xFFFFFF00] =	vst v0  }
0x3cc: {  	v0 =	vld [tilespmem:s19+$0xFFFFFF10];
	_ =	sdelay $0x4  }
0x3cd: {  	v0 =	vmul.f32 $8.000000000e+00, v0;
	_ =	sdelay $0x1  }
0x3ce: {  	[tilespmem:s0+$0xFFFFFF10] =	vst v0  }
0x3cf: {  	v0 =	vld [tilespmem:s19+$0xFFFFFF20];
	_ =	sdelay $0x4  }
0x3d0: {  	v0 =	vmul.f32 $8.000000000e+00, v0;
	_ =	sdelay $0x1  }
0x3d1: {  	[tilespmem:s0+$0xFFFFFF20] =	vst v0  }
0x3d2: {  	v0 =	vld [tilespmem:s19+$0xFFFFFF30];
	_ =	sdelay $0x4  }
0x3d3: {  	v0 =	vmul.f32 $8.000000000e+00, v0;
	_ =	sdelay $0x1  }
0x3d4: {  	[tilespmem:s0+$0xFFFFFF30] =	vst v0  }
0x3d5: {  	v0 =	vld [tilespmem:s19+$0xFFFFFF40];
	_ =	sdelay $0x4  }
0x3d6: {  	v0 =	vmul.f32 $8.000000000e+00, v0;
	_ =	sdelay $0x1  }
0x3d7: {  	[tilespmem:s0+$0xFFFFFF40] =	vst v0  }
0x3d8: {  	v0 =	vld [tilespmem:s19+$0xFFFFFF50];
	_ =	sdelay $0x4  }
0x3d9: {  	v0 =	vmul.f32 $8.000000000e+00, v0;
	_ =	sdelay $0x1  }
0x3da: {  	[tilespmem:s0+$0xFFFFFF50] =	vst v0  }
0x3db: {  	v0 =	vld [tilespmem:s19+$0xFFFFFF60];
	_ =	sdelay $0x4  }
0x3dc: {  	v0 =	vmul.f32 $8.000000000e+00, v0;
	_ =	sdelay $0x1  }
0x3dd: {  	[tilespmem:s0+$0xFFFFFF60] =	vst v0  }
0x3de: {  	v0 =	vld [tilespmem:s19+$0xFFFFFF70];
	_ =	sdelay $0x4  }
0x3df: {  	v0 =	vmul.f32 $8.000000000e+00, v0;
	_ =	sdelay $0x1  }
0x3e0: {  	[tilespmem:s0+$0xFFFFFF70] =	vst v0  }
0x3e1: {  	v0 =	vld [tilespmem:s19+$0xFFFFFF80];
	_ =	sdelay $0x4  }
0x3e2: {  	v0 =	vmul.f32 $8.000000000e+00, v0;
	_ =	sdelay $0x1  }
0x3e3: {  	[tilespmem:s0+$0xFFFFFF80] =	vst v0  }
0x3e4: {  	v0 =	vld [tilespmem:s19+$0xFFFFFF90];
	_ =	sdelay $0x4  }
0x3e5: {  	v0 =	vmul.f32 $8.000000000e+00, v0;
	_ =	sdelay $0x1  }
0x3e6: {  	[tilespmem:s0+$0xFFFFFF90] =	vst v0  }
0x3e7: {  	v0 =	vld [tilespmem:s19+$0xFFFFFFA0];
	_ =	sdelay $0x4  }
0x3e8: {  	v0 =	vmul.f32 $8.000000000e+00, v0;
	_ =	sdelay $0x1  }
0x3e9: {  	[tilespmem:s0+$0xFFFFFFA0] =	vst v0  }
0x3ea: {  	v0 =	vld [tilespmem:s19+$0xFFFFFFB0];
	_ =	sdelay $0x4  }
0x3eb: {  	v0 =	vmul.f32 $8.000000000e+00, v0;
	_ =	sdelay $0x1  }
0x3ec: {  	[tilespmem:s0+$0xFFFFFFB0] =	vst v0  }
0x3ed: {  	v0 =	vld [tilespmem:s19+$0xFFFFFFC0];
	_ =	sdelay $0x4  }
0x3ee: {  	v0 =	vmul.f32 $8.000000000e+00, v0;
	_ =	sdelay $0x1  }
0x3ef: {  	[tilespmem:s0+$0xFFFFFFC0] =	vst v0  }
0x3f0: {  	v0 =	vld [tilespmem:s19+$0xFFFFFFD0];
	_ =	sdelay $0x4  }
0x3f1: {  	v0 =	vmul.f32 $8.000000000e+00, v0;
	_ =	sdelay $0x1  }
0x3f2: {  	[tilespmem:s0+$0xFFFFFFD0] =	vst v0  }
0x3f3: {  	v0 =	vld [tilespmem:s19+$0xFFFFFFE0];
	_ =	sdelay $0x4  }
0x3f4: {  	v0 =	vmul.f32 $8.000000000e+00, v0;
	_ =	sdelay $0x1  }
0x3f5: {  	[tilespmem:s0+$0xFFFFFFE0] =	vst v0  }
0x3f6: {  	v0 =	vld [tilespmem:s19+$0xFFFFFFF0];
	_ =	sdelay $0x4  }
0x3f7: {  	v0 =	vmul.f32 $8.000000000e+00, v0;
	_ =	sdelay $0x1  }
0x3f8: {  	[tilespmem:s0+$0xFFFFFFF0] =	vst v0  }
0x3f9: {  	v0 =	vld [tilespmem:s19+$0x0];
	_ =	sdelay $0x4  }
0x3fa: {  	v0 =	vmul.f32 $8.000000000e+00, v0;
	_ =	sdelay $0x1  }
0x3fb: {  	[tilespmem:s0+$0x0] =	vst v0  }
0x3fc: {  	v0 =	vld [tilespmem:s19+$0x10];
	_ =	sdelay $0x4  }
0x3fd: {  	v0 =	vmul.f32 $8.000000000e+00, v0;
	_ =	sdelay $0x1  }
0x3fe: {  	[tilespmem:s0+$0x10] =	vst v0  }
0x3ff: {  	v0 =	vld [tilespmem:s19+$0x20];
	_ =	sdelay $0x4  }
0x400: {  	v0 =	vmul.f32 $8.000000000e+00, v0;
	_ =	sdelay $0x1  }
0x401: {  	[tilespmem:s0+$0x20] =	vst v0  }
0x402: {  	v0 =	vld [tilespmem:s19+$0x30];
	_ =	sdelay $0x4  }
0x403: {  	v0 =	vmul.f32 $8.000000000e+00, v0;
	_ =	sdelay $0x1  }
0x404: {  	[tilespmem:s0+$0x30] =	vst v0  }
0x405: {  	v0 =	vld [tilespmem:s19+$0x40];
	_ =	sdelay $0x4  }
0x406: {  	v0 =	vmul.f32 $8.000000000e+00, v0;
	_ =	sdelay $0x1  }
0x407: {  	[tilespmem:s0+$0x40] =	vst v0  }
0x408: {  	v0 =	vld [tilespmem:s19+$0x50];
	_ =	sdelay $0x4  }
0x409: {  	v0 =	vmul.f32 $8.000000000e+00, v0;
	_ =	sdelay $0x1  }
0x40a: {  	[tilespmem:s0+$0x50] =	vst v0  }
0x40b: {  	v0 =	vld [tilespmem:s19+$0x60];
	_ =	sdelay $0x4  }
0x40c: {  	v0 =	vmul.f32 $8.000000000e+00, v0;
	_ =	sdelay $0x1  }
0x40d: {  	[tilespmem:s0+$0x60] =	vst v0  }
0x40e: {  	v0 =	vld [tilespmem:s19+$0x70];
	_ =	sdelay $0x4  }
0x40f: {  	v0 =	vmul.f32 $8.000000000e+00, v0;
	_ =	sdelay $0x1  }
0x410: {  	[tilespmem:s0+$0x70] =	vst v0  }
0x411: {  	v0 =	vld [tilespmem:s19+$0x80];
	_ =	sdelay $0x4  }
0x412: {  	v0 =	vmul.f32 $8.000000000e+00, v0;
	_ =	sdelay $0x1  }
0x413: {  	[tilespmem:s0+$0x80] =	vst v0  }
0x414: {  	v0 =	vld [tilespmem:s19+$0x90];
	_ =	sdelay $0x4  }
0x415: {  	v0 =	vmul.f32 $8.000000000e+00, v0;
	_ =	sdelay $0x1  }
0x416: {  	[tilespmem:s0+$0x90] =	vst v0  }
0x417: {  	v0 =	vld [tilespmem:s19+$0xA0];
	_ =	sdelay $0x4  }
0x418: {  	v0 =	vmul.f32 $8.000000000e+00, v0;
	_ =	sdelay $0x1  }
0x419: {  	[tilespmem:s0+$0xA0] =	vst v0  }
0x41a: {  	v0 =	vld [tilespmem:s19+$0xB0];
	_ =	sdelay $0x4  }
0x41b: {  	v0 =	vmul.f32 $8.000000000e+00, v0;
	_ =	sdelay $0x1  }
0x41c: {  	[tilespmem:s0+$0xB0] =	vst v0  }
0x41d: {  	v0 =	vld [tilespmem:s19+$0xC0];
	_ =	sdelay $0x4  }
0x41e: {  	v0 =	vmul.f32 $8.000000000e+00, v0;
	_ =	sdelay $0x1  }
0x41f: {  	[tilespmem:s0+$0xC0] =	vst v0  }
0x420: {  	v0 =	vld [tilespmem:s19+$0xD0];
	_ =	sdelay $0x4  }
0x421: {  	v0 =	vmul.f32 $8.000000000e+00, v0;
	_ =	sdelay $0x1  }
0x422: {  	[tilespmem:s0+$0xD0] =	vst v0  }
0x423: {  	v0 =	vld [tilespmem:s19+$0xE0];
	_ =	sdelay $0x4  }
0x424: {  	v0 =	vmul.f32 $8.000000000e+00, v0;
	_ =	sdelay $0x1  }
0x425: {  	[tilespmem:s0+$0xE0] =	vst v0  }
0x426: {  	v0 =	vld [tilespmem:s19+$0xF0];
	_ =	sdelay $0x2  }
.Ltmp5:
0x427: {  	(pc) =	sbr.rel @p0 .LBB2_12-.Ltmp5, $3  }
0x428: {  	_ = 	snop  }
0x429: {  	v0 =	vmul.f32 $8.000000000e+00, v0;
	_ =	sdelay $0x1  }
0x42a: {  	s19 =	sadd.s32 $0x200, s19;
	[tilespmem:s0+$0xF0] =	vst v0  }
0x42b: {  	[hbm4b:s10+s3] =	stream.linear.scatter [tilespmem:s22], [sflag:$0x3], $0x4000, $0x38;
	[tilespmem:$0x16400] =	vst v63  }
0x42c: {  	_ =	swait.ge [sflag:s25], $0x4000  }
0x42d: {  	[sflag:s25] =	ssyncset.done $0x0  }
0x42e: {  	[sflag:s25] =	ssyncadd.s32 $0xFFFFC000  }
0x42f: {  	_ =	swait.ge [sflag:s31], $0x4000  }
0x430: {  	[sflag:s31] =	ssyncset.done $0x0  }
0x431: {  	s17 =	simm.s32 $0xA500;
	[sflag:s31] =	ssyncadd.s32 $0xFFFFC000  }
0x432: {  	v0 =	vld [tilespmem:s17+$0xFFFFFF00];
	_ =	sdelay $0x4  }
0x433: {  	v0 =	vmul.f32 $8.000000000e+00, v0  }
0x434: {  	s0 =	simm.s32 $0x12500  }
0x435: {  	[tilespmem:s0+$0xFFFFFF00] =	vst v0  }
0x436: {  	v0 =	vld [tilespmem:s17+$0xFFFFFF10];
	_ =	sdelay $0x4  }
0x437: {  	v0 =	vmul.f32 $8.000000000e+00, v0;
	_ =	sdelay $0x1  }
0x438: {  	[tilespmem:s0+$0xFFFFFF10] =	vst v0  }
0x439: {  	v0 =	vld [tilespmem:s17+$0xFFFFFF20];
	_ =	sdelay $0x4  }
0x43a: {  	v0 =	vmul.f32 $8.000000000e+00, v0;
	_ =	sdelay $0x1  }
0x43b: {  	[tilespmem:s0+$0xFFFFFF20] =	vst v0  }
0x43c: {  	v0 =	vld [tilespmem:s17+$0xFFFFFF30];
	_ =	sdelay $0x4  }
0x43d: {  	v0 =	vmul.f32 $8.000000000e+00, v0;
	_ =	sdelay $0x1  }
0x43e: {  	[tilespmem:s0+$0xFFFFFF30] =	vst v0  }
0x43f: {  	v0 =	vld [tilespmem:s17+$0xFFFFFF40];
	_ =	sdelay $0x4  }
0x440: {  	v0 =	vmul.f32 $8.000000000e+00, v0;
	_ =	sdelay $0x1  }
0x441: {  	[tilespmem:s0+$0xFFFFFF40] =	vst v0  }
0x442: {  	v0 =	vld [tilespmem:s17+$0xFFFFFF50];
	_ =	sdelay $0x4  }
0x443: {  	v0 =	vmul.f32 $8.000000000e+00, v0;
	_ =	sdelay $0x1  }
0x444: {  	[tilespmem:s0+$0xFFFFFF50] =	vst v0  }
0x445: {  	v0 =	vld [tilespmem:s17+$0xFFFFFF60];
	_ =	sdelay $0x4  }
0x446: {  	v0 =	vmul.f32 $8.000000000e+00, v0;
	_ =	sdelay $0x1  }
0x447: {  	[tilespmem:s0+$0xFFFFFF60] =	vst v0  }
0x448: {  	v0 =	vld [tilespmem:s17+$0xFFFFFF70];
	_ =	sdelay $0x4  }
0x449: {  	v0 =	vmul.f32 $8.000000000e+00, v0;
	_ =	sdelay $0x1  }
0x44a: {  	[tilespmem:s0+$0xFFFFFF70] =	vst v0  }
0x44b: {  	v0 =	vld [tilespmem:s17+$0xFFFFFF80];
	_ =	sdelay $0x4  }
0x44c: {  	v0 =	vmul.f32 $8.000000000e+00, v0;
	_ =	sdelay $0x1  }
0x44d: {  	[tilespmem:s0+$0xFFFFFF80] =	vst v0  }
0x44e: {  	v0 =	vld [tilespmem:s17+$0xFFFFFF90];
	_ =	sdelay $0x4  }
0x44f: {  	v0 =	vmul.f32 $8.000000000e+00, v0;
	_ =	sdelay $0x1  }
0x450: {  	[tilespmem:s0+$0xFFFFFF90] =	vst v0  }
0x451: {  	v0 =	vld [tilespmem:s17+$0xFFFFFFA0];
	_ =	sdelay $0x4  }
0x452: {  	v0 =	vmul.f32 $8.000000000e+00, v0;
	_ =	sdelay $0x1  }
0x453: {  	[tilespmem:s0+$0xFFFFFFA0] =	vst v0  }
0x454: {  	v0 =	vld [tilespmem:s17+$0xFFFFFFB0];
	_ =	sdelay $0x4  }
0x455: {  	v0 =	vmul.f32 $8.000000000e+00, v0;
	_ =	sdelay $0x1  }
0x456: {  	[tilespmem:s0+$0xFFFFFFB0] =	vst v0  }
0x457: {  	v0 =	vld [tilespmem:s17+$0xFFFFFFC0];
	_ =	sdelay $0x4  }
0x458: {  	v0 =	vmul.f32 $8.000000000e+00, v0;
	_ =	sdelay $0x1  }
0x459: {  	[tilespmem:s0+$0xFFFFFFC0] =	vst v0  }
0x45a: {  	v0 =	vld [tilespmem:s17+$0xFFFFFFD0];
	_ =	sdelay $0x4  }
0x45b: {  	v0 =	vmul.f32 $8.000000000e+00, v0;
	_ =	sdelay $0x1  }
0x45c: {  	[tilespmem:s0+$0xFFFFFFD0] =	vst v0  }
0x45d: {  	v0 =	vld [tilespmem:s17+$0xFFFFFFE0];
	_ =	sdelay $0x4  }
0x45e: {  	v0 =	vmul.f32 $8.000000000e+00, v0;
	_ =	sdelay $0x1  }
0x45f: {  	[tilespmem:s0+$0xFFFFFFE0] =	vst v0  }
0x460: {  	v0 =	vld [tilespmem:s17+$0xFFFFFFF0];
	_ =	sdelay $0x4  }
0x461: {  	v0 =	vmul.f32 $8.000000000e+00, v0;
	_ =	sdelay $0x1  }
0x462: {  	[tilespmem:s0+$0xFFFFFFF0] =	vst v0  }
0x463: {  	v0 =	vld [tilespmem:s17+$0x0];
	_ =	sdelay $0x4  }
0x464: {  	v0 =	vmul.f32 $8.000000000e+00, v0;
	_ =	sdelay $0x1  }
0x465: {  	[tilespmem:s0+$0x0] =	vst v0  }
0x466: {  	v0 =	vld [tilespmem:s17+$0x10];
	_ =	sdelay $0x4  }
0x467: {  	v0 =	vmul.f32 $8.000000000e+00, v0;
	_ =	sdelay $0x1  }
0x468: {  	[tilespmem:s0+$0x10] =	vst v0  }
0x469: {  	v0 =	vld [tilespmem:s17+$0x20];
	_ =	sdelay $0x4  }
0x46a: {  	v0 =	vmul.f32 $8.000000000e+00, v0;
	_ =	sdelay $0x1  }
0x46b: {  	[tilespmem:s0+$0x20] =	vst v0  }
0x46c: {  	v0 =	vld [tilespmem:s17+$0x30];
	_ =	sdelay $0x4  }
0x46d: {  	v0 =	vmul.f32 $8.000000000e+00, v0;
	_ =	sdelay $0x1  }
0x46e: {  	[tilespmem:s0+$0x30] =	vst v0  }
0x46f: {  	v0 =	vld [tilespmem:s17+$0x40];
	_ =	sdelay $0x4  }
0x470: {  	v0 =	vmul.f32 $8.000000000e+00, v0;
	_ =	sdelay $0x1  }
0x471: {  	[tilespmem:s0+$0x40] =	vst v0  }
0x472: {  	v0 =	vld [tilespmem:s17+$0x50];
	_ =	sdelay $0x4  }
0x473: {  	v0 =	vmul.f32 $8.000000000e+00, v0;
	_ =	sdelay $0x1  }
0x474: {  	[tilespmem:s0+$0x50] =	vst v0  }
0x475: {  	v0 =	vld [tilespmem:s17+$0x60];
	_ =	sdelay $0x4  }
0x476: {  	v0 =	vmul.f32 $8.000000000e+00, v0;
	_ =	sdelay $0x1  }
0x477: {  	[tilespmem:s0+$0x60] =	vst v0  }
0x478: {  	v0 =	vld [tilespmem:s17+$0x70];
	_ =	sdelay $0x4  }
0x479: {  	v0 =	vmul.f32 $8.000000000e+00, v0;
	_ =	sdelay $0x1  }
0x47a: {  	[tilespmem:s0+$0x70] =	vst v0  }
0x47b: {  	v0 =	vld [tilespmem:s17+$0x80];
	_ =	sdelay $0x4  }
0x47c: {  	v0 =	vmul.f32 $8.000000000e+00, v0;
	_ =	sdelay $0x1  }
0x47d: {  	[tilespmem:s0+$0x80] =	vst v0  }
0x47e: {  	v0 =	vld [tilespmem:s17+$0x90];
	_ =	sdelay $0x4  }
0x47f: {  	v0 =	vmul.f32 $8.000000000e+00, v0;
	_ =	sdelay $0x1  }
0x480: {  	[tilespmem:s0+$0x90] =	vst v0  }
0x481: {  	v0 =	vld [tilespmem:s17+$0xA0];
	_ =	sdelay $0x4  }
0x482: {  	v0 =	vmul.f32 $8.000000000e+00, v0;
	_ =	sdelay $0x1  }
0x483: {  	[tilespmem:s0+$0xA0] =	vst v0  }
0x484: {  	v0 =	vld [tilespmem:s17+$0xB0];
	_ =	sdelay $0x4  }
0x485: {  	v0 =	vmul.f32 $8.000000000e+00, v0;
	_ =	sdelay $0x1  }
0x486: {  	[tilespmem:s0+$0xB0] =	vst v0  }
0x487: {  	v0 =	vld [tilespmem:s17+$0xC0];
	_ =	sdelay $0x4  }
0x488: {  	v0 =	vmul.f32 $8.000000000e+00, v0;
	_ =	sdelay $0x1  }
0x489: {  	[tilespmem:s0+$0xC0] =	vst v0  }
0x48a: {  	v0 =	vld [tilespmem:s17+$0xD0];
	_ =	sdelay $0x4  }
0x48b: {  	v0 =	vmul.f32 $8.000000000e+00, v0;
	_ =	sdelay $0x1  }
0x48c: {  	[tilespmem:s0+$0xD0] =	vst v0  }
0x48d: {  	v0 =	vld [tilespmem:s17+$0xE0];
	_ =	sdelay $0x4  }
0x48e: {  	v0 =	vmul.f32 $8.000000000e+00, v0;
	_ =	sdelay $0x1  }
0x48f: {  	[tilespmem:s0+$0xE0] =	vst v0  }
0x490: {  	v0 =	vld [tilespmem:s17+$0xF0];
	_ =	sdelay $0x4  }
0x491: {  	v0 =	vmul.f32 $8.000000000e+00, v0;
	_ =	sdelay $0x1  }
0x492: {  	s19 =	simm.s32 $0xA700;
	s17 =	simm.s32 $0x0;
	[tilespmem:s0+$0xF0] =	vst v0  }
.LBB2_14:
0x493: {  	v0 =	vld [tilespmem:s19+$0xFFFFFF00];
	s17 =	sadd.s32 $0x8, s17  }
0x494: {  	p0 =	slt.u32 s17, $0xF8;
	_ =	sdelay $0x3  }
0x495: {  	v0 =	vmul.f32 $8.000000000e+00, v0  }
0x496: {  	s0 =	sadd.s32 $0x200, s0  }
0x497: {  	[tilespmem:s0+$0xFFFFFF00] =	vst v0  }
0x498: {  	v0 =	vld [tilespmem:s19+$0xFFFFFF10];
	_ =	sdelay $0x4  }
0x499: {  	v0 =	vmul.f32 $8.000000000e+00, v0;
	_ =	sdelay $0x1  }
0x49a: {  	[tilespmem:s0+$0xFFFFFF10] =	vst v0  }
0x49b: {  	v0 =	vld [tilespmem:s19+$0xFFFFFF20];
	_ =	sdelay $0x4  }
0x49c: {  	v0 =	vmul.f32 $8.000000000e+00, v0;
	_ =	sdelay $0x1  }
0x49d: {  	[tilespmem:s0+$0xFFFFFF20] =	vst v0  }
0x49e: {  	v0 =	vld [tilespmem:s19+$0xFFFFFF30];
	_ =	sdelay $0x4  }
0x49f: {  	v0 =	vmul.f32 $8.000000000e+00, v0;
	_ =	sdelay $0x1  }
0x4a0: {  	[tilespmem:s0+$0xFFFFFF30] =	vst v0  }
0x4a1: {  	v0 =	vld [tilespmem:s19+$0xFFFFFF40];
	_ =	sdelay $0x4  }
0x4a2: {  	v0 =	vmul.f32 $8.000000000e+00, v0;
	_ =	sdelay $0x1  }
0x4a3: {  	[tilespmem:s0+$0xFFFFFF40] =	vst v0  }
0x4a4: {  	v0 =	vld [tilespmem:s19+$0xFFFFFF50];
	_ =	sdelay $0x4  }
0x4a5: {  	v0 =	vmul.f32 $8.000000000e+00, v0;
	_ =	sdelay $0x1  }
0x4a6: {  	[tilespmem:s0+$0xFFFFFF50] =	vst v0  }
0x4a7: {  	v0 =	vld [tilespmem:s19+$0xFFFFFF60];
	_ =	sdelay $0x4  }
0x4a8: {  	v0 =	vmul.f32 $8.000000000e+00, v0;
	_ =	sdelay $0x1  }
0x4a9: {  	[tilespmem:s0+$0xFFFFFF60] =	vst v0  }
0x4aa: {  	v0 =	vld [tilespmem:s19+$0xFFFFFF70];
	_ =	sdelay $0x4  }
0x4ab: {  	v0 =	vmul.f32 $8.000000000e+00, v0;
	_ =	sdelay $0x1  }
0x4ac: {  	[tilespmem:s0+$0xFFFFFF70] =	vst v0  }
0x4ad: {  	v0 =	vld [tilespmem:s19+$0xFFFFFF80];
	_ =	sdelay $0x4  }
0x4ae: {  	v0 =	vmul.f32 $8.000000000e+00, v0;
	_ =	sdelay $0x1  }
0x4af: {  	[tilespmem:s0+$0xFFFFFF80] =	vst v0  }
0x4b0: {  	v0 =	vld [tilespmem:s19+$0xFFFFFF90];
	_ =	sdelay $0x4  }
0x4b1: {  	v0 =	vmul.f32 $8.000000000e+00, v0;
	_ =	sdelay $0x1  }
0x4b2: {  	[tilespmem:s0+$0xFFFFFF90] =	vst v0  }
0x4b3: {  	v0 =	vld [tilespmem:s19+$0xFFFFFFA0];
	_ =	sdelay $0x4  }
0x4b4: {  	v0 =	vmul.f32 $8.000000000e+00, v0;
	_ =	sdelay $0x1  }
0x4b5: {  	[tilespmem:s0+$0xFFFFFFA0] =	vst v0  }
0x4b6: {  	v0 =	vld [tilespmem:s19+$0xFFFFFFB0];
	_ =	sdelay $0x4  }
0x4b7: {  	v0 =	vmul.f32 $8.000000000e+00, v0;
	_ =	sdelay $0x1  }
0x4b8: {  	[tilespmem:s0+$0xFFFFFFB0] =	vst v0  }
0x4b9: {  	v0 =	vld [tilespmem:s19+$0xFFFFFFC0];
	_ =	sdelay $0x4  }
0x4ba: {  	v0 =	vmul.f32 $8.000000000e+00, v0;
	_ =	sdelay $0x1  }
0x4bb: {  	[tilespmem:s0+$0xFFFFFFC0] =	vst v0  }
0x4bc: {  	v0 =	vld [tilespmem:s19+$0xFFFFFFD0];
	_ =	sdelay $0x4  }
0x4bd: {  	v0 =	vmul.f32 $8.000000000e+00, v0;
	_ =	sdelay $0x1  }
0x4be: {  	[tilespmem:s0+$0xFFFFFFD0] =	vst v0  }
0x4bf: {  	v0 =	vld [tilespmem:s19+$0xFFFFFFE0];
	_ =	sdelay $0x4  }
0x4c0: {  	v0 =	vmul.f32 $8.000000000e+00, v0;
	_ =	sdelay $0x1  }
0x4c1: {  	[tilespmem:s0+$0xFFFFFFE0] =	vst v0  }
0x4c2: {  	v0 =	vld [tilespmem:s19+$0xFFFFFFF0];
	_ =	sdelay $0x4  }
0x4c3: {  	v0 =	vmul.f32 $8.000000000e+00, v0;
	_ =	sdelay $0x1  }
0x4c4: {  	[tilespmem:s0+$0xFFFFFFF0] =	vst v0  }
0x4c5: {  	v0 =	vld [tilespmem:s19+$0x0];
	_ =	sdelay $0x4  }
0x4c6: {  	v0 =	vmul.f32 $8.000000000e+00, v0;
	_ =	sdelay $0x1  }
0x4c7: {  	[tilespmem:s0+$0x0] =	vst v0  }
0x4c8: {  	v0 =	vld [tilespmem:s19+$0x10];
	_ =	sdelay $0x4  }
0x4c9: {  	v0 =	vmul.f32 $8.000000000e+00, v0;
	_ =	sdelay $0x1  }
0x4ca: {  	[tilespmem:s0+$0x10] =	vst v0  }
0x4cb: {  	v0 =	vld [tilespmem:s19+$0x20];
	_ =	sdelay $0x4  }
0x4cc: {  	v0 =	vmul.f32 $8.000000000e+00, v0;
	_ =	sdelay $0x1  }
0x4cd: {  	[tilespmem:s0+$0x20] =	vst v0  }
0x4ce: {  	v0 =	vld [tilespmem:s19+$0x30];
	_ =	sdelay $0x4  }
0x4cf: {  	v0 =	vmul.f32 $8.000000000e+00, v0;
	_ =	sdelay $0x1  }
0x4d0: {  	[tilespmem:s0+$0x30] =	vst v0  }
0x4d1: {  	v0 =	vld [tilespmem:s19+$0x40];
	_ =	sdelay $0x4  }
0x4d2: {  	v0 =	vmul.f32 $8.000000000e+00, v0;
	_ =	sdelay $0x1  }
0x4d3: {  	[tilespmem:s0+$0x40] =	vst v0  }
0x4d4: {  	v0 =	vld [tilespmem:s19+$0x50];
	_ =	sdelay $0x4  }
0x4d5: {  	v0 =	vmul.f32 $8.000000000e+00, v0;
	_ =	sdelay $0x1  }
0x4d6: {  	[tilespmem:s0+$0x50] =	vst v0  }
0x4d7: {  	v0 =	vld [tilespmem:s19+$0x60];
	_ =	sdelay $0x4  }
0x4d8: {  	v0 =	vmul.f32 $8.000000000e+00, v0;
	_ =	sdelay $0x1  }
0x4d9: {  	[tilespmem:s0+$0x60] =	vst v0  }
0x4da: {  	v0 =	vld [tilespmem:s19+$0x70];
	_ =	sdelay $0x4  }
0x4db: {  	v0 =	vmul.f32 $8.000000000e+00, v0;
	_ =	sdelay $0x1  }
0x4dc: {  	[tilespmem:s0+$0x70] =	vst v0  }
0x4dd: {  	v0 =	vld [tilespmem:s19+$0x80];
	_ =	sdelay $0x4  }
0x4de: {  	v0 =	vmul.f32 $8.000000000e+00, v0;
	_ =	sdelay $0x1  }
0x4df: {  	[tilespmem:s0+$0x80] =	vst v0  }
0x4e0: {  	v0 =	vld [tilespmem:s19+$0x90];
	_ =	sdelay $0x4  }
0x4e1: {  	v0 =	vmul.f32 $8.000000000e+00, v0;
	_ =	sdelay $0x1  }
0x4e2: {  	[tilespmem:s0+$0x90] =	vst v0  }
0x4e3: {  	v0 =	vld [tilespmem:s19+$0xA0];
	_ =	sdelay $0x4  }
0x4e4: {  	v0 =	vmul.f32 $8.000000000e+00, v0;
	_ =	sdelay $0x1  }
0x4e5: {  	[tilespmem:s0+$0xA0] =	vst v0  }
0x4e6: {  	v0 =	vld [tilespmem:s19+$0xB0];
	_ =	sdelay $0x4  }
0x4e7: {  	v0 =	vmul.f32 $8.000000000e+00, v0;
	_ =	sdelay $0x1  }
0x4e8: {  	[tilespmem:s0+$0xB0] =	vst v0  }
0x4e9: {  	v0 =	vld [tilespmem:s19+$0xC0];
	_ =	sdelay $0x4  }
0x4ea: {  	v0 =	vmul.f32 $8.000000000e+00, v0;
	_ =	sdelay $0x1  }
0x4eb: {  	[tilespmem:s0+$0xC0] =	vst v0  }
0x4ec: {  	v0 =	vld [tilespmem:s19+$0xD0];
	_ =	sdelay $0x4  }
0x4ed: {  	v0 =	vmul.f32 $8.000000000e+00, v0;
	_ =	sdelay $0x1  }
0x4ee: {  	[tilespmem:s0+$0xD0] =	vst v0  }
0x4ef: {  	v0 =	vld [tilespmem:s19+$0xE0];
	_ =	sdelay $0x4  }
0x4f0: {  	v0 =	vmul.f32 $8.000000000e+00, v0;
	_ =	sdelay $0x1  }
0x4f1: {  	[tilespmem:s0+$0xE0] =	vst v0  }
0x4f2: {  	v0 =	vld [tilespmem:s19+$0xF0];
	_ =	sdelay $0x2  }
.Ltmp6:
0x4f3: {  	(pc) =	sbr.rel @p0 .LBB2_14-.Ltmp6, $3  }
0x4f4: {  	_ = 	snop  }
0x4f5: {  	v0 =	vmul.f32 $8.000000000e+00, v0;
	_ =	sdelay $0x1  }
0x4f6: {  	s19 =	sadd.s32 $0x200, s19;
	[tilespmem:s0+$0xF0] =	vst v0  }
0x4f7: {  	[hbm4b:s11+s3] =	stream.linear.scatter [tilespmem:s26], [sflag:$0x4], $0x4000, $0x38;
	[tilespmem:$0x16400] =	vst v63  }
0x4f8: {  	s1 =	sadd.s32 $0x1, s1  }
0x4f9: {  	_ =	swait.ge [sflag:s30], $0x4000;
	p0 =	sne.s32 s1, s12  }
.Ltmp7:
0x4fa: {  	[sflag:s30] =	ssyncset.done $0x0;
	(pc) =	sbr.rel @p0 .LBB2_1-.Ltmp7, $4  }
0x4fb: {  	[sflag:s30] =	ssyncadd.s32 $0xFFFFC000  }
0x4fc: {  	_ =	swait.ge [sflag:s31], $0x4000  }
0x4fd: {  	[sflag:s31] =	ssyncset.done $0x0  }
0x4fe: {  	[sflag:s31] =	ssyncadd.s32 $0xFFFFC000  }
0x4ff: {  	_ =	sfence.sel $0x180000  }
0x500: {  	[bflag:$0x0] =	sbarrier.arrive $0xFFFF  }
0x501: {  	_ =	strace $0x90000047  }
0x502: {  	s0 =	stileid.u32;
	[bflag:$0x2] =	sbarrier.arrive $0xFFFF  }
0x503: {  	p0 =	sne.s32 s0, $0x0;
	s0 =	rddreg [dreg:$0x2]  }
0x504: {  	s0 =	sadd.s32 @!p0 $0x100000, s0  }
0x505: {  	[sflag:s0] =	ssyncadd.tile.s32 @!p0 $0x1;
	_ =	shalt  }
.Lfunc_end2:
_tile_overlayer_lowered:
.L_overlay_start_2:
0x506: {  	(tag) =	ssettag $0x2  }
0x507: {  	s0 =	rddreg [dreg:$0x0];
	s2 =	stileid.u32  }
0x508: {  	s1 =	rddreg [dreg:$0x1];
	p0 =	sne.s32 s2, $0x0  }
0x509: {  	s3 =	rddreg [dreg:$0x2];
	[bflag:$0x3] =	sbarrier.arrive $0xFFFF;
	s2 =	simm.s32 @!p0 $0x1C05  }
0x50a: {  	[timem:s3], [sflag:s2] =	dma.local @!p0 [hbm:s0], s1  }
0x50b: {  	s0 =	simm.s32 @!p0 $0x5  }
0x50c: {  	_ =	swait.ge @!p0 [sflag:s0], s1  }
0x50d: {  	s1 =	ssub.s32 @!p0 $0x0, s1;
	[sflag:s0] =	ssyncset.done @!p0 $0x0  }
0x50e: {  	[sflag:s0] =	ssyncadd.s32 @!p0 s1  }
0x50f: {  	[bflag:$0x3] =	sbarrier.arrive $0xFFFF  }
0x510: {  	_ =	shalt  }

// kernel: sparse-core-data-format-call.cloned.1.call-start
scs
called_computation_lowered:
.L_overlay_start_0:
0x0: {  	s2 =	sld [smem:$0x3FD9]  }
0x1: {  	s3 =	sld [smem:$0x3FFE];
	_ =	sdelay $0x1  }
0x2: {  	s1 =	srdreg.scid  }
0x3: {  	s0 =	sand.u32 $0x1, s1  }
0x4: {  	s18 =	sshll.u32 s0, $0xA;
	s2 =	sadd.s32 s3, s2  }
0x5: {  	s2 =	sadd.s32 s2, s18  }
0x6: {  	[smem:$0x3FC6] =	sst s2  }
0x7: {  	_ = 	snop  }
0x8: {  	s2 =	sld [smem:$0x3FD0];
	(tm) =	ssettm $0x1  }
0x9: {  	s19 =	sld [smem:$0x3FFB];
	_ =	sdelay $0x3  }
0xa: {  	_ =	strace s19  }
0xb: {  	s3 =	sld [smem:$0x3FFC];
	_ =	sdelay $0x3  }
0xc: {  	_ =	strace s3  }
0xd: {  	s3 =	sld [smem:$0x3FFD];
	_ =	sdelay $0x3  }
0xe: {  	_ =	strace s3  }
0xf: {  	_ =	strace $0x8FFFFFFF  }
0x10: {  	s20 =	sld [smem:$0x3FDB];
	_ =	sdelay $0x1  }
0x11: {  	s4 =	simm.s32 $_scs_section_size  }
0x12: {  	s5 =	simm.s32 $_size__tile_overlayer_lowered;
	s6 =	simm.s32 $_tile_overlayer_lowered  }
0x13: {  	s23 =	simm.s32 $0x1BFF;
	s22 =	sshll.u32 s6, $0x1;
	s3 =	sadd.s32 s4, s20  }
0x14: {  	s7 =	simm.s32 $0x0;
	s21 =	sshll.u32 s5, $0x1;
	s5 =	sadd.s32 s22, s3  }
0x15: {  	[timem:s7], [sflag:s23] =	dma.local [hbm:s5], s21  }
0x16: {  	_ =	swait.ge [sflag:s23], s21  }
0x17: {  	s4 =	ssub.s32 $0x0, s21;
	[sflag:s23] =	ssyncset.done $0x0  }
0x18: {  	[sflag:s23] =	ssyncadd.s32 s4;
	_ =	sdelay $0x1  }
0x19: {  	s24 =	simm.s32 $0x1B8B  }
0x1a: {  	_ =	swait.ge [sflag:s24], $0x1  }
0x1b: {  	[sflag:s24] =	ssyncset.done $0x0  }
0x1c: {  	s26 =	simm.s32 $0x1B8E;
	s25 =	sld [smem:$0x3FFE];
	[sflag:s24] =	ssyncadd.s32 $0xFFFFFFFF  }
0x1d: {  	s27 =	simm.s32 $execute0_lowered;
	[smem:$0x3FD2] =	sst s26  }
0x1e: {  	s5 =	sshll.u32 s27, $0x1;
	_ =	strace $0x80000049;
	[dreg:$0x1] =	wrdreg $0xFFFFFFFF  }
0x1f: {  	s28 =	simm.s32 $_size_execute0_lowered;
	s3 =	sadd.s32 s3, s5;
	[dreg:$0x0] =	wrdreg $0x0  }
0x20: {  	s5 =	sshll.u32 s28, $0x1;
	[dreg:$0x2] =	wrdreg s3  }
0x21: {  	[dreg:$0x3] =	wrdreg s5  }
0x22: {  	[dreg:$0x4] =	wrdreg $0xC0  }
0x23: {  	_ =	task [dreg:s7], $0x5FFFF  }
0x24: {  	[dreg:$0x1] =	wrdreg $0xFFFFFFFF  }
0x25: {  	[dreg:$0x0] =	wrdreg $0x60  }
0x26: {  	[dreg:$0x2] =	wrdreg s25  }
0x27: {  	[dreg:$0x3] =	wrdreg s2  }
0x28: {  	[dreg:$0x4] =	wrdreg $0x9  }
0x29: {  	_ =	task.clear_ibuf [dreg:s7], $0x5FFFF;
	_ =	strace $0x90000049  }
0x2a: {  	s29 =	simm.s32 $0x9;
	_ =	strace $0x8000004B  }
0x2b: {  	_ =	swait.ge [sflag:s29], $0x1  }
0x2c: {  	[sflag:s29] =	ssyncadd.s32 $0xFFFFFFFF  }
0x2d: {  	_ =	strace $0x9000004B  }
0x2e: {  	_ =	sfence  }
0x2f: {  	s30 =	sld [smem:$0x0];
	_ =	sdelay $0x2  }
0x30: {  	s31 =	sshll.u32 s1, $0xD;
	s1 =	sshrl.u32 s1, $0x2  }
0x31: {  	s3 =	sand.u32 $0x4000, s31;
	s1 =	sadd.s32 s1, s30  }
0x32: {  	s0 =	sor.u32 s3, s0;
	s1 =	sshll.u32 s1, $0x11  }
0x33: {  	s0 =	sor.u32 s1, s0  }
0x34: {  	s0 =	sadd.s32 $0x8F2B, s0  }
0x35: {  	[sflag:s0] =	ssyncadd.remote.s32 $0x1  }
0x36: {  	_ =	sfence.sel $0xFFFF  }
0x37: {  	[dreg:$0x0] =	wrdreg $0xFFFFFFFF;
	(pc) =	sbr.abs _section_cstart, $3  }
0x38: {  	[dreg:$0x1] =	wrdreg $0xFFFFFFFF  }
0x39: {  	_ =	task.clear_ibuf [dreg:s7], $0x2FFFF;
	_ =	strace $0x9FFFFFFF  }
0x3a: {  	(tm) =	ssettm $0x7FFFFFFF  }
0x3b: {  	_ =	shalt  }
tec
execute0_lowered:
.L_overlay_start_1:
0x0: {  	(tag) =	ssettag $0x1  }
0x1: {  	s0 =	srdreg.scid  }
0x2: {  	s1 =	sshll.u32 s0, $0x4  }
0x3: {  	s0 =	stileid.u32;
	s1 =	sand.u32 $0x10, s1  }
0x4: {  	s1 =	sor.u32 s0, s1  }
0x5: {  	s6 =	rddreg [dreg:$0x0];
	s4 =	simm.s32 $0x1;
	s2 =	sshll.u32 s1, $0x7  }
0x6: {  	s7 =	simm.s32 $0x2;
	s12 =	simm.s32 $0x0;
	s1 =	ssub.s32 $0x4000, s2  }
0x7: {  	s8 =	simm.s32 $0x20000;
	s13 =	simm.s32 $0x0;
	s3 =	sand.u32 $0xF80, s1  }
0x8: {  	s9 =	simm.s32 $0x0;
	s5 =	sshrl.u32 s1, $0xC;
	p0 =	sne.s32 s3, $0x0  }
.Ltmp0:
0x9: {  	s1 =	rddreg [dreg:$0x2];
	s4 =	simm.s32 @!p0 $0x0;
	(pc) =	sbr.rel .LBB1_1-.Ltmp0, $4  }
0xa: {  	s11 =	simm.s32 $0x0;
	s3 =	rddreg [dreg:$0x1];
	s5 =	sadd.s32 s4, s5  }
0xb: {  	_ =	strace $0x8000004A;
	s4 =	simm.s32 $0x1;
	s5 =	smul.u32 $0x32, s5  }
0xc: {  	s6 =	sadd.s32 $0xA00, s6;
	s10 =	smov.u32 s2;
	[sflag:s4] =	ssyncpa.u1 $0x0  }
0xd: {  	p0 =	por $0x0, $0x0;
	[sflag:s7] =	ssyncpa.u1 $0x0;
	s7 =	sor.u32 $0x1, s5  }
.LBB1_4:
0xe: {  	s16 =	sshll.u32 s13, $0x3;
	s17 =	sand.u32 $0x78, s13  }
0xf: {  	s30 =	sand.u32 $0x1F800, s13;
	s12 =	sshll.u32 s12, $0x11;
	s16 =	sand.u32 $0x3C00, s16  }
0x10: {  	[tilespmem:s15+$0x810 ss:$0x81] =	vst.msk $0xffff, v2;
	s31 =	sand.u32 $0x7, s13;
	s16 =	sor.u32 s17, s16;
	s17 =	sadd.s32 s3, s30  }
0x11: {  	[tilespmem:s15+$0x1020 ss:$0x81] =	vst.msk $0xffff, v0;
	s13 =	sshll.u32 s31, $0x12;
	s12 =	sadd.s32 s12, s17;
	s16 =	sshrl.u32 s16, $0x3  }
0x12: {  	[tilespmem:s15+$0x0 ss:$0x81] =	vst.msk $0xffff, v1;
	s13 =	sor.u32 $0x400, s13;
	s12 =	sadd.s32 s16, s12  }
0x13: {  	[hbm4b:s12+s13] =	stream.strided.scatter [tilespmem:s14], [sflag:$0x2], $0x2000, s8, s13, $0x20;
	[tilespmem:$0x8080] =	vst v63  }
.LBB1_5:
0x14: {  	s14 =	sadd.s32 $0x1, s9  }
0x15: {  	s12 =	sadd.s32 $0x1000, s10;
	s16 =	smov.u32 s10;
	p2 =	sgt.s32 s14, $0x31  }
0x16: {  	s16 =	smov.u32 @p2 s12  }
0x17: {  	s14 =	simm.s32 @p2 $0x0;
	p2 =	sgt.s32 s16, $0x3FFF  }
0x18: {  	s16 =	smov.u32 @p2 s2;
	p2 =	sne.s32 s11, s7  }
.Ltmp1:
0x19: {  	p1 =	slt.u32 s11, $0x2;
	(pc) =	sbr.rel @!p2 .LBB1_6-.Ltmp1, $4  }
0x1a: {  	s15 =	simm.s32 @!p1 $0x2  }
0x1b: {  	s13 =	smov.u32 s10;
	p0 =	por !p0, !p0;
	_ =	swait.ge @!p1 [sflag:s15], $0x2000  }
0x1c: {  	s12 =	smov.u32 s9;
	[sflag:s15] =	ssyncset.done @!p1 $0x0;
	s9 =	smov.u32 s14  }
0x1d: {  	s11 =	sadd.s32 $0x1, s11;
	[sflag:s15] =	ssyncadd.s32 @!p1 $0xFFFFE000;
	s10 =	smov.u32 s16  }
.LBB1_1:
0x1e: {  	p1 =	sge.u32 s11, s5  }
0x1f: {  	s14 =	sand.u32 @!p1 $0x1FFFFFF, s9  }
0x20: {  	s15 =	smulhi.u32 @!p1 $0x4924925, s14;
	_ =	sdelay $0x1  }
0x21: {  	s15 =	smul.u32 @!p1 $0x38, s15  }
0x22: {  	s16 =	sxor.u32 @!p1 $0xFFFFFFFF, s11;
	s17 =	smul.u32 @!p1 $0x380, s10  }
0x23: {  	s31 =	sadd.s32 $0xFFFFFFFF, s11;
	s16 =	sshll.u32 @!p1 s16, $0xD;
	s14 =	ssub.s32 @!p1 s14, s15  }
0x24: {  	s15 =	sand.u32 @!p1 $0x2000, s16;
	s16 =	sadd.s32 @!p1 s6, s17;
	s14 =	sshll.u32 @!p1 s14, $0x4  }
0x25: {  	s17 =	simm.s32 @!p1 $0x1C00;
	s14 =	sadd.s32 @!p1 s14, s16;
	s16 =	simm.s32 @!p1 $0x40  }
0x26: {  	[tilespmem:s15], [sflag:$0x1] =	stream.strided.gather @!p1 [hbm4b:s14+s16], $0x2000, s17, s16, $0x38;
	[tilespmem:$0x8080] =	vst v63  }
0x27: {  	p1 =	sge.u32 s31, s5  }
.Ltmp2:
0x28: {  	_ = 	snop;
	(pc) =	sbr.rel @p1 .LBB1_5-.Ltmp2, $1  }
0x29: {  	_ =	sdelay $0x3  }
0x2a: {  	s14 =	simm.s32 $0x1  }
0x2b: {  	_ =	swait.ge [sflag:s4], $0x2000;
	s14 =	simm.s32 @!p0 $0x0  }
0x2c: {  	[sflag:s4] =	ssyncset.done $0x0;
	s15 =	sshll.u32 s14, $0xD  }
0x2d: {  	[sflag:s4] =	ssyncadd.s32 $0xFFFFE000;
	s18 =	sor.u32 $0x20, s15  }
0x2e: {  	s14 =	smul.u32 $0x8100, s14;
	v3 =	vld [tilespmem:s18+$0x10]  }
0x2f: {  	s30 =	sand.u32 $0x1, s11;
	v2 =	vld [tilespmem:s18+$0xFFFFFFF0]  }
0x30: {  	s15 =	smul.u32 $0x8100, s30;
	s14 =	sshrl.u32 s14, $0x2;
	v0 =	vld [tilespmem:s18+$0x0]  }
0x31: {  	v1 =	vld [tilespmem:s18+$0xFFFFFFE0];
	s16 =	sor.u32 $0x4000, s14  }
0x32: {  	s31 =	sshrl.u32 s15, $0x2;
	s15 =	sadd.s32 $0x0, s16  }
0x33: {  	s17 =	simm.s32 $0x4;
	s18 =	sadd.s32 $0x40, s18;
	s14 =	sor.u32 $0x4000, s31;
	[tilespmem:s15+$0x1830 ss:$0x81] =	vst.msk $0xffff, v3  }
.LBB1_3:
0x34: {  	v3 =	vld [tilespmem:s18+$0x10];
	p1 =	sne.s32 s17, $0x1FC;
	[tilespmem:s15+$0x810 ss:$0x81] =	vst.msk $0xffff, v2;
	s19 =	smov.u32 s17;
	s17 =	sadd.s32 $0x4, s17  }
.Ltmp3:
0x35: {  	v2 =	vld [tilespmem:s18+$0xFFFFFFF0];
	[tilespmem:s15+$0x1020 ss:$0x81] =	vst.msk $0xffff, v0;
	(pc) =	sbr.rel @p1 .LBB1_3-.Ltmp3, $4  }
0x36: {  	v0 =	vld [tilespmem:s18+$0x0];
	[tilespmem:s15+$0x0 ss:$0x81] =	vst.msk $0xffff, v1  }
0x37: {  	s15 =	sshra.s32 s19, $0x2;
	v1 =	vld [tilespmem:s18+$0xFFFFFFE0]  }
0x38: {  	s15 =	sadd.s32 s15, s16  }
0x39: {  	s18 =	sadd.s32 $0x40, s18;
	[tilespmem:s15+$0x1830 ss:$0x81] =	vst.msk $0xffff, v3  }
.Ltmp4:
0x3a: {  	_ = 	snop;
	(pc) =	sbr.rel .LBB1_4-.Ltmp4, $1  }
0x3b: {  	_ =	sdelay $0x3  }
.LBB1_6:
0x3c: {  	_ =	sfence.sel $0x180000  }
0x3d: {  	s2 =	simm.s32 $0x1;
	[bflag:$0x0] =	sbarrier.arrive $0xFFFF  }
0x3e: {  	s31 =	simm.s32 $0x2;
	[sflag:s2] =	ssyncpa.u1 $0x1  }
0x3f: {  	[sflag:s31] =	ssyncpa.u1 $0x1  }
0x40: {  	p0 =	sne.s32 s0, $0x0;
	_ =	strace $0x9000004A  }
0x41: {  	s0 =	sadd.s32 @!p0 $0x100000, s1;
	[bflag:$0x2] =	sbarrier.arrive $0xFFFF  }
0x42: {  	[sflag:s0] =	ssyncadd.tile.s32 @!p0 $0x1;
	_ =	shalt  }
.Lfunc_end1:
_tile_overlayer_lowered:
.L_overlay_start_2:
0x43: {  	(tag) =	ssettag $0x2  }
0x44: {  	s0 =	rddreg [dreg:$0x0];
	s2 =	stileid.u32  }
0x45: {  	s1 =	rddreg [dreg:$0x1];
	p0 =	sne.s32 s2, $0x0  }
0x46: {  	s3 =	rddreg [dreg:$0x2];
	[bflag:$0x3] =	sbarrier.arrive $0xFFFF;
	s2 =	simm.s32 @!p0 $0x1C01  }
0x47: {  	[timem:s3], [sflag:s2] =	dma.local @!p0 [hbm:s0], s1  }
0x48: {  	s0 =	simm.s32 @!p0 $0x1  }
0x49: {  	_ =	swait.ge @!p0 [sflag:s0], s1  }
0x4a: {  	s1 =	ssub.s32 @!p0 $0x0, s1;
	[sflag:s0] =	ssyncset.done @!p0 $0x0  }
0x4b: {  	[sflag:s0] =	ssyncadd.s32 @!p0 s1  }
0x4c: {  	[bflag:$0x3] =	sbarrier.arrive $0xFFFF  }
0x4d: {  	_ =	shalt  }

</sc_bundles>
